<compile_context>
chip_gen: v7x
topology: tpu7x:2x2x1
jax: 0.10.2.dev20260603
libtpu: 0.0.44.dev20260713+nightly
codegen_flags: <defaults>
</compile_context>

<pallas_src>
import functools

import jax
import jax.numpy as jnp
from jax import lax
from jax.experimental import pallas as pl
from jax.experimental.pallas import tpu as pltpu
from jax.experimental.pallas import tpu_sc as plsc

N = 10000
E = 320000
D = 128
NEXP = 16

NC = 2
NS = 16
NW = NC * NS
CHUNK = 128
CPW = 80
E_PAD = CPW * NW * CHUNK
N_PAD = 10240
RPT = N_PAD // NS

_sc_mesh = plsc.VectorSubcoreMesh(core_axis_name="c", subcore_axis_name="s")

NBUF = 2
SLAP = 16
IRING = 2 * SLAP
CPW_A = 144
CPW_B = 2 * CPW - CPW_A


@functools.partial(
    pl.kernel,
    out_type=jax.ShapeDtypeStruct((NC, N_PAD, D), jnp.float32),
    mesh=_sc_mesh,
    scratch_types=[
        pltpu.VMEM((IRING, CHUNK), jnp.int32),
        pltpu.VMEM((IRING, CHUNK), jnp.int32),
        [pltpu.VMEM((CHUNK, D), jnp.float32) for _ in range(NBUF)],
        pltpu.VMEM_SHARED((N_PAD, D), jnp.float32),
        pltpu.SemaphoreType.DMA((NBUF,)),
        pltpu.SemaphoreType.DMA((NBUF,)),
        pltpu.SemaphoreType.DMA,
    ],
)
def _sc_scatter(h_hbm, src_hbm, dst_hbm, out_hbm,
                src_v, dst_v, bufs, acc, gsem, ssem, isem):
    c = lax.axis_index("c")
    s = lax.axis_index("s")
    cpw = jnp.where(c == 0, CPW_A, CPW_B)
    base = jnp.where(c == 0, s * CPW_A, NS * CPW_A + s * CPW_B)

    def load_strip(p):
        row0 = lax.rem(p, 2) * SLAP
        pltpu.async_copy(src_hbm.at[pl.ds(base + p * SLAP, SLAP)],
                         src_v.at[pl.ds(row0, SLAP)], isem)
        pltpu.async_copy(dst_hbm.at[pl.ds(base + p * SLAP, SLAP)],
                         dst_v.at[pl.ds(row0, SLAP)], isem)
        pltpu.make_async_copy(src_hbm.at[pl.ds(0, SLAP)],
                              src_v.at[pl.ds(0, SLAP)], isem).wait()
        pltpu.make_async_copy(src_hbm.at[pl.ds(0, SLAP)],
                              dst_v.at[pl.ds(0, SLAP)], isem).wait()

    def drain(b, sem):
        pltpu.make_async_copy(h_hbm.at[pl.ds(0, CHUNK)], bufs[b],
                              sem.at[b]).wait()

    load_strip(0)
    zb = bufs[0]

    def zrow(i, carry):
        for cc in range(D // 16):
            zb[i, pl.ds(cc * 16, 16)] = jnp.zeros((16,), jnp.float32)
        return carry

    lax.fori_loop(0, CHUNK, zrow, 0)
    for k in range(RPT // CHUNK):
        pltpu.sync_copy(zb, acc.at[pl.ds(s * RPT + k * CHUNK, CHUNK)])
    plsc.subcore_barrier()
    pltpu.async_copy(h_hbm.at[src_v.at[0]], bufs[0], gsem.at[0])

    @pl.loop(0, cpw, step=NBUF)
    def lap(g):
        for b in range(NBUF):
            j = g + b

            @pl.when(lax.rem(j, SLAP) == 0)
            def _():
                p = j // SLAP

                @pl.when((p + 1) * SLAP < cpw)
                def _():
                    load_strip(p + 1)

            bo = 1 - b

            @pl.when(j + 1 < cpw)
            def _():
                @pl.when(j - 1 >= 0)
                def _():
                    drain(bo, ssem)
                pltpu.async_copy(h_hbm.at[src_v.at[lax.rem(j + 1, IRING)]],
                                 bufs[bo], gsem.at[bo])

            drain(b, gsem)
            pltpu.async_copy(bufs[b], acc.at[dst_v.at[lax.rem(j, IRING)]],
                             ssem.at[b], add=True)

    for b in range(NBUF):
        drain(b, ssem)
    plsc.subcore_barrier()
    pltpu.sync_copy(acc.at[pl.ds(s * RPT, RPT)],
                    out_hbm.at[c, pl.ds(s * RPT, RPT)])


BN = 1000
GRID = N // BN


def _moe_body(fuse_input):
    def body(*refs):
        if fuse_input:
            (p_ref, b_ref, wg_ref, bg_ref, we_ref, be_ref,
             h_ref, gs_ref) = refs
            xb = jnp.maximum(p_ref[0] + p_ref[1] + b_ref[...], 0.0)
        else:
            x_ref, wg_ref, bg_ref, we_ref, be_ref, h_ref, gs_ref = refs
            xb = x_ref[...]
        i = pl.program_id(0)
        gate = jnp.dot(xb, wg_ref[...],
                       preferred_element_type=jnp.float32) + bg_ref[...]
        idx = jnp.argmax(gate, axis=1)
        m = jnp.mean(gate, axis=1, keepdims=True)
        stds = jnp.sqrt(jnp.sum((gate - m) ** 2, axis=1) / (NEXP - 1))

        @pl.when(i == 0)
        def _():
            gs_ref[...] = jnp.zeros_like(gs_ref)

        gs_ref[...] += jnp.sum(stds)[None, None]

        acc = jnp.zeros((BN, D), jnp.float32)
        for e in range(NEXP):
            pe = jnp.dot(xb, we_ref[e],
                         preferred_element_type=jnp.float32) + be_ref[e]
            acc = jnp.where((idx == e)[:, None], pe, acc)
        h_ref[...] = acc
    return body


def _moe_layer(xb_or_p, bias_prev, Wg, bg, We, be, fuse_input):
    if fuse_input:
        in_specs = [
            pl.BlockSpec((NC, BN, D), lambda i: (0, i, 0)),
            pl.BlockSpec((1, D), lambda i: (0, 0)),
        ]
        args = [xb_or_p, bias_prev.reshape(1, D)]
    else:
        in_specs = [pl.BlockSpec((BN, D), lambda i: (i, 0))]
        args = [xb_or_p]
    in_specs += [
        pl.BlockSpec((D, NEXP), lambda i: (0, 0)),
        pl.BlockSpec((1, NEXP), lambda i: (0, 0)),
        pl.BlockSpec((NEXP, D, D), lambda i: (0, 0, 0)),
        pl.BlockSpec((NEXP, D), lambda i: (0, 0)),
    ]
    args += [Wg, bg.reshape(1, NEXP), We, be]
    h, gs = pl.pallas_call(
        _moe_body(fuse_input),
        grid=(GRID,),
        in_specs=in_specs,
        out_specs=[
            pl.BlockSpec((BN, D), lambda i: (i, 0)),
            pl.BlockSpec((1, 1), lambda i: (0, 0)),
        ],
        out_shape=[
            jax.ShapeDtypeStruct((N, D), jnp.float32),
            jax.ShapeDtypeStruct((1, 1), jnp.float32),
        ],
    )(*args)
    return h, gs


def _fin_body(p_ref, b_ref, w_ref, o_ref):
    xb = jnp.maximum(p_ref[0] + p_ref[1] + b_ref[...], 0.0)
    o_ref[...] = jnp.dot(xb, w_ref[...], preferred_element_type=jnp.float32)


def _fin_layer(p, bias_prev, W3):
    return pl.pallas_call(
        _fin_body,
        grid=(GRID,),
        in_specs=[
            pl.BlockSpec((NC, BN, D), lambda i: (0, i, 0)),
            pl.BlockSpec((1, D), lambda i: (0, 0)),
            pl.BlockSpec((D, D), lambda i: (0, 0)),
        ],
        out_specs=pl.BlockSpec((BN, D), lambda i: (i, 0)),
        out_shape=jax.ShapeDtypeStruct((N, D), jnp.float32),
    )(p, bias_prev.reshape(1, D), W3)


def _add_body(p_ref, b_ref, o_ref):
    o_ref[...] = p_ref[0] + p_ref[1] + b_ref[...]


def _add_layer(p, bias):
    return pl.pallas_call(
        _add_body,
        grid=(GRID,),
        in_specs=[
            pl.BlockSpec((NC, BN, D), lambda i: (0, i, 0)),
            pl.BlockSpec((1, D), lambda i: (0, 0)),
        ],
        out_specs=pl.BlockSpec((BN, D), lambda i: (i, 0)),
        out_shape=jax.ShapeDtypeStruct((N, D), jnp.float32),
    )(p, bias.reshape(1, D))


def kernel(x, edge_index, Wg1, bg1, We1, be1, bias1,
           Wg2, bg2, We2, be2, bias2, W3, bias3):
    pad = E_PAD - E
    src2d = jnp.concatenate(
        [edge_index[0], jnp.zeros((pad,), jnp.int32)]).reshape(NW * CPW, CHUNK)
    dst2d = jnp.concatenate(
        [edge_index[1], jnp.full((pad,), N, jnp.int32)]).reshape(NW * CPW, CHUNK)

    h1, gs1 = _moe_layer(x, None, Wg1, bg1, We1, be1, fuse_input=False)
    p1 = _sc_scatter(h1, src2d, dst2d)
    h2, gs2 = _moe_layer(p1, bias1, Wg2, bg2, We2, be2, fuse_input=True)
    p2 = _sc_scatter(h2, src2d, dst2d)
    h3 = _fin_layer(p2, bias2, W3)
    p3 = _sc_scatter(h3, src2d, dst2d)
    out = _add_layer(p3, bias3)
    gate_std_means = jnp.stack([gs1[0, 0], gs2[0, 0]]) / N
    return out, gate_std_means

# --- scband reference (transcript-rebuilt; emitter-appended) ---
"""Pipeline reference for scband-gcn-11871289606692 (READ-ONLY COPY).

The authoritative reference and input builder live on the scoring server;
editing this copy changes nothing except your own understanding.
"""

import jax, jax.numpy as jnp
import numpy as np

N = 10000
E = 320000
D = 128
NEXP = 16


def setup_inputs(seed: int = 0) -> dict:
    key = jax.random.key(seed)
    ks = jax.random.split(key, 10)
    x = jax.random.normal(ks[0], (N, D), dtype=jnp.float32) * 0.1
    edge_index = jax.random.randint(ks[1], (2, E), 0, N, dtype=jnp.int32)
    Wg1 = jax.random.normal(ks[2], (D, NEXP), dtype=jnp.float32) * 0.05
    bg1 = jnp.zeros((NEXP,), dtype=jnp.float32)
    We1 = jax.random.normal(ks[3], (NEXP, D, D), dtype=jnp.float32) * 0.05
    be1 = jnp.zeros((NEXP, D), dtype=jnp.float32)
    bias1 = jnp.zeros((D,), dtype=jnp.float32)
    Wg2 = jax.random.normal(ks[4], (D, NEXP), dtype=jnp.float32) * 0.05
    bg2 = jnp.zeros((NEXP,), dtype=jnp.float32)
    We2 = jax.random.normal(ks[5], (NEXP, D, D), dtype=jnp.float32) * 0.05
    be2 = jnp.zeros((NEXP, D), dtype=jnp.float32)
    bias2 = jnp.zeros((D,), dtype=jnp.float32)
    W3 = jax.random.normal(ks[6], (D, D), dtype=jnp.float32) * 0.05
    bias3 = jnp.zeros((D,), dtype=jnp.float32)
    return {
        'x': x, 'edge_index': edge_index,
        'Wg1': Wg1, 'bg1': bg1, 'We1': We1, 'be1': be1, 'bias1': bias1,
        'Wg2': Wg2, 'bg2': bg2, 'We2': We2, 'be2': be2, 'bias2': bias2,
        'W3': W3, 'bias3': bias3,
    }


def _moe_gcn_layer(x, edge_index, Wg, bg, We, be, bias):
    # NaiveGate: linear gate logits, top-1 routing; softmax over a single
    # selected logit is identically 1.0, so combine weight is 1.
    gate = x @ Wg + bg  # [N, NEXP]
    idx = jnp.argmax(gate, axis=1)  # top_k = 1
    # FMoELinear: per-expert affine; select per-token expert output
    out_all = jnp.einsum('ni,eio->neo', x, We) + be[None, :, :]
    h = jnp.take_along_axis(out_all, idx[:, None, None], axis=1)[:, 0, :]
    # propagate with aggr='add', normalize=False, edge_weight=None -> message is x_j
    src, dst = edge_index[0], edge_index[1]
    agg = jnp.zeros_like(h).at[dst].add(h[src])
    agg = agg + bias
    # gate_std_mean = torch.std(gate, 1).mean()  (Bessel-corrected)
    gstd = jnp.mean(jnp.std(gate, axis=1, ddof=1))
    return agg, gstd


def reference(x, edge_index, Wg1, bg1, We1, be1, bias1, Wg2, bg2, We2, be2, bias2, W3, bias3):
    h, g1 = _moe_gcn_layer(x, edge_index, Wg1, bg1, We1, be1, bias1)
    h = jax.nn.relu(h)  # dropout p=0 in eval -> identity
    h, g2 = _moe_gcn_layer(h, edge_index, Wg2, bg2, We2, be2, bias2)
    h = jax.nn.relu(h)
    # final plain GCNConv (normalize=False): lin then scatter-add then bias
    src, dst = edge_index[0], edge_index[1]
    h3 = h @ W3
    out = jnp.zeros_like(h3).at[dst].add(h3[src]) + bias3
    gate_std_means = jnp.stack([g1, g2])
    return out, gate_std_means

if __name__ == "__main__":
    import jax
    _d = setup_inputs()
    print(jax.jit(kernel)(*tuple(_d.values())))

</pallas_src>

<mosaic_0001>
#map = affine_map<(d0, d1) -> (0, 0)>
#map1 = affine_map<(d0, d1) -> (0, 0, 0)>
module attributes {stable_mosaic.version = 14 : i64} {
  func.func @_sc_scatter(%arg0: i32, %arg1: i32, %arg2: memref<10000x128xf32, #tpu.memory_space<hbm>>, %arg3: memref<2560x128xi32, #tpu.memory_space<hbm>>, %arg4: memref<2560x128xi32, #tpu.memory_space<hbm>>, %arg5: memref<2x10240x128xf32, #tpu.memory_space<hbm>>, %arg6: memref<32x128xi32, #tpu.memory_space<vmem>>, %arg7: memref<32x128xi32, #tpu.memory_space<vmem>>, %arg8: memref<128x128xf32, #tpu.memory_space<vmem>>, %arg9: memref<128x128xf32, #tpu.memory_space<vmem>>, %arg10: memref<10240x128xf32, #tpu.memory_space<vmem_shared>>, %arg11: memref<2x!tpu.dma_semaphore, #tpu.memory_space<semaphore_mem>>, %arg12: memref<2x!tpu.dma_semaphore, #tpu.memory_space<semaphore_mem>>, %arg13: memref<!tpu.dma_semaphore, #tpu.memory_space<semaphore_mem>>) attributes {dimension_semantics = [#tpu.dimension_semantics<core_parallel>, #tpu.dimension_semantics<subcore_parallel>], iteration_bounds = array<i64: 2, 16>, scalar_prefetch = 0 : i64, scratch_operands = 8 : i64, tpu.core_type = #tpu.core_type<sc_vector_subcore>, window_params = [{transform_indices = #map}, {transform_indices = #map}, {transform_indices = #map}, {transform_indices = #map1}]} {
    %eq3A = arith.constant 0 : i32
    %eq3A_0 = arith.cmpi eq, %arg0, %eq3A : i32
    %jit3A = arith.constant 144 : i32
    %jit3A_1 = arith.constant 16 : i32
    %select_n3A = arith.select %eq3A_0, %jit3A, %jit3A_1 : i32
    %eq3A_2 = arith.constant 0 : i32
    %eq3A_3 = arith.cmpi eq, %arg0, %eq3A_2 : i32
    %mul3A = arith.constant 144 : i32
    %mul3A_4 = arith.muli %arg1, %mul3A : i32
    %mul3A_5 = arith.constant 16 : i32
    %mul3A_6 = arith.muli %arg1, %mul3A_5 : i32
    %add3A = arith.constant 2304 : i32
    %add3A_7 = arith.addi %add3A, %mul3A_6 : i32
    %select_n3A_8 = arith.select %eq3A_3, %mul3A_4, %add3A_7 : i32
    %rem3A = arith.constant 0 : i32
    %rem3A_9 = arith.constant 2 : i32
    %rem3A_10 = arith.remsi %rem3A, %rem3A_9 : i32
    %mul3A_11 = arith.constant 16 : i32
    %mul3A_12 = arith.muli %rem3A_10, %mul3A_11 : i32
    %add3A_13 = arith.constant 0 : i32
    %add3A_14 = arith.addi %select_n3A_8, %add3A_13 : i32
    %dma_start3A = arith.constant 0 : i32
    %dma_start3A_15 = tpu.memref_slice %arg6[%mul3A_12, %dma_start3A] : memref<32x128xi32, #tpu.memory_space<vmem>> -> memref<16x128xi32, #tpu.memory_space<vmem>>
    %dma_start3A_16 = arith.constant 0 : i32
    %dma_start3A_17 = tpu.memref_slice %arg3[%add3A_14, %dma_start3A_16] : memref<2560x128xi32, #tpu.memory_space<hbm>> -> memref<16x128xi32, #tpu.memory_space<hbm>>
    %dma_start3A_18 = arith.constant 0 : i32
    %dma_start3A_19 = tpu.memref_slice %arg6[%mul3A_12, %dma_start3A_18] : memref<32x128xi32, #tpu.memory_space<vmem>> -> memref<16x128xi32, #tpu.memory_space<vmem>>
    %dma_start3A_20 = arith.constant 0 : i32
    %dma_start3A_21 = tpu.memref_slice %arg3[%add3A_14, %dma_start3A_20] : memref<2560x128xi32, #tpu.memory_space<hbm>> -> memref<16x128xi32, #tpu.memory_space<hbm>>
    tpu.enqueue_dma source(%dma_start3A_21 : memref<16x128xi32, #tpu.memory_space<hbm>>) target(%dma_start3A_19 : memref<16x128xi32, #tpu.memory_space<vmem>>) target_semaphore(%arg13 : memref<!tpu.dma_semaphore, #tpu.memory_space<semaphore_mem>>)
    %add3A_22 = arith.constant 0 : i32
    %add3A_23 = arith.addi %select_n3A_8, %add3A_22 : i32
    %dma_start3A_24 = arith.constant 0 : i32
    %dma_start3A_25 = tpu.memref_slice %arg7[%mul3A_12, %dma_start3A_24] : memref<32x128xi32, #tpu.memory_space<vmem>> -> memref<16x128xi32, #tpu.memory_space<vmem>>
    %dma_start3A_26 = arith.constant 0 : i32
    %dma_start3A_27 = tpu.memref_slice %arg4[%add3A_23, %dma_start3A_26] : memref<2560x128xi32, #tpu.memory_space<hbm>> -> memref<16x128xi32, #tpu.memory_space<hbm>>
    %dma_start3A_28 = arith.constant 0 : i32
    %dma_start3A_29 = tpu.memref_slice %arg7[%mul3A_12, %dma_start3A_28] : memref<32x128xi32, #tpu.memory_space<vmem>> -> memref<16x128xi32, #tpu.memory_space<vmem>>
    %dma_start3A_30 = arith.constant 0 : i32
    %dma_start3A_31 = tpu.memref_slice %arg4[%add3A_23, %dma_start3A_30] : memref<2560x128xi32, #tpu.memory_space<hbm>> -> memref<16x128xi32, #tpu.memory_space<hbm>>
    tpu.enqueue_dma source(%dma_start3A_31 : memref<16x128xi32, #tpu.memory_space<hbm>>) target(%dma_start3A_29 : memref<16x128xi32, #tpu.memory_space<vmem>>) target_semaphore(%arg13 : memref<!tpu.dma_semaphore, #tpu.memory_space<semaphore_mem>>)
    %dma_wait3A = arith.constant 0 : i32
    %dma_wait3A_32 = arith.constant 0 : i32
    %dma_wait3A_33 = tpu.memref_slice %arg6[%dma_wait3A, %dma_wait3A_32] : memref<32x128xi32, #tpu.memory_space<vmem>> -> memref<16x128xi32, #tpu.memory_space<vmem>>
    %dma_wait3A_34 = arith.constant 0 : i32
    %dma_wait3A_35 = arith.constant 0 : i32
    %dma_wait3A_36 = tpu.memref_slice %arg3[%dma_wait3A_34, %dma_wait3A_35] : memref<2560x128xi32, #tpu.memory_space<hbm>> -> memref<16x128xi32, #tpu.memory_space<hbm>>
    %dma_wait3A_37 = arith.constant 0 : i32
    %dma_wait3A_38 = arith.constant 0 : i32
    %dma_wait3A_39 = tpu.memref_slice %arg6[%dma_wait3A_37, %dma_wait3A_38] : memref<32x128xi32, #tpu.memory_space<vmem>> -> memref<16x128xi32, #tpu.memory_space<vmem>>
    %dma_wait3A_40 = arith.constant 0 : i32
    %dma_wait3A_41 = arith.constant 0 : i32
    %dma_wait3A_42 = tpu.memref_slice %arg3[%dma_wait3A_40, %dma_wait3A_41] : memref<2560x128xi32, #tpu.memory_space<hbm>> -> memref<16x128xi32, #tpu.memory_space<hbm>>
    tpu.wait_dma2 semaphore(%arg13 : memref<!tpu.dma_semaphore, #tpu.memory_space<semaphore_mem>>) src(%dma_wait3A_42 : memref<16x128xi32, #tpu.memory_space<hbm>>) dst(%dma_wait3A_39 : memref<16x128xi32, #tpu.memory_space<vmem>>)
    %dma_wait3A_43 = arith.constant 0 : i32
    %dma_wait3A_44 = arith.constant 0 : i32
    %dma_wait3A_45 = tpu.memref_slice %arg7[%dma_wait3A_43, %dma_wait3A_44] : memref<32x128xi32, #tpu.memory_space<vmem>> -> memref<16x128xi32, #tpu.memory_space<vmem>>
    %dma_wait3A_46 = arith.constant 0 : i32
    %dma_wait3A_47 = arith.constant 0 : i32
    %dma_wait3A_48 = tpu.memref_slice %arg3[%dma_wait3A_46, %dma_wait3A_47] : memref<2560x128xi32, #tpu.memory_space<hbm>> -> memref<16x128xi32, #tpu.memory_space<hbm>>
    %dma_wait3A_49 = arith.constant 0 : i32
    %dma_wait3A_50 = arith.constant 0 : i32
    %dma_wait3A_51 = tpu.memref_slice %arg7[%dma_wait3A_49, %dma_wait3A_50] : memref<32x128xi32, #tpu.memory_space<vmem>> -> memref<16x128xi32, #tpu.memory_space<vmem>>
    %dma_wait3A_52 = arith.constant 0 : i32
    %dma_wait3A_53 = arith.constant 0 : i32
    %dma_wait3A_54 = tpu.memref_slice %arg3[%dma_wait3A_52, %dma_wait3A_53] : memref<2560x128xi32, #tpu.memory_space<hbm>> -> memref<16x128xi32, #tpu.memory_space<hbm>>
    tpu.wait_dma2 semaphore(%arg13 : memref<!tpu.dma_semaphore, #tpu.memory_space<semaphore_mem>>) src(%dma_wait3A_54 : memref<16x128xi32, #tpu.memory_space<hbm>>) dst(%dma_wait3A_51 : memref<16x128xi32, #tpu.memory_space<vmem>>)
    %scan3A = arith.constant 0 : i32
    %scan3A_55 = arith.constant 0 : i32
    %scan3A_56 = arith.constant 128 : i32
    %scan3A_57 = arith.addi %scan3A_55, %scan3A_56 : i32
    %scan3A_58 = arith.constant 1 : i32
    scf.for %scan3A_129 = %scan3A_55 to %scan3A_57 step %scan3A_58  : i32 {
      %broadcast_in_dim3A = arith.constant 0.000000e+00 : f32
      %broadcast_in_dim3A_130 = vector.broadcast %broadcast_in_dim3A : f32 to vector<16xf32>
      %swap3A = arith.index_cast %scan3A_129 : i32 to index
      %swap3A_131 = arith.constant 0 : index
      %swap3A_132 = tpu.vector_load %arg8[%swap3A, %swap3A_131] {strides = array<i32>} : memref<128x128xf32, #tpu.memory_space<vmem>>, vector<1x16xf32>,
      %swap3A_133 = vector.shape_cast %swap3A_132 : vector<1x16xf32> to vector<16xf32>
      %swap3A_134 = vector.shape_cast %broadcast_in_dim3A_130 : vector<16xf32> to vector<1x16xf32>
      tpu.vector_store %arg8[%swap3A, %swap3A_131], %swap3A_134 {strides = array<i32>} : memref<128x128xf32, #tpu.memory_space<vmem>>, vector<1x16xf32>,
      %broadcast_in_dim3A_135 = arith.constant 0.000000e+00 : f32
      %broadcast_in_dim3A_136 = vector.broadcast %broadcast_in_dim3A_135 : f32 to vector<16xf32>
      %swap3A_137 = arith.index_cast %scan3A_129 : i32 to index
      %swap3A_138 = arith.constant 16 : index
      %swap3A_139 = tpu.vector_load %arg8[%swap3A_137, %swap3A_138] {strides = array<i32>} : memref<128x128xf32, #tpu.memory_space<vmem>>, vector<1x16xf32>,
      %swap3A_140 = vector.shape_cast %swap3A_139 : vector<1x16xf32> to vector<16xf32>
      %swap3A_141 = vector.shape_cast %broadcast_in_dim3A_136 : vector<16xf32> to vector<1x16xf32>
      tpu.vector_store %arg8[%swap3A_137, %swap3A_138], %swap3A_141 {strides = array<i32>} : memref<128x128xf32, #tpu.memory_space<vmem>>, vector<1x16xf32>,
      %broadcast_in_dim3A_142 = arith.constant 0.000000e+00 : f32
      %broadcast_in_dim3A_143 = vector.broadcast %broadcast_in_dim3A_142 : f32 to vector<16xf32>
      %swap3A_144 = arith.index_cast %scan3A_129 : i32 to index
      %swap3A_145 = arith.constant 32 : index
      %swap3A_146 = tpu.vector_load %arg8[%swap3A_144, %swap3A_145] {strides = array<i32>} : memref<128x128xf32, #tpu.memory_space<vmem>>, vector<1x16xf32>,
      %swap3A_147 = vector.shape_cast %swap3A_146 : vector<1x16xf32> to vector<16xf32>
      %swap3A_148 = vector.shape_cast %broadcast_in_dim3A_143 : vector<16xf32> to vector<1x16xf32>
      tpu.vector_store %arg8[%swap3A_144, %swap3A_145], %swap3A_148 {strides = array<i32>} : memref<128x128xf32, #tpu.memory_space<vmem>>, vector<1x16xf32>,
      %broadcast_in_dim3A_149 = arith.constant 0.000000e+00 : f32
      %broadcast_in_dim3A_150 = vector.broadcast %broadcast_in_dim3A_149 : f32 to vector<16xf32>
      %swap3A_151 = arith.index_cast %scan3A_129 : i32 to index
      %swap3A_152 = arith.constant 48 : index
      %swap3A_153 = tpu.vector_load %arg8[%swap3A_151, %swap3A_152] {strides = array<i32>} : memref<128x128xf32, #tpu.memory_space<vmem>>, vector<1x16xf32>,
      %swap3A_154 = vector.shape_cast %swap3A_153 : vector<1x16xf32> to vector<16xf32>
      %swap3A_155 = vector.shape_cast %broadcast_in_dim3A_150 : vector<16xf32> to vector<1x16xf32>
      tpu.vector_store %arg8[%swap3A_151, %swap3A_152], %swap3A_155 {strides = array<i32>} : memref<128x128xf32, #tpu.memory_space<vmem>>, vector<1x16xf32>,
      %broadcast_in_dim3A_156 = arith.constant 0.000000e+00 : f32
      %broadcast_in_dim3A_157 = vector.broadcast %broadcast_in_dim3A_156 : f32 to vector<16xf32>
      %swap3A_158 = arith.index_cast %scan3A_129 : i32 to index
      %swap3A_159 = arith.constant 64 : index
      %swap3A_160 = tpu.vector_load %arg8[%swap3A_158, %swap3A_159] {strides = array<i32>} : memref<128x128xf32, #tpu.memory_space<vmem>>, vector<1x16xf32>,
      %swap3A_161 = vector.shape_cast %swap3A_160 : vector<1x16xf32> to vector<16xf32>
      %swap3A_162 = vector.shape_cast %broadcast_in_dim3A_157 : vector<16xf32> to vector<1x16xf32>
      tpu.vector_store %arg8[%swap3A_158, %swap3A_159], %swap3A_162 {strides = array<i32>} : memref<128x128xf32, #tpu.memory_space<vmem>>, vector<1x16xf32>,
      %broadcast_in_dim3A_163 = arith.constant 0.000000e+00 : f32
      %broadcast_in_dim3A_164 = vector.broadcast %broadcast_in_dim3A_163 : f32 to vector<16xf32>
      %swap3A_165 = arith.index_cast %scan3A_129 : i32 to index
      %swap3A_166 = arith.constant 80 : index
      %swap3A_167 = tpu.vector_load %arg8[%swap3A_165, %swap3A_166] {strides = array<i32>} : memref<128x128xf32, #tpu.memory_space<vmem>>, vector<1x16xf32>,
      %swap3A_168 = vector.shape_cast %swap3A_167 : vector<1x16xf32> to vector<16xf32>
      %swap3A_169 = vector.shape_cast %broadcast_in_dim3A_164 : vector<16xf32> to vector<1x16xf32>
      tpu.vector_store %arg8[%swap3A_165, %swap3A_166], %swap3A_169 {strides = array<i32>} : memref<128x128xf32, #tpu.memory_space<vmem>>, vector<1x16xf32>,
      %broadcast_in_dim3A_170 = arith.constant 0.000000e+00 : f32
      %broadcast_in_dim3A_171 = vector.broadcast %broadcast_in_dim3A_170 : f32 to vector<16xf32>
      %swap3A_172 = arith.index_cast %scan3A_129 : i32 to index
      %swap3A_173 = arith.constant 96 : index
      %swap3A_174 = tpu.vector_load %arg8[%swap3A_172, %swap3A_173] {strides = array<i32>} : memref<128x128xf32, #tpu.memory_space<vmem>>, vector<1x16xf32>,
      %swap3A_175 = vector.shape_cast %swap3A_174 : vector<1x16xf32> to vector<16xf32>
      %swap3A_176 = vector.shape_cast %broadcast_in_dim3A_171 : vector<16xf32> to vector<1x16xf32>
      tpu.vector_store %arg8[%swap3A_172, %swap3A_173], %swap3A_176 {strides = array<i32>} : memref<128x128xf32, #tpu.memory_space<vmem>>, vector<1x16xf32>,
      %broadcast_in_dim3A_177 = arith.constant 0.000000e+00 : f32
      %broadcast_in_dim3A_178 = vector.broadcast %broadcast_in_dim3A_177 : f32 to vector<16xf32>
      %swap3A_179 = arith.index_cast %scan3A_129 : i32 to index
      %swap3A_180 = arith.constant 112 : index
      %swap3A_181 = tpu.vector_load %arg8[%swap3A_179, %swap3A_180] {strides = array<i32>} : memref<128x128xf32, #tpu.memory_space<vmem>>, vector<1x16xf32>,
      %swap3A_182 = vector.shape_cast %swap3A_181 : vector<1x16xf32> to vector<16xf32>
      %swap3A_183 = vector.shape_cast %broadcast_in_dim3A_178 : vector<16xf32> to vector<1x16xf32>
      tpu.vector_store %arg8[%swap3A_179, %swap3A_180], %swap3A_183 {strides = array<i32>} : memref<128x128xf32, #tpu.memory_space<vmem>>, vector<1x16xf32>,
    }
    %scan3A_59 = arith.constant 128 : i32
    %mul3A_60 = arith.constant 640 : i32
    %mul3A_61 = arith.muli %arg1, %mul3A_60 : i32
    %add3A_62 = arith.constant 0 : i32
    %add3A_63 = arith.addi %mul3A_61, %add3A_62 : i32
    "tpu.region"() ({
      %run_scoped3A = tpu.sem_alloc : memref<!tpu.dma_semaphore, #tpu.memory_space<semaphore_mem>>
      %dma_start3A_129 = arith.constant 0 : i32
      %dma_start3A_130 = tpu.memref_slice %arg10[%add3A_63, %dma_start3A_129] : memref<10240x128xf32, #tpu.memory_space<vmem_shared>> -> memref<128x128xf32, #tpu.memory_space<vmem_shared>>
      %dma_start3A_131 = arith.constant 0 : i32
      %dma_start3A_132 = tpu.memref_slice %arg10[%add3A_63, %dma_start3A_131] : memref<10240x128xf32, #tpu.memory_space<vmem_shared>> -> memref<128x128xf32, #tpu.memory_space<vmem_shared>>
      tpu.enqueue_dma source(%arg8 : memref<128x128xf32, #tpu.memory_space<vmem>>) target(%dma_start3A_132 : memref<128x128xf32, #tpu.memory_space<vmem_shared>>) target_semaphore(%run_scoped3A : memref<!tpu.dma_semaphore, #tpu.memory_space<semaphore_mem>>)
      %dma_wait3A_133 = arith.constant 0 : i32
      %dma_wait3A_134 = tpu.memref_slice %arg10[%add3A_63, %dma_wait3A_133] : memref<10240x128xf32, #tpu.memory_space<vmem_shared>> -> memref<128x128xf32, #tpu.memory_space<vmem_shared>>
      %dma_wait3A_135 = arith.constant 0 : i32
      %dma_wait3A_136 = tpu.memref_slice %arg10[%add3A_63, %dma_wait3A_135] : memref<10240x128xf32, #tpu.memory_space<vmem_shared>> -> memref<128x128xf32, #tpu.memory_space<vmem_shared>>
      tpu.wait_dma2 semaphore(%run_scoped3A : memref<!tpu.dma_semaphore, #tpu.memory_space<semaphore_mem>>) src(%arg8 : memref<128x128xf32, #tpu.memory_space<vmem>>) dst(%dma_wait3A_136 : memref<128x128xf32, #tpu.memory_space<vmem_shared>>)
      tpu.yield
    }) : () -> ()
    %mul3A_64 = arith.constant 640 : i32
    %mul3A_65 = arith.muli %arg1, %mul3A_64 : i32
    %add3A_66 = arith.constant 128 : i32
    %add3A_67 = arith.addi %mul3A_65, %add3A_66 : i32
    "tpu.region"() ({
      %run_scoped3A = tpu.sem_alloc : memref<!tpu.dma_semaphore, #tpu.memory_space<semaphore_mem>>
      %dma_start3A_129 = arith.constant 0 : i32
      %dma_start3A_130 = tpu.memref_slice %arg10[%add3A_67, %dma_start3A_129] : memref<10240x128xf32, #tpu.memory_space<vmem_shared>> -> memref<128x128xf32, #tpu.memory_space<vmem_shared>>
      %dma_start3A_131 = arith.constant 0 : i32
      %dma_start3A_132 = tpu.memref_slice %arg10[%add3A_67, %dma_start3A_131] : memref<10240x128xf32, #tpu.memory_space<vmem_shared>> -> memref<128x128xf32, #tpu.memory_space<vmem_shared>>
      tpu.enqueue_dma source(%arg8 : memref<128x128xf32, #tpu.memory_space<vmem>>) target(%dma_start3A_132 : memref<128x128xf32, #tpu.memory_space<vmem_shared>>) target_semaphore(%run_scoped3A : memref<!tpu.dma_semaphore, #tpu.memory_space<semaphore_mem>>)
      %dma_wait3A_133 = arith.constant 0 : i32
      %dma_wait3A_134 = tpu.memref_slice %arg10[%add3A_67, %dma_wait3A_133] : memref<10240x128xf32, #tpu.memory_space<vmem_shared>> -> memref<128x128xf32, #tpu.memory_space<vmem_shared>>
      %dma_wait3A_135 = arith.constant 0 : i32
      %dma_wait3A_136 = tpu.memref_slice %arg10[%add3A_67, %dma_wait3A_135] : memref<10240x128xf32, #tpu.memory_space<vmem_shared>> -> memref<128x128xf32, #tpu.memory_space<vmem_shared>>
      tpu.wait_dma2 semaphore(%run_scoped3A : memref<!tpu.dma_semaphore, #tpu.memory_space<semaphore_mem>>) src(%arg8 : memref<128x128xf32, #tpu.memory_space<vmem>>) dst(%dma_wait3A_136 : memref<128x128xf32, #tpu.memory_space<vmem_shared>>)
      tpu.yield
    }) : () -> ()
    %mul3A_68 = arith.constant 640 : i32
    %mul3A_69 = arith.muli %arg1, %mul3A_68 : i32
    %add3A_70 = arith.constant 256 : i32
    %add3A_71 = arith.addi %mul3A_69, %add3A_70 : i32
    "tpu.region"() ({
      %run_scoped3A = tpu.sem_alloc : memref<!tpu.dma_semaphore, #tpu.memory_space<semaphore_mem>>
      %dma_start3A_129 = arith.constant 0 : i32
      %dma_start3A_130 = tpu.memref_slice %arg10[%add3A_71, %dma_start3A_129] : memref<10240x128xf32, #tpu.memory_space<vmem_shared>> -> memref<128x128xf32, #tpu.memory_space<vmem_shared>>
      %dma_start3A_131 = arith.constant 0 : i32
      %dma_start3A_132 = tpu.memref_slice %arg10[%add3A_71, %dma_start3A_131] : memref<10240x128xf32, #tpu.memory_space<vmem_shared>> -> memref<128x128xf32, #tpu.memory_space<vmem_shared>>
      tpu.enqueue_dma source(%arg8 : memref<128x128xf32, #tpu.memory_space<vmem>>) target(%dma_start3A_132 : memref<128x128xf32, #tpu.memory_space<vmem_shared>>) target_semaphore(%run_scoped3A : memref<!tpu.dma_semaphore, #tpu.memory_space<semaphore_mem>>)
      %dma_wait3A_133 = arith.constant 0 : i32
      %dma_wait3A_134 = tpu.memref_slice %arg10[%add3A_71, %dma_wait3A_133] : memref<10240x128xf32, #tpu.memory_space<vmem_shared>> -> memref<128x128xf32, #tpu.memory_space<vmem_shared>>
      %dma_wait3A_135 = arith.constant 0 : i32
      %dma_wait3A_136 = tpu.memref_slice %arg10[%add3A_71, %dma_wait3A_135] : memref<10240x128xf32, #tpu.memory_space<vmem_shared>> -> memref<128x128xf32, #tpu.memory_space<vmem_shared>>
      tpu.wait_dma2 semaphore(%run_scoped3A : memref<!tpu.dma_semaphore, #tpu.memory_space<semaphore_mem>>) src(%arg8 : memref<128x128xf32, #tpu.memory_space<vmem>>) dst(%dma_wait3A_136 : memref<128x128xf32, #tpu.memory_space<vmem_shared>>)
      tpu.yield
    }) : () -> ()
    %mul3A_72 = arith.constant 640 : i32
    %mul3A_73 = arith.muli %arg1, %mul3A_72 : i32
    %add3A_74 = arith.constant 384 : i32
    %add3A_75 = arith.addi %mul3A_73, %add3A_74 : i32
    "tpu.region"() ({
      %run_scoped3A = tpu.sem_alloc : memref<!tpu.dma_semaphore, #tpu.memory_space<semaphore_mem>>
      %dma_start3A_129 = arith.constant 0 : i32
      %dma_start3A_130 = tpu.memref_slice %arg10[%add3A_75, %dma_start3A_129] : memref<10240x128xf32, #tpu.memory_space<vmem_shared>> -> memref<128x128xf32, #tpu.memory_space<vmem_shared>>
      %dma_start3A_131 = arith.constant 0 : i32
      %dma_start3A_132 = tpu.memref_slice %arg10[%add3A_75, %dma_start3A_131] : memref<10240x128xf32, #tpu.memory_space<vmem_shared>> -> memref<128x128xf32, #tpu.memory_space<vmem_shared>>
      tpu.enqueue_dma source(%arg8 : memref<128x128xf32, #tpu.memory_space<vmem>>) target(%dma_start3A_132 : memref<128x128xf32, #tpu.memory_space<vmem_shared>>) target_semaphore(%run_scoped3A : memref<!tpu.dma_semaphore, #tpu.memory_space<semaphore_mem>>)
      %dma_wait3A_133 = arith.constant 0 : i32
      %dma_wait3A_134 = tpu.memref_slice %arg10[%add3A_75, %dma_wait3A_133] : memref<10240x128xf32, #tpu.memory_space<vmem_shared>> -> memref<128x128xf32, #tpu.memory_space<vmem_shared>>
      %dma_wait3A_135 = arith.constant 0 : i32
      %dma_wait3A_136 = tpu.memref_slice %arg10[%add3A_75, %dma_wait3A_135] : memref<10240x128xf32, #tpu.memory_space<vmem_shared>> -> memref<128x128xf32, #tpu.memory_space<vmem_shared>>
      tpu.wait_dma2 semaphore(%run_scoped3A : memref<!tpu.dma_semaphore, #tpu.memory_space<semaphore_mem>>) src(%arg8 : memref<128x128xf32, #tpu.memory_space<vmem>>) dst(%dma_wait3A_136 : memref<128x128xf32, #tpu.memory_space<vmem_shared>>)
      tpu.yield
    }) : () -> ()
    %mul3A_76 = arith.constant 640 : i32
    %mul3A_77 = arith.muli %arg1, %mul3A_76 : i32
    %add3A_78 = arith.constant 512 : i32
    %add3A_79 = arith.addi %mul3A_77, %add3A_78 : i32
    "tpu.region"() ({
      %run_scoped3A = tpu.sem_alloc : memref<!tpu.dma_semaphore, #tpu.memory_space<semaphore_mem>>
      %dma_start3A_129 = arith.constant 0 : i32
      %dma_start3A_130 = tpu.memref_slice %arg10[%add3A_79, %dma_start3A_129] : memref<10240x128xf32, #tpu.memory_space<vmem_shared>> -> memref<128x128xf32, #tpu.memory_space<vmem_shared>>
      %dma_start3A_131 = arith.constant 0 : i32
      %dma_start3A_132 = tpu.memref_slice %arg10[%add3A_79, %dma_start3A_131] : memref<10240x128xf32, #tpu.memory_space<vmem_shared>> -> memref<128x128xf32, #tpu.memory_space<vmem_shared>>
      tpu.enqueue_dma source(%arg8 : memref<128x128xf32, #tpu.memory_space<vmem>>) target(%dma_start3A_132 : memref<128x128xf32, #tpu.memory_space<vmem_shared>>) target_semaphore(%run_scoped3A : memref<!tpu.dma_semaphore, #tpu.memory_space<semaphore_mem>>)
      %dma_wait3A_133 = arith.constant 0 : i32
      %dma_wait3A_134 = tpu.memref_slice %arg10[%add3A_79, %dma_wait3A_133] : memref<10240x128xf32, #tpu.memory_space<vmem_shared>> -> memref<128x128xf32, #tpu.memory_space<vmem_shared>>
      %dma_wait3A_135 = arith.constant 0 : i32
      %dma_wait3A_136 = tpu.memref_slice %arg10[%add3A_79, %dma_wait3A_135] : memref<10240x128xf32, #tpu.memory_space<vmem_shared>> -> memref<128x128xf32, #tpu.memory_space<vmem_shared>>
      tpu.wait_dma2 semaphore(%run_scoped3A : memref<!tpu.dma_semaphore, #tpu.memory_space<semaphore_mem>>) src(%arg8 : memref<128x128xf32, #tpu.memory_space<vmem>>) dst(%dma_wait3A_136 : memref<128x128xf32, #tpu.memory_space<vmem_shared>>)
      tpu.yield
    }) : () -> ()
    %barrier3A = arith.constant 0 : index
    tpu.barrier barrier_id(%barrier3A)
    %dma_start3A_80 = arith.constant 0 : i32
    %dma_start3A_81 = arith.constant 0 : i32
    %dma_start3A_82 = arith.constant 0 : i32
    %dma_start3A_83 = tpu.memref_slice %arg6[%dma_start3A_80, %dma_start3A_82] : memref<32x128xi32, #tpu.memory_space<vmem>> -> memref<1x128xi32, #tpu.memory_space<vmem>>
    %dma_start3A_84 = tpu.memref_squeeze %dma_start3A_83 : memref<1x128xi32, #tpu.memory_space<vmem>> -> memref<128xi32, #tpu.memory_space<vmem>>
    %dma_start3A_85 = arith.constant 0 : i32
    %dma_start3A_86 = arith.constant 0 : i32
    %dma_start3A_87 = tpu.memref_slice %arg2[%dma_start3A_85, %dma_start3A_86] : memref<10000x128xf32, #tpu.memory_space<hbm>> -> memref<10000x128xf32, #tpu.memory_space<hbm>>
    %dma_start3A_88 = tpu.memref_slice %arg11[%dma_start3A_81] : memref<2x!tpu.dma_semaphore, #tpu.memory_space<semaphore_mem>> -> memref<1x!tpu.dma_semaphore, #tpu.memory_space<semaphore_mem>>
    %dma_start3A_89 = tpu.memref_squeeze %dma_start3A_88 : memref<1x!tpu.dma_semaphore, #tpu.memory_space<semaphore_mem>> -> memref<!tpu.dma_semaphore, #tpu.memory_space<semaphore_mem>>
    tpu.enqueue_indirect_dma source(%dma_start3A_87 : memref<10000x128xf32, #tpu.memory_space<hbm>>) target(%arg8 : memref<128x128xf32, #tpu.memory_space<vmem>>) offsets(%dma_start3A_84 : memref<128xi32, #tpu.memory_space<vmem>>) semaphore(%dma_start3A_89 : memref<!tpu.dma_semaphore, #tpu.memory_space<semaphore_mem>>)
    %sub3A = arith.constant 0 : i32
    %sub3A_90 = arith.subi %select_n3A, %sub3A : i32
    %sub3A_91 = arith.constant 2 : i32
    %sub3A_92 = arith.constant 1 : i32
    %sub3A_93 = arith.subi %sub3A_91, %sub3A_92 : i32
    %add3A_94 = arith.addi %sub3A_90, %sub3A_93 : i32
    %div3A = arith.constant 2 : i32
    %div3A_95 = arith.divsi %add3A_94, %div3A : i32
    %while3A = arith.constant 2 : i32
    %while3A_96 = arith.constant 0 : i32
    %while3A_97 = arith.constant 0 : i32
    %while3A_98 = arith.subi %div3A_95, %while3A_97 : i32
    %while3A_99 = arith.addi %while3A_97, %while3A_98 : i32
    %while3A_100 = arith.constant 1 : i32
    %while3A_101 = arith.divsi %while3A_98, %while3A_100 : i32
    %while3A_102 = arith.muli %while3A_101, %while3A_100 : i32
    %while3A_103 = arith.addi %while3A_97, %while3A_102 : i32
    %while3A_104 = arith.constant 1 : i32
    scf.for %while3A_129 = %while3A_97 to %while3A_103 step %while3A_104  : i32 {
      %mul3A_130 = arith.muli %while3A_129, %while3A : i32
      %add3A_131 = arith.addi %while3A_96, %mul3A_130 : i32
      %add3A_132 = arith.constant 0 : i32
      %add3A_133 = arith.addi %add3A_131, %add3A_132 : i32
      %rem3A_134 = arith.constant 16 : i32
      %rem3A_135 = arith.remsi %add3A_133, %rem3A_134 : i32
      %eq3A_136 = arith.constant 0 : i32
      %eq3A_137 = arith.cmpi eq, %rem3A_135, %eq3A_136 : i32
      %convert_element_type3A = arith.extui %eq3A_137 : i1 to i32
      %cond3A = arith.constant 0 : i32
      %cond3A_138 = arith.cmpi ne, %convert_element_type3A, %cond3A : i32
      scf.if %cond3A_138 {
        %jit3A_199 = arith.constant 16 : i32
        %div3A_200 = arith.divsi %add3A_133, %jit3A_199 : i32
        %sign3A = arith.constant 0 : i32
        %sign3A_201 = arith.cmpi sgt, %add3A_133, %sign3A : i32
        %sign3A_202 = arith.extui %sign3A_201 : i1 to i32
        %sign3A_203 = arith.constant 0 : i32
        %sign3A_204 = arith.cmpi slt, %add3A_133, %sign3A_203 : i32
        %sign3A_205 = arith.extui %sign3A_204 : i1 to i32
        %sign3A_206 = arith.subi %sign3A_202, %sign3A_205 : i32
        %sign3A_207 = arith.constant 0 : i32
        %sign3A_208 = arith.cmpi sgt, %jit3A_199, %sign3A_207 : i32
        %sign3A_209 = arith.extui %sign3A_208 : i1 to i32
        %sign3A_210 = arith.constant 0 : i32
        %sign3A_211 = arith.cmpi slt, %jit3A_199, %sign3A_210 : i32
        %sign3A_212 = arith.extui %sign3A_211 : i1 to i32
        %sign3A_213 = arith.subi %sign3A_209, %sign3A_212 : i32
        %ne3A = arith.cmpi ne, %sign3A_206, %sign3A_213 : i32
        %rem3A_214 = arith.remsi %add3A_133, %jit3A_199 : i32
        %ne3A_215 = arith.constant 0 : i32
        %ne3A_216 = arith.cmpi ne, %rem3A_214, %ne3A_215 : i32
        %and3A = arith.andi %ne3A, %ne3A_216 : i1
        %sub3A_217 = arith.constant 1 : i32
        %sub3A_218 = arith.subi %div3A_200, %sub3A_217 : i32
        %select_n3A_219 = arith.select %and3A, %sub3A_218, %div3A_200 : i32
        %add3A_220 = arith.constant 1 : i32
        %add3A_221 = arith.addi %select_n3A_219, %add3A_220 : i32
        %mul3A_222 = arith.constant 16 : i32
        %mul3A_223 = arith.muli %add3A_221, %mul3A_222 : i32
        %lt3A_224 = arith.cmpi slt, %mul3A_223, %select_n3A : i32
        %convert_element_type3A_225 = arith.extui %lt3A_224 : i1 to i32
        %cond3A_226 = arith.constant 0 : i32
        %cond3A_227 = arith.cmpi ne, %convert_element_type3A_225, %cond3A_226 : i32
        scf.if %cond3A_227 {
          %add3A_228 = arith.constant 1 : i32
          %add3A_229 = arith.addi %select_n3A_219, %add3A_228 : i32
          %rem3A_230 = arith.constant 2 : i32
          %rem3A_231 = arith.remsi %add3A_229, %rem3A_230 : i32
          %mul3A_232 = arith.constant 16 : i32
          %mul3A_233 = arith.muli %rem3A_231, %mul3A_232 : i32
          %mul3A_234 = arith.constant 16 : i32
          %mul3A_235 = arith.muli %add3A_229, %mul3A_234 : i32
          %add3A_236 = arith.addi %select_n3A_8, %mul3A_235 : i32
          %dma_start3A_237 = arith.constant 0 : i32
          %dma_start3A_238 = tpu.memref_slice %arg6[%mul3A_233, %dma_start3A_237] : memref<32x128xi32, #tpu.memory_space<vmem>> -> memref<16x128xi32, #tpu.memory_space<vmem>>
          %dma_start3A_239 = arith.constant 0 : i32
          %dma_start3A_240 = tpu.memref_slice %arg3[%add3A_236, %dma_start3A_239] : memref<2560x128xi32, #tpu.memory_space<hbm>> -> memref<16x128xi32, #tpu.memory_space<hbm>>
          %dma_start3A_241 = arith.constant 0 : i32
          %dma_start3A_242 = tpu.memref_slice %arg6[%mul3A_233, %dma_start3A_241] : memref<32x128xi32, #tpu.memory_space<vmem>> -> memref<16x128xi32, #tpu.memory_space<vmem>>
          %dma_start3A_243 = arith.constant 0 : i32
          %dma_start3A_244 = tpu.memref_slice %arg3[%add3A_236, %dma_start3A_243] : memref<2560x128xi32, #tpu.memory_space<hbm>> -> memref<16x128xi32, #tpu.memory_space<hbm>>
          tpu.enqueue_dma source(%dma_start3A_244 : memref<16x128xi32, #tpu.memory_space<hbm>>) target(%dma_start3A_242 : memref<16x128xi32, #tpu.memory_space<vmem>>) target_semaphore(%arg13 : memref<!tpu.dma_semaphore, #tpu.memory_space<semaphore_mem>>)
          %mul3A_245 = arith.constant 16 : i32
          %mul3A_246 = arith.muli %add3A_229, %mul3A_245 : i32
          %add3A_247 = arith.addi %select_n3A_8, %mul3A_246 : i32
          %dma_start3A_248 = arith.constant 0 : i32
          %dma_start3A_249 = tpu.memref_slice %arg7[%mul3A_233, %dma_start3A_248] : memref<32x128xi32, #tpu.memory_space<vmem>> -> memref<16x128xi32, #tpu.memory_space<vmem>>
          %dma_start3A_250 = arith.constant 0 : i32
          %dma_start3A_251 = tpu.memref_slice %arg4[%add3A_247, %dma_start3A_250] : memref<2560x128xi32, #tpu.memory_space<hbm>> -> memref<16x128xi32, #tpu.memory_space<hbm>>
          %dma_start3A_252 = arith.constant 0 : i32
          %dma_start3A_253 = tpu.memref_slice %arg7[%mul3A_233, %dma_start3A_252] : memref<32x128xi32, #tpu.memory_space<vmem>> -> memref<16x128xi32, #tpu.memory_space<vmem>>
          %dma_start3A_254 = arith.constant 0 : i32
          %dma_start3A_255 = tpu.memref_slice %arg4[%add3A_247, %dma_start3A_254] : memref<2560x128xi32, #tpu.memory_space<hbm>> -> memref<16x128xi32, #tpu.memory_space<hbm>>
          tpu.enqueue_dma source(%dma_start3A_255 : memref<16x128xi32, #tpu.memory_space<hbm>>) target(%dma_start3A_253 : memref<16x128xi32, #tpu.memory_space<vmem>>) target_semaphore(%arg13 : memref<!tpu.dma_semaphore, #tpu.memory_space<semaphore_mem>>)
          %dma_wait3A_256 = arith.constant 0 : i32
          %dma_wait3A_257 = arith.constant 0 : i32
          %dma_wait3A_258 = tpu.memref_slice %arg6[%dma_wait3A_256, %dma_wait3A_257] : memref<32x128xi32, #tpu.memory_space<vmem>> -> memref<16x128xi32, #tpu.memory_space<vmem>>
          %dma_wait3A_259 = arith.constant 0 : i32
          %dma_wait3A_260 = arith.constant 0 : i32
          %dma_wait3A_261 = tpu.memref_slice %arg3[%dma_wait3A_259, %dma_wait3A_260] : memref<2560x128xi32, #tpu.memory_space<hbm>> -> memref<16x128xi32, #tpu.memory_space<hbm>>
          %dma_wait3A_262 = arith.constant 0 : i32
          %dma_wait3A_263 = arith.constant 0 : i32
          %dma_wait3A_264 = tpu.memref_slice %arg6[%dma_wait3A_262, %dma_wait3A_263] : memref<32x128xi32, #tpu.memory_space<vmem>> -> memref<16x128xi32, #tpu.memory_space<vmem>>
          %dma_wait3A_265 = arith.constant 0 : i32
          %dma_wait3A_266 = arith.constant 0 : i32
          %dma_wait3A_267 = tpu.memref_slice %arg3[%dma_wait3A_265, %dma_wait3A_266] : memref<2560x128xi32, #tpu.memory_space<hbm>> -> memref<16x128xi32, #tpu.memory_space<hbm>>
          tpu.wait_dma2 semaphore(%arg13 : memref<!tpu.dma_semaphore, #tpu.memory_space<semaphore_mem>>) src(%dma_wait3A_267 : memref<16x128xi32, #tpu.memory_space<hbm>>) dst(%dma_wait3A_264 : memref<16x128xi32, #tpu.memory_space<vmem>>)
          %dma_wait3A_268 = arith.constant 0 : i32
          %dma_wait3A_269 = arith.constant 0 : i32
          %dma_wait3A_270 = tpu.memref_slice %arg7[%dma_wait3A_268, %dma_wait3A_269] : memref<32x128xi32, #tpu.memory_space<vmem>> -> memref<16x128xi32, #tpu.memory_space<vmem>>
          %dma_wait3A_271 = arith.constant 0 : i32
          %dma_wait3A_272 = arith.constant 0 : i32
          %dma_wait3A_273 = tpu.memref_slice %arg3[%dma_wait3A_271, %dma_wait3A_272] : memref<2560x128xi32, #tpu.memory_space<hbm>> -> memref<16x128xi32, #tpu.memory_space<hbm>>
          %dma_wait3A_274 = arith.constant 0 : i32
          %dma_wait3A_275 = arith.constant 0 : i32
          %dma_wait3A_276 = tpu.memref_slice %arg7[%dma_wait3A_274, %dma_wait3A_275] : memref<32x128xi32, #tpu.memory_space<vmem>> -> memref<16x128xi32, #tpu.memory_space<vmem>>
          %dma_wait3A_277 = arith.constant 0 : i32
          %dma_wait3A_278 = arith.constant 0 : i32
          %dma_wait3A_279 = tpu.memref_slice %arg3[%dma_wait3A_277, %dma_wait3A_278] : memref<2560x128xi32, #tpu.memory_space<hbm>> -> memref<16x128xi32, #tpu.memory_space<hbm>>
          tpu.wait_dma2 semaphore(%arg13 : memref<!tpu.dma_semaphore, #tpu.memory_space<semaphore_mem>>) src(%dma_wait3A_279 : memref<16x128xi32, #tpu.memory_space<hbm>>) dst(%dma_wait3A_276 : memref<16x128xi32, #tpu.memory_space<vmem>>)
        } else {
        }
      } else {
      }
      %add3A_139 = arith.constant 1 : i32
      %add3A_140 = arith.addi %add3A_133, %add3A_139 : i32
      %lt3A = arith.cmpi slt, %add3A_140, %select_n3A : i32
      %convert_element_type3A_141 = arith.extui %lt3A : i1 to i32
      %cond3A_142 = arith.constant 0 : i32
      %cond3A_143 = arith.cmpi ne, %convert_element_type3A_141, %cond3A_142 : i32
      scf.if %cond3A_143 {
        %sub3A_199 = arith.constant 1 : i32
        %sub3A_200 = arith.subi %add3A_133, %sub3A_199 : i32
        %ge3A = arith.constant 0 : i32
        %ge3A_201 = arith.cmpi sge, %sub3A_200, %ge3A : i32
        %convert_element_type3A_202 = arith.extui %ge3A_201 : i1 to i32
        %cond3A_203 = arith.constant 0 : i32
        %cond3A_204 = arith.cmpi ne, %convert_element_type3A_202, %cond3A_203 : i32
        scf.if %cond3A_204 {
          %dma_wait3A_218 = arith.constant 1 : i32
          %dma_wait3A_219 = arith.constant 0 : i32
          %dma_wait3A_220 = arith.constant 0 : i32
          %dma_wait3A_221 = tpu.memref_slice %arg2[%dma_wait3A_219, %dma_wait3A_220] : memref<10000x128xf32, #tpu.memory_space<hbm>> -> memref<128x128xf32, #tpu.memory_space<hbm>>
          %dma_wait3A_222 = tpu.memref_slice %arg12[%dma_wait3A_218] : memref<2x!tpu.dma_semaphore, #tpu.memory_space<semaphore_mem>> -> memref<1x!tpu.dma_semaphore, #tpu.memory_space<semaphore_mem>>
          %dma_wait3A_223 = tpu.memref_squeeze %dma_wait3A_222 : memref<1x!tpu.dma_semaphore, #tpu.memory_space<semaphore_mem>> -> memref<!tpu.dma_semaphore, #tpu.memory_space<semaphore_mem>>
          %dma_wait3A_224 = arith.constant 0 : i32
          %dma_wait3A_225 = arith.constant 0 : i32
          %dma_wait3A_226 = tpu.memref_slice %arg2[%dma_wait3A_224, %dma_wait3A_225] : memref<10000x128xf32, #tpu.memory_space<hbm>> -> memref<128x128xf32, #tpu.memory_space<hbm>>
          tpu.wait_dma2 semaphore(%dma_wait3A_223 : memref<!tpu.dma_semaphore, #tpu.memory_space<semaphore_mem>>) src(%dma_wait3A_226 : memref<128x128xf32, #tpu.memory_space<hbm>>) dst(%arg9 : memref<128x128xf32, #tpu.memory_space<vmem>>)
        } else {
        }
        %add3A_205 = arith.constant 1 : i32
        %add3A_206 = arith.addi %add3A_133, %add3A_205 : i32
        %rem3A_207 = arith.constant 32 : i32
        %rem3A_208 = arith.remsi %add3A_206, %rem3A_207 : i32
        %dma_start3A_209 = arith.constant 1 : i32
        %dma_start3A_210 = arith.constant 0 : i32
        %dma_start3A_211 = tpu.memref_slice %arg6[%rem3A_208, %dma_start3A_210] : memref<32x128xi32, #tpu.memory_space<vmem>> -> memref<1x128xi32, #tpu.memory_space<vmem>>
        %dma_start3A_212 = tpu.memref_squeeze %dma_start3A_211 : memref<1x128xi32, #tpu.memory_space<vmem>> -> memref<128xi32, #tpu.memory_space<vmem>>
        %dma_start3A_213 = arith.constant 0 : i32
        %dma_start3A_214 = arith.constant 0 : i32
        %dma_start3A_215 = tpu.memref_slice %arg2[%dma_start3A_213, %dma_start3A_214] : memref<10000x128xf32, #tpu.memory_space<hbm>> -> memref<10000x128xf32, #tpu.memory_space<hbm>>
        %dma_start3A_216 = tpu.memref_slice %arg11[%dma_start3A_209] : memref<2x!tpu.dma_semaphore, #tpu.memory_space<semaphore_mem>> -> memref<1x!tpu.dma_semaphore, #tpu.memory_space<semaphore_mem>>
        %dma_start3A_217 = tpu.memref_squeeze %dma_start3A_216 : memref<1x!tpu.dma_semaphore, #tpu.memory_space<semaphore_mem>> -> memref<!tpu.dma_semaphore, #tpu.memory_space<semaphore_mem>>
        tpu.enqueue_indirect_dma source(%dma_start3A_215 : memref<10000x128xf32, #tpu.memory_space<hbm>>) target(%arg9 : memref<128x128xf32, #tpu.memory_space<vmem>>) offsets(%dma_start3A_212 : memref<128xi32, #tpu.memory_space<vmem>>) semaphore(%dma_start3A_217 : memref<!tpu.dma_semaphore, #tpu.memory_space<semaphore_mem>>)
      } else {
      }
      %dma_wait3A_144 = arith.constant 0 : i32
      %dma_wait3A_145 = arith.constant 0 : i32
      %dma_wait3A_146 = arith.constant 0 : i32
      %dma_wait3A_147 = tpu.memref_slice %arg2[%dma_wait3A_145, %dma_wait3A_146] : memref<10000x128xf32, #tpu.memory_space<hbm>> -> memref<128x128xf32, #tpu.memory_space<hbm>>
      %dma_wait3A_148 = tpu.memref_slice %arg11[%dma_wait3A_144] : memref<2x!tpu.dma_semaphore, #tpu.memory_space<semaphore_mem>> -> memref<1x!tpu.dma_semaphore, #tpu.memory_space<semaphore_mem>>
      %dma_wait3A_149 = tpu.memref_squeeze %dma_wait3A_148 : memref<1x!tpu.dma_semaphore, #tpu.memory_space<semaphore_mem>> -> memref<!tpu.dma_semaphore, #tpu.memory_space<semaphore_mem>>
      %dma_wait3A_150 = arith.constant 0 : i32
      %dma_wait3A_151 = arith.constant 0 : i32
      %dma_wait3A_152 = tpu.memref_slice %arg2[%dma_wait3A_150, %dma_wait3A_151] : memref<10000x128xf32, #tpu.memory_space<hbm>> -> memref<128x128xf32, #tpu.memory_space<hbm>>
      tpu.wait_dma2 semaphore(%dma_wait3A_149 : memref<!tpu.dma_semaphore, #tpu.memory_space<semaphore_mem>>) src(%dma_wait3A_152 : memref<128x128xf32, #tpu.memory_space<hbm>>) dst(%arg8 : memref<128x128xf32, #tpu.memory_space<vmem>>)
      %rem3A_153 = arith.constant 32 : i32
      %rem3A_154 = arith.remsi %add3A_133, %rem3A_153 : i32
      %dma_start3A_155 = arith.constant 0 : i32
      %dma_start3A_156 = arith.constant 0 : i32
      %dma_start3A_157 = tpu.memref_slice %arg7[%rem3A_154, %dma_start3A_156] : memref<32x128xi32, #tpu.memory_space<vmem>> -> memref<1x128xi32, #tpu.memory_space<vmem>>
      %dma_start3A_158 = tpu.memref_squeeze %dma_start3A_157 : memref<1x128xi32, #tpu.memory_space<vmem>> -> memref<128xi32, #tpu.memory_space<vmem>>
      %dma_start3A_159 = arith.constant 0 : i32
      %dma_start3A_160 = arith.constant 0 : i32
      %dma_start3A_161 = tpu.memref_slice %arg10[%dma_start3A_159, %dma_start3A_160] : memref<10240x128xf32, #tpu.memory_space<vmem_shared>> -> memref<10240x128xf32, #tpu.memory_space<vmem_shared>>
      %dma_start3A_162 = tpu.memref_slice %arg12[%dma_start3A_155] : memref<2x!tpu.dma_semaphore, #tpu.memory_space<semaphore_mem>> -> memref<1x!tpu.dma_semaphore, #tpu.memory_space<semaphore_mem>>
      %dma_start3A_163 = tpu.memref_squeeze %dma_start3A_162 : memref<1x!tpu.dma_semaphore, #tpu.memory_space<semaphore_mem>> -> memref<!tpu.dma_semaphore, #tpu.memory_space<semaphore_mem>>
      tpu.enqueue_indirect_dma source(%arg8 : memref<128x128xf32, #tpu.memory_space<vmem>>) target(%dma_start3A_161 : memref<10240x128xf32, #tpu.memory_space<vmem_shared>>) offsets(%dma_start3A_158 : memref<128xi32, #tpu.memory_space<vmem>>) semaphore(%dma_start3A_163 : memref<!tpu.dma_semaphore, #tpu.memory_space<semaphore_mem>>) {add = true}
      %add3A_164 = arith.constant 1 : i32
      %add3A_165 = arith.addi %add3A_131, %add3A_164 : i32
      %rem3A_166 = arith.constant 16 : i32
      %rem3A_167 = arith.remsi %add3A_165, %rem3A_166 : i32
      %eq3A_168 = arith.constant 0 : i32
      %eq3A_169 = arith.cmpi eq, %rem3A_167, %eq3A_168 : i32
      %convert_element_type3A_170 = arith.extui %eq3A_169 : i1 to i32
      %cond3A_171 = arith.constant 0 : i32
      %cond3A_172 = arith.cmpi ne, %convert_element_type3A_170, %cond3A_171 : i32
      scf.if %cond3A_172 {
        %jit3A_199 = arith.constant 16 : i32
        %div3A_200 = arith.divsi %add3A_165, %jit3A_199 : i32
        %sign3A = arith.constant 0 : i32
        %sign3A_201 = arith.cmpi sgt, %add3A_165, %sign3A : i32
        %sign3A_202 = arith.extui %sign3A_201 : i1 to i32
        %sign3A_203 = arith.constant 0 : i32
        %sign3A_204 = arith.cmpi slt, %add3A_165, %sign3A_203 : i32
        %sign3A_205 = arith.extui %sign3A_204 : i1 to i32
        %sign3A_206 = arith.subi %sign3A_202, %sign3A_205 : i32
        %sign3A_207 = arith.constant 0 : i32
        %sign3A_208 = arith.cmpi sgt, %jit3A_199, %sign3A_207 : i32
        %sign3A_209 = arith.extui %sign3A_208 : i1 to i32
        %sign3A_210 = arith.constant 0 : i32
        %sign3A_211 = arith.cmpi slt, %jit3A_199, %sign3A_210 : i32
        %sign3A_212 = arith.extui %sign3A_211 : i1 to i32
        %sign3A_213 = arith.subi %sign3A_209, %sign3A_212 : i32
        %ne3A = arith.cmpi ne, %sign3A_206, %sign3A_213 : i32
        %rem3A_214 = arith.remsi %add3A_165, %jit3A_199 : i32
        %ne3A_215 = arith.constant 0 : i32
        %ne3A_216 = arith.cmpi ne, %rem3A_214, %ne3A_215 : i32
        %and3A = arith.andi %ne3A, %ne3A_216 : i1
        %sub3A_217 = arith.constant 1 : i32
        %sub3A_218 = arith.subi %div3A_200, %sub3A_217 : i32
        %select_n3A_219 = arith.select %and3A, %sub3A_218, %div3A_200 : i32
        %add3A_220 = arith.constant 1 : i32
        %add3A_221 = arith.addi %select_n3A_219, %add3A_220 : i32
        %mul3A_222 = arith.constant 16 : i32
        %mul3A_223 = arith.muli %add3A_221, %mul3A_222 : i32
        %lt3A_224 = arith.cmpi slt, %mul3A_223, %select_n3A : i32
        %convert_element_type3A_225 = arith.extui %lt3A_224 : i1 to i32
        %cond3A_226 = arith.constant 0 : i32
        %cond3A_227 = arith.cmpi ne, %convert_element_type3A_225, %cond3A_226 : i32
        scf.if %cond3A_227 {
          %add3A_228 = arith.constant 1 : i32
          %add3A_229 = arith.addi %select_n3A_219, %add3A_228 : i32
          %rem3A_230 = arith.constant 2 : i32
          %rem3A_231 = arith.remsi %add3A_229, %rem3A_230 : i32
          %mul3A_232 = arith.constant 16 : i32
          %mul3A_233 = arith.muli %rem3A_231, %mul3A_232 : i32
          %mul3A_234 = arith.constant 16 : i32
          %mul3A_235 = arith.muli %add3A_229, %mul3A_234 : i32
          %add3A_236 = arith.addi %select_n3A_8, %mul3A_235 : i32
          %dma_start3A_237 = arith.constant 0 : i32
          %dma_start3A_238 = tpu.memref_slice %arg6[%mul3A_233, %dma_start3A_237] : memref<32x128xi32, #tpu.memory_space<vmem>> -> memref<16x128xi32, #tpu.memory_space<vmem>>
          %dma_start3A_239 = arith.constant 0 : i32
          %dma_start3A_240 = tpu.memref_slice %arg3[%add3A_236, %dma_start3A_239] : memref<2560x128xi32, #tpu.memory_space<hbm>> -> memref<16x128xi32, #tpu.memory_space<hbm>>
          %dma_start3A_241 = arith.constant 0 : i32
          %dma_start3A_242 = tpu.memref_slice %arg6[%mul3A_233, %dma_start3A_241] : memref<32x128xi32, #tpu.memory_space<vmem>> -> memref<16x128xi32, #tpu.memory_space<vmem>>
          %dma_start3A_243 = arith.constant 0 : i32
          %dma_start3A_244 = tpu.memref_slice %arg3[%add3A_236, %dma_start3A_243] : memref<2560x128xi32, #tpu.memory_space<hbm>> -> memref<16x128xi32, #tpu.memory_space<hbm>>
          tpu.enqueue_dma source(%dma_start3A_244 : memref<16x128xi32, #tpu.memory_space<hbm>>) target(%dma_start3A_242 : memref<16x128xi32, #tpu.memory_space<vmem>>) target_semaphore(%arg13 : memref<!tpu.dma_semaphore, #tpu.memory_space<semaphore_mem>>)
          %mul3A_245 = arith.constant 16 : i32
          %mul3A_246 = arith.muli %add3A_229, %mul3A_245 : i32
          %add3A_247 = arith.addi %select_n3A_8, %mul3A_246 : i32
          %dma_start3A_248 = arith.constant 0 : i32
          %dma_start3A_249 = tpu.memref_slice %arg7[%mul3A_233, %dma_start3A_248] : memref<32x128xi32, #tpu.memory_space<vmem>> -> memref<16x128xi32, #tpu.memory_space<vmem>>
          %dma_start3A_250 = arith.constant 0 : i32
          %dma_start3A_251 = tpu.memref_slice %arg4[%add3A_247, %dma_start3A_250] : memref<2560x128xi32, #tpu.memory_space<hbm>> -> memref<16x128xi32, #tpu.memory_space<hbm>>
          %dma_start3A_252 = arith.constant 0 : i32
          %dma_start3A_253 = tpu.memref_slice %arg7[%mul3A_233, %dma_start3A_252] : memref<32x128xi32, #tpu.memory_space<vmem>> -> memref<16x128xi32, #tpu.memory_space<vmem>>
          %dma_start3A_254 = arith.constant 0 : i32
          %dma_start3A_255 = tpu.memref_slice %arg4[%add3A_247, %dma_start3A_254] : memref<2560x128xi32, #tpu.memory_space<hbm>> -> memref<16x128xi32, #tpu.memory_space<hbm>>
          tpu.enqueue_dma source(%dma_start3A_255 : memref<16x128xi32, #tpu.memory_space<hbm>>) target(%dma_start3A_253 : memref<16x128xi32, #tpu.memory_space<vmem>>) target_semaphore(%arg13 : memref<!tpu.dma_semaphore, #tpu.memory_space<semaphore_mem>>)
          %dma_wait3A_256 = arith.constant 0 : i32
          %dma_wait3A_257 = arith.constant 0 : i32
          %dma_wait3A_258 = tpu.memref_slice %arg6[%dma_wait3A_256, %dma_wait3A_257] : memref<32x128xi32, #tpu.memory_space<vmem>> -> memref<16x128xi32, #tpu.memory_space<vmem>>
          %dma_wait3A_259 = arith.constant 0 : i32
          %dma_wait3A_260 = arith.constant 0 : i32
          %dma_wait3A_261 = tpu.memref_slice %arg3[%dma_wait3A_259, %dma_wait3A_260] : memref<2560x128xi32, #tpu.memory_space<hbm>> -> memref<16x128xi32, #tpu.memory_space<hbm>>
          %dma_wait3A_262 = arith.constant 0 : i32
          %dma_wait3A_263 = arith.constant 0 : i32
          %dma_wait3A_264 = tpu.memref_slice %arg6[%dma_wait3A_262, %dma_wait3A_263] : memref<32x128xi32, #tpu.memory_space<vmem>> -> memref<16x128xi32, #tpu.memory_space<vmem>>
          %dma_wait3A_265 = arith.constant 0 : i32
          %dma_wait3A_266 = arith.constant 0 : i32
          %dma_wait3A_267 = tpu.memref_slice %arg3[%dma_wait3A_265, %dma_wait3A_266] : memref<2560x128xi32, #tpu.memory_space<hbm>> -> memref<16x128xi32, #tpu.memory_space<hbm>>
          tpu.wait_dma2 semaphore(%arg13 : memref<!tpu.dma_semaphore, #tpu.memory_space<semaphore_mem>>) src(%dma_wait3A_267 : memref<16x128xi32, #tpu.memory_space<hbm>>) dst(%dma_wait3A_264 : memref<16x128xi32, #tpu.memory_space<vmem>>)
          %dma_wait3A_268 = arith.constant 0 : i32
          %dma_wait3A_269 = arith.constant 0 : i32
          %dma_wait3A_270 = tpu.memref_slice %arg7[%dma_wait3A_268, %dma_wait3A_269] : memref<32x128xi32, #tpu.memory_space<vmem>> -> memref<16x128xi32, #tpu.memory_space<vmem>>
          %dma_wait3A_271 = arith.constant 0 : i32
          %dma_wait3A_272 = arith.constant 0 : i32
          %dma_wait3A_273 = tpu.memref_slice %arg3[%dma_wait3A_271, %dma_wait3A_272] : memref<2560x128xi32, #tpu.memory_space<hbm>> -> memref<16x128xi32, #tpu.memory_space<hbm>>
          %dma_wait3A_274 = arith.constant 0 : i32
          %dma_wait3A_275 = arith.constant 0 : i32
          %dma_wait3A_276 = tpu.memref_slice %arg7[%dma_wait3A_274, %dma_wait3A_275] : memref<32x128xi32, #tpu.memory_space<vmem>> -> memref<16x128xi32, #tpu.memory_space<vmem>>
          %dma_wait3A_277 = arith.constant 0 : i32
          %dma_wait3A_278 = arith.constant 0 : i32
          %dma_wait3A_279 = tpu.memref_slice %arg3[%dma_wait3A_277, %dma_wait3A_278] : memref<2560x128xi32, #tpu.memory_space<hbm>> -> memref<16x128xi32, #tpu.memory_space<hbm>>
          tpu.wait_dma2 semaphore(%arg13 : memref<!tpu.dma_semaphore, #tpu.memory_space<semaphore_mem>>) src(%dma_wait3A_279 : memref<16x128xi32, #tpu.memory_space<hbm>>) dst(%dma_wait3A_276 : memref<16x128xi32, #tpu.memory_space<vmem>>)
        } else {
        }
      } else {
      }
      %add3A_173 = arith.constant 1 : i32
      %add3A_174 = arith.addi %add3A_165, %add3A_173 : i32
      %lt3A_175 = arith.cmpi slt, %add3A_174, %select_n3A : i32
      %convert_element_type3A_176 = arith.extui %lt3A_175 : i1 to i32
      %cond3A_177 = arith.constant 0 : i32
      %cond3A_178 = arith.cmpi ne, %convert_element_type3A_176, %cond3A_177 : i32
      scf.if %cond3A_178 {
        %sub3A_199 = arith.constant 1 : i32
        %sub3A_200 = arith.subi %add3A_165, %sub3A_199 : i32
        %ge3A = arith.constant 0 : i32
        %ge3A_201 = arith.cmpi sge, %sub3A_200, %ge3A : i32
        %convert_element_type3A_202 = arith.extui %ge3A_201 : i1 to i32
        %cond3A_203 = arith.constant 0 : i32
        %cond3A_204 = arith.cmpi ne, %convert_element_type3A_202, %cond3A_203 : i32
        scf.if %cond3A_204 {
          %dma_wait3A_218 = arith.constant 0 : i32
          %dma_wait3A_219 = arith.constant 0 : i32
          %dma_wait3A_220 = arith.constant 0 : i32
          %dma_wait3A_221 = tpu.memref_slice %arg2[%dma_wait3A_219, %dma_wait3A_220] : memref<10000x128xf32, #tpu.memory_space<hbm>> -> memref<128x128xf32, #tpu.memory_space<hbm>>
          %dma_wait3A_222 = tpu.memref_slice %arg12[%dma_wait3A_218] : memref<2x!tpu.dma_semaphore, #tpu.memory_space<semaphore_mem>> -> memref<1x!tpu.dma_semaphore, #tpu.memory_space<semaphore_mem>>
          %dma_wait3A_223 = tpu.memref_squeeze %dma_wait3A_222 : memref<1x!tpu.dma_semaphore, #tpu.memory_space<semaphore_mem>> -> memref<!tpu.dma_semaphore, #tpu.memory_space<semaphore_mem>>
          %dma_wait3A_224 = arith.constant 0 : i32
          %dma_wait3A_225 = arith.constant 0 : i32
          %dma_wait3A_226 = tpu.memref_slice %arg2[%dma_wait3A_224, %dma_wait3A_225] : memref<10000x128xf32, #tpu.memory_space<hbm>> -> memref<128x128xf32, #tpu.memory_space<hbm>>
          tpu.wait_dma2 semaphore(%dma_wait3A_223 : memref<!tpu.dma_semaphore, #tpu.memory_space<semaphore_mem>>) src(%dma_wait3A_226 : memref<128x128xf32, #tpu.memory_space<hbm>>) dst(%arg8 : memref<128x128xf32, #tpu.memory_space<vmem>>)
        } else {
        }
        %add3A_205 = arith.constant 1 : i32
        %add3A_206 = arith.addi %add3A_165, %add3A_205 : i32
        %rem3A_207 = arith.constant 32 : i32
        %rem3A_208 = arith.remsi %add3A_206, %rem3A_207 : i32
        %dma_start3A_209 = arith.constant 0 : i32
        %dma_start3A_210 = arith.constant 0 : i32
        %dma_start3A_211 = tpu.memref_slice %arg6[%rem3A_208, %dma_start3A_210] : memref<32x128xi32, #tpu.memory_space<vmem>> -> memref<1x128xi32, #tpu.memory_space<vmem>>
        %dma_start3A_212 = tpu.memref_squeeze %dma_start3A_211 : memref<1x128xi32, #tpu.memory_space<vmem>> -> memref<128xi32, #tpu.memory_space<vmem>>
        %dma_start3A_213 = arith.constant 0 : i32
        %dma_start3A_214 = arith.constant 0 : i32
        %dma_start3A_215 = tpu.memref_slice %arg2[%dma_start3A_213, %dma_start3A_214] : memref<10000x128xf32, #tpu.memory_space<hbm>> -> memref<10000x128xf32, #tpu.memory_space<hbm>>
        %dma_start3A_216 = tpu.memref_slice %arg11[%dma_start3A_209] : memref<2x!tpu.dma_semaphore, #tpu.memory_space<semaphore_mem>> -> memref<1x!tpu.dma_semaphore, #tpu.memory_space<semaphore_mem>>
        %dma_start3A_217 = tpu.memref_squeeze %dma_start3A_216 : memref<1x!tpu.dma_semaphore, #tpu.memory_space<semaphore_mem>> -> memref<!tpu.dma_semaphore, #tpu.memory_space<semaphore_mem>>
        tpu.enqueue_indirect_dma source(%dma_start3A_215 : memref<10000x128xf32, #tpu.memory_space<hbm>>) target(%arg8 : memref<128x128xf32, #tpu.memory_space<vmem>>) offsets(%dma_start3A_212 : memref<128xi32, #tpu.memory_space<vmem>>) semaphore(%dma_start3A_217 : memref<!tpu.dma_semaphore, #tpu.memory_space<semaphore_mem>>)
      } else {
      }
      %dma_wait3A_179 = arith.constant 1 : i32
      %dma_wait3A_180 = arith.constant 0 : i32
      %dma_wait3A_181 = arith.constant 0 : i32
      %dma_wait3A_182 = tpu.memref_slice %arg2[%dma_wait3A_180, %dma_wait3A_181] : memref<10000x128xf32, #tpu.memory_space<hbm>> -> memref<128x128xf32, #tpu.memory_space<hbm>>
      %dma_wait3A_183 = tpu.memref_slice %arg11[%dma_wait3A_179] : memref<2x!tpu.dma_semaphore, #tpu.memory_space<semaphore_mem>> -> memref<1x!tpu.dma_semaphore, #tpu.memory_space<semaphore_mem>>
      %dma_wait3A_184 = tpu.memref_squeeze %dma_wait3A_183 : memref<1x!tpu.dma_semaphore, #tpu.memory_space<semaphore_mem>> -> memref<!tpu.dma_semaphore, #tpu.memory_space<semaphore_mem>>
      %dma_wait3A_185 = arith.constant 0 : i32
      %dma_wait3A_186 = arith.constant 0 : i32
      %dma_wait3A_187 = tpu.memref_slice %arg2[%dma_wait3A_185, %dma_wait3A_186] : memref<10000x128xf32, #tpu.memory_space<hbm>> -> memref<128x128xf32, #tpu.memory_space<hbm>>
      tpu.wait_dma2 semaphore(%dma_wait3A_184 : memref<!tpu.dma_semaphore, #tpu.memory_space<semaphore_mem>>) src(%dma_wait3A_187 : memref<128x128xf32, #tpu.memory_space<hbm>>) dst(%arg9 : memref<128x128xf32, #tpu.memory_space<vmem>>)
      %rem3A_188 = arith.constant 32 : i32
      %rem3A_189 = arith.remsi %add3A_165, %rem3A_188 : i32
      %dma_start3A_190 = arith.constant 1 : i32
      %dma_start3A_191 = arith.constant 0 : i32
      %dma_start3A_192 = tpu.memref_slice %arg7[%rem3A_189, %dma_start3A_191] : memref<32x128xi32, #tpu.memory_space<vmem>> -> memref<1x128xi32, #tpu.memory_space<vmem>>
      %dma_start3A_193 = tpu.memref_squeeze %dma_start3A_192 : memref<1x128xi32, #tpu.memory_space<vmem>> -> memref<128xi32, #tpu.memory_space<vmem>>
      %dma_start3A_194 = arith.constant 0 : i32
      %dma_start3A_195 = arith.constant 0 : i32
      %dma_start3A_196 = tpu.memref_slice %arg10[%dma_start3A_194, %dma_start3A_195] : memref<10240x128xf32, #tpu.memory_space<vmem_shared>> -> memref<10240x128xf32, #tpu.memory_space<vmem_shared>>
      %dma_start3A_197 = tpu.memref_slice %arg12[%dma_start3A_190] : memref<2x!tpu.dma_semaphore, #tpu.memory_space<semaphore_mem>> -> memref<1x!tpu.dma_semaphore, #tpu.memory_space<semaphore_mem>>
      %dma_start3A_198 = tpu.memref_squeeze %dma_start3A_197 : memref<1x!tpu.dma_semaphore, #tpu.memory_space<semaphore_mem>> -> memref<!tpu.dma_semaphore, #tpu.memory_space<semaphore_mem>>
      tpu.enqueue_indirect_dma source(%arg9 : memref<128x128xf32, #tpu.memory_space<vmem>>) target(%dma_start3A_196 : memref<10240x128xf32, #tpu.memory_space<vmem_shared>>) offsets(%dma_start3A_193 : memref<128xi32, #tpu.memory_space<vmem>>) semaphore(%dma_start3A_198 : memref<!tpu.dma_semaphore, #tpu.memory_space<semaphore_mem>>) {add = true}
    }
    %while3A_105 = arith.constant 1 : i32
    scf.for %while3A_129 = %while3A_103 to %while3A_99 step %while3A_105  : i32 {
      %mul3A_130 = arith.muli %while3A_129, %while3A : i32
      %add3A_131 = arith.addi %while3A_96, %mul3A_130 : i32
      %add3A_132 = arith.constant 0 : i32
      %add3A_133 = arith.addi %add3A_131, %add3A_132 : i32
      %rem3A_134 = arith.constant 16 : i32
      %rem3A_135 = arith.remsi %add3A_133, %rem3A_134 : i32
      %eq3A_136 = arith.constant 0 : i32
      %eq3A_137 = arith.cmpi eq, %rem3A_135, %eq3A_136 : i32
      %convert_element_type3A = arith.extui %eq3A_137 : i1 to i32
      %cond3A = arith.constant 0 : i32
      %cond3A_138 = arith.cmpi ne, %convert_element_type3A, %cond3A : i32
      scf.if %cond3A_138 {
        %jit3A_199 = arith.constant 16 : i32
        %div3A_200 = arith.divsi %add3A_133, %jit3A_199 : i32
        %sign3A = arith.constant 0 : i32
        %sign3A_201 = arith.cmpi sgt, %add3A_133, %sign3A : i32
        %sign3A_202 = arith.extui %sign3A_201 : i1 to i32
        %sign3A_203 = arith.constant 0 : i32
        %sign3A_204 = arith.cmpi slt, %add3A_133, %sign3A_203 : i32
        %sign3A_205 = arith.extui %sign3A_204 : i1 to i32
        %sign3A_206 = arith.subi %sign3A_202, %sign3A_205 : i32
        %sign3A_207 = arith.constant 0 : i32
        %sign3A_208 = arith.cmpi sgt, %jit3A_199, %sign3A_207 : i32
        %sign3A_209 = arith.extui %sign3A_208 : i1 to i32
        %sign3A_210 = arith.constant 0 : i32
        %sign3A_211 = arith.cmpi slt, %jit3A_199, %sign3A_210 : i32
        %sign3A_212 = arith.extui %sign3A_211 : i1 to i32
        %sign3A_213 = arith.subi %sign3A_209, %sign3A_212 : i32
        %ne3A = arith.cmpi ne, %sign3A_206, %sign3A_213 : i32
        %rem3A_214 = arith.remsi %add3A_133, %jit3A_199 : i32
        %ne3A_215 = arith.constant 0 : i32
        %ne3A_216 = arith.cmpi ne, %rem3A_214, %ne3A_215 : i32
        %and3A = arith.andi %ne3A, %ne3A_216 : i1
        %sub3A_217 = arith.constant 1 : i32
        %sub3A_218 = arith.subi %div3A_200, %sub3A_217 : i32
        %select_n3A_219 = arith.select %and3A, %sub3A_218, %div3A_200 : i32
        %add3A_220 = arith.constant 1 : i32
        %add3A_221 = arith.addi %select_n3A_219, %add3A_220 : i32
        %mul3A_222 = arith.constant 16 : i32
        %mul3A_223 = arith.muli %add3A_221, %mul3A_222 : i32
        %lt3A_224 = arith.cmpi slt, %mul3A_223, %select_n3A : i32
        %convert_element_type3A_225 = arith.extui %lt3A_224 : i1 to i32
        %cond3A_226 = arith.constant 0 : i32
        %cond3A_227 = arith.cmpi ne, %convert_element_type3A_225, %cond3A_226 : i32
        scf.if %cond3A_227 {
          %add3A_228 = arith.constant 1 : i32
          %add3A_229 = arith.addi %select_n3A_219, %add3A_228 : i32
          %rem3A_230 = arith.constant 2 : i32
          %rem3A_231 = arith.remsi %add3A_229, %rem3A_230 : i32
          %mul3A_232 = arith.constant 16 : i32
          %mul3A_233 = arith.muli %rem3A_231, %mul3A_232 : i32
          %mul3A_234 = arith.constant 16 : i32
          %mul3A_235 = arith.muli %add3A_229, %mul3A_234 : i32
          %add3A_236 = arith.addi %select_n3A_8, %mul3A_235 : i32
          %dma_start3A_237 = arith.constant 0 : i32
          %dma_start3A_238 = tpu.memref_slice %arg6[%mul3A_233, %dma_start3A_237] : memref<32x128xi32, #tpu.memory_space<vmem>> -> memref<16x128xi32, #tpu.memory_space<vmem>>
          %dma_start3A_239 = arith.constant 0 : i32
          %dma_start3A_240 = tpu.memref_slice %arg3[%add3A_236, %dma_start3A_239] : memref<2560x128xi32, #tpu.memory_space<hbm>> -> memref<16x128xi32, #tpu.memory_space<hbm>>
          %dma_start3A_241 = arith.constant 0 : i32
          %dma_start3A_242 = tpu.memref_slice %arg6[%mul3A_233, %dma_start3A_241] : memref<32x128xi32, #tpu.memory_space<vmem>> -> memref<16x128xi32, #tpu.memory_space<vmem>>
          %dma_start3A_243 = arith.constant 0 : i32
          %dma_start3A_244 = tpu.memref_slice %arg3[%add3A_236, %dma_start3A_243] : memref<2560x128xi32, #tpu.memory_space<hbm>> -> memref<16x128xi32, #tpu.memory_space<hbm>>
          tpu.enqueue_dma source(%dma_start3A_244 : memref<16x128xi32, #tpu.memory_space<hbm>>) target(%dma_start3A_242 : memref<16x128xi32, #tpu.memory_space<vmem>>) target_semaphore(%arg13 : memref<!tpu.dma_semaphore, #tpu.memory_space<semaphore_mem>>)
          %mul3A_245 = arith.constant 16 : i32
          %mul3A_246 = arith.muli %add3A_229, %mul3A_245 : i32
          %add3A_247 = arith.addi %select_n3A_8, %mul3A_246 : i32
          %dma_start3A_248 = arith.constant 0 : i32
          %dma_start3A_249 = tpu.memref_slice %arg7[%mul3A_233, %dma_start3A_248] : memref<32x128xi32, #tpu.memory_space<vmem>> -> memref<16x128xi32, #tpu.memory_space<vmem>>
          %dma_start3A_250 = arith.constant 0 : i32
          %dma_start3A_251 = tpu.memref_slice %arg4[%add3A_247, %dma_start3A_250] : memref<2560x128xi32, #tpu.memory_space<hbm>> -> memref<16x128xi32, #tpu.memory_space<hbm>>
          %dma_start3A_252 = arith.constant 0 : i32
          %dma_start3A_253 = tpu.memref_slice %arg7[%mul3A_233, %dma_start3A_252] : memref<32x128xi32, #tpu.memory_space<vmem>> -> memref<16x128xi32, #tpu.memory_space<vmem>>
          %dma_start3A_254 = arith.constant 0 : i32
          %dma_start3A_255 = tpu.memref_slice %arg4[%add3A_247, %dma_start3A_254] : memref<2560x128xi32, #tpu.memory_space<hbm>> -> memref<16x128xi32, #tpu.memory_space<hbm>>
          tpu.enqueue_dma source(%dma_start3A_255 : memref<16x128xi32, #tpu.memory_space<hbm>>) target(%dma_start3A_253 : memref<16x128xi32, #tpu.memory_space<vmem>>) target_semaphore(%arg13 : memref<!tpu.dma_semaphore, #tpu.memory_space<semaphore_mem>>)
          %dma_wait3A_256 = arith.constant 0 : i32
          %dma_wait3A_257 = arith.constant 0 : i32
          %dma_wait3A_258 = tpu.memref_slice %arg6[%dma_wait3A_256, %dma_wait3A_257] : memref<32x128xi32, #tpu.memory_space<vmem>> -> memref<16x128xi32, #tpu.memory_space<vmem>>
          %dma_wait3A_259 = arith.constant 0 : i32
          %dma_wait3A_260 = arith.constant 0 : i32
          %dma_wait3A_261 = tpu.memref_slice %arg3[%dma_wait3A_259, %dma_wait3A_260] : memref<2560x128xi32, #tpu.memory_space<hbm>> -> memref<16x128xi32, #tpu.memory_space<hbm>>
          %dma_wait3A_262 = arith.constant 0 : i32
          %dma_wait3A_263 = arith.constant 0 : i32
          %dma_wait3A_264 = tpu.memref_slice %arg6[%dma_wait3A_262, %dma_wait3A_263] : memref<32x128xi32, #tpu.memory_space<vmem>> -> memref<16x128xi32, #tpu.memory_space<vmem>>
          %dma_wait3A_265 = arith.constant 0 : i32
          %dma_wait3A_266 = arith.constant 0 : i32
          %dma_wait3A_267 = tpu.memref_slice %arg3[%dma_wait3A_265, %dma_wait3A_266] : memref<2560x128xi32, #tpu.memory_space<hbm>> -> memref<16x128xi32, #tpu.memory_space<hbm>>
          tpu.wait_dma2 semaphore(%arg13 : memref<!tpu.dma_semaphore, #tpu.memory_space<semaphore_mem>>) src(%dma_wait3A_267 : memref<16x128xi32, #tpu.memory_space<hbm>>) dst(%dma_wait3A_264 : memref<16x128xi32, #tpu.memory_space<vmem>>)
          %dma_wait3A_268 = arith.constant 0 : i32
          %dma_wait3A_269 = arith.constant 0 : i32
          %dma_wait3A_270 = tpu.memref_slice %arg7[%dma_wait3A_268, %dma_wait3A_269] : memref<32x128xi32, #tpu.memory_space<vmem>> -> memref<16x128xi32, #tpu.memory_space<vmem>>
          %dma_wait3A_271 = arith.constant 0 : i32
          %dma_wait3A_272 = arith.constant 0 : i32
          %dma_wait3A_273 = tpu.memref_slice %arg3[%dma_wait3A_271, %dma_wait3A_272] : memref<2560x128xi32, #tpu.memory_space<hbm>> -> memref<16x128xi32, #tpu.memory_space<hbm>>
          %dma_wait3A_274 = arith.constant 0 : i32
          %dma_wait3A_275 = arith.constant 0 : i32
          %dma_wait3A_276 = tpu.memref_slice %arg7[%dma_wait3A_274, %dma_wait3A_275] : memref<32x128xi32, #tpu.memory_space<vmem>> -> memref<16x128xi32, #tpu.memory_space<vmem>>
          %dma_wait3A_277 = arith.constant 0 : i32
          %dma_wait3A_278 = arith.constant 0 : i32
          %dma_wait3A_279 = tpu.memref_slice %arg3[%dma_wait3A_277, %dma_wait3A_278] : memref<2560x128xi32, #tpu.memory_space<hbm>> -> memref<16x128xi32, #tpu.memory_space<hbm>>
          tpu.wait_dma2 semaphore(%arg13 : memref<!tpu.dma_semaphore, #tpu.memory_space<semaphore_mem>>) src(%dma_wait3A_279 : memref<16x128xi32, #tpu.memory_space<hbm>>) dst(%dma_wait3A_276 : memref<16x128xi32, #tpu.memory_space<vmem>>)
        } else {
        }
      } else {
      }
      %add3A_139 = arith.constant 1 : i32
      %add3A_140 = arith.addi %add3A_133, %add3A_139 : i32
      %lt3A = arith.cmpi slt, %add3A_140, %select_n3A : i32
      %convert_element_type3A_141 = arith.extui %lt3A : i1 to i32
      %cond3A_142 = arith.constant 0 : i32
      %cond3A_143 = arith.cmpi ne, %convert_element_type3A_141, %cond3A_142 : i32
      scf.if %cond3A_143 {
        %sub3A_199 = arith.constant 1 : i32
        %sub3A_200 = arith.subi %add3A_133, %sub3A_199 : i32
        %ge3A = arith.constant 0 : i32
        %ge3A_201 = arith.cmpi sge, %sub3A_200, %ge3A : i32
        %convert_element_type3A_202 = arith.extui %ge3A_201 : i1 to i32
        %cond3A_203 = arith.constant 0 : i32
        %cond3A_204 = arith.cmpi ne, %convert_element_type3A_202, %cond3A_203 : i32
        scf.if %cond3A_204 {
          %dma_wait3A_218 = arith.constant 1 : i32
          %dma_wait3A_219 = arith.constant 0 : i32
          %dma_wait3A_220 = arith.constant 0 : i32
          %dma_wait3A_221 = tpu.memref_slice %arg2[%dma_wait3A_219, %dma_wait3A_220] : memref<10000x128xf32, #tpu.memory_space<hbm>> -> memref<128x128xf32, #tpu.memory_space<hbm>>
          %dma_wait3A_222 = tpu.memref_slice %arg12[%dma_wait3A_218] : memref<2x!tpu.dma_semaphore, #tpu.memory_space<semaphore_mem>> -> memref<1x!tpu.dma_semaphore, #tpu.memory_space<semaphore_mem>>
          %dma_wait3A_223 = tpu.memref_squeeze %dma_wait3A_222 : memref<1x!tpu.dma_semaphore, #tpu.memory_space<semaphore_mem>> -> memref<!tpu.dma_semaphore, #tpu.memory_space<semaphore_mem>>
          %dma_wait3A_224 = arith.constant 0 : i32
          %dma_wait3A_225 = arith.constant 0 : i32
          %dma_wait3A_226 = tpu.memref_slice %arg2[%dma_wait3A_224, %dma_wait3A_225] : memref<10000x128xf32, #tpu.memory_space<hbm>> -> memref<128x128xf32, #tpu.memory_space<hbm>>
          tpu.wait_dma2 semaphore(%dma_wait3A_223 : memref<!tpu.dma_semaphore, #tpu.memory_space<semaphore_mem>>) src(%dma_wait3A_226 : memref<128x128xf32, #tpu.memory_space<hbm>>) dst(%arg9 : memref<128x128xf32, #tpu.memory_space<vmem>>)
        } else {
        }
        %add3A_205 = arith.constant 1 : i32
        %add3A_206 = arith.addi %add3A_133, %add3A_205 : i32
        %rem3A_207 = arith.constant 32 : i32
        %rem3A_208 = arith.remsi %add3A_206, %rem3A_207 : i32
        %dma_start3A_209 = arith.constant 1 : i32
        %dma_start3A_210 = arith.constant 0 : i32
        %dma_start3A_211 = tpu.memref_slice %arg6[%rem3A_208, %dma_start3A_210] : memref<32x128xi32, #tpu.memory_space<vmem>> -> memref<1x128xi32, #tpu.memory_space<vmem>>
        %dma_start3A_212 = tpu.memref_squeeze %dma_start3A_211 : memref<1x128xi32, #tpu.memory_space<vmem>> -> memref<128xi32, #tpu.memory_space<vmem>>
        %dma_start3A_213 = arith.constant 0 : i32
        %dma_start3A_214 = arith.constant 0 : i32
        %dma_start3A_215 = tpu.memref_slice %arg2[%dma_start3A_213, %dma_start3A_214] : memref<10000x128xf32, #tpu.memory_space<hbm>> -> memref<10000x128xf32, #tpu.memory_space<hbm>>
        %dma_start3A_216 = tpu.memref_slice %arg11[%dma_start3A_209] : memref<2x!tpu.dma_semaphore, #tpu.memory_space<semaphore_mem>> -> memref<1x!tpu.dma_semaphore, #tpu.memory_space<semaphore_mem>>
        %dma_start3A_217 = tpu.memref_squeeze %dma_start3A_216 : memref<1x!tpu.dma_semaphore, #tpu.memory_space<semaphore_mem>> -> memref<!tpu.dma_semaphore, #tpu.memory_space<semaphore_mem>>
        tpu.enqueue_indirect_dma source(%dma_start3A_215 : memref<10000x128xf32, #tpu.memory_space<hbm>>) target(%arg9 : memref<128x128xf32, #tpu.memory_space<vmem>>) offsets(%dma_start3A_212 : memref<128xi32, #tpu.memory_space<vmem>>) semaphore(%dma_start3A_217 : memref<!tpu.dma_semaphore, #tpu.memory_space<semaphore_mem>>)
      } else {
      }
      %dma_wait3A_144 = arith.constant 0 : i32
      %dma_wait3A_145 = arith.constant 0 : i32
      %dma_wait3A_146 = arith.constant 0 : i32
      %dma_wait3A_147 = tpu.memref_slice %arg2[%dma_wait3A_145, %dma_wait3A_146] : memref<10000x128xf32, #tpu.memory_space<hbm>> -> memref<128x128xf32, #tpu.memory_space<hbm>>
      %dma_wait3A_148 = tpu.memref_slice %arg11[%dma_wait3A_144] : memref<2x!tpu.dma_semaphore, #tpu.memory_space<semaphore_mem>> -> memref<1x!tpu.dma_semaphore, #tpu.memory_space<semaphore_mem>>
      %dma_wait3A_149 = tpu.memref_squeeze %dma_wait3A_148 : memref<1x!tpu.dma_semaphore, #tpu.memory_space<semaphore_mem>> -> memref<!tpu.dma_semaphore, #tpu.memory_space<semaphore_mem>>
      %dma_wait3A_150 = arith.constant 0 : i32
      %dma_wait3A_151 = arith.constant 0 : i32
      %dma_wait3A_152 = tpu.memref_slice %arg2[%dma_wait3A_150, %dma_wait3A_151] : memref<10000x128xf32, #tpu.memory_space<hbm>> -> memref<128x128xf32, #tpu.memory_space<hbm>>
      tpu.wait_dma2 semaphore(%dma_wait3A_149 : memref<!tpu.dma_semaphore, #tpu.memory_space<semaphore_mem>>) src(%dma_wait3A_152 : memref<128x128xf32, #tpu.memory_space<hbm>>) dst(%arg8 : memref<128x128xf32, #tpu.memory_space<vmem>>)
      %rem3A_153 = arith.constant 32 : i32
      %rem3A_154 = arith.remsi %add3A_133, %rem3A_153 : i32
      %dma_start3A_155 = arith.constant 0 : i32
      %dma_start3A_156 = arith.constant 0 : i32
      %dma_start3A_157 = tpu.memref_slice %arg7[%rem3A_154, %dma_start3A_156] : memref<32x128xi32, #tpu.memory_space<vmem>> -> memref<1x128xi32, #tpu.memory_space<vmem>>
      %dma_start3A_158 = tpu.memref_squeeze %dma_start3A_157 : memref<1x128xi32, #tpu.memory_space<vmem>> -> memref<128xi32, #tpu.memory_space<vmem>>
      %dma_start3A_159 = arith.constant 0 : i32
      %dma_start3A_160 = arith.constant 0 : i32
      %dma_start3A_161 = tpu.memref_slice %arg10[%dma_start3A_159, %dma_start3A_160] : memref<10240x128xf32, #tpu.memory_space<vmem_shared>> -> memref<10240x128xf32, #tpu.memory_space<vmem_shared>>
      %dma_start3A_162 = tpu.memref_slice %arg12[%dma_start3A_155] : memref<2x!tpu.dma_semaphore, #tpu.memory_space<semaphore_mem>> -> memref<1x!tpu.dma_semaphore, #tpu.memory_space<semaphore_mem>>
      %dma_start3A_163 = tpu.memref_squeeze %dma_start3A_162 : memref<1x!tpu.dma_semaphore, #tpu.memory_space<semaphore_mem>> -> memref<!tpu.dma_semaphore, #tpu.memory_space<semaphore_mem>>
      tpu.enqueue_indirect_dma source(%arg8 : memref<128x128xf32, #tpu.memory_space<vmem>>) target(%dma_start3A_161 : memref<10240x128xf32, #tpu.memory_space<vmem_shared>>) offsets(%dma_start3A_158 : memref<128xi32, #tpu.memory_space<vmem>>) semaphore(%dma_start3A_163 : memref<!tpu.dma_semaphore, #tpu.memory_space<semaphore_mem>>) {add = true}
      %add3A_164 = arith.constant 1 : i32
      %add3A_165 = arith.addi %add3A_131, %add3A_164 : i32
      %rem3A_166 = arith.constant 16 : i32
      %rem3A_167 = arith.remsi %add3A_165, %rem3A_166 : i32
      %eq3A_168 = arith.constant 0 : i32
      %eq3A_169 = arith.cmpi eq, %rem3A_167, %eq3A_168 : i32
      %convert_element_type3A_170 = arith.extui %eq3A_169 : i1 to i32
      %cond3A_171 = arith.constant 0 : i32
      %cond3A_172 = arith.cmpi ne, %convert_element_type3A_170, %cond3A_171 : i32
      scf.if %cond3A_172 {
        %jit3A_199 = arith.constant 16 : i32
        %div3A_200 = arith.divsi %add3A_165, %jit3A_199 : i32
        %sign3A = arith.constant 0 : i32
        %sign3A_201 = arith.cmpi sgt, %add3A_165, %sign3A : i32
        %sign3A_202 = arith.extui %sign3A_201 : i1 to i32
        %sign3A_203 = arith.constant 0 : i32
        %sign3A_204 = arith.cmpi slt, %add3A_165, %sign3A_203 : i32
        %sign3A_205 = arith.extui %sign3A_204 : i1 to i32
        %sign3A_206 = arith.subi %sign3A_202, %sign3A_205 : i32
        %sign3A_207 = arith.constant 0 : i32
        %sign3A_208 = arith.cmpi sgt, %jit3A_199, %sign3A_207 : i32
        %sign3A_209 = arith.extui %sign3A_208 : i1 to i32
        %sign3A_210 = arith.constant 0 : i32
        %sign3A_211 = arith.cmpi slt, %jit3A_199, %sign3A_210 : i32
        %sign3A_212 = arith.extui %sign3A_211 : i1 to i32
        %sign3A_213 = arith.subi %sign3A_209, %sign3A_212 : i32
        %ne3A = arith.cmpi ne, %sign3A_206, %sign3A_213 : i32
        %rem3A_214 = arith.remsi %add3A_165, %jit3A_199 : i32
        %ne3A_215 = arith.constant 0 : i32
        %ne3A_216 = arith.cmpi ne, %rem3A_214, %ne3A_215 : i32
        %and3A = arith.andi %ne3A, %ne3A_216 : i1
        %sub3A_217 = arith.constant 1 : i32
        %sub3A_218 = arith.subi %div3A_200, %sub3A_217 : i32
        %select_n3A_219 = arith.select %and3A, %sub3A_218, %div3A_200 : i32
        %add3A_220 = arith.constant 1 : i32
        %add3A_221 = arith.addi %select_n3A_219, %add3A_220 : i32
        %mul3A_222 = arith.constant 16 : i32
        %mul3A_223 = arith.muli %add3A_221, %mul3A_222 : i32
        %lt3A_224 = arith.cmpi slt, %mul3A_223, %select_n3A : i32
        %convert_element_type3A_225 = arith.extui %lt3A_224 : i1 to i32
        %cond3A_226 = arith.constant 0 : i32
        %cond3A_227 = arith.cmpi ne, %convert_element_type3A_225, %cond3A_226 : i32
        scf.if %cond3A_227 {
          %add3A_228 = arith.constant 1 : i32
          %add3A_229 = arith.addi %select_n3A_219, %add3A_228 : i32
          %rem3A_230 = arith.constant 2 : i32
          %rem3A_231 = arith.remsi %add3A_229, %rem3A_230 : i32
          %mul3A_232 = arith.constant 16 : i32
          %mul3A_233 = arith.muli %rem3A_231, %mul3A_232 : i32
          %mul3A_234 = arith.constant 16 : i32
          %mul3A_235 = arith.muli %add3A_229, %mul3A_234 : i32
          %add3A_236 = arith.addi %select_n3A_8, %mul3A_235 : i32
          %dma_start3A_237 = arith.constant 0 : i32
          %dma_start3A_238 = tpu.memref_slice %arg6[%mul3A_233, %dma_start3A_237] : memref<32x128xi32, #tpu.memory_space<vmem>> -> memref<16x128xi32, #tpu.memory_space<vmem>>
          %dma_start3A_239 = arith.constant 0 : i32
          %dma_start3A_240 = tpu.memref_slice %arg3[%add3A_236, %dma_start3A_239] : memref<2560x128xi32, #tpu.memory_space<hbm>> -> memref<16x128xi32, #tpu.memory_space<hbm>>
          %dma_start3A_241 = arith.constant 0 : i32
          %dma_start3A_242 = tpu.memref_slice %arg6[%mul3A_233, %dma_start3A_241] : memref<32x128xi32, #tpu.memory_space<vmem>> -> memref<16x128xi32, #tpu.memory_space<vmem>>
          %dma_start3A_243 = arith.constant 0 : i32
          %dma_start3A_244 = tpu.memref_slice %arg3[%add3A_236, %dma_start3A_243] : memref<2560x128xi32, #tpu.memory_space<hbm>> -> memref<16x128xi32, #tpu.memory_space<hbm>>
          tpu.enqueue_dma source(%dma_start3A_244 : memref<16x128xi32, #tpu.memory_space<hbm>>) target(%dma_start3A_242 : memref<16x128xi32, #tpu.memory_space<vmem>>) target_semaphore(%arg13 : memref<!tpu.dma_semaphore, #tpu.memory_space<semaphore_mem>>)
          %mul3A_245 = arith.constant 16 : i32
          %mul3A_246 = arith.muli %add3A_229, %mul3A_245 : i32
          %add3A_247 = arith.addi %select_n3A_8, %mul3A_246 : i32
          %dma_start3A_248 = arith.constant 0 : i32
          %dma_start3A_249 = tpu.memref_slice %arg7[%mul3A_233, %dma_start3A_248] : memref<32x128xi32, #tpu.memory_space<vmem>> -> memref<16x128xi32, #tpu.memory_space<vmem>>
          %dma_start3A_250 = arith.constant 0 : i32
          %dma_start3A_251 = tpu.memref_slice %arg4[%add3A_247, %dma_start3A_250] : memref<2560x128xi32, #tpu.memory_space<hbm>> -> memref<16x128xi32, #tpu.memory_space<hbm>>
          %dma_start3A_252 = arith.constant 0 : i32
          %dma_start3A_253 = tpu.memref_slice %arg7[%mul3A_233, %dma_start3A_252] : memref<32x128xi32, #tpu.memory_space<vmem>> -> memref<16x128xi32, #tpu.memory_space<vmem>>
          %dma_start3A_254 = arith.constant 0 : i32
          %dma_start3A_255 = tpu.memref_slice %arg4[%add3A_247, %dma_start3A_254] : memref<2560x128xi32, #tpu.memory_space<hbm>> -> memref<16x128xi32, #tpu.memory_space<hbm>>
          tpu.enqueue_dma source(%dma_start3A_255 : memref<16x128xi32, #tpu.memory_space<hbm>>) target(%dma_start3A_253 : memref<16x128xi32, #tpu.memory_space<vmem>>) target_semaphore(%arg13 : memref<!tpu.dma_semaphore, #tpu.memory_space<semaphore_mem>>)
          %dma_wait3A_256 = arith.constant 0 : i32
          %dma_wait3A_257 = arith.constant 0 : i32
          %dma_wait3A_258 = tpu.memref_slice %arg6[%dma_wait3A_256, %dma_wait3A_257] : memref<32x128xi32, #tpu.memory_space<vmem>> -> memref<16x128xi32, #tpu.memory_space<vmem>>
          %dma_wait3A_259 = arith.constant 0 : i32
          %dma_wait3A_260 = arith.constant 0 : i32
          %dma_wait3A_261 = tpu.memref_slice %arg3[%dma_wait3A_259, %dma_wait3A_260] : memref<2560x128xi32, #tpu.memory_space<hbm>> -> memref<16x128xi32, #tpu.memory_space<hbm>>
          %dma_wait3A_262 = arith.constant 0 : i32
          %dma_wait3A_263 = arith.constant 0 : i32
          %dma_wait3A_264 = tpu.memref_slice %arg6[%dma_wait3A_262, %dma_wait3A_263] : memref<32x128xi32, #tpu.memory_space<vmem>> -> memref<16x128xi32, #tpu.memory_space<vmem>>
          %dma_wait3A_265 = arith.constant 0 : i32
          %dma_wait3A_266 = arith.constant 0 : i32
          %dma_wait3A_267 = tpu.memref_slice %arg3[%dma_wait3A_265, %dma_wait3A_266] : memref<2560x128xi32, #tpu.memory_space<hbm>> -> memref<16x128xi32, #tpu.memory_space<hbm>>
          tpu.wait_dma2 semaphore(%arg13 : memref<!tpu.dma_semaphore, #tpu.memory_space<semaphore_mem>>) src(%dma_wait3A_267 : memref<16x128xi32, #tpu.memory_space<hbm>>) dst(%dma_wait3A_264 : memref<16x128xi32, #tpu.memory_space<vmem>>)
          %dma_wait3A_268 = arith.constant 0 : i32
          %dma_wait3A_269 = arith.constant 0 : i32
          %dma_wait3A_270 = tpu.memref_slice %arg7[%dma_wait3A_268, %dma_wait3A_269] : memref<32x128xi32, #tpu.memory_space<vmem>> -> memref<16x128xi32, #tpu.memory_space<vmem>>
          %dma_wait3A_271 = arith.constant 0 : i32
          %dma_wait3A_272 = arith.constant 0 : i32
          %dma_wait3A_273 = tpu.memref_slice %arg3[%dma_wait3A_271, %dma_wait3A_272] : memref<2560x128xi32, #tpu.memory_space<hbm>> -> memref<16x128xi32, #tpu.memory_space<hbm>>
          %dma_wait3A_274 = arith.constant 0 : i32
          %dma_wait3A_275 = arith.constant 0 : i32
          %dma_wait3A_276 = tpu.memref_slice %arg7[%dma_wait3A_274, %dma_wait3A_275] : memref<32x128xi32, #tpu.memory_space<vmem>> -> memref<16x128xi32, #tpu.memory_space<vmem>>
          %dma_wait3A_277 = arith.constant 0 : i32
          %dma_wait3A_278 = arith.constant 0 : i32
          %dma_wait3A_279 = tpu.memref_slice %arg3[%dma_wait3A_277, %dma_wait3A_278] : memref<2560x128xi32, #tpu.memory_space<hbm>> -> memref<16x128xi32, #tpu.memory_space<hbm>>
          tpu.wait_dma2 semaphore(%arg13 : memref<!tpu.dma_semaphore, #tpu.memory_space<semaphore_mem>>) src(%dma_wait3A_279 : memref<16x128xi32, #tpu.memory_space<hbm>>) dst(%dma_wait3A_276 : memref<16x128xi32, #tpu.memory_space<vmem>>)
        } else {
        }
      } else {
      }
      %add3A_173 = arith.constant 1 : i32
      %add3A_174 = arith.addi %add3A_165, %add3A_173 : i32
      %lt3A_175 = arith.cmpi slt, %add3A_174, %select_n3A : i32
      %convert_element_type3A_176 = arith.extui %lt3A_175 : i1 to i32
      %cond3A_177 = arith.constant 0 : i32
      %cond3A_178 = arith.cmpi ne, %convert_element_type3A_176, %cond3A_177 : i32
      scf.if %cond3A_178 {
        %sub3A_199 = arith.constant 1 : i32
        %sub3A_200 = arith.subi %add3A_165, %sub3A_199 : i32
        %ge3A = arith.constant 0 : i32
        %ge3A_201 = arith.cmpi sge, %sub3A_200, %ge3A : i32
        %convert_element_type3A_202 = arith.extui %ge3A_201 : i1 to i32
        %cond3A_203 = arith.constant 0 : i32
        %cond3A_204 = arith.cmpi ne, %convert_element_type3A_202, %cond3A_203 : i32
        scf.if %cond3A_204 {
          %dma_wait3A_218 = arith.constant 0 : i32
          %dma_wait3A_219 = arith.constant 0 : i32
          %dma_wait3A_220 = arith.constant 0 : i32
          %dma_wait3A_221 = tpu.memref_slice %arg2[%dma_wait3A_219, %dma_wait3A_220] : memref<10000x128xf32, #tpu.memory_space<hbm>> -> memref<128x128xf32, #tpu.memory_space<hbm>>
          %dma_wait3A_222 = tpu.memref_slice %arg12[%dma_wait3A_218] : memref<2x!tpu.dma_semaphore, #tpu.memory_space<semaphore_mem>> -> memref<1x!tpu.dma_semaphore, #tpu.memory_space<semaphore_mem>>
          %dma_wait3A_223 = tpu.memref_squeeze %dma_wait3A_222 : memref<1x!tpu.dma_semaphore, #tpu.memory_space<semaphore_mem>> -> memref<!tpu.dma_semaphore, #tpu.memory_space<semaphore_mem>>
          %dma_wait3A_224 = arith.constant 0 : i32
          %dma_wait3A_225 = arith.constant 0 : i32
          %dma_wait3A_226 = tpu.memref_slice %arg2[%dma_wait3A_224, %dma_wait3A_225] : memref<10000x128xf32, #tpu.memory_space<hbm>> -> memref<128x128xf32, #tpu.memory_space<hbm>>
          tpu.wait_dma2 semaphore(%dma_wait3A_223 : memref<!tpu.dma_semaphore, #tpu.memory_space<semaphore_mem>>) src(%dma_wait3A_226 : memref<128x128xf32, #tpu.memory_space<hbm>>) dst(%arg8 : memref<128x128xf32, #tpu.memory_space<vmem>>)
        } else {
        }
        %add3A_205 = arith.constant 1 : i32
        %add3A_206 = arith.addi %add3A_165, %add3A_205 : i32
        %rem3A_207 = arith.constant 32 : i32
        %rem3A_208 = arith.remsi %add3A_206, %rem3A_207 : i32
        %dma_start3A_209 = arith.constant 0 : i32
        %dma_start3A_210 = arith.constant 0 : i32
        %dma_start3A_211 = tpu.memref_slice %arg6[%rem3A_208, %dma_start3A_210] : memref<32x128xi32, #tpu.memory_space<vmem>> -> memref<1x128xi32, #tpu.memory_space<vmem>>
        %dma_start3A_212 = tpu.memref_squeeze %dma_start3A_211 : memref<1x128xi32, #tpu.memory_space<vmem>> -> memref<128xi32, #tpu.memory_space<vmem>>
        %dma_start3A_213 = arith.constant 0 : i32
        %dma_start3A_214 = arith.constant 0 : i32
        %dma_start3A_215 = tpu.memref_slice %arg2[%dma_start3A_213, %dma_start3A_214] : memref<10000x128xf32, #tpu.memory_space<hbm>> -> memref<10000x128xf32, #tpu.memory_space<hbm>>
        %dma_start3A_216 = tpu.memref_slice %arg11[%dma_start3A_209] : memref<2x!tpu.dma_semaphore, #tpu.memory_space<semaphore_mem>> -> memref<1x!tpu.dma_semaphore, #tpu.memory_space<semaphore_mem>>
        %dma_start3A_217 = tpu.memref_squeeze %dma_start3A_216 : memref<1x!tpu.dma_semaphore, #tpu.memory_space<semaphore_mem>> -> memref<!tpu.dma_semaphore, #tpu.memory_space<semaphore_mem>>
        tpu.enqueue_indirect_dma source(%dma_start3A_215 : memref<10000x128xf32, #tpu.memory_space<hbm>>) target(%arg8 : memref<128x128xf32, #tpu.memory_space<vmem>>) offsets(%dma_start3A_212 : memref<128xi32, #tpu.memory_space<vmem>>) semaphore(%dma_start3A_217 : memref<!tpu.dma_semaphore, #tpu.memory_space<semaphore_mem>>)
      } else {
      }
      %dma_wait3A_179 = arith.constant 1 : i32
      %dma_wait3A_180 = arith.constant 0 : i32
      %dma_wait3A_181 = arith.constant 0 : i32
      %dma_wait3A_182 = tpu.memref_slice %arg2[%dma_wait3A_180, %dma_wait3A_181] : memref<10000x128xf32, #tpu.memory_space<hbm>> -> memref<128x128xf32, #tpu.memory_space<hbm>>
      %dma_wait3A_183 = tpu.memref_slice %arg11[%dma_wait3A_179] : memref<2x!tpu.dma_semaphore, #tpu.memory_space<semaphore_mem>> -> memref<1x!tpu.dma_semaphore, #tpu.memory_space<semaphore_mem>>
      %dma_wait3A_184 = tpu.memref_squeeze %dma_wait3A_183 : memref<1x!tpu.dma_semaphore, #tpu.memory_space<semaphore_mem>> -> memref<!tpu.dma_semaphore, #tpu.memory_space<semaphore_mem>>
      %dma_wait3A_185 = arith.constant 0 : i32
      %dma_wait3A_186 = arith.constant 0 : i32
      %dma_wait3A_187 = tpu.memref_slice %arg2[%dma_wait3A_185, %dma_wait3A_186] : memref<10000x128xf32, #tpu.memory_space<hbm>> -> memref<128x128xf32, #tpu.memory_space<hbm>>
      tpu.wait_dma2 semaphore(%dma_wait3A_184 : memref<!tpu.dma_semaphore, #tpu.memory_space<semaphore_mem>>) src(%dma_wait3A_187 : memref<128x128xf32, #tpu.memory_space<hbm>>) dst(%arg9 : memref<128x128xf32, #tpu.memory_space<vmem>>)
      %rem3A_188 = arith.constant 32 : i32
      %rem3A_189 = arith.remsi %add3A_165, %rem3A_188 : i32
      %dma_start3A_190 = arith.constant 1 : i32
      %dma_start3A_191 = arith.constant 0 : i32
      %dma_start3A_192 = tpu.memref_slice %arg7[%rem3A_189, %dma_start3A_191] : memref<32x128xi32, #tpu.memory_space<vmem>> -> memref<1x128xi32, #tpu.memory_space<vmem>>
      %dma_start3A_193 = tpu.memref_squeeze %dma_start3A_192 : memref<1x128xi32, #tpu.memory_space<vmem>> -> memref<128xi32, #tpu.memory_space<vmem>>
      %dma_start3A_194 = arith.constant 0 : i32
      %dma_start3A_195 = arith.constant 0 : i32
      %dma_start3A_196 = tpu.memref_slice %arg10[%dma_start3A_194, %dma_start3A_195] : memref<10240x128xf32, #tpu.memory_space<vmem_shared>> -> memref<10240x128xf32, #tpu.memory_space<vmem_shared>>
      %dma_start3A_197 = tpu.memref_slice %arg12[%dma_start3A_190] : memref<2x!tpu.dma_semaphore, #tpu.memory_space<semaphore_mem>> -> memref<1x!tpu.dma_semaphore, #tpu.memory_space<semaphore_mem>>
      %dma_start3A_198 = tpu.memref_squeeze %dma_start3A_197 : memref<1x!tpu.dma_semaphore, #tpu.memory_space<semaphore_mem>> -> memref<!tpu.dma_semaphore, #tpu.memory_space<semaphore_mem>>
      tpu.enqueue_indirect_dma source(%arg9 : memref<128x128xf32, #tpu.memory_space<vmem>>) target(%dma_start3A_196 : memref<10240x128xf32, #tpu.memory_space<vmem_shared>>) offsets(%dma_start3A_193 : memref<128xi32, #tpu.memory_space<vmem>>) semaphore(%dma_start3A_198 : memref<!tpu.dma_semaphore, #tpu.memory_space<semaphore_mem>>) {add = true}
    }
    %dma_wait3A_106 = arith.constant 0 : i32
    %dma_wait3A_107 = arith.constant 0 : i32
    %dma_wait3A_108 = arith.constant 0 : i32
    %dma_wait3A_109 = tpu.memref_slice %arg2[%dma_wait3A_107, %dma_wait3A_108] : memref<10000x128xf32, #tpu.memory_space<hbm>> -> memref<128x128xf32, #tpu.memory_space<hbm>>
    %dma_wait3A_110 = tpu.memref_slice %arg12[%dma_wait3A_106] : memref<2x!tpu.dma_semaphore, #tpu.memory_space<semaphore_mem>> -> memref<1x!tpu.dma_semaphore, #tpu.memory_space<semaphore_mem>>
    %dma_wait3A_111 = tpu.memref_squeeze %dma_wait3A_110 : memref<1x!tpu.dma_semaphore, #tpu.memory_space<semaphore_mem>> -> memref<!tpu.dma_semaphore, #tpu.memory_space<semaphore_mem>>
    %dma_wait3A_112 = arith.constant 0 : i32
    %dma_wait3A_113 = arith.constant 0 : i32
    %dma_wait3A_114 = tpu.memref_slice %arg2[%dma_wait3A_112, %dma_wait3A_113] : memref<10000x128xf32, #tpu.memory_space<hbm>> -> memref<128x128xf32, #tpu.memory_space<hbm>>
    tpu.wait_dma2 semaphore(%dma_wait3A_111 : memref<!tpu.dma_semaphore, #tpu.memory_space<semaphore_mem>>) src(%dma_wait3A_114 : memref<128x128xf32, #tpu.memory_space<hbm>>) dst(%arg8 : memref<128x128xf32, #tpu.memory_space<vmem>>)
    %dma_wait3A_115 = arith.constant 1 : i32
    %dma_wait3A_116 = arith.constant 0 : i32
    %dma_wait3A_117 = arith.constant 0 : i32
    %dma_wait3A_118 = tpu.memref_slice %arg2[%dma_wait3A_116, %dma_wait3A_117] : memref<10000x128xf32, #tpu.memory_space<hbm>> -> memref<128x128xf32, #tpu.memory_space<hbm>>
    %dma_wait3A_119 = tpu.memref_slice %arg12[%dma_wait3A_115] : memref<2x!tpu.dma_semaphore, #tpu.memory_space<semaphore_mem>> -> memref<1x!tpu.dma_semaphore, #tpu.memory_space<semaphore_mem>>
    %dma_wait3A_120 = tpu.memref_squeeze %dma_wait3A_119 : memref<1x!tpu.dma_semaphore, #tpu.memory_space<semaphore_mem>> -> memref<!tpu.dma_semaphore, #tpu.memory_space<semaphore_mem>>
    %dma_wait3A_121 = arith.constant 0 : i32
    %dma_wait3A_122 = arith.constant 0 : i32
    %dma_wait3A_123 = tpu.memref_slice %arg2[%dma_wait3A_121, %dma_wait3A_122] : memref<10000x128xf32, #tpu.memory_space<hbm>> -> memref<128x128xf32, #tpu.memory_space<hbm>>
    tpu.wait_dma2 semaphore(%dma_wait3A_120 : memref<!tpu.dma_semaphore, #tpu.memory_space<semaphore_mem>>) src(%dma_wait3A_123 : memref<128x128xf32, #tpu.memory_space<hbm>>) dst(%arg9 : memref<128x128xf32, #tpu.memory_space<vmem>>)
    %barrier3A_124 = arith.constant 0 : index
    tpu.barrier barrier_id(%barrier3A_124)
    %mul3A_125 = arith.constant 640 : i32
    %mul3A_126 = arith.muli %arg1, %mul3A_125 : i32
    %mul3A_127 = arith.constant 640 : i32
    %mul3A_128 = arith.muli %arg1, %mul3A_127 : i32
    "tpu.region"() ({
      %run_scoped3A = tpu.sem_alloc : memref<!tpu.dma_semaphore, #tpu.memory_space<semaphore_mem>>
      %dma_start3A_129 = arith.constant 0 : i32
      %dma_start3A_130 = tpu.memref_slice %arg5[%arg0, %mul3A_128, %dma_start3A_129] : memref<2x10240x128xf32, #tpu.memory_space<hbm>> -> memref<1x640x128xf32, #tpu.memory_space<hbm>>
      %dma_start3A_131 = tpu.memref_squeeze %dma_start3A_130 : memref<1x640x128xf32, #tpu.memory_space<hbm>> -> memref<640x128xf32, #tpu.memory_space<hbm>>
      %dma_start3A_132 = arith.constant 0 : i32
      %dma_start3A_133 = tpu.memref_slice %arg10[%mul3A_126, %dma_start3A_132] : memref<10240x128xf32, #tpu.memory_space<vmem_shared>> -> memref<640x128xf32, #tpu.memory_space<vmem_shared>>
      tpu.enqueue_dma source(%dma_start3A_133 : memref<640x128xf32, #tpu.memory_space<vmem_shared>>) target(%dma_start3A_131 : memref<640x128xf32, #tpu.memory_space<hbm>>) target_semaphore(%run_scoped3A : memref<!tpu.dma_semaphore, #tpu.memory_space<semaphore_mem>>)
      %dma_wait3A_134 = arith.constant 0 : i32
      %dma_wait3A_135 = tpu.memref_slice %arg5[%arg0, %mul3A_128, %dma_wait3A_134] : memref<2x10240x128xf32, #tpu.memory_space<hbm>> -> memref<1x640x128xf32, #tpu.memory_space<hbm>>
      %dma_wait3A_136 = tpu.memref_squeeze %dma_wait3A_135 : memref<1x640x128xf32, #tpu.memory_space<hbm>> -> memref<640x128xf32, #tpu.memory_space<hbm>>
      %dma_wait3A_137 = arith.constant 0 : i32
      %dma_wait3A_138 = tpu.memref_slice %arg10[%mul3A_126, %dma_wait3A_137] : memref<10240x128xf32, #tpu.memory_space<vmem_shared>> -> memref<640x128xf32, #tpu.memory_space<vmem_shared>>
      tpu.wait_dma2 semaphore(%run_scoped3A : memref<!tpu.dma_semaphore, #tpu.memory_space<semaphore_mem>>) src(%dma_wait3A_138 : memref<640x128xf32, #tpu.memory_space<vmem_shared>>) dst(%dma_wait3A_136 : memref<640x128xf32, #tpu.memory_space<hbm>>)
      tpu.yield
    }) : () -> ()
    return
  }
}

#map = affine_map<(d0, d1) -> (0, 0)>
#map1 = affine_map<(d0, d1) -> (0, 0, 0)>
module attributes {stable_mosaic.version = 14 : i64} {
  func.func @_sc_scatter(%arg0: i32, %arg1: i32, %arg2: memref<10000x128xf32, #tpu.memory_space<hbm>>, %arg3: memref<2560x128xi32, #tpu.memory_space<hbm>>, %arg4: memref<2560x128xi32, #tpu.memory_space<hbm>>, %arg5: memref<2x10240x128xf32, #tpu.memory_space<hbm>>, %arg6: memref<32x128xi32, #tpu.memory_space<vmem>>, %arg7: memref<32x128xi32, #tpu.memory_space<vmem>>, %arg8: memref<128x128xf32, #tpu.memory_space<vmem>>, %arg9: memref<128x128xf32, #tpu.memory_space<vmem>>, %arg10: memref<10240x128xf32, #tpu.memory_space<vmem_shared>>, %arg11: memref<2x!tpu.dma_semaphore, #tpu.memory_space<semaphore_mem>>, %arg12: memref<2x!tpu.dma_semaphore, #tpu.memory_space<semaphore_mem>>, %arg13: memref<!tpu.dma_semaphore, #tpu.memory_space<semaphore_mem>>) attributes {dimension_semantics = [#tpu.dimension_semantics<core_parallel>, #tpu.dimension_semantics<subcore_parallel>], iteration_bounds = array<i64: 2, 16>, scalar_prefetch = 0 : i64, scratch_operands = 8 : i64, tpu.core_type = #tpu.core_type<sc_vector_subcore>, window_params = [{transform_indices = #map}, {transform_indices = #map}, {transform_indices = #map}, {transform_indices = #map1}]} {
    %eq3A = arith.constant 0 : i32
    %eq3A_0 = arith.cmpi eq, %arg0, %eq3A : i32
    %jit3A = arith.constant 144 : i32
    %jit3A_1 = arith.constant 16 : i32
    %select_n3A = arith.select %eq3A_0, %jit3A, %jit3A_1 : i32
    %eq3A_2 = arith.constant 0 : i32
    %eq3A_3 = arith.cmpi eq, %arg0, %eq3A_2 : i32
    %mul3A = arith.constant 144 : i32
    %mul3A_4 = arith.muli %arg1, %mul3A : i32
    %mul3A_5 = arith.constant 16 : i32
    %mul3A_6 = arith.muli %arg1, %mul3A_5 : i32
    %add3A = arith.constant 2304 : i32
    %add3A_7 = arith.addi %add3A, %mul3A_6 : i32
    %select_n3A_8 = arith.select %eq3A_3, %mul3A_4, %add3A_7 : i32
    %rem3A = arith.constant 0 : i32
    %rem3A_9 = arith.constant 2 : i32
    %rem3A_10 = arith.remsi %rem3A, %rem3A_9 : i32
    %mul3A_11 = arith.constant 16 : i32
    %mul3A_12 = arith.muli %rem3A_10, %mul3A_11 : i32
    %add3A_13 = arith.constant 0 : i32
    %add3A_14 = arith.addi %select_n3A_8, %add3A_13 : i32
    %dma_start3A = arith.constant 0 : i32
    %dma_start3A_15 = tpu.memref_slice %arg6[%mul3A_12, %dma_start3A] : memref<32x128xi32, #tpu.memory_space<vmem>> -> memref<16x128xi32, #tpu.memory_space<vmem>>
    %dma_start3A_16 = arith.constant 0 : i32
    %dma_start3A_17 = tpu.memref_slice %arg3[%add3A_14, %dma_start3A_16] : memref<2560x128xi32, #tpu.memory_space<hbm>> -> memref<16x128xi32, #tpu.memory_space<hbm>>
    %dma_start3A_18 = arith.constant 0 : i32
    %dma_start3A_19 = tpu.memref_slice %arg6[%mul3A_12, %dma_start3A_18] : memref<32x128xi32, #tpu.memory_space<vmem>> -> memref<16x128xi32, #tpu.memory_space<vmem>>
    %dma_start3A_20 = arith.constant 0 : i32
    %dma_start3A_21 = tpu.memref_slice %arg3[%add3A_14, %dma_start3A_20] : memref<2560x128xi32, #tpu.memory_space<hbm>> -> memref<16x128xi32, #tpu.memory_space<hbm>>
    tpu.enqueue_dma source(%dma_start3A_21 : memref<16x128xi32, #tpu.memory_space<hbm>>) target(%dma_start3A_19 : memref<16x128xi32, #tpu.memory_space<vmem>>) target_semaphore(%arg13 : memref<!tpu.dma_semaphore, #tpu.memory_space<semaphore_mem>>)
    %add3A_22 = arith.constant 0 : i32
    %add3A_23 = arith.addi %select_n3A_8, %add3A_22 : i32
    %dma_start3A_24 = arith.constant 0 : i32
    %dma_start3A_25 = tpu.memref_slice %arg7[%mul3A_12, %dma_start3A_24] : memref<32x128xi32, #tpu.memory_space<vmem>> -> memref<16x128xi32, #tpu.memory_space<vmem>>
    %dma_start3A_26 = arith.constant 0 : i32
    %dma_start3A_27 = tpu.memref_slice %arg4[%add3A_23, %dma_start3A_26] : memref<2560x128xi32, #tpu.memory_space<hbm>> -> memref<16x128xi32, #tpu.memory_space<hbm>>
    %dma_start3A_28 = arith.constant 0 : i32
    %dma_start3A_29 = tpu.memref_slice %arg7[%mul3A_12, %dma_start3A_28] : memref<32x128xi32, #tpu.memory_space<vmem>> -> memref<16x128xi32, #tpu.memory_space<vmem>>
    %dma_start3A_30 = arith.constant 0 : i32
    %dma_start3A_31 = tpu.memref_slice %arg4[%add3A_23, %dma_start3A_30] : memref<2560x128xi32, #tpu.memory_space<hbm>> -> memref<16x128xi32, #tpu.memory_space<hbm>>
    tpu.enqueue_dma source(%dma_start3A_31 : memref<16x128xi32, #tpu.memory_space<hbm>>) target(%dma_start3A_29 : memref<16x128xi32, #tpu.memory_space<vmem>>) target_semaphore(%arg13 : memref<!tpu.dma_semaphore, #tpu.memory_space<semaphore_mem>>)
    %dma_wait3A = arith.constant 0 : i32
    %dma_wait3A_32 = arith.constant 0 : i32
    %dma_wait3A_33 = tpu.memref_slice %arg6[%dma_wait3A, %dma_wait3A_32] : memref<32x128xi32, #tpu.memory_space<vmem>> -> memref<16x128xi32, #tpu.memory_space<vmem>>
    %dma_wait3A_34 = arith.constant 0 : i32
    %dma_wait3A_35 = arith.constant 0 : i32
    %dma_wait3A_36 = tpu.memref_slice %arg3[%dma_wait3A_34, %dma_wait3A_35] : memref<2560x128xi32, #tpu.memory_space<hbm>> -> memref<16x128xi32, #tpu.memory_space<hbm>>
    %dma_wait3A_37 = arith.constant 0 : i32
    %dma_wait3A_38 = arith.constant 0 : i32
    %dma_wait3A_39 = tpu.memref_slice %arg6[%dma_wait3A_37, %dma_wait3A_38] : memref<32x128xi32, #tpu.memory_space<vmem>> -> memref<16x128xi32, #tpu.memory_space<vmem>>
    %dma_wait3A_40 = arith.constant 0 : i32
    %dma_wait3A_41 = arith.constant 0 : i32
    %dma_wait3A_42 = tpu.memref_slice %arg3[%dma_wait3A_40, %dma_wait3A_41] : memref<2560x128xi32, #tpu.memory_space<hbm>> -> memref<16x128xi32, #tpu.memory_space<hbm>>
    tpu.wait_dma2 semaphore(%arg13 : memref<!tpu.dma_semaphore, #tpu.memory_space<semaphore_mem>>) src(%dma_wait3A_42 : memref<16x128xi32, #tpu.memory_space<hbm>>) dst(%dma_wait3A_39 : memref<16x128xi32, #tpu.memory_space<vmem>>)
    %dma_wait3A_43 = arith.constant 0 : i32
    %dma_wait3A_44 = arith.constant 0 : i32
    %dma_wait3A_45 = tpu.memref_slice %arg7[%dma_wait3A_43, %dma_wait3A_44] : memref<32x128xi32, #tpu.memory_space<vmem>> -> memref<16x128xi32, #tpu.memory_space<vmem>>
    %dma_wait3A_46 = arith.constant 0 : i32
    %dma_wait3A_47 = arith.constant 0 : i32
    %dma_wait3A_48 = tpu.memref_slice %arg3[%dma_wait3A_46, %dma_wait3A_47] : memref<2560x128xi32, #tpu.memory_space<hbm>> -> memref<16x128xi32, #tpu.memory_space<hbm>>
    %dma_wait3A_49 = arith.constant 0 : i32
    %dma_wait3A_50 = arith.constant 0 : i32
    %dma_wait3A_51 = tpu.memref_slice %arg7[%dma_wait3A_49, %dma_wait3A_50] : memref<32x128xi32, #tpu.memory_space<vmem>> -> memref<16x128xi32, #tpu.memory_space<vmem>>
    %dma_wait3A_52 = arith.constant 0 : i32
    %dma_wait3A_53 = arith.constant 0 : i32
    %dma_wait3A_54 = tpu.memref_slice %arg3[%dma_wait3A_52, %dma_wait3A_53] : memref<2560x128xi32, #tpu.memory_space<hbm>> -> memref<16x128xi32, #tpu.memory_space<hbm>>
    tpu.wait_dma2 semaphore(%arg13 : memref<!tpu.dma_semaphore, #tpu.memory_space<semaphore_mem>>) src(%dma_wait3A_54 : memref<16x128xi32, #tpu.memory_space<hbm>>) dst(%dma_wait3A_51 : memref<16x128xi32, #tpu.memory_space<vmem>>)
    %scan3A = arith.constant 0 : i32
    %scan3A_55 = arith.constant 0 : i32
    %scan3A_56 = arith.constant 128 : i32
    %scan3A_57 = arith.addi %scan3A_55, %scan3A_56 : i32
    %scan3A_58 = arith.constant 1 : i32
    scf.for %scan3A_129 = %scan3A_55 to %scan3A_57 step %scan3A_58  : i32 {
      %broadcast_in_dim3A = arith.constant 0.000000e+00 : f32
      %broadcast_in_dim3A_130 = vector.broadcast %broadcast_in_dim3A : f32 to vector<16xf32>
      %swap3A = arith.index_cast %scan3A_129 : i32 to index
      %swap3A_131 = arith.constant 0 : index
      %swap3A_132 = tpu.vector_load %arg8[%swap3A, %swap3A_131] {strides = array<i32>} : memref<128x128xf32, #tpu.memory_space<vmem>>, vector<1x16xf32>,
      %swap3A_133 = vector.shape_cast %swap3A_132 : vector<1x16xf32> to vector<16xf32>
      %swap3A_134 = vector.shape_cast %broadcast_in_dim3A_130 : vector<16xf32> to vector<1x16xf32>
      tpu.vector_store %arg8[%swap3A, %swap3A_131], %swap3A_134 {strides = array<i32>} : memref<128x128xf32, #tpu.memory_space<vmem>>, vector<1x16xf32>,
      %broadcast_in_dim3A_135 = arith.constant 0.000000e+00 : f32
      %broadcast_in_dim3A_136 = vector.broadcast %broadcast_in_dim3A_135 : f32 to vector<16xf32>
      %swap3A_137 = arith.index_cast %scan3A_129 : i32 to index
      %swap3A_138 = arith.constant 16 : index
      %swap3A_139 = tpu.vector_load %arg8[%swap3A_137, %swap3A_138] {strides = array<i32>} : memref<128x128xf32, #tpu.memory_space<vmem>>, vector<1x16xf32>,
      %swap3A_140 = vector.shape_cast %swap3A_139 : vector<1x16xf32> to vector<16xf32>
      %swap3A_141 = vector.shape_cast %broadcast_in_dim3A_136 : vector<16xf32> to vector<1x16xf32>
      tpu.vector_store %arg8[%swap3A_137, %swap3A_138], %swap3A_141 {strides = array<i32>} : memref<128x128xf32, #tpu.memory_space<vmem>>, vector<1x16xf32>,
      %broadcast_in_dim3A_142 = arith.constant 0.000000e+00 : f32
      %broadcast_in_dim3A_143 = vector.broadcast %broadcast_in_dim3A_142 : f32 to vector<16xf32>
      %swap3A_144 = arith.index_cast %scan3A_129 : i32 to index
      %swap3A_145 = arith.constant 32 : index
      %swap3A_146 = tpu.vector_load %arg8[%swap3A_144, %swap3A_145] {strides = array<i32>} : memref<128x128xf32, #tpu.memory_space<vmem>>, vector<1x16xf32>,
      %swap3A_147 = vector.shape_cast %swap3A_146 : vector<1x16xf32> to vector<16xf32>
      %swap3A_148 = vector.shape_cast %broadcast_in_dim3A_143 : vector<16xf32> to vector<1x16xf32>
      tpu.vector_store %arg8[%swap3A_144, %swap3A_145], %swap3A_148 {strides = array<i32>} : memref<128x128xf32, #tpu.memory_space<vmem>>, vector<1x16xf32>,
      %broadcast_in_dim3A_149 = arith.constant 0.000000e+00 : f32
      %broadcast_in_dim3A_150 = vector.broadcast %broadcast_in_dim3A_149 : f32 to vector<16xf32>
      %swap3A_151 = arith.index_cast %scan3A_129 : i32 to index
      %swap3A_152 = arith.constant 48 : index
      %swap3A_153 = tpu.vector_load %arg8[%swap3A_151, %swap3A_152] {strides = array<i32>} : memref<128x128xf32, #tpu.memory_space<vmem>>, vector<1x16xf32>,
      %swap3A_154 = vector.shape_cast %swap3A_153 : vector<1x16xf32> to vector<16xf32>
      %swap3A_155 = vector.shape_cast %broadcast_in_dim3A_150 : vector<16xf32> to vector<1x16xf32>
      tpu.vector_store %arg8[%swap3A_151, %swap3A_152], %swap3A_155 {strides = array<i32>} : memref<128x128xf32, #tpu.memory_space<vmem>>, vector<1x16xf32>,
      %broadcast_in_dim3A_156 = arith.constant 0.000000e+00 : f32
      %broadcast_in_dim3A_157 = vector.broadcast %broadcast_in_dim3A_156 : f32 to vector<16xf32>
      %swap3A_158 = arith.index_cast %scan3A_129 : i32 to index
      %swap3A_159 = arith.constant 64 : index
      %swap3A_160 = tpu.vector_load %arg8[%swap3A_158, %swap3A_159] {strides = array<i32>} : memref<128x128xf32, #tpu.memory_space<vmem>>, vector<1x16xf32>,
      %swap3A_161 = vector.shape_cast %swap3A_160 : vector<1x16xf32> to vector<16xf32>
      %swap3A_162 = vector.shape_cast %broadcast_in_dim3A_157 : vector<16xf32> to vector<1x16xf32>
      tpu.vector_store %arg8[%swap3A_158, %swap3A_159], %swap3A_162 {strides = array<i32>} : memref<128x128xf32, #tpu.memory_space<vmem>>, vector<1x16xf32>,
      %broadcast_in_dim3A_163 = arith.constant 0.000000e+00 : f32
      %broadcast_in_dim3A_164 = vector.broadcast %broadcast_in_dim3A_163 : f32 to vector<16xf32>
      %swap3A_165 = arith.index_cast %scan3A_129 : i32 to index
      %swap3A_166 = arith.constant 80 : index
      %swap3A_167 = tpu.vector_load %arg8[%swap3A_165, %swap3A_166] {strides = array<i32>} : memref<128x128xf32, #tpu.memory_space<vmem>>, vector<1x16xf32>,
      %swap3A_168 = vector.shape_cast %swap3A_167 : vector<1x16xf32> to vector<16xf32>
      %swap3A_169 = vector.shape_cast %broadcast_in_dim3A_164 : vector<16xf32> to vector<1x16xf32>
      tpu.vector_store %arg8[%swap3A_165, %swap3A_166], %swap3A_169 {strides = array<i32>} : memref<128x128xf32, #tpu.memory_space<vmem>>, vector<1x16xf32>,
      %broadcast_in_dim3A_170 = arith.constant 0.000000e+00 : f32
      %broadcast_in_dim3A_171 = vector.broadcast %broadcast_in_dim3A_170 : f32 to vector<16xf32>
      %swap3A_172 = arith.index_cast %scan3A_129 : i32 to index
      %swap3A_173 = arith.constant 96 : index
      %swap3A_174 = tpu.vector_load %arg8[%swap3A_172, %swap3A_173] {strides = array<i32>} : memref<128x128xf32, #tpu.memory_space<vmem>>, vector<1x16xf32>,
      %swap3A_175 = vector.shape_cast %swap3A_174 : vector<1x16xf32> to vector<16xf32>
      %swap3A_176 = vector.shape_cast %broadcast_in_dim3A_171 : vector<16xf32> to vector<1x16xf32>
      tpu.vector_store %arg8[%swap3A_172, %swap3A_173], %swap3A_176 {strides = array<i32>} : memref<128x128xf32, #tpu.memory_space<vmem>>, vector<1x16xf32>,
      %broadcast_in_dim3A_177 = arith.constant 0.000000e+00 : f32
      %broadcast_in_dim3A_178 = vector.broadcast %broadcast_in_dim3A_177 : f32 to vector<16xf32>
      %swap3A_179 = arith.index_cast %scan3A_129 : i32 to index
      %swap3A_180 = arith.constant 112 : index
      %swap3A_181 = tpu.vector_load %arg8[%swap3A_179, %swap3A_180] {strides = array<i32>} : memref<128x128xf32, #tpu.memory_space<vmem>>, vector<1x16xf32>,
      %swap3A_182 = vector.shape_cast %swap3A_181 : vector<1x16xf32> to vector<16xf32>
      %swap3A_183 = vector.shape_cast %broadcast_in_dim3A_178 : vector<16xf32> to vector<1x16xf32>
      tpu.vector_store %arg8[%swap3A_179, %swap3A_180], %swap3A_183 {strides = array<i32>} : memref<128x128xf32, #tpu.memory_space<vmem>>, vector<1x16xf32>,
    }
    %scan3A_59 = arith.constant 128 : i32
    %mul3A_60 = arith.constant 640 : i32
    %mul3A_61 = arith.muli %arg1, %mul3A_60 : i32
    %add3A_62 = arith.constant 0 : i32
    %add3A_63 = arith.addi %mul3A_61, %add3A_62 : i32
    "tpu.region"() ({
      %run_scoped3A = tpu.sem_alloc : memref<!tpu.dma_semaphore, #tpu.memory_space<semaphore_mem>>
      %dma_start3A_129 = arith.constant 0 : i32
      %dma_start3A_130 = tpu.memref_slice %arg10[%add3A_63, %dma_start3A_129] : memref<10240x128xf32, #tpu.memory_space<vmem_shared>> -> memref<128x128xf32, #tpu.memory_space<vmem_shared>>
      %dma_start3A_131 = arith.constant 0 : i32
      %dma_start3A_132 = tpu.memref_slice %arg10[%add3A_63, %dma_start3A_131] : memref<10240x128xf32, #tpu.memory_space<vmem_shared>> -> memref<128x128xf32, #tpu.memory_space<vmem_shared>>
      tpu.enqueue_dma source(%arg8 : memref<128x128xf32, #tpu.memory_space<vmem>>) target(%dma_start3A_132 : memref<128x128xf32, #tpu.memory_space<vmem_shared>>) target_semaphore(%run_scoped3A : memref<!tpu.dma_semaphore, #tpu.memory_space<semaphore_mem>>)
      %dma_wait3A_133 = arith.constant 0 : i32
      %dma_wait3A_134 = tpu.memref_slice %arg10[%add3A_63, %dma_wait3A_133] : memref<10240x128xf32, #tpu.memory_space<vmem_shared>> -> memref<128x128xf32, #tpu.memory_space<vmem_shared>>
      %dma_wait3A_135 = arith.constant 0 : i32
      %dma_wait3A_136 = tpu.memref_slice %arg10[%add3A_63, %dma_wait3A_135] : memref<10240x128xf32, #tpu.memory_space<vmem_shared>> -> memref<128x128xf32, #tpu.memory_space<vmem_shared>>
      tpu.wait_dma2 semaphore(%run_scoped3A : memref<!tpu.dma_semaphore, #tpu.memory_space<semaphore_mem>>) src(%arg8 : memref<128x128xf32, #tpu.memory_space<vmem>>) dst(%dma_wait3A_136 : memref<128x128xf32, #tpu.memory_space<vmem_shared>>)
      tpu.yield
    }) : () -> ()
    %mul3A_64 = arith.constant 640 : i32
    %mul3A_65 = arith.muli %arg1, %mul3A_64 : i32
    %add3A_66 = arith.constant 128 : i32
    %add3A_67 = arith.addi %mul3A_65, %add3A_66 : i32
    "tpu.region"() ({
      %run_scoped3A = tpu.sem_alloc : memref<!tpu.dma_semaphore, #tpu.memory_space<semaphore_mem>>
      %dma_start3A_129 = arith.constant 0 : i32
      %dma_start3A_130 = tpu.memref_slice %arg10[%add3A_67, %dma_start3A_129] : memref<10240x128xf32, #tpu.memory_space<vmem_shared>> -> memref<128x128xf32, #tpu.memory_space<vmem_shared>>
      %dma_start3A_131 = arith.constant 0 : i32
      %dma_start3A_132 = tpu.memref_slice %arg10[%add3A_67, %dma_start3A_131] : memref<10240x128xf32, #tpu.memory_space<vmem_shared>> -> memref<128x128xf32, #tpu.memory_space<vmem_shared>>
      tpu.enqueue_dma source(%arg8 : memref<128x128xf32, #tpu.memory_space<vmem>>) target(%dma_start3A_132 : memref<128x128xf32, #tpu.memory_space<vmem_shared>>) target_semaphore(%run_scoped3A : memref<!tpu.dma_semaphore, #tpu.memory_space<semaphore_mem>>)
      %dma_wait3A_133 = arith.constant 0 : i32
      %dma_wait3A_134 = tpu.memref_slice %arg10[%add3A_67, %dma_wait3A_133] : memref<10240x128xf32, #tpu.memory_space<vmem_shared>> -> memref<128x128xf32, #tpu.memory_space<vmem_shared>>
      %dma_wait3A_135 = arith.constant 0 : i32
      %dma_wait3A_136 = tpu.memref_slice %arg10[%add3A_67, %dma_wait3A_135] : memref<10240x128xf32, #tpu.memory_space<vmem_shared>> -> memref<128x128xf32, #tpu.memory_space<vmem_shared>>
      tpu.wait_dma2 semaphore(%run_scoped3A : memref<!tpu.dma_semaphore, #tpu.memory_space<semaphore_mem>>) src(%arg8 : memref<128x128xf32, #tpu.memory_space<vmem>>) dst(%dma_wait3A_136 : memref<128x128xf32, #tpu.memory_space<vmem_shared>>)
      tpu.yield
    }) : () -> ()
    %mul3A_68 = arith.constant 640 : i32
    %mul3A_69 = arith.muli %arg1, %mul3A_68 : i32
    %add3A_70 = arith.constant 256 : i32
    %add3A_71 = arith.addi %mul3A_69, %add3A_70 : i32
    "tpu.region"() ({
      %run_scoped3A = tpu.sem_alloc : memref<!tpu.dma_semaphore, #tpu.memory_space<semaphore_mem>>
      %dma_start3A_129 = arith.constant 0 : i32
      %dma_start3A_130 = tpu.memref_slice %arg10[%add3A_71, %dma_start3A_129] : memref<10240x128xf32, #tpu.memory_space<vmem_shared>> -> memref<128x128xf32, #tpu.memory_space<vmem_shared>>
      %dma_start3A_131 = arith.constant 0 : i32
      %dma_start3A_132 = tpu.memref_slice %arg10[%add3A_71, %dma_start3A_131] : memref<10240x128xf32, #tpu.memory_space<vmem_shared>> -> memref<128x128xf32, #tpu.memory_space<vmem_shared>>
      tpu.enqueue_dma source(%arg8 : memref<128x128xf32, #tpu.memory_space<vmem>>) target(%dma_start3A_132 : memref<128x128xf32, #tpu.memory_space<vmem_shared>>) target_semaphore(%run_scoped3A : memref<!tpu.dma_semaphore, #tpu.memory_space<semaphore_mem>>)
      %dma_wait3A_133 = arith.constant 0 : i32
      %dma_wait3A_134 = tpu.memref_slice %arg10[%add3A_71, %dma_wait3A_133] : memref<10240x128xf32, #tpu.memory_space<vmem_shared>> -> memref<128x128xf32, #tpu.memory_space<vmem_shared>>
      %dma_wait3A_135 = arith.constant 0 : i32
      %dma_wait3A_136 = tpu.memref_slice %arg10[%add3A_71, %dma_wait3A_135] : memref<10240x128xf32, #tpu.memory_space<vmem_shared>> -> memref<128x128xf32, #tpu.memory_space<vmem_shared>>
      tpu.wait_dma2 semaphore(%run_scoped3A : memref<!tpu.dma_semaphore, #tpu.memory_space<semaphore_mem>>) src(%arg8 : memref<128x128xf32, #tpu.memory_space<vmem>>) dst(%dma_wait3A_136 : memref<128x128xf32, #tpu.memory_space<vmem_shared>>)
      tpu.yield
    }) : () -> ()
    %mul3A_72 = arith.constant 640 : i32
    %mul3A_73 = arith.muli %arg1, %mul3A_72 : i32
    %add3A_74 = arith.constant 384 : i32
    %add3A_75 = arith.addi %mul3A_73, %add3A_74 : i32
    "tpu.region"() ({
      %run_scoped3A = tpu.sem_alloc : memref<!tpu.dma_semaphore, #tpu.memory_space<semaphore_mem>>
      %dma_start3A_129 = arith.constant 0 : i32
      %dma_start3A_130 = tpu.memref_slice %arg10[%add3A_75, %dma_start3A_129] : memref<10240x128xf32, #tpu.memory_space<vmem_shared>> -> memref<128x128xf32, #tpu.memory_space<vmem_shared>>
      %dma_start3A_131 = arith.constant 0 : i32
      %dma_start3A_132 = tpu.memref_slice %arg10[%add3A_75, %dma_start3A_131] : memref<10240x128xf32, #tpu.memory_space<vmem_shared>> -> memref<128x128xf32, #tpu.memory_space<vmem_shared>>
      tpu.enqueue_dma source(%arg8 : memref<128x128xf32, #tpu.memory_space<vmem>>) target(%dma_start3A_132 : memref<128x128xf32, #tpu.memory_space<vmem_shared>>) target_semaphore(%run_scoped3A : memref<!tpu.dma_semaphore, #tpu.memory_space<semaphore_mem>>)
      %dma_wait3A_133 = arith.constant 0 : i32
      %dma_wait3A_134 = tpu.memref_slice %arg10[%add3A_75, %dma_wait3A_133] : memref<10240x128xf32, #tpu.memory_space<vmem_shared>> -> memref<128x128xf32, #tpu.memory_space<vmem_shared>>
      %dma_wait3A_135 = arith.constant 0 : i32
      %dma_wait3A_136 = tpu.memref_slice %arg10[%add3A_75, %dma_wait3A_135] : memref<10240x128xf32, #tpu.memory_space<vmem_shared>> -> memref<128x128xf32, #tpu.memory_space<vmem_shared>>
      tpu.wait_dma2 semaphore(%run_scoped3A : memref<!tpu.dma_semaphore, #tpu.memory_space<semaphore_mem>>) src(%arg8 : memref<128x128xf32, #tpu.memory_space<vmem>>) dst(%dma_wait3A_136 : memref<128x128xf32, #tpu.memory_space<vmem_shared>>)
      tpu.yield
    }) : () -> ()
    %mul3A_76 = arith.constant 640 : i32
    %mul3A_77 = arith.muli %arg1, %mul3A_76 : i32
    %add3A_78 = arith.constant 512 : i32
    %add3A_79 = arith.addi %mul3A_77, %add3A_78 : i32
    "tpu.region"() ({
      %run_scoped3A = tpu.sem_alloc : memref<!tpu.dma_semaphore, #tpu.memory_space<semaphore_mem>>
      %dma_start3A_129 = arith.constant 0 : i32
      %dma_start3A_130 = tpu.memref_slice %arg10[%add3A_79, %dma_start3A_129] : memref<10240x128xf32, #tpu.memory_space<vmem_shared>> -> memref<128x128xf32, #tpu.memory_space<vmem_shared>>
      %dma_start3A_131 = arith.constant 0 : i32
      %dma_start3A_132 = tpu.memref_slice %arg10[%add3A_79, %dma_start3A_131] : memref<10240x128xf32, #tpu.memory_space<vmem_shared>> -> memref<128x128xf32, #tpu.memory_space<vmem_shared>>
      tpu.enqueue_dma source(%arg8 : memref<128x128xf32, #tpu.memory_space<vmem>>) target(%dma_start3A_132 : memref<128x128xf32, #tpu.memory_space<vmem_shared>>) target_semaphore(%run_scoped3A : memref<!tpu.dma_semaphore, #tpu.memory_space<semaphore_mem>>)
      %dma_wait3A_133 = arith.constant 0 : i32
      %dma_wait3A_134 = tpu.memref_slice %arg10[%add3A_79, %dma_wait3A_133] : memref<10240x128xf32, #tpu.memory_space<vmem_shared>> -> memref<128x128xf32, #tpu.memory_space<vmem_shared>>
      %dma_wait3A_135 = arith.constant 0 : i32
      %dma_wait3A_136 = tpu.memref_slice %arg10[%add3A_79, %dma_wait3A_135] : memref<10240x128xf32, #tpu.memory_space<vmem_shared>> -> memref<128x128xf32, #tpu.memory_space<vmem_shared>>
      tpu.wait_dma2 semaphore(%run_scoped3A : memref<!tpu.dma_semaphore, #tpu.memory_space<semaphore_mem>>) src(%arg8 : memref<128x128xf32, #tpu.memory_space<vmem>>) dst(%dma_wait3A_136 : memref<128x128xf32, #tpu.memory_space<vmem_shared>>)
      tpu.yield
    }) : () -> ()
    %barrier3A = arith.constant 0 : index
    tpu.barrier barrier_id(%barrier3A)
    %dma_start3A_80 = arith.constant 0 : i32
    %dma_start3A_81 = arith.constant 0 : i32
    %dma_start3A_82 = arith.constant 0 : i32
    %dma_start3A_83 = tpu.memref_slice %arg6[%dma_start3A_80, %dma_start3A_82] : memref<32x128xi32, #tpu.memory_space<vmem>> -> memref<1x128xi32, #tpu.memory_space<vmem>>
    %dma_start3A_84 = tpu.memref_squeeze %dma_start3A_83 : memref<1x128xi32, #tpu.memory_space<vmem>> -> memref<128xi32, #tpu.memory_space<vmem>>
    %dma_start3A_85 = arith.constant 0 : i32
    %dma_start3A_86 = arith.constant 0 : i32
    %dma_start3A_87 = tpu.memref_slice %arg2[%dma_start3A_85, %dma_start3A_86] : memref<10000x128xf32, #tpu.memory_space<hbm>> -> memref<10000x128xf32, #tpu.memory_space<hbm>>
    %dma_start3A_88 = tpu.memref_slice %arg11[%dma_start3A_81] : memref<2x!tpu.dma_semaphore, #tpu.memory_space<semaphore_mem>> -> memref<1x!tpu.dma_semaphore, #tpu.memory_space<semaphore_mem>>
    %dma_start3A_89 = tpu.memref_squeeze %dma_start3A_88 : memref<1x!tpu.dma_semaphore, #tpu.memory_space<semaphore_mem>> -> memref<!tpu.dma_semaphore, #tpu.memory_space<semaphore_mem>>
    tpu.enqueue_indirect_dma source(%dma_start3A_87 : memref<10000x128xf32, #tpu.memory_space<hbm>>) target(%arg8 : memref<128x128xf32, #tpu.memory_space<vmem>>) offsets(%dma_start3A_84 : memref<128xi32, #tpu.memory_space<vmem>>) semaphore(%dma_start3A_89 : memref<!tpu.dma_semaphore, #tpu.memory_space<semaphore_mem>>)
    %sub3A = arith.constant 0 : i32
    %sub3A_90 = arith.subi %select_n3A, %sub3A : i32
    %sub3A_91 = arith.constant 2 : i32
    %sub3A_92 = arith.constant 1 : i32
    %sub3A_93 = arith.subi %sub3A_91, %sub3A_92 : i32
    %add3A_94 = arith.addi %sub3A_90, %sub3A_93 : i32
    %div3A = arith.constant 2 : i32
    %div3A_95 = arith.divsi %add3A_94, %div3A : i32
    %while3A = arith.constant 2 : i32
    %while3A_96 = arith.constant 0 : i32
    %while3A_97 = arith.constant 0 : i32
    %while3A_98 = arith.subi %div3A_95, %while3A_97 : i32
    %while3A_99 = arith.addi %while3A_97, %while3A_98 : i32
    %while3A_100 = arith.constant 1 : i32
    %while3A_101 = arith.divsi %while3A_98, %while3A_100 : i32
    %while3A_102 = arith.muli %while3A_101, %while3A_100 : i32
    %while3A_103 = arith.addi %while3A_97, %while3A_102 : i32
    %while3A_104 = arith.constant 1 : i32
    scf.for %while3A_129 = %while3A_97 to %while3A_103 step %while3A_104  : i32 {
      %mul3A_130 = arith.muli %while3A_129, %while3A : i32
      %add3A_131 = arith.addi %while3A_96, %mul3A_130 : i32
      %add3A_132 = arith.constant 0 : i32
      %add3A_133 = arith.addi %add3A_131, %add3A_132 : i32
      %rem3A_134 = arith.constant 16 : i32
      %rem3A_135 = arith.remsi %add3A_133, %rem3A_134 : i32
      %eq3A_136 = arith.constant 0 : i32
      %eq3A_137 = arith.cmpi eq, %rem3A_135, %eq3A_136 : i32
      %convert_element_type3A = arith.extui %eq3A_137 : i1 to i32
      %cond3A = arith.constant 0 : i32
      %cond3A_138 = arith.cmpi ne, %convert_element_type3A, %cond3A : i32
      scf.if %cond3A_138 {
        %jit3A_199 = arith.constant 16 : i32
        %div3A_200 = arith.divsi %add3A_133, %jit3A_199 : i32
        %sign3A = arith.constant 0 : i32
        %sign3A_201 = arith.cmpi sgt, %add3A_133, %sign3A : i32
        %sign3A_202 = arith.extui %sign3A_201 : i1 to i32
        %sign3A_203 = arith.constant 0 : i32
        %sign3A_204 = arith.cmpi slt, %add3A_133, %sign3A_203 : i32
        %sign3A_205 = arith.extui %sign3A_204 : i1 to i32
        %sign3A_206 = arith.subi %sign3A_202, %sign3A_205 : i32
        %sign3A_207 = arith.constant 0 : i32
        %sign3A_208 = arith.cmpi sgt, %jit3A_199, %sign3A_207 : i32
        %sign3A_209 = arith.extui %sign3A_208 : i1 to i32
        %sign3A_210 = arith.constant 0 : i32
        %sign3A_211 = arith.cmpi slt, %jit3A_199, %sign3A_210 : i32
        %sign3A_212 = arith.extui %sign3A_211 : i1 to i32
        %sign3A_213 = arith.subi %sign3A_209, %sign3A_212 : i32
        %ne3A = arith.cmpi ne, %sign3A_206, %sign3A_213 : i32
        %rem3A_214 = arith.remsi %add3A_133, %jit3A_199 : i32
        %ne3A_215 = arith.constant 0 : i32
        %ne3A_216 = arith.cmpi ne, %rem3A_214, %ne3A_215 : i32
        %and3A = arith.andi %ne3A, %ne3A_216 : i1
        %sub3A_217 = arith.constant 1 : i32
        %sub3A_218 = arith.subi %div3A_200, %sub3A_217 : i32
        %select_n3A_219 = arith.select %and3A, %sub3A_218, %div3A_200 : i32
        %add3A_220 = arith.constant 1 : i32
        %add3A_221 = arith.addi %select_n3A_219, %add3A_220 : i32
        %mul3A_222 = arith.constant 16 : i32
        %mul3A_223 = arith.muli %add3A_221, %mul3A_222 : i32
        %lt3A_224 = arith.cmpi slt, %mul3A_223, %select_n3A : i32
        %convert_element_type3A_225 = arith.extui %lt3A_224 : i1 to i32
        %cond3A_226 = arith.constant 0 : i32
        %cond3A_227 = arith.cmpi ne, %convert_element_type3A_225, %cond3A_226 : i32
        scf.if %cond3A_227 {
          %add3A_228 = arith.constant 1 : i32
          %add3A_229 = arith.addi %select_n3A_219, %add3A_228 : i32
          %rem3A_230 = arith.constant 2 : i32
          %rem3A_231 = arith.remsi %add3A_229, %rem3A_230 : i32
          %mul3A_232 = arith.constant 16 : i32
          %mul3A_233 = arith.muli %rem3A_231, %mul3A_232 : i32
          %mul3A_234 = arith.constant 16 : i32
          %mul3A_235 = arith.muli %add3A_229, %mul3A_234 : i32
          %add3A_236 = arith.addi %select_n3A_8, %mul3A_235 : i32
          %dma_start3A_237 = arith.constant 0 : i32
          %dma_start3A_238 = tpu.memref_slice %arg6[%mul3A_233, %dma_start3A_237] : memref<32x128xi32, #tpu.memory_space<vmem>> -> memref<16x128xi32, #tpu.memory_space<vmem>>
          %dma_start3A_239 = arith.constant 0 : i32
          %dma_start3A_240 = tpu.memref_slice %arg3[%add3A_236, %dma_start3A_239] : memref<2560x128xi32, #tpu.memory_space<hbm>> -> memref<16x128xi32, #tpu.memory_space<hbm>>
          %dma_start3A_241 = arith.constant 0 : i32
          %dma_start3A_242 = tpu.memref_slice %arg6[%mul3A_233, %dma_start3A_241] : memref<32x128xi32, #tpu.memory_space<vmem>> -> memref<16x128xi32, #tpu.memory_space<vmem>>
          %dma_start3A_243 = arith.constant 0 : i32
          %dma_start3A_244 = tpu.memref_slice %arg3[%add3A_236, %dma_start3A_243] : memref<2560x128xi32, #tpu.memory_space<hbm>> -> memref<16x128xi32, #tpu.memory_space<hbm>>
          tpu.enqueue_dma source(%dma_start3A_244 : memref<16x128xi32, #tpu.memory_space<hbm>>) target(%dma_start3A_242 : memref<16x128xi32, #tpu.memory_space<vmem>>) target_semaphore(%arg13 : memref<!tpu.dma_semaphore, #tpu.memory_space<semaphore_mem>>)
          %mul3A_245 = arith.constant 16 : i32
          %mul3A_246 = arith.muli %add3A_229, %mul3A_245 : i32
          %add3A_247 = arith.addi %select_n3A_8, %mul3A_246 : i32
          %dma_start3A_248 = arith.constant 0 : i32
          %dma_start3A_249 = tpu.memref_slice %arg7[%mul3A_233, %dma_start3A_248] : memref<32x128xi32, #tpu.memory_space<vmem>> -> memref<16x128xi32, #tpu.memory_space<vmem>>
          %dma_start3A_250 = arith.constant 0 : i32
          %dma_start3A_251 = tpu.memref_slice %arg4[%add3A_247, %dma_start3A_250] : memref<2560x128xi32, #tpu.memory_space<hbm>> -> memref<16x128xi32, #tpu.memory_space<hbm>>
          %dma_start3A_252 = arith.constant 0 : i32
          %dma_start3A_253 = tpu.memref_slice %arg7[%mul3A_233, %dma_start3A_252] : memref<32x128xi32, #tpu.memory_space<vmem>> -> memref<16x128xi32, #tpu.memory_space<vmem>>
          %dma_start3A_254 = arith.constant 0 : i32
          %dma_start3A_255 = tpu.memref_slice %arg4[%add3A_247, %dma_start3A_254] : memref<2560x128xi32, #tpu.memory_space<hbm>> -> memref<16x128xi32, #tpu.memory_space<hbm>>
          tpu.enqueue_dma source(%dma_start3A_255 : memref<16x128xi32, #tpu.memory_space<hbm>>) target(%dma_start3A_253 : memref<16x128xi32, #tpu.memory_space<vmem>>) target_semaphore(%arg13 : memref<!tpu.dma_semaphore, #tpu.memory_space<semaphore_mem>>)
          %dma_wait3A_256 = arith.constant 0 : i32
          %dma_wait3A_257 = arith.constant 0 : i32
          %dma_wait3A_258 = tpu.memref_slice %arg6[%dma_wait3A_256, %dma_wait3A_257] : memref<32x128xi32, #tpu.memory_space<vmem>> -> memref<16x128xi32, #tpu.memory_space<vmem>>
          %dma_wait3A_259 = arith.constant 0 : i32
          %dma_wait3A_260 = arith.constant 0 : i32
          %dma_wait3A_261 = tpu.memref_slice %arg3[%dma_wait3A_259, %dma_wait3A_260] : memref<2560x128xi32, #tpu.memory_space<hbm>> -> memref<16x128xi32, #tpu.memory_space<hbm>>
          %dma_wait3A_262 = arith.constant 0 : i32
          %dma_wait3A_263 = arith.constant 0 : i32
          %dma_wait3A_264 = tpu.memref_slice %arg6[%dma_wait3A_262, %dma_wait3A_263] : memref<32x128xi32, #tpu.memory_space<vmem>> -> memref<16x128xi32, #tpu.memory_space<vmem>>
          %dma_wait3A_265 = arith.constant 0 : i32
          %dma_wait3A_266 = arith.constant 0 : i32
          %dma_wait3A_267 = tpu.memref_slice %arg3[%dma_wait3A_265, %dma_wait3A_266] : memref<2560x128xi32, #tpu.memory_space<hbm>> -> memref<16x128xi32, #tpu.memory_space<hbm>>
          tpu.wait_dma2 semaphore(%arg13 : memref<!tpu.dma_semaphore, #tpu.memory_space<semaphore_mem>>) src(%dma_wait3A_267 : memref<16x128xi32, #tpu.memory_space<hbm>>) dst(%dma_wait3A_264 : memref<16x128xi32, #tpu.memory_space<vmem>>)
          %dma_wait3A_268 = arith.constant 0 : i32
          %dma_wait3A_269 = arith.constant 0 : i32
          %dma_wait3A_270 = tpu.memref_slice %arg7[%dma_wait3A_268, %dma_wait3A_269] : memref<32x128xi32, #tpu.memory_space<vmem>> -> memref<16x128xi32, #tpu.memory_space<vmem>>
          %dma_wait3A_271 = arith.constant 0 : i32
          %dma_wait3A_272 = arith.constant 0 : i32
          %dma_wait3A_273 = tpu.memref_slice %arg3[%dma_wait3A_271, %dma_wait3A_272] : memref<2560x128xi32, #tpu.memory_space<hbm>> -> memref<16x128xi32, #tpu.memory_space<hbm>>
          %dma_wait3A_274 = arith.constant 0 : i32
          %dma_wait3A_275 = arith.constant 0 : i32
          %dma_wait3A_276 = tpu.memref_slice %arg7[%dma_wait3A_274, %dma_wait3A_275] : memref<32x128xi32, #tpu.memory_space<vmem>> -> memref<16x128xi32, #tpu.memory_space<vmem>>
          %dma_wait3A_277 = arith.constant 0 : i32
          %dma_wait3A_278 = arith.constant 0 : i32
          %dma_wait3A_279 = tpu.memref_slice %arg3[%dma_wait3A_277, %dma_wait3A_278] : memref<2560x128xi32, #tpu.memory_space<hbm>> -> memref<16x128xi32, #tpu.memory_space<hbm>>
          tpu.wait_dma2 semaphore(%arg13 : memref<!tpu.dma_semaphore, #tpu.memory_space<semaphore_mem>>) src(%dma_wait3A_279 : memref<16x128xi32, #tpu.memory_space<hbm>>) dst(%dma_wait3A_276 : memref<16x128xi32, #tpu.memory_space<vmem>>)
        } else {
        }
      } else {
      }
      %add3A_139 = arith.constant 1 : i32
      %add3A_140 = arith.addi %add3A_133, %add3A_139 : i32
      %lt3A = arith.cmpi slt, %add3A_140, %select_n3A : i32
      %convert_element_type3A_141 = arith.extui %lt3A : i1 to i32
      %cond3A_142 = arith.constant 0 : i32
      %cond3A_143 = arith.cmpi ne, %convert_element_type3A_141, %cond3A_142 : i32
      scf.if %cond3A_143 {
        %sub3A_199 = arith.constant 1 : i32
        %sub3A_200 = arith.subi %add3A_133, %sub3A_199 : i32
        %ge3A = arith.constant 0 : i32
        %ge3A_201 = arith.cmpi sge, %sub3A_200, %ge3A : i32
        %convert_element_type3A_202 = arith.extui %ge3A_201 : i1 to i32
        %cond3A_203 = arith.constant 0 : i32
        %cond3A_204 = arith.cmpi ne, %convert_element_type3A_202, %cond3A_203 : i32
        scf.if %cond3A_204 {
          %dma_wait3A_218 = arith.constant 1 : i32
          %dma_wait3A_219 = arith.constant 0 : i32
          %dma_wait3A_220 = arith.constant 0 : i32
          %dma_wait3A_221 = tpu.memref_slice %arg2[%dma_wait3A_219, %dma_wait3A_220] : memref<10000x128xf32, #tpu.memory_space<hbm>> -> memref<128x128xf32, #tpu.memory_space<hbm>>
          %dma_wait3A_222 = tpu.memref_slice %arg12[%dma_wait3A_218] : memref<2x!tpu.dma_semaphore, #tpu.memory_space<semaphore_mem>> -> memref<1x!tpu.dma_semaphore, #tpu.memory_space<semaphore_mem>>
          %dma_wait3A_223 = tpu.memref_squeeze %dma_wait3A_222 : memref<1x!tpu.dma_semaphore, #tpu.memory_space<semaphore_mem>> -> memref<!tpu.dma_semaphore, #tpu.memory_space<semaphore_mem>>
          %dma_wait3A_224 = arith.constant 0 : i32
          %dma_wait3A_225 = arith.constant 0 : i32
          %dma_wait3A_226 = tpu.memref_slice %arg2[%dma_wait3A_224, %dma_wait3A_225] : memref<10000x128xf32, #tpu.memory_space<hbm>> -> memref<128x128xf32, #tpu.memory_space<hbm>>
          tpu.wait_dma2 semaphore(%dma_wait3A_223 : memref<!tpu.dma_semaphore, #tpu.memory_space<semaphore_mem>>) src(%dma_wait3A_226 : memref<128x128xf32, #tpu.memory_space<hbm>>) dst(%arg9 : memref<128x128xf32, #tpu.memory_space<vmem>>)
        } else {
        }
        %add3A_205 = arith.constant 1 : i32
        %add3A_206 = arith.addi %add3A_133, %add3A_205 : i32
        %rem3A_207 = arith.constant 32 : i32
        %rem3A_208 = arith.remsi %add3A_206, %rem3A_207 : i32
        %dma_start3A_209 = arith.constant 1 : i32
        %dma_start3A_210 = arith.constant 0 : i32
        %dma_start3A_211 = tpu.memref_slice %arg6[%rem3A_208, %dma_start3A_210] : memref<32x128xi32, #tpu.memory_space<vmem>> -> memref<1x128xi32, #tpu.memory_space<vmem>>
        %dma_start3A_212 = tpu.memref_squeeze %dma_start3A_211 : memref<1x128xi32, #tpu.memory_space<vmem>> -> memref<128xi32, #tpu.memory_space<vmem>>
        %dma_start3A_213 = arith.constant 0 : i32
        %dma_start3A_214 = arith.constant 0 : i32
        %dma_start3A_215 = tpu.memref_slice %arg2[%dma_start3A_213, %dma_start3A_214] : memref<10000x128xf32, #tpu.memory_space<hbm>> -> memref<10000x128xf32, #tpu.memory_space<hbm>>
        %dma_start3A_216 = tpu.memref_slice %arg11[%dma_start3A_209] : memref<2x!tpu.dma_semaphore, #tpu.memory_space<semaphore_mem>> -> memref<1x!tpu.dma_semaphore, #tpu.memory_space<semaphore_mem>>
        %dma_start3A_217 = tpu.memref_squeeze %dma_start3A_216 : memref<1x!tpu.dma_semaphore, #tpu.memory_space<semaphore_mem>> -> memref<!tpu.dma_semaphore, #tpu.memory_space<semaphore_mem>>
        tpu.enqueue_indirect_dma source(%dma_start3A_215 : memref<10000x128xf32, #tpu.memory_space<hbm>>) target(%arg9 : memref<128x128xf32, #tpu.memory_space<vmem>>) offsets(%dma_start3A_212 : memref<128xi32, #tpu.memory_space<vmem>>) semaphore(%dma_start3A_217 : memref<!tpu.dma_semaphore, #tpu.memory_space<semaphore_mem>>)
      } else {
      }
      %dma_wait3A_144 = arith.constant 0 : i32
      %dma_wait3A_145 = arith.constant 0 : i32
      %dma_wait3A_146 = arith.constant 0 : i32
      %dma_wait3A_147 = tpu.memref_slice %arg2[%dma_wait3A_145, %dma_wait3A_146] : memref<10000x128xf32, #tpu.memory_space<hbm>> -> memref<128x128xf32, #tpu.memory_space<hbm>>
      %dma_wait3A_148 = tpu.memref_slice %arg11[%dma_wait3A_144] : memref<2x!tpu.dma_semaphore, #tpu.memory_space<semaphore_mem>> -> memref<1x!tpu.dma_semaphore, #tpu.memory_space<semaphore_mem>>
      %dma_wait3A_149 = tpu.memref_squeeze %dma_wait3A_148 : memref<1x!tpu.dma_semaphore, #tpu.memory_space<semaphore_mem>> -> memref<!tpu.dma_semaphore, #tpu.memory_space<semaphore_mem>>
      %dma_wait3A_150 = arith.constant 0 : i32
      %dma_wait3A_151 = arith.constant 0 : i32
      %dma_wait3A_152 = tpu.memref_slice %arg2[%dma_wait3A_150, %dma_wait3A_151] : memref<10000x128xf32, #tpu.memory_space<hbm>> -> memref<128x128xf32, #tpu.memory_space<hbm>>
      tpu.wait_dma2 semaphore(%dma_wait3A_149 : memref<!tpu.dma_semaphore, #tpu.memory_space<semaphore_mem>>) src(%dma_wait3A_152 : memref<128x128xf32, #tpu.memory_space<hbm>>) dst(%arg8 : memref<128x128xf32, #tpu.memory_space<vmem>>)
      %rem3A_153 = arith.constant 32 : i32
      %rem3A_154 = arith.remsi %add3A_133, %rem3A_153 : i32
      %dma_start3A_155 = arith.constant 0 : i32
      %dma_start3A_156 = arith.constant 0 : i32
      %dma_start3A_157 = tpu.memref_slice %arg7[%rem3A_154, %dma_start3A_156] : memref<32x128xi32, #tpu.memory_space<vmem>> -> memref<1x128xi32, #tpu.memory_space<vmem>>
      %dma_start3A_158 = tpu.memref_squeeze %dma_start3A_157 : memref<1x128xi32, #tpu.memory_space<vmem>> -> memref<128xi32, #tpu.memory_space<vmem>>
      %dma_start3A_159 = arith.constant 0 : i32
      %dma_start3A_160 = arith.constant 0 : i32
      %dma_start3A_161 = tpu.memref_slice %arg10[%dma_start3A_159, %dma_start3A_160] : memref<10240x128xf32, #tpu.memory_space<vmem_shared>> -> memref<10240x128xf32, #tpu.memory_space<vmem_shared>>
      %dma_start3A_162 = tpu.memref_slice %arg12[%dma_start3A_155] : memref<2x!tpu.dma_semaphore, #tpu.memory_space<semaphore_mem>> -> memref<1x!tpu.dma_semaphore, #tpu.memory_space<semaphore_mem>>
      %dma_start3A_163 = tpu.memref_squeeze %dma_start3A_162 : memref<1x!tpu.dma_semaphore, #tpu.memory_space<semaphore_mem>> -> memref<!tpu.dma_semaphore, #tpu.memory_space<semaphore_mem>>
      tpu.enqueue_indirect_dma source(%arg8 : memref<128x128xf32, #tpu.memory_space<vmem>>) target(%dma_start3A_161 : memref<10240x128xf32, #tpu.memory_space<vmem_shared>>) offsets(%dma_start3A_158 : memref<128xi32, #tpu.memory_space<vmem>>) semaphore(%dma_start3A_163 : memref<!tpu.dma_semaphore, #tpu.memory_space<semaphore_mem>>) {add = true}
      %add3A_164 = arith.constant 1 : i32
      %add3A_165 = arith.addi %add3A_131, %add3A_164 : i32
      %rem3A_166 = arith.constant 16 : i32
      %rem3A_167 = arith.remsi %add3A_165, %rem3A_166 : i32
      %eq3A_168 = arith.constant 0 : i32
      %eq3A_169 = arith.cmpi eq, %rem3A_167, %eq3A_168 : i32
      %convert_element_type3A_170 = arith.extui %eq3A_169 : i1 to i32
      %cond3A_171 = arith.constant 0 : i32
      %cond3A_172 = arith.cmpi ne, %convert_element_type3A_170, %cond3A_171 : i32
      scf.if %cond3A_172 {
        %jit3A_199 = arith.constant 16 : i32
        %div3A_200 = arith.divsi %add3A_165, %jit3A_199 : i32
        %sign3A = arith.constant 0 : i32
        %sign3A_201 = arith.cmpi sgt, %add3A_165, %sign3A : i32
        %sign3A_202 = arith.extui %sign3A_201 : i1 to i32
        %sign3A_203 = arith.constant 0 : i32
        %sign3A_204 = arith.cmpi slt, %add3A_165, %sign3A_203 : i32
        %sign3A_205 = arith.extui %sign3A_204 : i1 to i32
        %sign3A_206 = arith.subi %sign3A_202, %sign3A_205 : i32
        %sign3A_207 = arith.constant 0 : i32
        %sign3A_208 = arith.cmpi sgt, %jit3A_199, %sign3A_207 : i32
        %sign3A_209 = arith.extui %sign3A_208 : i1 to i32
        %sign3A_210 = arith.constant 0 : i32
        %sign3A_211 = arith.cmpi slt, %jit3A_199, %sign3A_210 : i32
        %sign3A_212 = arith.extui %sign3A_211 : i1 to i32
        %sign3A_213 = arith.subi %sign3A_209, %sign3A_212 : i32
        %ne3A = arith.cmpi ne, %sign3A_206, %sign3A_213 : i32
        %rem3A_214 = arith.remsi %add3A_165, %jit3A_199 : i32
        %ne3A_215 = arith.constant 0 : i32
        %ne3A_216 = arith.cmpi ne, %rem3A_214, %ne3A_215 : i32
        %and3A = arith.andi %ne3A, %ne3A_216 : i1
        %sub3A_217 = arith.constant 1 : i32
        %sub3A_218 = arith.subi %div3A_200, %sub3A_217 : i32
        %select_n3A_219 = arith.select %and3A, %sub3A_218, %div3A_200 : i32
        %add3A_220 = arith.constant 1 : i32
        %add3A_221 = arith.addi %select_n3A_219, %add3A_220 : i32
        %mul3A_222 = arith.constant 16 : i32
        %mul3A_223 = arith.muli %add3A_221, %mul3A_222 : i32
        %lt3A_224 = arith.cmpi slt, %mul3A_223, %select_n3A : i32
        %convert_element_type3A_225 = arith.extui %lt3A_224 : i1 to i32
        %cond3A_226 = arith.constant 0 : i32
        %cond3A_227 = arith.cmpi ne, %convert_element_type3A_225, %cond3A_226 : i32
        scf.if %cond3A_227 {
          %add3A_228 = arith.constant 1 : i32
          %add3A_229 = arith.addi %select_n3A_219, %add3A_228 : i32
          %rem3A_230 = arith.constant 2 : i32
          %rem3A_231 = arith.remsi %add3A_229, %rem3A_230 : i32
          %mul3A_232 = arith.constant 16 : i32
          %mul3A_233 = arith.muli %rem3A_231, %mul3A_232 : i32
          %mul3A_234 = arith.constant 16 : i32
          %mul3A_235 = arith.muli %add3A_229, %mul3A_234 : i32
          %add3A_236 = arith.addi %select_n3A_8, %mul3A_235 : i32
          %dma_start3A_237 = arith.constant 0 : i32
          %dma_start3A_238 = tpu.memref_slice %arg6[%mul3A_233, %dma_start3A_237] : memref<32x128xi32, #tpu.memory_space<vmem>> -> memref<16x128xi32, #tpu.memory_space<vmem>>
          %dma_start3A_239 = arith.constant 0 : i32
          %dma_start3A_240 = tpu.memref_slice %arg3[%add3A_236, %dma_start3A_239] : memref<2560x128xi32, #tpu.memory_space<hbm>> -> memref<16x128xi32, #tpu.memory_space<hbm>>
          %dma_start3A_241 = arith.constant 0 : i32
          %dma_start3A_242 = tpu.memref_slice %arg6[%mul3A_233, %dma_start3A_241] : memref<32x128xi32, #tpu.memory_space<vmem>> -> memref<16x128xi32, #tpu.memory_space<vmem>>
          %dma_start3A_243 = arith.constant 0 : i32
          %dma_start3A_244 = tpu.memref_slice %arg3[%add3A_236, %dma_start3A_243] : memref<2560x128xi32, #tpu.memory_space<hbm>> -> memref<16x128xi32, #tpu.memory_space<hbm>>
          tpu.enqueue_dma source(%dma_start3A_244 : memref<16x128xi32, #tpu.memory_space<hbm>>) target(%dma_start3A_242 : memref<16x128xi32, #tpu.memory_space<vmem>>) target_semaphore(%arg13 : memref<!tpu.dma_semaphore, #tpu.memory_space<semaphore_mem>>)
          %mul3A_245 = arith.constant 16 : i32
          %mul3A_246 = arith.muli %add3A_229, %mul3A_245 : i32
          %add3A_247 = arith.addi %select_n3A_8, %mul3A_246 : i32
          %dma_start3A_248 = arith.constant 0 : i32
          %dma_start3A_249 = tpu.memref_slice %arg7[%mul3A_233, %dma_start3A_248] : memref<32x128xi32, #tpu.memory_space<vmem>> -> memref<16x128xi32, #tpu.memory_space<vmem>>
          %dma_start3A_250 = arith.constant 0 : i32
          %dma_start3A_251 = tpu.memref_slice %arg4[%add3A_247, %dma_start3A_250] : memref<2560x128xi32, #tpu.memory_space<hbm>> -> memref<16x128xi32, #tpu.memory_space<hbm>>
          %dma_start3A_252 = arith.constant 0 : i32
          %dma_start3A_253 = tpu.memref_slice %arg7[%mul3A_233, %dma_start3A_252] : memref<32x128xi32, #tpu.memory_space<vmem>> -> memref<16x128xi32, #tpu.memory_space<vmem>>
          %dma_start3A_254 = arith.constant 0 : i32
          %dma_start3A_255 = tpu.memref_slice %arg4[%add3A_247, %dma_start3A_254] : memref<2560x128xi32, #tpu.memory_space<hbm>> -> memref<16x128xi32, #tpu.memory_space<hbm>>
          tpu.enqueue_dma source(%dma_start3A_255 : memref<16x128xi32, #tpu.memory_space<hbm>>) target(%dma_start3A_253 : memref<16x128xi32, #tpu.memory_space<vmem>>) target_semaphore(%arg13 : memref<!tpu.dma_semaphore, #tpu.memory_space<semaphore_mem>>)
          %dma_wait3A_256 = arith.constant 0 : i32
          %dma_wait3A_257 = arith.constant 0 : i32
          %dma_wait3A_258 = tpu.memref_slice %arg6[%dma_wait3A_256, %dma_wait3A_257] : memref<32x128xi32, #tpu.memory_space<vmem>> -> memref<16x128xi32, #tpu.memory_space<vmem>>
          %dma_wait3A_259 = arith.constant 0 : i32
          %dma_wait3A_260 = arith.constant 0 : i32
          %dma_wait3A_261 = tpu.memref_slice %arg3[%dma_wait3A_259, %dma_wait3A_260] : memref<2560x128xi32, #tpu.memory_space<hbm>> -> memref<16x128xi32, #tpu.memory_space<hbm>>
          %dma_wait3A_262 = arith.constant 0 : i32
          %dma_wait3A_263 = arith.constant 0 : i32
          %dma_wait3A_264 = tpu.memref_slice %arg6[%dma_wait3A_262, %dma_wait3A_263] : memref<32x128xi32, #tpu.memory_space<vmem>> -> memref<16x128xi32, #tpu.memory_space<vmem>>
          %dma_wait3A_265 = arith.constant 0 : i32
          %dma_wait3A_266 = arith.constant 0 : i32
          %dma_wait3A_267 = tpu.memref_slice %arg3[%dma_wait3A_265, %dma_wait3A_266] : memref<2560x128xi32, #tpu.memory_space<hbm>> -> memref<16x128xi32, #tpu.memory_space<hbm>>
          tpu.wait_dma2 semaphore(%arg13 : memref<!tpu.dma_semaphore, #tpu.memory_space<semaphore_mem>>) src(%dma_wait3A_267 : memref<16x128xi32, #tpu.memory_space<hbm>>) dst(%dma_wait3A_264 : memref<16x128xi32, #tpu.memory_space<vmem>>)
          %dma_wait3A_268 = arith.constant 0 : i32
          %dma_wait3A_269 = arith.constant 0 : i32
          %dma_wait3A_270 = tpu.memref_slice %arg7[%dma_wait3A_268, %dma_wait3A_269] : memref<32x128xi32, #tpu.memory_space<vmem>> -> memref<16x128xi32, #tpu.memory_space<vmem>>
          %dma_wait3A_271 = arith.constant 0 : i32
          %dma_wait3A_272 = arith.constant 0 : i32
          %dma_wait3A_273 = tpu.memref_slice %arg3[%dma_wait3A_271, %dma_wait3A_272] : memref<2560x128xi32, #tpu.memory_space<hbm>> -> memref<16x128xi32, #tpu.memory_space<hbm>>
          %dma_wait3A_274 = arith.constant 0 : i32
          %dma_wait3A_275 = arith.constant 0 : i32
          %dma_wait3A_276 = tpu.memref_slice %arg7[%dma_wait3A_274, %dma_wait3A_275] : memref<32x128xi32, #tpu.memory_space<vmem>> -> memref<16x128xi32, #tpu.memory_space<vmem>>
          %dma_wait3A_277 = arith.constant 0 : i32
          %dma_wait3A_278 = arith.constant 0 : i32
          %dma_wait3A_279 = tpu.memref_slice %arg3[%dma_wait3A_277, %dma_wait3A_278] : memref<2560x128xi32, #tpu.memory_space<hbm>> -> memref<16x128xi32, #tpu.memory_space<hbm>>
          tpu.wait_dma2 semaphore(%arg13 : memref<!tpu.dma_semaphore, #tpu.memory_space<semaphore_mem>>) src(%dma_wait3A_279 : memref<16x128xi32, #tpu.memory_space<hbm>>) dst(%dma_wait3A_276 : memref<16x128xi32, #tpu.memory_space<vmem>>)
        } else {
        }
      } else {
      }
      %add3A_173 = arith.constant 1 : i32
      %add3A_174 = arith.addi %add3A_165, %add3A_173 : i32
      %lt3A_175 = arith.cmpi slt, %add3A_174, %select_n3A : i32
      %convert_element_type3A_176 = arith.extui %lt3A_175 : i1 to i32
      %cond3A_177 = arith.constant 0 : i32
      %cond3A_178 = arith.cmpi ne, %convert_element_type3A_176, %cond3A_177 : i32
      scf.if %cond3A_178 {
        %sub3A_199 = arith.constant 1 : i32
        %sub3A_200 = arith.subi %add3A_165, %sub3A_199 : i32
        %ge3A = arith.constant 0 : i32
        %ge3A_201 = arith.cmpi sge, %sub3A_200, %ge3A : i32
        %convert_element_type3A_202 = arith.extui %ge3A_201 : i1 to i32
        %cond3A_203 = arith.constant 0 : i32
        %cond3A_204 = arith.cmpi ne, %convert_element_type3A_202, %cond3A_203 : i32
        scf.if %cond3A_204 {
          %dma_wait3A_218 = arith.constant 0 : i32
          %dma_wait3A_219 = arith.constant 0 : i32
          %dma_wait3A_220 = arith.constant 0 : i32
          %dma_wait3A_221 = tpu.memref_slice %arg2[%dma_wait3A_219, %dma_wait3A_220] : memref<10000x128xf32, #tpu.memory_space<hbm>> -> memref<128x128xf32, #tpu.memory_space<hbm>>
          %dma_wait3A_222 = tpu.memref_slice %arg12[%dma_wait3A_218] : memref<2x!tpu.dma_semaphore, #tpu.memory_space<semaphore_mem>> -> memref<1x!tpu.dma_semaphore, #tpu.memory_space<semaphore_mem>>
          %dma_wait3A_223 = tpu.memref_squeeze %dma_wait3A_222 : memref<1x!tpu.dma_semaphore, #tpu.memory_space<semaphore_mem>> -> memref<!tpu.dma_semaphore, #tpu.memory_space<semaphore_mem>>
          %dma_wait3A_224 = arith.constant 0 : i32
          %dma_wait3A_225 = arith.constant 0 : i32
          %dma_wait3A_226 = tpu.memref_slice %arg2[%dma_wait3A_224, %dma_wait3A_225] : memref<10000x128xf32, #tpu.memory_space<hbm>> -> memref<128x128xf32, #tpu.memory_space<hbm>>
          tpu.wait_dma2 semaphore(%dma_wait3A_223 : memref<!tpu.dma_semaphore, #tpu.memory_space<semaphore_mem>>) src(%dma_wait3A_226 : memref<128x128xf32, #tpu.memory_space<hbm>>) dst(%arg8 : memref<128x128xf32, #tpu.memory_space<vmem>>)
        } else {
        }
        %add3A_205 = arith.constant 1 : i32
        %add3A_206 = arith.addi %add3A_165, %add3A_205 : i32
        %rem3A_207 = arith.constant 32 : i32
        %rem3A_208 = arith.remsi %add3A_206, %rem3A_207 : i32
        %dma_start3A_209 = arith.constant 0 : i32
        %dma_start3A_210 = arith.constant 0 : i32
        %dma_start3A_211 = tpu.memref_slice %arg6[%rem3A_208, %dma_start3A_210] : memref<32x128xi32, #tpu.memory_space<vmem>> -> memref<1x128xi32, #tpu.memory_space<vmem>>
        %dma_start3A_212 = tpu.memref_squeeze %dma_start3A_211 : memref<1x128xi32, #tpu.memory_space<vmem>> -> memref<128xi32, #tpu.memory_space<vmem>>
        %dma_start3A_213 = arith.constant 0 : i32
        %dma_start3A_214 = arith.constant 0 : i32
        %dma_start3A_215 = tpu.memref_slice %arg2[%dma_start3A_213, %dma_start3A_214] : memref<10000x128xf32, #tpu.memory_space<hbm>> -> memref<10000x128xf32, #tpu.memory_space<hbm>>
        %dma_start3A_216 = tpu.memref_slice %arg11[%dma_start3A_209] : memref<2x!tpu.dma_semaphore, #tpu.memory_space<semaphore_mem>> -> memref<1x!tpu.dma_semaphore, #tpu.memory_space<semaphore_mem>>
        %dma_start3A_217 = tpu.memref_squeeze %dma_start3A_216 : memref<1x!tpu.dma_semaphore, #tpu.memory_space<semaphore_mem>> -> memref<!tpu.dma_semaphore, #tpu.memory_space<semaphore_mem>>
        tpu.enqueue_indirect_dma source(%dma_start3A_215 : memref<10000x128xf32, #tpu.memory_space<hbm>>) target(%arg8 : memref<128x128xf32, #tpu.memory_space<vmem>>) offsets(%dma_start3A_212 : memref<128xi32, #tpu.memory_space<vmem>>) semaphore(%dma_start3A_217 : memref<!tpu.dma_semaphore, #tpu.memory_space<semaphore_mem>>)
      } else {
      }
      %dma_wait3A_179 = arith.constant 1 : i32
      %dma_wait3A_180 = arith.constant 0 : i32
      %dma_wait3A_181 = arith.constant 0 : i32
      %dma_wait3A_182 = tpu.memref_slice %arg2[%dma_wait3A_180, %dma_wait3A_181] : memref<10000x128xf32, #tpu.memory_space<hbm>> -> memref<128x128xf32, #tpu.memory_space<hbm>>
      %dma_wait3A_183 = tpu.memref_slice %arg11[%dma_wait3A_179] : memref<2x!tpu.dma_semaphore, #tpu.memory_space<semaphore_mem>> -> memref<1x!tpu.dma_semaphore, #tpu.memory_space<semaphore_mem>>
      %dma_wait3A_184 = tpu.memref_squeeze %dma_wait3A_183 : memref<1x!tpu.dma_semaphore, #tpu.memory_space<semaphore_mem>> -> memref<!tpu.dma_semaphore, #tpu.memory_space<semaphore_mem>>
      %dma_wait3A_185 = arith.constant 0 : i32
      %dma_wait3A_186 = arith.constant 0 : i32
      %dma_wait3A_187 = tpu.memref_slice %arg2[%dma_wait3A_185, %dma_wait3A_186] : memref<10000x128xf32, #tpu.memory_space<hbm>> -> memref<128x128xf32, #tpu.memory_space<hbm>>
      tpu.wait_dma2 semaphore(%dma_wait3A_184 : memref<!tpu.dma_semaphore, #tpu.memory_space<semaphore_mem>>) src(%dma_wait3A_187 : memref<128x128xf32, #tpu.memory_space<hbm>>) dst(%arg9 : memref<128x128xf32, #tpu.memory_space<vmem>>)
      %rem3A_188 = arith.constant 32 : i32
      %rem3A_189 = arith.remsi %add3A_165, %rem3A_188 : i32
      %dma_start3A_190 = arith.constant 1 : i32
      %dma_start3A_191 = arith.constant 0 : i32
      %dma_start3A_192 = tpu.memref_slice %arg7[%rem3A_189, %dma_start3A_191] : memref<32x128xi32, #tpu.memory_space<vmem>> -> memref<1x128xi32, #tpu.memory_space<vmem>>
      %dma_start3A_193 = tpu.memref_squeeze %dma_start3A_192 : memref<1x128xi32, #tpu.memory_space<vmem>> -> memref<128xi32, #tpu.memory_space<vmem>>
      %dma_start3A_194 = arith.constant 0 : i32
      %dma_start3A_195 = arith.constant 0 : i32
      %dma_start3A_196 = tpu.memref_slice %arg10[%dma_start3A_194, %dma_start3A_195] : memref<10240x128xf32, #tpu.memory_space<vmem_shared>> -> memref<10240x128xf32, #tpu.memory_space<vmem_shared>>
      %dma_start3A_197 = tpu.memref_slice %arg12[%dma_start3A_190] : memref<2x!tpu.dma_semaphore, #tpu.memory_space<semaphore_mem>> -> memref<1x!tpu.dma_semaphore, #tpu.memory_space<semaphore_mem>>
      %dma_start3A_198 = tpu.memref_squeeze %dma_start3A_197 : memref<1x!tpu.dma_semaphore, #tpu.memory_space<semaphore_mem>> -> memref<!tpu.dma_semaphore, #tpu.memory_space<semaphore_mem>>
      tpu.enqueue_indirect_dma source(%arg9 : memref<128x128xf32, #tpu.memory_space<vmem>>) target(%dma_start3A_196 : memref<10240x128xf32, #tpu.memory_space<vmem_shared>>) offsets(%dma_start3A_193 : memref<128xi32, #tpu.memory_space<vmem>>) semaphore(%dma_start3A_198 : memref<!tpu.dma_semaphore, #tpu.memory_space<semaphore_mem>>) {add = true}
    }
    %while3A_105 = arith.constant 1 : i32
    scf.for %while3A_129 = %while3A_103 to %while3A_99 step %while3A_105  : i32 {
      %mul3A_130 = arith.muli %while3A_129, %while3A : i32
      %add3A_131 = arith.addi %while3A_96, %mul3A_130 : i32
      %add3A_132 = arith.constant 0 : i32
      %add3A_133 = arith.addi %add3A_131, %add3A_132 : i32
      %rem3A_134 = arith.constant 16 : i32
      %rem3A_135 = arith.remsi %add3A_133, %rem3A_134 : i32
      %eq3A_136 = arith.constant 0 : i32
      %eq3A_137 = arith.cmpi eq, %rem3A_135, %eq3A_136 : i32
      %convert_element_type3A = arith.extui %eq3A_137 : i1 to i32
      %cond3A = arith.constant 0 : i32
      %cond3A_138 = arith.cmpi ne, %convert_element_type3A, %cond3A : i32
      scf.if %cond3A_138 {
        %jit3A_199 = arith.constant 16 : i32
        %div3A_200 = arith.divsi %add3A_133, %jit3A_199 : i32
        %sign3A = arith.constant 0 : i32
        %sign3A_201 = arith.cmpi sgt, %add3A_133, %sign3A : i32
        %sign3A_202 = arith.extui %sign3A_201 : i1 to i32
        %sign3A_203 = arith.constant 0 : i32
        %sign3A_204 = arith.cmpi slt, %add3A_133, %sign3A_203 : i32
        %sign3A_205 = arith.extui %sign3A_204 : i1 to i32
        %sign3A_206 = arith.subi %sign3A_202, %sign3A_205 : i32
        %sign3A_207 = arith.constant 0 : i32
        %sign3A_208 = arith.cmpi sgt, %jit3A_199, %sign3A_207 : i32
        %sign3A_209 = arith.extui %sign3A_208 : i1 to i32
        %sign3A_210 = arith.constant 0 : i32
        %sign3A_211 = arith.cmpi slt, %jit3A_199, %sign3A_210 : i32
        %sign3A_212 = arith.extui %sign3A_211 : i1 to i32
        %sign3A_213 = arith.subi %sign3A_209, %sign3A_212 : i32
        %ne3A = arith.cmpi ne, %sign3A_206, %sign3A_213 : i32
        %rem3A_214 = arith.remsi %add3A_133, %jit3A_199 : i32
        %ne3A_215 = arith.constant 0 : i32
        %ne3A_216 = arith.cmpi ne, %rem3A_214, %ne3A_215 : i32
        %and3A = arith.andi %ne3A, %ne3A_216 : i1
        %sub3A_217 = arith.constant 1 : i32
        %sub3A_218 = arith.subi %div3A_200, %sub3A_217 : i32
        %select_n3A_219 = arith.select %and3A, %sub3A_218, %div3A_200 : i32
        %add3A_220 = arith.constant 1 : i32
        %add3A_221 = arith.addi %select_n3A_219, %add3A_220 : i32
        %mul3A_222 = arith.constant 16 : i32
        %mul3A_223 = arith.muli %add3A_221, %mul3A_222 : i32
        %lt3A_224 = arith.cmpi slt, %mul3A_223, %select_n3A : i32
        %convert_element_type3A_225 = arith.extui %lt3A_224 : i1 to i32
        %cond3A_226 = arith.constant 0 : i32
        %cond3A_227 = arith.cmpi ne, %convert_element_type3A_225, %cond3A_226 : i32
        scf.if %cond3A_227 {
          %add3A_228 = arith.constant 1 : i32
          %add3A_229 = arith.addi %select_n3A_219, %add3A_228 : i32
          %rem3A_230 = arith.constant 2 : i32
          %rem3A_231 = arith.remsi %add3A_229, %rem3A_230 : i32
          %mul3A_232 = arith.constant 16 : i32
          %mul3A_233 = arith.muli %rem3A_231, %mul3A_232 : i32
          %mul3A_234 = arith.constant 16 : i32
          %mul3A_235 = arith.muli %add3A_229, %mul3A_234 : i32
          %add3A_236 = arith.addi %select_n3A_8, %mul3A_235 : i32
          %dma_start3A_237 = arith.constant 0 : i32
          %dma_start3A_238 = tpu.memref_slice %arg6[%mul3A_233, %dma_start3A_237] : memref<32x128xi32, #tpu.memory_space<vmem>> -> memref<16x128xi32, #tpu.memory_space<vmem>>
          %dma_start3A_239 = arith.constant 0 : i32
          %dma_start3A_240 = tpu.memref_slice %arg3[%add3A_236, %dma_start3A_239] : memref<2560x128xi32, #tpu.memory_space<hbm>> -> memref<16x128xi32, #tpu.memory_space<hbm>>
          %dma_start3A_241 = arith.constant 0 : i32
          %dma_start3A_242 = tpu.memref_slice %arg6[%mul3A_233, %dma_start3A_241] : memref<32x128xi32, #tpu.memory_space<vmem>> -> memref<16x128xi32, #tpu.memory_space<vmem>>
          %dma_start3A_243 = arith.constant 0 : i32
          %dma_start3A_244 = tpu.memref_slice %arg3[%add3A_236, %dma_start3A_243] : memref<2560x128xi32, #tpu.memory_space<hbm>> -> memref<16x128xi32, #tpu.memory_space<hbm>>
          tpu.enqueue_dma source(%dma_start3A_244 : memref<16x128xi32, #tpu.memory_space<hbm>>) target(%dma_start3A_242 : memref<16x128xi32, #tpu.memory_space<vmem>>) target_semaphore(%arg13 : memref<!tpu.dma_semaphore, #tpu.memory_space<semaphore_mem>>)
          %mul3A_245 = arith.constant 16 : i32
          %mul3A_246 = arith.muli %add3A_229, %mul3A_245 : i32
          %add3A_247 = arith.addi %select_n3A_8, %mul3A_246 : i32
          %dma_start3A_248 = arith.constant 0 : i32
          %dma_start3A_249 = tpu.memref_slice %arg7[%mul3A_233, %dma_start3A_248] : memref<32x128xi32, #tpu.memory_space<vmem>> -> memref<16x128xi32, #tpu.memory_space<vmem>>
          %dma_start3A_250 = arith.constant 0 : i32
          %dma_start3A_251 = tpu.memref_slice %arg4[%add3A_247, %dma_start3A_250] : memref<2560x128xi32, #tpu.memory_space<hbm>> -> memref<16x128xi32, #tpu.memory_space<hbm>>
          %dma_start3A_252 = arith.constant 0 : i32
          %dma_start3A_253 = tpu.memref_slice %arg7[%mul3A_233, %dma_start3A_252] : memref<32x128xi32, #tpu.memory_space<vmem>> -> memref<16x128xi32, #tpu.memory_space<vmem>>
          %dma_start3A_254 = arith.constant 0 : i32
          %dma_start3A_255 = tpu.memref_slice %arg4[%add3A_247, %dma_start3A_254] : memref<2560x128xi32, #tpu.memory_space<hbm>> -> memref<16x128xi32, #tpu.memory_space<hbm>>
          tpu.enqueue_dma source(%dma_start3A_255 : memref<16x128xi32, #tpu.memory_space<hbm>>) target(%dma_start3A_253 : memref<16x128xi32, #tpu.memory_space<vmem>>) target_semaphore(%arg13 : memref<!tpu.dma_semaphore, #tpu.memory_space<semaphore_mem>>)
          %dma_wait3A_256 = arith.constant 0 : i32
          %dma_wait3A_257 = arith.constant 0 : i32
          %dma_wait3A_258 = tpu.memref_slice %arg6[%dma_wait3A_256, %dma_wait3A_257] : memref<32x128xi32, #tpu.memory_space<vmem>> -> memref<16x128xi32, #tpu.memory_space<vmem>>
          %dma_wait3A_259 = arith.constant 0 : i32
          %dma_wait3A_260 = arith.constant 0 : i32
          %dma_wait3A_261 = tpu.memref_slice %arg3[%dma_wait3A_259, %dma_wait3A_260] : memref<2560x128xi32, #tpu.memory_space<hbm>> -> memref<16x128xi32, #tpu.memory_space<hbm>>
          %dma_wait3A_262 = arith.constant 0 : i32
          %dma_wait3A_263 = arith.constant 0 : i32
          %dma_wait3A_264 = tpu.memref_slice %arg6[%dma_wait3A_262, %dma_wait3A_263] : memref<32x128xi32, #tpu.memory_space<vmem>> -> memref<16x128xi32, #tpu.memory_space<vmem>>
          %dma_wait3A_265 = arith.constant 0 : i32
          %dma_wait3A_266 = arith.constant 0 : i32
          %dma_wait3A_267 = tpu.memref_slice %arg3[%dma_wait3A_265, %dma_wait3A_266] : memref<2560x128xi32, #tpu.memory_space<hbm>> -> memref<16x128xi32, #tpu.memory_space<hbm>>
          tpu.wait_dma2 semaphore(%arg13 : memref<!tpu.dma_semaphore, #tpu.memory_space<semaphore_mem>>) src(%dma_wait3A_267 : memref<16x128xi32, #tpu.memory_space<hbm>>) dst(%dma_wait3A_264 : memref<16x128xi32, #tpu.memory_space<vmem>>)
          %dma_wait3A_268 = arith.constant 0 : i32
          %dma_wait3A_269 = arith.constant 0 : i32
          %dma_wait3A_270 = tpu.memref_slice %arg7[%dma_wait3A_268, %dma_wait3A_269] : memref<32x128xi32, #tpu.memory_space<vmem>> -> memref<16x128xi32, #tpu.memory_space<vmem>>
          %dma_wait3A_271 = arith.constant 0 : i32
          %dma_wait3A_272 = arith.constant 0 : i32
          %dma_wait3A_273 = tpu.memref_slice %arg3[%dma_wait3A_271, %dma_wait3A_272] : memref<2560x128xi32, #tpu.memory_space<hbm>> -> memref<16x128xi32, #tpu.memory_space<hbm>>
          %dma_wait3A_274 = arith.constant 0 : i32
          %dma_wait3A_275 = arith.constant 0 : i32
          %dma_wait3A_276 = tpu.memref_slice %arg7[%dma_wait3A_274, %dma_wait3A_275] : memref<32x128xi32, #tpu.memory_space<vmem>> -> memref<16x128xi32, #tpu.memory_space<vmem>>
          %dma_wait3A_277 = arith.constant 0 : i32
          %dma_wait3A_278 = arith.constant 0 : i32
          %dma_wait3A_279 = tpu.memref_slice %arg3[%dma_wait3A_277, %dma_wait3A_278] : memref<2560x128xi32, #tpu.memory_space<hbm>> -> memref<16x128xi32, #tpu.memory_space<hbm>>
          tpu.wait_dma2 semaphore(%arg13 : memref<!tpu.dma_semaphore, #tpu.memory_space<semaphore_mem>>) src(%dma_wait3A_279 : memref<16x128xi32, #tpu.memory_space<hbm>>) dst(%dma_wait3A_276 : memref<16x128xi32, #tpu.memory_space<vmem>>)
        } else {
        }
      } else {
      }
      %add3A_139 = arith.constant 1 : i32
      %add3A_140 = arith.addi %add3A_133, %add3A_139 : i32
      %lt3A = arith.cmpi slt, %add3A_140, %select_n3A : i32
      %convert_element_type3A_141 = arith.extui %lt3A : i1 to i32
      %cond3A_142 = arith.constant 0 : i32
      %cond3A_143 = arith.cmpi ne, %convert_element_type3A_141, %cond3A_142 : i32
      scf.if %cond3A_143 {
        %sub3A_199 = arith.constant 1 : i32
        %sub3A_200 = arith.subi %add3A_133, %sub3A_199 : i32
        %ge3A = arith.constant 0 : i32
        %ge3A_201 = arith.cmpi sge, %sub3A_200, %ge3A : i32
        %convert_element_type3A_202 = arith.extui %ge3A_201 : i1 to i32
        %cond3A_203 = arith.constant 0 : i32
        %cond3A_204 = arith.cmpi ne, %convert_element_type3A_202, %cond3A_203 : i32
        scf.if %cond3A_204 {
          %dma_wait3A_218 = arith.constant 1 : i32
          %dma_wait3A_219 = arith.constant 0 : i32
          %dma_wait3A_220 = arith.constant 0 : i32
          %dma_wait3A_221 = tpu.memref_slice %arg2[%dma_wait3A_219, %dma_wait3A_220] : memref<10000x128xf32, #tpu.memory_space<hbm>> -> memref<128x128xf32, #tpu.memory_space<hbm>>
          %dma_wait3A_222 = tpu.memref_slice %arg12[%dma_wait3A_218] : memref<2x!tpu.dma_semaphore, #tpu.memory_space<semaphore_mem>> -> memref<1x!tpu.dma_semaphore, #tpu.memory_space<semaphore_mem>>
          %dma_wait3A_223 = tpu.memref_squeeze %dma_wait3A_222 : memref<1x!tpu.dma_semaphore, #tpu.memory_space<semaphore_mem>> -> memref<!tpu.dma_semaphore, #tpu.memory_space<semaphore_mem>>
          %dma_wait3A_224 = arith.constant 0 : i32
          %dma_wait3A_225 = arith.constant 0 : i32
          %dma_wait3A_226 = tpu.memref_slice %arg2[%dma_wait3A_224, %dma_wait3A_225] : memref<10000x128xf32, #tpu.memory_space<hbm>> -> memref<128x128xf32, #tpu.memory_space<hbm>>
          tpu.wait_dma2 semaphore(%dma_wait3A_223 : memref<!tpu.dma_semaphore, #tpu.memory_space<semaphore_mem>>) src(%dma_wait3A_226 : memref<128x128xf32, #tpu.memory_space<hbm>>) dst(%arg9 : memref<128x128xf32, #tpu.memory_space<vmem>>)
        } else {
        }
        %add3A_205 = arith.constant 1 : i32
        %add3A_206 = arith.addi %add3A_133, %add3A_205 : i32
        %rem3A_207 = arith.constant 32 : i32
        %rem3A_208 = arith.remsi %add3A_206, %rem3A_207 : i32
        %dma_start3A_209 = arith.constant 1 : i32
        %dma_start3A_210 = arith.constant 0 : i32
        %dma_start3A_211 = tpu.memref_slice %arg6[%rem3A_208, %dma_start3A_210] : memref<32x128xi32, #tpu.memory_space<vmem>> -> memref<1x128xi32, #tpu.memory_space<vmem>>
        %dma_start3A_212 = tpu.memref_squeeze %dma_start3A_211 : memref<1x128xi32, #tpu.memory_space<vmem>> -> memref<128xi32, #tpu.memory_space<vmem>>
        %dma_start3A_213 = arith.constant 0 : i32
        %dma_start3A_214 = arith.constant 0 : i32
        %dma_start3A_215 = tpu.memref_slice %arg2[%dma_start3A_213, %dma_start3A_214] : memref<10000x128xf32, #tpu.memory_space<hbm>> -> memref<10000x128xf32, #tpu.memory_space<hbm>>
        %dma_start3A_216 = tpu.memref_slice %arg11[%dma_start3A_209] : memref<2x!tpu.dma_semaphore, #tpu.memory_space<semaphore_mem>> -> memref<1x!tpu.dma_semaphore, #tpu.memory_space<semaphore_mem>>
        %dma_start3A_217 = tpu.memref_squeeze %dma_start3A_216 : memref<1x!tpu.dma_semaphore, #tpu.memory_space<semaphore_mem>> -> memref<!tpu.dma_semaphore, #tpu.memory_space<semaphore_mem>>
        tpu.enqueue_indirect_dma source(%dma_start3A_215 : memref<10000x128xf32, #tpu.memory_space<hbm>>) target(%arg9 : memref<128x128xf32, #tpu.memory_space<vmem>>) offsets(%dma_start3A_212 : memref<128xi32, #tpu.memory_space<vmem>>) semaphore(%dma_start3A_217 : memref<!tpu.dma_semaphore, #tpu.memory_space<semaphore_mem>>)
      } else {
      }
      %dma_wait3A_144 = arith.constant 0 : i32
      %dma_wait3A_145 = arith.constant 0 : i32
      %dma_wait3A_146 = arith.constant 0 : i32
      %dma_wait3A_147 = tpu.memref_slice %arg2[%dma_wait3A_145, %dma_wait3A_146] : memref<10000x128xf32, #tpu.memory_space<hbm>> -> memref<128x128xf32, #tpu.memory_space<hbm>>
      %dma_wait3A_148 = tpu.memref_slice %arg11[%dma_wait3A_144] : memref<2x!tpu.dma_semaphore, #tpu.memory_space<semaphore_mem>> -> memref<1x!tpu.dma_semaphore, #tpu.memory_space<semaphore_mem>>
      %dma_wait3A_149 = tpu.memref_squeeze %dma_wait3A_148 : memref<1x!tpu.dma_semaphore, #tpu.memory_space<semaphore_mem>> -> memref<!tpu.dma_semaphore, #tpu.memory_space<semaphore_mem>>
      %dma_wait3A_150 = arith.constant 0 : i32
      %dma_wait3A_151 = arith.constant 0 : i32
      %dma_wait3A_152 = tpu.memref_slice %arg2[%dma_wait3A_150, %dma_wait3A_151] : memref<10000x128xf32, #tpu.memory_space<hbm>> -> memref<128x128xf32, #tpu.memory_space<hbm>>
      tpu.wait_dma2 semaphore(%dma_wait3A_149 : memref<!tpu.dma_semaphore, #tpu.memory_space<semaphore_mem>>) src(%dma_wait3A_152 : memref<128x128xf32, #tpu.memory_space<hbm>>) dst(%arg8 : memref<128x128xf32, #tpu.memory_space<vmem>>)
      %rem3A_153 = arith.constant 32 : i32
      %rem3A_154 = arith.remsi %add3A_133, %rem3A_153 : i32
      %dma_start3A_155 = arith.constant 0 : i32
      %dma_start3A_156 = arith.constant 0 : i32
      %dma_start3A_157 = tpu.memref_slice %arg7[%rem3A_154, %dma_start3A_156] : memref<32x128xi32, #tpu.memory_space<vmem>> -> memref<1x128xi32, #tpu.memory_space<vmem>>
      %dma_start3A_158 = tpu.memref_squeeze %dma_start3A_157 : memref<1x128xi32, #tpu.memory_space<vmem>> -> memref<128xi32, #tpu.memory_space<vmem>>
      %dma_start3A_159 = arith.constant 0 : i32
      %dma_start3A_160 = arith.constant 0 : i32
      %dma_start3A_161 = tpu.memref_slice %arg10[%dma_start3A_159, %dma_start3A_160] : memref<10240x128xf32, #tpu.memory_space<vmem_shared>> -> memref<10240x128xf32, #tpu.memory_space<vmem_shared>>
      %dma_start3A_162 = tpu.memref_slice %arg12[%dma_start3A_155] : memref<2x!tpu.dma_semaphore, #tpu.memory_space<semaphore_mem>> -> memref<1x!tpu.dma_semaphore, #tpu.memory_space<semaphore_mem>>
      %dma_start3A_163 = tpu.memref_squeeze %dma_start3A_162 : memref<1x!tpu.dma_semaphore, #tpu.memory_space<semaphore_mem>> -> memref<!tpu.dma_semaphore, #tpu.memory_space<semaphore_mem>>
      tpu.enqueue_indirect_dma source(%arg8 : memref<128x128xf32, #tpu.memory_space<vmem>>) target(%dma_start3A_161 : memref<10240x128xf32, #tpu.memory_space<vmem_shared>>) offsets(%dma_start3A_158 : memref<128xi32, #tpu.memory_space<vmem>>) semaphore(%dma_start3A_163 : memref<!tpu.dma_semaphore, #tpu.memory_space<semaphore_mem>>) {add = true}
      %add3A_164 = arith.constant 1 : i32
      %add3A_165 = arith.addi %add3A_131, %add3A_164 : i32
      %rem3A_166 = arith.constant 16 : i32
      %rem3A_167 = arith.remsi %add3A_165, %rem3A_166 : i32
      %eq3A_168 = arith.constant 0 : i32
      %eq3A_169 = arith.cmpi eq, %rem3A_167, %eq3A_168 : i32
      %convert_element_type3A_170 = arith.extui %eq3A_169 : i1 to i32
      %cond3A_171 = arith.constant 0 : i32
      %cond3A_172 = arith.cmpi ne, %convert_element_type3A_170, %cond3A_171 : i32
      scf.if %cond3A_172 {
        %jit3A_199 = arith.constant 16 : i32
        %div3A_200 = arith.divsi %add3A_165, %jit3A_199 : i32
        %sign3A = arith.constant 0 : i32
        %sign3A_201 = arith.cmpi sgt, %add3A_165, %sign3A : i32
        %sign3A_202 = arith.extui %sign3A_201 : i1 to i32
        %sign3A_203 = arith.constant 0 : i32
        %sign3A_204 = arith.cmpi slt, %add3A_165, %sign3A_203 : i32
        %sign3A_205 = arith.extui %sign3A_204 : i1 to i32
        %sign3A_206 = arith.subi %sign3A_202, %sign3A_205 : i32
        %sign3A_207 = arith.constant 0 : i32
        %sign3A_208 = arith.cmpi sgt, %jit3A_199, %sign3A_207 : i32
        %sign3A_209 = arith.extui %sign3A_208 : i1 to i32
        %sign3A_210 = arith.constant 0 : i32
        %sign3A_211 = arith.cmpi slt, %jit3A_199, %sign3A_210 : i32
        %sign3A_212 = arith.extui %sign3A_211 : i1 to i32
        %sign3A_213 = arith.subi %sign3A_209, %sign3A_212 : i32
        %ne3A = arith.cmpi ne, %sign3A_206, %sign3A_213 : i32
        %rem3A_214 = arith.remsi %add3A_165, %jit3A_199 : i32
        %ne3A_215 = arith.constant 0 : i32
        %ne3A_216 = arith.cmpi ne, %rem3A_214, %ne3A_215 : i32
        %and3A = arith.andi %ne3A, %ne3A_216 : i1
        %sub3A_217 = arith.constant 1 : i32
        %sub3A_218 = arith.subi %div3A_200, %sub3A_217 : i32
        %select_n3A_219 = arith.select %and3A, %sub3A_218, %div3A_200 : i32
        %add3A_220 = arith.constant 1 : i32
        %add3A_221 = arith.addi %select_n3A_219, %add3A_220 : i32
        %mul3A_222 = arith.constant 16 : i32
        %mul3A_223 = arith.muli %add3A_221, %mul3A_222 : i32
        %lt3A_224 = arith.cmpi slt, %mul3A_223, %select_n3A : i32
        %convert_element_type3A_225 = arith.extui %lt3A_224 : i1 to i32
        %cond3A_226 = arith.constant 0 : i32
        %cond3A_227 = arith.cmpi ne, %convert_element_type3A_225, %cond3A_226 : i32
        scf.if %cond3A_227 {
          %add3A_228 = arith.constant 1 : i32
          %add3A_229 = arith.addi %select_n3A_219, %add3A_228 : i32
          %rem3A_230 = arith.constant 2 : i32
          %rem3A_231 = arith.remsi %add3A_229, %rem3A_230 : i32
          %mul3A_232 = arith.constant 16 : i32
          %mul3A_233 = arith.muli %rem3A_231, %mul3A_232 : i32
          %mul3A_234 = arith.constant 16 : i32
          %mul3A_235 = arith.muli %add3A_229, %mul3A_234 : i32
          %add3A_236 = arith.addi %select_n3A_8, %mul3A_235 : i32
          %dma_start3A_237 = arith.constant 0 : i32
          %dma_start3A_238 = tpu.memref_slice %arg6[%mul3A_233, %dma_start3A_237] : memref<32x128xi32, #tpu.memory_space<vmem>> -> memref<16x128xi32, #tpu.memory_space<vmem>>
          %dma_start3A_239 = arith.constant 0 : i32
          %dma_start3A_240 = tpu.memref_slice %arg3[%add3A_236, %dma_start3A_239] : memref<2560x128xi32, #tpu.memory_space<hbm>> -> memref<16x128xi32, #tpu.memory_space<hbm>>
          %dma_start3A_241 = arith.constant 0 : i32
          %dma_start3A_242 = tpu.memref_slice %arg6[%mul3A_233, %dma_start3A_241] : memref<32x128xi32, #tpu.memory_space<vmem>> -> memref<16x128xi32, #tpu.memory_space<vmem>>
          %dma_start3A_243 = arith.constant 0 : i32
          %dma_start3A_244 = tpu.memref_slice %arg3[%add3A_236, %dma_start3A_243] : memref<2560x128xi32, #tpu.memory_space<hbm>> -> memref<16x128xi32, #tpu.memory_space<hbm>>
          tpu.enqueue_dma source(%dma_start3A_244 : memref<16x128xi32, #tpu.memory_space<hbm>>) target(%dma_start3A_242 : memref<16x128xi32, #tpu.memory_space<vmem>>) target_semaphore(%arg13 : memref<!tpu.dma_semaphore, #tpu.memory_space<semaphore_mem>>)
          %mul3A_245 = arith.constant 16 : i32
          %mul3A_246 = arith.muli %add3A_229, %mul3A_245 : i32
          %add3A_247 = arith.addi %select_n3A_8, %mul3A_246 : i32
          %dma_start3A_248 = arith.constant 0 : i32
          %dma_start3A_249 = tpu.memref_slice %arg7[%mul3A_233, %dma_start3A_248] : memref<32x128xi32, #tpu.memory_space<vmem>> -> memref<16x128xi32, #tpu.memory_space<vmem>>
          %dma_start3A_250 = arith.constant 0 : i32
          %dma_start3A_251 = tpu.memref_slice %arg4[%add3A_247, %dma_start3A_250] : memref<2560x128xi32, #tpu.memory_space<hbm>> -> memref<16x128xi32, #tpu.memory_space<hbm>>
          %dma_start3A_252 = arith.constant 0 : i32
          %dma_start3A_253 = tpu.memref_slice %arg7[%mul3A_233, %dma_start3A_252] : memref<32x128xi32, #tpu.memory_space<vmem>> -> memref<16x128xi32, #tpu.memory_space<vmem>>
          %dma_start3A_254 = arith.constant 0 : i32
          %dma_start3A_255 = tpu.memref_slice %arg4[%add3A_247, %dma_start3A_254] : memref<2560x128xi32, #tpu.memory_space<hbm>> -> memref<16x128xi32, #tpu.memory_space<hbm>>
          tpu.enqueue_dma source(%dma_start3A_255 : memref<16x128xi32, #tpu.memory_space<hbm>>) target(%dma_start3A_253 : memref<16x128xi32, #tpu.memory_space<vmem>>) target_semaphore(%arg13 : memref<!tpu.dma_semaphore, #tpu.memory_space<semaphore_mem>>)
          %dma_wait3A_256 = arith.constant 0 : i32
          %dma_wait3A_257 = arith.constant 0 : i32
          %dma_wait3A_258 = tpu.memref_slice %arg6[%dma_wait3A_256, %dma_wait3A_257] : memref<32x128xi32, #tpu.memory_space<vmem>> -> memref<16x128xi32, #tpu.memory_space<vmem>>
          %dma_wait3A_259 = arith.constant 0 : i32
          %dma_wait3A_260 = arith.constant 0 : i32
          %dma_wait3A_261 = tpu.memref_slice %arg3[%dma_wait3A_259, %dma_wait3A_260] : memref<2560x128xi32, #tpu.memory_space<hbm>> -> memref<16x128xi32, #tpu.memory_space<hbm>>
          %dma_wait3A_262 = arith.constant 0 : i32
          %dma_wait3A_263 = arith.constant 0 : i32
          %dma_wait3A_264 = tpu.memref_slice %arg6[%dma_wait3A_262, %dma_wait3A_263] : memref<32x128xi32, #tpu.memory_space<vmem>> -> memref<16x128xi32, #tpu.memory_space<vmem>>
          %dma_wait3A_265 = arith.constant 0 : i32
          %dma_wait3A_266 = arith.constant 0 : i32
          %dma_wait3A_267 = tpu.memref_slice %arg3[%dma_wait3A_265, %dma_wait3A_266] : memref<2560x128xi32, #tpu.memory_space<hbm>> -> memref<16x128xi32, #tpu.memory_space<hbm>>
          tpu.wait_dma2 semaphore(%arg13 : memref<!tpu.dma_semaphore, #tpu.memory_space<semaphore_mem>>) src(%dma_wait3A_267 : memref<16x128xi32, #tpu.memory_space<hbm>>) dst(%dma_wait3A_264 : memref<16x128xi32, #tpu.memory_space<vmem>>)
          %dma_wait3A_268 = arith.constant 0 : i32
          %dma_wait3A_269 = arith.constant 0 : i32
          %dma_wait3A_270 = tpu.memref_slice %arg7[%dma_wait3A_268, %dma_wait3A_269] : memref<32x128xi32, #tpu.memory_space<vmem>> -> memref<16x128xi32, #tpu.memory_space<vmem>>
          %dma_wait3A_271 = arith.constant 0 : i32
          %dma_wait3A_272 = arith.constant 0 : i32
          %dma_wait3A_273 = tpu.memref_slice %arg3[%dma_wait3A_271, %dma_wait3A_272] : memref<2560x128xi32, #tpu.memory_space<hbm>> -> memref<16x128xi32, #tpu.memory_space<hbm>>
          %dma_wait3A_274 = arith.constant 0 : i32
          %dma_wait3A_275 = arith.constant 0 : i32
          %dma_wait3A_276 = tpu.memref_slice %arg7[%dma_wait3A_274, %dma_wait3A_275] : memref<32x128xi32, #tpu.memory_space<vmem>> -> memref<16x128xi32, #tpu.memory_space<vmem>>
          %dma_wait3A_277 = arith.constant 0 : i32
          %dma_wait3A_278 = arith.constant 0 : i32
          %dma_wait3A_279 = tpu.memref_slice %arg3[%dma_wait3A_277, %dma_wait3A_278] : memref<2560x128xi32, #tpu.memory_space<hbm>> -> memref<16x128xi32, #tpu.memory_space<hbm>>
          tpu.wait_dma2 semaphore(%arg13 : memref<!tpu.dma_semaphore, #tpu.memory_space<semaphore_mem>>) src(%dma_wait3A_279 : memref<16x128xi32, #tpu.memory_space<hbm>>) dst(%dma_wait3A_276 : memref<16x128xi32, #tpu.memory_space<vmem>>)
        } else {
        }
      } else {
      }
      %add3A_173 = arith.constant 1 : i32
      %add3A_174 = arith.addi %add3A_165, %add3A_173 : i32
      %lt3A_175 = arith.cmpi slt, %add3A_174, %select_n3A : i32
      %convert_element_type3A_176 = arith.extui %lt3A_175 : i1 to i32
      %cond3A_177 = arith.constant 0 : i32
      %cond3A_178 = arith.cmpi ne, %convert_element_type3A_176, %cond3A_177 : i32
      scf.if %cond3A_178 {
        %sub3A_199 = arith.constant 1 : i32
        %sub3A_200 = arith.subi %add3A_165, %sub3A_199 : i32
        %ge3A = arith.constant 0 : i32
        %ge3A_201 = arith.cmpi sge, %sub3A_200, %ge3A : i32
        %convert_element_type3A_202 = arith.extui %ge3A_201 : i1 to i32
        %cond3A_203 = arith.constant 0 : i32
        %cond3A_204 = arith.cmpi ne, %convert_element_type3A_202, %cond3A_203 : i32
        scf.if %cond3A_204 {
          %dma_wait3A_218 = arith.constant 0 : i32
          %dma_wait3A_219 = arith.constant 0 : i32
          %dma_wait3A_220 = arith.constant 0 : i32
          %dma_wait3A_221 = tpu.memref_slice %arg2[%dma_wait3A_219, %dma_wait3A_220] : memref<10000x128xf32, #tpu.memory_space<hbm>> -> memref<128x128xf32, #tpu.memory_space<hbm>>
          %dma_wait3A_222 = tpu.memref_slice %arg12[%dma_wait3A_218] : memref<2x!tpu.dma_semaphore, #tpu.memory_space<semaphore_mem>> -> memref<1x!tpu.dma_semaphore, #tpu.memory_space<semaphore_mem>>
          %dma_wait3A_223 = tpu.memref_squeeze %dma_wait3A_222 : memref<1x!tpu.dma_semaphore, #tpu.memory_space<semaphore_mem>> -> memref<!tpu.dma_semaphore, #tpu.memory_space<semaphore_mem>>
          %dma_wait3A_224 = arith.constant 0 : i32
          %dma_wait3A_225 = arith.constant 0 : i32
          %dma_wait3A_226 = tpu.memref_slice %arg2[%dma_wait3A_224, %dma_wait3A_225] : memref<10000x128xf32, #tpu.memory_space<hbm>> -> memref<128x128xf32, #tpu.memory_space<hbm>>
          tpu.wait_dma2 semaphore(%dma_wait3A_223 : memref<!tpu.dma_semaphore, #tpu.memory_space<semaphore_mem>>) src(%dma_wait3A_226 : memref<128x128xf32, #tpu.memory_space<hbm>>) dst(%arg8 : memref<128x128xf32, #tpu.memory_space<vmem>>)
        } else {
        }
        %add3A_205 = arith.constant 1 : i32
        %add3A_206 = arith.addi %add3A_165, %add3A_205 : i32
        %rem3A_207 = arith.constant 32 : i32
        %rem3A_208 = arith.remsi %add3A_206, %rem3A_207 : i32
        %dma_start3A_209 = arith.constant 0 : i32
        %dma_start3A_210 = arith.constant 0 : i32
        %dma_start3A_211 = tpu.memref_slice %arg6[%rem3A_208, %dma_start3A_210] : memref<32x128xi32, #tpu.memory_space<vmem>> -> memref<1x128xi32, #tpu.memory_space<vmem>>
        %dma_start3A_212 = tpu.memref_squeeze %dma_start3A_211 : memref<1x128xi32, #tpu.memory_space<vmem>> -> memref<128xi32, #tpu.memory_space<vmem>>
        %dma_start3A_213 = arith.constant 0 : i32
        %dma_start3A_214 = arith.constant 0 : i32
        %dma_start3A_215 = tpu.memref_slice %arg2[%dma_start3A_213, %dma_start3A_214] : memref<10000x128xf32, #tpu.memory_space<hbm>> -> memref<10000x128xf32, #tpu.memory_space<hbm>>
        %dma_start3A_216 = tpu.memref_slice %arg11[%dma_start3A_209] : memref<2x!tpu.dma_semaphore, #tpu.memory_space<semaphore_mem>> -> memref<1x!tpu.dma_semaphore, #tpu.memory_space<semaphore_mem>>
        %dma_start3A_217 = tpu.memref_squeeze %dma_start3A_216 : memref<1x!tpu.dma_semaphore, #tpu.memory_space<semaphore_mem>> -> memref<!tpu.dma_semaphore, #tpu.memory_space<semaphore_mem>>
        tpu.enqueue_indirect_dma source(%dma_start3A_215 : memref<10000x128xf32, #tpu.memory_space<hbm>>) target(%arg8 : memref<128x128xf32, #tpu.memory_space<vmem>>) offsets(%dma_start3A_212 : memref<128xi32, #tpu.memory_space<vmem>>) semaphore(%dma_start3A_217 : memref<!tpu.dma_semaphore, #tpu.memory_space<semaphore_mem>>)
      } else {
      }
      %dma_wait3A_179 = arith.constant 1 : i32
      %dma_wait3A_180 = arith.constant 0 : i32
      %dma_wait3A_181 = arith.constant 0 : i32
      %dma_wait3A_182 = tpu.memref_slice %arg2[%dma_wait3A_180, %dma_wait3A_181] : memref<10000x128xf32, #tpu.memory_space<hbm>> -> memref<128x128xf32, #tpu.memory_space<hbm>>
      %dma_wait3A_183 = tpu.memref_slice %arg11[%dma_wait3A_179] : memref<2x!tpu.dma_semaphore, #tpu.memory_space<semaphore_mem>> -> memref<1x!tpu.dma_semaphore, #tpu.memory_space<semaphore_mem>>
      %dma_wait3A_184 = tpu.memref_squeeze %dma_wait3A_183 : memref<1x!tpu.dma_semaphore, #tpu.memory_space<semaphore_mem>> -> memref<!tpu.dma_semaphore, #tpu.memory_space<semaphore_mem>>
      %dma_wait3A_185 = arith.constant 0 : i32
      %dma_wait3A_186 = arith.constant 0 : i32
      %dma_wait3A_187 = tpu.memref_slice %arg2[%dma_wait3A_185, %dma_wait3A_186] : memref<10000x128xf32, #tpu.memory_space<hbm>> -> memref<128x128xf32, #tpu.memory_space<hbm>>
      tpu.wait_dma2 semaphore(%dma_wait3A_184 : memref<!tpu.dma_semaphore, #tpu.memory_space<semaphore_mem>>) src(%dma_wait3A_187 : memref<128x128xf32, #tpu.memory_space<hbm>>) dst(%arg9 : memref<128x128xf32, #tpu.memory_space<vmem>>)
      %rem3A_188 = arith.constant 32 : i32
      %rem3A_189 = arith.remsi %add3A_165, %rem3A_188 : i32
      %dma_start3A_190 = arith.constant 1 : i32
      %dma_start3A_191 = arith.constant 0 : i32
      %dma_start3A_192 = tpu.memref_slice %arg7[%rem3A_189, %dma_start3A_191] : memref<32x128xi32, #tpu.memory_space<vmem>> -> memref<1x128xi32, #tpu.memory_space<vmem>>
      %dma_start3A_193 = tpu.memref_squeeze %dma_start3A_192 : memref<1x128xi32, #tpu.memory_space<vmem>> -> memref<128xi32, #tpu.memory_space<vmem>>
      %dma_start3A_194 = arith.constant 0 : i32
      %dma_start3A_195 = arith.constant 0 : i32
      %dma_start3A_196 = tpu.memref_slice %arg10[%dma_start3A_194, %dma_start3A_195] : memref<10240x128xf32, #tpu.memory_space<vmem_shared>> -> memref<10240x128xf32, #tpu.memory_space<vmem_shared>>
      %dma_start3A_197 = tpu.memref_slice %arg12[%dma_start3A_190] : memref<2x!tpu.dma_semaphore, #tpu.memory_space<semaphore_mem>> -> memref<1x!tpu.dma_semaphore, #tpu.memory_space<semaphore_mem>>
      %dma_start3A_198 = tpu.memref_squeeze %dma_start3A_197 : memref<1x!tpu.dma_semaphore, #tpu.memory_space<semaphore_mem>> -> memref<!tpu.dma_semaphore, #tpu.memory_space<semaphore_mem>>
      tpu.enqueue_indirect_dma source(%arg9 : memref<128x128xf32, #tpu.memory_space<vmem>>) target(%dma_start3A_196 : memref<10240x128xf32, #tpu.memory_space<vmem_shared>>) offsets(%dma_start3A_193 : memref<128xi32, #tpu.memory_space<vmem>>) semaphore(%dma_start3A_198 : memref<!tpu.dma_semaphore, #tpu.memory_space<semaphore_mem>>) {add = true}
    }
    %dma_wait3A_106 = arith.constant 0 : i32
    %dma_wait3A_107 = arith.constant 0 : i32
    %dma_wait3A_108 = arith.constant 0 : i32
    %dma_wait3A_109 = tpu.memref_slice %arg2[%dma_wait3A_107, %dma_wait3A_108] : memref<10000x128xf32, #tpu.memory_space<hbm>> -> memref<128x128xf32, #tpu.memory_space<hbm>>
    %dma_wait3A_110 = tpu.memref_slice %arg12[%dma_wait3A_106] : memref<2x!tpu.dma_semaphore, #tpu.memory_space<semaphore_mem>> -> memref<1x!tpu.dma_semaphore, #tpu.memory_space<semaphore_mem>>
    %dma_wait3A_111 = tpu.memref_squeeze %dma_wait3A_110 : memref<1x!tpu.dma_semaphore, #tpu.memory_space<semaphore_mem>> -> memref<!tpu.dma_semaphore, #tpu.memory_space<semaphore_mem>>
    %dma_wait3A_112 = arith.constant 0 : i32
    %dma_wait3A_113 = arith.constant 0 : i32
    %dma_wait3A_114 = tpu.memref_slice %arg2[%dma_wait3A_112, %dma_wait3A_113] : memref<10000x128xf32, #tpu.memory_space<hbm>> -> memref<128x128xf32, #tpu.memory_space<hbm>>
    tpu.wait_dma2 semaphore(%dma_wait3A_111 : memref<!tpu.dma_semaphore, #tpu.memory_space<semaphore_mem>>) src(%dma_wait3A_114 : memref<128x128xf32, #tpu.memory_space<hbm>>) dst(%arg8 : memref<128x128xf32, #tpu.memory_space<vmem>>)
    %dma_wait3A_115 = arith.constant 1 : i32
    %dma_wait3A_116 = arith.constant 0 : i32
    %dma_wait3A_117 = arith.constant 0 : i32
    %dma_wait3A_118 = tpu.memref_slice %arg2[%dma_wait3A_116, %dma_wait3A_117] : memref<10000x128xf32, #tpu.memory_space<hbm>> -> memref<128x128xf32, #tpu.memory_space<hbm>>
    %dma_wait3A_119 = tpu.memref_slice %arg12[%dma_wait3A_115] : memref<2x!tpu.dma_semaphore, #tpu.memory_space<semaphore_mem>> -> memref<1x!tpu.dma_semaphore, #tpu.memory_space<semaphore_mem>>
    %dma_wait3A_120 = tpu.memref_squeeze %dma_wait3A_119 : memref<1x!tpu.dma_semaphore, #tpu.memory_space<semaphore_mem>> -> memref<!tpu.dma_semaphore, #tpu.memory_space<semaphore_mem>>
    %dma_wait3A_121 = arith.constant 0 : i32
    %dma_wait3A_122 = arith.constant 0 : i32
    %dma_wait3A_123 = tpu.memref_slice %arg2[%dma_wait3A_121, %dma_wait3A_122] : memref<10000x128xf32, #tpu.memory_space<hbm>> -> memref<128x128xf32, #tpu.memory_space<hbm>>
    tpu.wait_dma2 semaphore(%dma_wait3A_120 : memref<!tpu.dma_semaphore, #tpu.memory_space<semaphore_mem>>) src(%dma_wait3A_123 : memref<128x128xf32, #tpu.memory_space<hbm>>) dst(%arg9 : memref<128x128xf32, #tpu.memory_space<vmem>>)
    %barrier3A_124 = arith.constant 0 : index
    tpu.barrier barrier_id(%barrier3A_124)
    %mul3A_125 = arith.constant 640 : i32
    %mul3A_126 = arith.muli %arg1, %mul3A_125 : i32
    %mul3A_127 = arith.constant 640 : i32
    %mul3A_128 = arith.muli %arg1, %mul3A_127 : i32
    "tpu.region"() ({
      %run_scoped3A = tpu.sem_alloc : memref<!tpu.dma_semaphore, #tpu.memory_space<semaphore_mem>>
      %dma_start3A_129 = arith.constant 0 : i32
      %dma_start3A_130 = tpu.memref_slice %arg5[%arg0, %mul3A_128, %dma_start3A_129] : memref<2x10240x128xf32, #tpu.memory_space<hbm>> -> memref<1x640x128xf32, #tpu.memory_space<hbm>>
      %dma_start3A_131 = tpu.memref_squeeze %dma_start3A_130 : memref<1x640x128xf32, #tpu.memory_space<hbm>> -> memref<640x128xf32, #tpu.memory_space<hbm>>
      %dma_start3A_132 = arith.constant 0 : i32
      %dma_start3A_133 = tpu.memref_slice %arg10[%mul3A_126, %dma_start3A_132] : memref<10240x128xf32, #tpu.memory_space<vmem_shared>> -> memref<640x128xf32, #tpu.memory_space<vmem_shared>>
      tpu.enqueue_dma source(%dma_start3A_133 : memref<640x128xf32, #tpu.memory_space<vmem_shared>>) target(%dma_start3A_131 : memref<640x128xf32, #tpu.memory_space<hbm>>) target_semaphore(%run_scoped3A : memref<!tpu.dma_semaphore, #tpu.memory_space<semaphore_mem>>)
      %dma_wait3A_134 = arith.constant 0 : i32
      %dma_wait3A_135 = tpu.memref_slice %arg5[%arg0, %mul3A_128, %dma_wait3A_134] : memref<2x10240x128xf32, #tpu.memory_space<hbm>> -> memref<1x640x128xf32, #tpu.memory_space<hbm>>
      %dma_wait3A_136 = tpu.memref_squeeze %dma_wait3A_135 : memref<1x640x128xf32, #tpu.memory_space<hbm>> -> memref<640x128xf32, #tpu.memory_space<hbm>>
      %dma_wait3A_137 = arith.constant 0 : i32
      %dma_wait3A_138 = tpu.memref_slice %arg10[%mul3A_126, %dma_wait3A_137] : memref<10240x128xf32, #tpu.memory_space<vmem_shared>> -> memref<640x128xf32, #tpu.memory_space<vmem_shared>>
      tpu.wait_dma2 semaphore(%run_scoped3A : memref<!tpu.dma_semaphore, #tpu.memory_space<semaphore_mem>>) src(%dma_wait3A_138 : memref<640x128xf32, #tpu.memory_space<vmem_shared>>) dst(%dma_wait3A_136 : memref<640x128xf32, #tpu.memory_space<hbm>>)
      tpu.yield
    }) : () -> ()
    return
  }
}

#map = affine_map<(d0, d1) -> (0, 0)>
#map1 = affine_map<(d0, d1) -> (0, 0, 0)>
module attributes {stable_mosaic.version = 14 : i64} {
  func.func @_sc_scatter(%arg0: i32, %arg1: i32, %arg2: memref<10000x128xf32, #tpu.memory_space<hbm>>, %arg3: memref<2560x128xi32, #tpu.memory_space<hbm>>, %arg4: memref<2560x128xi32, #tpu.memory_space<hbm>>, %arg5: memref<2x10240x128xf32, #tpu.memory_space<hbm>>, %arg6: memref<32x128xi32, #tpu.memory_space<vmem>>, %arg7: memref<32x128xi32, #tpu.memory_space<vmem>>, %arg8: memref<128x128xf32, #tpu.memory_space<vmem>>, %arg9: memref<128x128xf32, #tpu.memory_space<vmem>>, %arg10: memref<10240x128xf32, #tpu.memory_space<vmem_shared>>, %arg11: memref<2x!tpu.dma_semaphore, #tpu.memory_space<semaphore_mem>>, %arg12: memref<2x!tpu.dma_semaphore, #tpu.memory_space<semaphore_mem>>, %arg13: memref<!tpu.dma_semaphore, #tpu.memory_space<semaphore_mem>>) attributes {dimension_semantics = [#tpu.dimension_semantics<core_parallel>, #tpu.dimension_semantics<subcore_parallel>], iteration_bounds = array<i64: 2, 16>, scalar_prefetch = 0 : i64, scratch_operands = 8 : i64, tpu.core_type = #tpu.core_type<sc_vector_subcore>, window_params = [{transform_indices = #map}, {transform_indices = #map}, {transform_indices = #map}, {transform_indices = #map1}]} {
    %eq3A = arith.constant 0 : i32
    %eq3A_0 = arith.cmpi eq, %arg0, %eq3A : i32
    %jit3A = arith.constant 144 : i32
    %jit3A_1 = arith.constant 16 : i32
    %select_n3A = arith.select %eq3A_0, %jit3A, %jit3A_1 : i32
    %eq3A_2 = arith.constant 0 : i32
    %eq3A_3 = arith.cmpi eq, %arg0, %eq3A_2 : i32
    %mul3A = arith.constant 144 : i32
    %mul3A_4 = arith.muli %arg1, %mul3A : i32
    %mul3A_5 = arith.constant 16 : i32
    %mul3A_6 = arith.muli %arg1, %mul3A_5 : i32
    %add3A = arith.constant 2304 : i32
    %add3A_7 = arith.addi %add3A, %mul3A_6 : i32
    %select_n3A_8 = arith.select %eq3A_3, %mul3A_4, %add3A_7 : i32
    %rem3A = arith.constant 0 : i32
    %rem3A_9 = arith.constant 2 : i32
    %rem3A_10 = arith.remsi %rem3A, %rem3A_9 : i32
    %mul3A_11 = arith.constant 16 : i32
    %mul3A_12 = arith.muli %rem3A_10, %mul3A_11 : i32
    %add3A_13 = arith.constant 0 : i32
    %add3A_14 = arith.addi %select_n3A_8, %add3A_13 : i32
    %dma_start3A = arith.constant 0 : i32
    %dma_start3A_15 = tpu.memref_slice %arg6[%mul3A_12, %dma_start3A] : memref<32x128xi32, #tpu.memory_space<vmem>> -> memref<16x128xi32, #tpu.memory_space<vmem>>
    %dma_start3A_16 = arith.constant 0 : i32
    %dma_start3A_17 = tpu.memref_slice %arg3[%add3A_14, %dma_start3A_16] : memref<2560x128xi32, #tpu.memory_space<hbm>> -> memref<16x128xi32, #tpu.memory_space<hbm>>
    %dma_start3A_18 = arith.constant 0 : i32
    %dma_start3A_19 = tpu.memref_slice %arg6[%mul3A_12, %dma_start3A_18] : memref<32x128xi32, #tpu.memory_space<vmem>> -> memref<16x128xi32, #tpu.memory_space<vmem>>
    %dma_start3A_20 = arith.constant 0 : i32
    %dma_start3A_21 = tpu.memref_slice %arg3[%add3A_14, %dma_start3A_20] : memref<2560x128xi32, #tpu.memory_space<hbm>> -> memref<16x128xi32, #tpu.memory_space<hbm>>
    tpu.enqueue_dma source(%dma_start3A_21 : memref<16x128xi32, #tpu.memory_space<hbm>>) target(%dma_start3A_19 : memref<16x128xi32, #tpu.memory_space<vmem>>) target_semaphore(%arg13 : memref<!tpu.dma_semaphore, #tpu.memory_space<semaphore_mem>>)
    %add3A_22 = arith.constant 0 : i32
    %add3A_23 = arith.addi %select_n3A_8, %add3A_22 : i32
    %dma_start3A_24 = arith.constant 0 : i32
    %dma_start3A_25 = tpu.memref_slice %arg7[%mul3A_12, %dma_start3A_24] : memref<32x128xi32, #tpu.memory_space<vmem>> -> memref<16x128xi32, #tpu.memory_space<vmem>>
    %dma_start3A_26 = arith.constant 0 : i32
    %dma_start3A_27 = tpu.memref_slice %arg4[%add3A_23, %dma_start3A_26] : memref<2560x128xi32, #tpu.memory_space<hbm>> -> memref<16x128xi32, #tpu.memory_space<hbm>>
    %dma_start3A_28 = arith.constant 0 : i32
    %dma_start3A_29 = tpu.memref_slice %arg7[%mul3A_12, %dma_start3A_28] : memref<32x128xi32, #tpu.memory_space<vmem>> -> memref<16x128xi32, #tpu.memory_space<vmem>>
    %dma_start3A_30 = arith.constant 0 : i32
    %dma_start3A_31 = tpu.memref_slice %arg4[%add3A_23, %dma_start3A_30] : memref<2560x128xi32, #tpu.memory_space<hbm>> -> memref<16x128xi32, #tpu.memory_space<hbm>>
    tpu.enqueue_dma source(%dma_start3A_31 : memref<16x128xi32, #tpu.memory_space<hbm>>) target(%dma_start3A_29 : memref<16x128xi32, #tpu.memory_space<vmem>>) target_semaphore(%arg13 : memref<!tpu.dma_semaphore, #tpu.memory_space<semaphore_mem>>)
    %dma_wait3A = arith.constant 0 : i32
    %dma_wait3A_32 = arith.constant 0 : i32
    %dma_wait3A_33 = tpu.memref_slice %arg6[%dma_wait3A, %dma_wait3A_32] : memref<32x128xi32, #tpu.memory_space<vmem>> -> memref<16x128xi32, #tpu.memory_space<vmem>>
    %dma_wait3A_34 = arith.constant 0 : i32
    %dma_wait3A_35 = arith.constant 0 : i32
    %dma_wait3A_36 = tpu.memref_slice %arg3[%dma_wait3A_34, %dma_wait3A_35] : memref<2560x128xi32, #tpu.memory_space<hbm>> -> memref<16x128xi32, #tpu.memory_space<hbm>>
    %dma_wait3A_37 = arith.constant 0 : i32
    %dma_wait3A_38 = arith.constant 0 : i32
    %dma_wait3A_39 = tpu.memref_slice %arg6[%dma_wait3A_37, %dma_wait3A_38] : memref<32x128xi32, #tpu.memory_space<vmem>> -> memref<16x128xi32, #tpu.memory_space<vmem>>
    %dma_wait3A_40 = arith.constant 0 : i32
    %dma_wait3A_41 = arith.constant 0 : i32
    %dma_wait3A_42 = tpu.memref_slice %arg3[%dma_wait3A_40, %dma_wait3A_41] : memref<2560x128xi32, #tpu.memory_space<hbm>> -> memref<16x128xi32, #tpu.memory_space<hbm>>
    tpu.wait_dma2 semaphore(%arg13 : memref<!tpu.dma_semaphore, #tpu.memory_space<semaphore_mem>>) src(%dma_wait3A_42 : memref<16x128xi32, #tpu.memory_space<hbm>>) dst(%dma_wait3A_39 : memref<16x128xi32, #tpu.memory_space<vmem>>)
    %dma_wait3A_43 = arith.constant 0 : i32
    %dma_wait3A_44 = arith.constant 0 : i32
    %dma_wait3A_45 = tpu.memref_slice %arg7[%dma_wait3A_43, %dma_wait3A_44] : memref<32x128xi32, #tpu.memory_space<vmem>> -> memref<16x128xi32, #tpu.memory_space<vmem>>
    %dma_wait3A_46 = arith.constant 0 : i32
    %dma_wait3A_47 = arith.constant 0 : i32
    %dma_wait3A_48 = tpu.memref_slice %arg3[%dma_wait3A_46, %dma_wait3A_47] : memref<2560x128xi32, #tpu.memory_space<hbm>> -> memref<16x128xi32, #tpu.memory_space<hbm>>
    %dma_wait3A_49 = arith.constant 0 : i32
    %dma_wait3A_50 = arith.constant 0 : i32
    %dma_wait3A_51 = tpu.memref_slice %arg7[%dma_wait3A_49, %dma_wait3A_50] : memref<32x128xi32, #tpu.memory_space<vmem>> -> memref<16x128xi32, #tpu.memory_space<vmem>>
    %dma_wait3A_52 = arith.constant 0 : i32
    %dma_wait3A_53 = arith.constant 0 : i32
    %dma_wait3A_54 = tpu.memref_slice %arg3[%dma_wait3A_52, %dma_wait3A_53] : memref<2560x128xi32, #tpu.memory_space<hbm>> -> memref<16x128xi32, #tpu.memory_space<hbm>>
    tpu.wait_dma2 semaphore(%arg13 : memref<!tpu.dma_semaphore, #tpu.memory_space<semaphore_mem>>) src(%dma_wait3A_54 : memref<16x128xi32, #tpu.memory_space<hbm>>) dst(%dma_wait3A_51 : memref<16x128xi32, #tpu.memory_space<vmem>>)
    %scan3A = arith.constant 0 : i32
    %scan3A_55 = arith.constant 0 : i32
    %scan3A_56 = arith.constant 128 : i32
    %scan3A_57 = arith.addi %scan3A_55, %scan3A_56 : i32
    %scan3A_58 = arith.constant 1 : i32
    scf.for %scan3A_129 = %scan3A_55 to %scan3A_57 step %scan3A_58  : i32 {
      %broadcast_in_dim3A = arith.constant 0.000000e+00 : f32
      %broadcast_in_dim3A_130 = vector.broadcast %broadcast_in_dim3A : f32 to vector<16xf32>
      %swap3A = arith.index_cast %scan3A_129 : i32 to index
      %swap3A_131 = arith.constant 0 : index
      %swap3A_132 = tpu.vector_load %arg8[%swap3A, %swap3A_131] {strides = array<i32>} : memref<128x128xf32, #tpu.memory_space<vmem>>, vector<1x16xf32>,
      %swap3A_133 = vector.shape_cast %swap3A_132 : vector<1x16xf32> to vector<16xf32>
      %swap3A_134 = vector.shape_cast %broadcast_in_dim3A_130 : vector<16xf32> to vector<1x16xf32>
      tpu.vector_store %arg8[%swap3A, %swap3A_131], %swap3A_134 {strides = array<i32>} : memref<128x128xf32, #tpu.memory_space<vmem>>, vector<1x16xf32>,
      %broadcast_in_dim3A_135 = arith.constant 0.000000e+00 : f32
      %broadcast_in_dim3A_136 = vector.broadcast %broadcast_in_dim3A_135 : f32 to vector<16xf32>
      %swap3A_137 = arith.index_cast %scan3A_129 : i32 to index
      %swap3A_138 = arith.constant 16 : index
      %swap3A_139 = tpu.vector_load %arg8[%swap3A_137, %swap3A_138] {strides = array<i32>} : memref<128x128xf32, #tpu.memory_space<vmem>>, vector<1x16xf32>,
      %swap3A_140 = vector.shape_cast %swap3A_139 : vector<1x16xf32> to vector<16xf32>
      %swap3A_141 = vector.shape_cast %broadcast_in_dim3A_136 : vector<16xf32> to vector<1x16xf32>
      tpu.vector_store %arg8[%swap3A_137, %swap3A_138], %swap3A_141 {strides = array<i32>} : memref<128x128xf32, #tpu.memory_space<vmem>>, vector<1x16xf32>,
      %broadcast_in_dim3A_142 = arith.constant 0.000000e+00 : f32
      %broadcast_in_dim3A_143 = vector.broadcast %broadcast_in_dim3A_142 : f32 to vector<16xf32>
      %swap3A_144 = arith.index_cast %scan3A_129 : i32 to index
      %swap3A_145 = arith.constant 32 : index
      %swap3A_146 = tpu.vector_load %arg8[%swap3A_144, %swap3A_145] {strides = array<i32>} : memref<128x128xf32, #tpu.memory_space<vmem>>, vector<1x16xf32>,
      %swap3A_147 = vector.shape_cast %swap3A_146 : vector<1x16xf32> to vector<16xf32>
      %swap3A_148 = vector.shape_cast %broadcast_in_dim3A_143 : vector<16xf32> to vector<1x16xf32>
      tpu.vector_store %arg8[%swap3A_144, %swap3A_145], %swap3A_148 {strides = array<i32>} : memref<128x128xf32, #tpu.memory_space<vmem>>, vector<1x16xf32>,
      %broadcast_in_dim3A_149 = arith.constant 0.000000e+00 : f32
      %broadcast_in_dim3A_150 = vector.broadcast %broadcast_in_dim3A_149 : f32 to vector<16xf32>
      %swap3A_151 = arith.index_cast %scan3A_129 : i32 to index
      %swap3A_152 = arith.constant 48 : index
      %swap3A_153 = tpu.vector_load %arg8[%swap3A_151, %swap3A_152] {strides = array<i32>} : memref<128x128xf32, #tpu.memory_space<vmem>>, vector<1x16xf32>,
      %swap3A_154 = vector.shape_cast %swap3A_153 : vector<1x16xf32> to vector<16xf32>
      %swap3A_155 = vector.shape_cast %broadcast_in_dim3A_150 : vector<16xf32> to vector<1x16xf32>
      tpu.vector_store %arg8[%swap3A_151, %swap3A_152], %swap3A_155 {strides = array<i32>} : memref<128x128xf32, #tpu.memory_space<vmem>>, vector<1x16xf32>,
      %broadcast_in_dim3A_156 = arith.constant 0.000000e+00 : f32
      %broadcast_in_dim3A_157 = vector.broadcast %broadcast_in_dim3A_156 : f32 to vector<16xf32>
      %swap3A_158 = arith.index_cast %scan3A_129 : i32 to index
      %swap3A_159 = arith.constant 64 : index
      %swap3A_160 = tpu.vector_load %arg8[%swap3A_158, %swap3A_159] {strides = array<i32>} : memref<128x128xf32, #tpu.memory_space<vmem>>, vector<1x16xf32>,
      %swap3A_161 = vector.shape_cast %swap3A_160 : vector<1x16xf32> to vector<16xf32>
      %swap3A_162 = vector.shape_cast %broadcast_in_dim3A_157 : vector<16xf32> to vector<1x16xf32>
      tpu.vector_store %arg8[%swap3A_158, %swap3A_159], %swap3A_162 {strides = array<i32>} : memref<128x128xf32, #tpu.memory_space<vmem>>, vector<1x16xf32>,
      %broadcast_in_dim3A_163 = arith.constant 0.000000e+00 : f32
      %broadcast_in_dim3A_164 = vector.broadcast %broadcast_in_dim3A_163 : f32 to vector<16xf32>
      %swap3A_165 = arith.index_cast %scan3A_129 : i32 to index
      %swap3A_166 = arith.constant 80 : index
      %swap3A_167 = tpu.vector_load %arg8[%swap3A_165, %swap3A_166] {strides = array<i32>} : memref<128x128xf32, #tpu.memory_space<vmem>>, vector<1x16xf32>,
      %swap3A_168 = vector.shape_cast %swap3A_167 : vector<1x16xf32> to vector<16xf32>
      %swap3A_169 = vector.shape_cast %broadcast_in_dim3A_164 : vector<16xf32> to vector<1x16xf32>
      tpu.vector_store %arg8[%swap3A_165, %swap3A_166], %swap3A_169 {strides = array<i32>} : memref<128x128xf32, #tpu.memory_space<vmem>>, vector<1x16xf32>,
      %broadcast_in_dim3A_170 = arith.constant 0.000000e+00 : f32
      %broadcast_in_dim3A_171 = vector.broadcast %broadcast_in_dim3A_170 : f32 to vector<16xf32>
      %swap3A_172 = arith.index_cast %scan3A_129 : i32 to index
      %swap3A_173 = arith.constant 96 : index
      %swap3A_174 = tpu.vector_load %arg8[%swap3A_172, %swap3A_173] {strides = array<i32>} : memref<128x128xf32, #tpu.memory_space<vmem>>, vector<1x16xf32>,
      %swap3A_175 = vector.shape_cast %swap3A_174 : vector<1x16xf32> to vector<16xf32>
      %swap3A_176 = vector.shape_cast %broadcast_in_dim3A_171 : vector<16xf32> to vector<1x16xf32>
      tpu.vector_store %arg8[%swap3A_172, %swap3A_173], %swap3A_176 {strides = array<i32>} : memref<128x128xf32, #tpu.memory_space<vmem>>, vector<1x16xf32>,
      %broadcast_in_dim3A_177 = arith.constant 0.000000e+00 : f32
      %broadcast_in_dim3A_178 = vector.broadcast %broadcast_in_dim3A_177 : f32 to vector<16xf32>
      %swap3A_179 = arith.index_cast %scan3A_129 : i32 to index
      %swap3A_180 = arith.constant 112 : index
      %swap3A_181 = tpu.vector_load %arg8[%swap3A_179, %swap3A_180] {strides = array<i32>} : memref<128x128xf32, #tpu.memory_space<vmem>>, vector<1x16xf32>,
      %swap3A_182 = vector.shape_cast %swap3A_181 : vector<1x16xf32> to vector<16xf32>
      %swap3A_183 = vector.shape_cast %broadcast_in_dim3A_178 : vector<16xf32> to vector<1x16xf32>
      tpu.vector_store %arg8[%swap3A_179, %swap3A_180], %swap3A_183 {strides = array<i32>} : memref<128x128xf32, #tpu.memory_space<vmem>>, vector<1x16xf32>,
    }
    %scan3A_59 = arith.constant 128 : i32
    %mul3A_60 = arith.constant 640 : i32
    %mul3A_61 = arith.muli %arg1, %mul3A_60 : i32
    %add3A_62 = arith.constant 0 : i32
    %add3A_63 = arith.addi %mul3A_61, %add3A_62 : i32
    "tpu.region"() ({
      %run_scoped3A = tpu.sem_alloc : memref<!tpu.dma_semaphore, #tpu.memory_space<semaphore_mem>>
      %dma_start3A_129 = arith.constant 0 : i32
      %dma_start3A_130 = tpu.memref_slice %arg10[%add3A_63, %dma_start3A_129] : memref<10240x128xf32, #tpu.memory_space<vmem_shared>> -> memref<128x128xf32, #tpu.memory_space<vmem_shared>>
      %dma_start3A_131 = arith.constant 0 : i32
      %dma_start3A_132 = tpu.memref_slice %arg10[%add3A_63, %dma_start3A_131] : memref<10240x128xf32, #tpu.memory_space<vmem_shared>> -> memref<128x128xf32, #tpu.memory_space<vmem_shared>>
      tpu.enqueue_dma source(%arg8 : memref<128x128xf32, #tpu.memory_space<vmem>>) target(%dma_start3A_132 : memref<128x128xf32, #tpu.memory_space<vmem_shared>>) target_semaphore(%run_scoped3A : memref<!tpu.dma_semaphore, #tpu.memory_space<semaphore_mem>>)
      %dma_wait3A_133 = arith.constant 0 : i32
      %dma_wait3A_134 = tpu.memref_slice %arg10[%add3A_63, %dma_wait3A_133] : memref<10240x128xf32, #tpu.memory_space<vmem_shared>> -> memref<128x128xf32, #tpu.memory_space<vmem_shared>>
      %dma_wait3A_135 = arith.constant 0 : i32
      %dma_wait3A_136 = tpu.memref_slice %arg10[%add3A_63, %dma_wait3A_135] : memref<10240x128xf32, #tpu.memory_space<vmem_shared>> -> memref<128x128xf32, #tpu.memory_space<vmem_shared>>
      tpu.wait_dma2 semaphore(%run_scoped3A : memref<!tpu.dma_semaphore, #tpu.memory_space<semaphore_mem>>) src(%arg8 : memref<128x128xf32, #tpu.memory_space<vmem>>) dst(%dma_wait3A_136 : memref<128x128xf32, #tpu.memory_space<vmem_shared>>)
      tpu.yield
    }) : () -> ()
    %mul3A_64 = arith.constant 640 : i32
    %mul3A_65 = arith.muli %arg1, %mul3A_64 : i32
    %add3A_66 = arith.constant 128 : i32
    %add3A_67 = arith.addi %mul3A_65, %add3A_66 : i32
    "tpu.region"() ({
      %run_scoped3A = tpu.sem_alloc : memref<!tpu.dma_semaphore, #tpu.memory_space<semaphore_mem>>
      %dma_start3A_129 = arith.constant 0 : i32
      %dma_start3A_130 = tpu.memref_slice %arg10[%add3A_67, %dma_start3A_129] : memref<10240x128xf32, #tpu.memory_space<vmem_shared>> -> memref<128x128xf32, #tpu.memory_space<vmem_shared>>
      %dma_start3A_131 = arith.constant 0 : i32
      %dma_start3A_132 = tpu.memref_slice %arg10[%add3A_67, %dma_start3A_131] : memref<10240x128xf32, #tpu.memory_space<vmem_shared>> -> memref<128x128xf32, #tpu.memory_space<vmem_shared>>
      tpu.enqueue_dma source(%arg8 : memref<128x128xf32, #tpu.memory_space<vmem>>) target(%dma_start3A_132 : memref<128x128xf32, #tpu.memory_space<vmem_shared>>) target_semaphore(%run_scoped3A : memref<!tpu.dma_semaphore, #tpu.memory_space<semaphore_mem>>)
      %dma_wait3A_133 = arith.constant 0 : i32
      %dma_wait3A_134 = tpu.memref_slice %arg10[%add3A_67, %dma_wait3A_133] : memref<10240x128xf32, #tpu.memory_space<vmem_shared>> -> memref<128x128xf32, #tpu.memory_space<vmem_shared>>
      %dma_wait3A_135 = arith.constant 0 : i32
      %dma_wait3A_136 = tpu.memref_slice %arg10[%add3A_67, %dma_wait3A_135] : memref<10240x128xf32, #tpu.memory_space<vmem_shared>> -> memref<128x128xf32, #tpu.memory_space<vmem_shared>>
      tpu.wait_dma2 semaphore(%run_scoped3A : memref<!tpu.dma_semaphore, #tpu.memory_space<semaphore_mem>>) src(%arg8 : memref<128x128xf32, #tpu.memory_space<vmem>>) dst(%dma_wait3A_136 : memref<128x128xf32, #tpu.memory_space<vmem_shared>>)
      tpu.yield
    }) : () -> ()
    %mul3A_68 = arith.constant 640 : i32
    %mul3A_69 = arith.muli %arg1, %mul3A_68 : i32
    %add3A_70 = arith.constant 256 : i32
    %add3A_71 = arith.addi %mul3A_69, %add3A_70 : i32
    "tpu.region"() ({
      %run_scoped3A = tpu.sem_alloc : memref<!tpu.dma_semaphore, #tpu.memory_space<semaphore_mem>>
      %dma_start3A_129 = arith.constant 0 : i32
      %dma_start3A_130 = tpu.memref_slice %arg10[%add3A_71, %dma_start3A_129] : memref<10240x128xf32, #tpu.memory_space<vmem_shared>> -> memref<128x128xf32, #tpu.memory_space<vmem_shared>>
      %dma_start3A_131 = arith.constant 0 : i32
      %dma_start3A_132 = tpu.memref_slice %arg10[%add3A_71, %dma_start3A_131] : memref<10240x128xf32, #tpu.memory_space<vmem_shared>> -> memref<128x128xf32, #tpu.memory_space<vmem_shared>>
      tpu.enqueue_dma source(%arg8 : memref<128x128xf32, #tpu.memory_space<vmem>>) target(%dma_start3A_132 : memref<128x128xf32, #tpu.memory_space<vmem_shared>>) target_semaphore(%run_scoped3A : memref<!tpu.dma_semaphore, #tpu.memory_space<semaphore_mem>>)
      %dma_wait3A_133 = arith.constant 0 : i32
      %dma_wait3A_134 = tpu.memref_slice %arg10[%add3A_71, %dma_wait3A_133] : memref<10240x128xf32, #tpu.memory_space<vmem_shared>> -> memref<128x128xf32, #tpu.memory_space<vmem_shared>>
      %dma_wait3A_135 = arith.constant 0 : i32
      %dma_wait3A_136 = tpu.memref_slice %arg10[%add3A_71, %dma_wait3A_135] : memref<10240x128xf32, #tpu.memory_space<vmem_shared>> -> memref<128x128xf32, #tpu.memory_space<vmem_shared>>
      tpu.wait_dma2 semaphore(%run_scoped3A : memref<!tpu.dma_semaphore, #tpu.memory_space<semaphore_mem>>) src(%arg8 : memref<128x128xf32, #tpu.memory_space<vmem>>) dst(%dma_wait3A_136 : memref<128x128xf32, #tpu.memory_space<vmem_shared>>)
      tpu.yield
    }) : () -> ()
    %mul3A_72 = arith.constant 640 : i32
    %mul3A_73 = arith.muli %arg1, %mul3A_72 : i32
    %add3A_74 = arith.constant 384 : i32
    %add3A_75 = arith.addi %mul3A_73, %add3A_74 : i32
    "tpu.region"() ({
      %run_scoped3A = tpu.sem_alloc : memref<!tpu.dma_semaphore, #tpu.memory_space<semaphore_mem>>
      %dma_start3A_129 = arith.constant 0 : i32
      %dma_start3A_130 = tpu.memref_slice %arg10[%add3A_75, %dma_start3A_129] : memref<10240x128xf32, #tpu.memory_space<vmem_shared>> -> memref<128x128xf32, #tpu.memory_space<vmem_shared>>
      %dma_start3A_131 = arith.constant 0 : i32
      %dma_start3A_132 = tpu.memref_slice %arg10[%add3A_75, %dma_start3A_131] : memref<10240x128xf32, #tpu.memory_space<vmem_shared>> -> memref<128x128xf32, #tpu.memory_space<vmem_shared>>
      tpu.enqueue_dma source(%arg8 : memref<128x128xf32, #tpu.memory_space<vmem>>) target(%dma_start3A_132 : memref<128x128xf32, #tpu.memory_space<vmem_shared>>) target_semaphore(%run_scoped3A : memref<!tpu.dma_semaphore, #tpu.memory_space<semaphore_mem>>)
      %dma_wait3A_133 = arith.constant 0 : i32
      %dma_wait3A_134 = tpu.memref_slice %arg10[%add3A_75, %dma_wait3A_133] : memref<10240x128xf32, #tpu.memory_space<vmem_shared>> -> memref<128x128xf32, #tpu.memory_space<vmem_shared>>
      %dma_wait3A_135 = arith.constant 0 : i32
      %dma_wait3A_136 = tpu.memref_slice %arg10[%add3A_75, %dma_wait3A_135] : memref<10240x128xf32, #tpu.memory_space<vmem_shared>> -> memref<128x128xf32, #tpu.memory_space<vmem_shared>>
      tpu.wait_dma2 semaphore(%run_scoped3A : memref<!tpu.dma_semaphore, #tpu.memory_space<semaphore_mem>>) src(%arg8 : memref<128x128xf32, #tpu.memory_space<vmem>>) dst(%dma_wait3A_136 : memref<128x128xf32, #tpu.memory_space<vmem_shared>>)
      tpu.yield
    }) : () -> ()
    %mul3A_76 = arith.constant 640 : i32
    %mul3A_77 = arith.muli %arg1, %mul3A_76 : i32
    %add3A_78 = arith.constant 512 : i32
    %add3A_79 = arith.addi %mul3A_77, %add3A_78 : i32
    "tpu.region"() ({
      %run_scoped3A = tpu.sem_alloc : memref<!tpu.dma_semaphore, #tpu.memory_space<semaphore_mem>>
      %dma_start3A_129 = arith.constant 0 : i32
      %dma_start3A_130 = tpu.memref_slice %arg10[%add3A_79, %dma_start3A_129] : memref<10240x128xf32, #tpu.memory_space<vmem_shared>> -> memref<128x128xf32, #tpu.memory_space<vmem_shared>>
      %dma_start3A_131 = arith.constant 0 : i32
      %dma_start3A_132 = tpu.memref_slice %arg10[%add3A_79, %dma_start3A_131] : memref<10240x128xf32, #tpu.memory_space<vmem_shared>> -> memref<128x128xf32, #tpu.memory_space<vmem_shared>>
      tpu.enqueue_dma source(%arg8 : memref<128x128xf32, #tpu.memory_space<vmem>>) target(%dma_start3A_132 : memref<128x128xf32, #tpu.memory_space<vmem_shared>>) target_semaphore(%run_scoped3A : memref<!tpu.dma_semaphore, #tpu.memory_space<semaphore_mem>>)
      %dma_wait3A_133 = arith.constant 0 : i32
      %dma_wait3A_134 = tpu.memref_slice %arg10[%add3A_79, %dma_wait3A_133] : memref<10240x128xf32, #tpu.memory_space<vmem_shared>> -> memref<128x128xf32, #tpu.memory_space<vmem_shared>>
      %dma_wait3A_135 = arith.constant 0 : i32
      %dma_wait3A_136 = tpu.memref_slice %arg10[%add3A_79, %dma_wait3A_135] : memref<10240x128xf32, #tpu.memory_space<vmem_shared>> -> memref<128x128xf32, #tpu.memory_space<vmem_shared>>
      tpu.wait_dma2 semaphore(%run_scoped3A : memref<!tpu.dma_semaphore, #tpu.memory_space<semaphore_mem>>) src(%arg8 : memref<128x128xf32, #tpu.memory_space<vmem>>) dst(%dma_wait3A_136 : memref<128x128xf32, #tpu.memory_space<vmem_shared>>)
      tpu.yield
    }) : () -> ()
    %barrier3A = arith.constant 0 : index
    tpu.barrier barrier_id(%barrier3A)
    %dma_start3A_80 = arith.constant 0 : i32
    %dma_start3A_81 = arith.constant 0 : i32
    %dma_start3A_82 = arith.constant 0 : i32
    %dma_start3A_83 = tpu.memref_slice %arg6[%dma_start3A_80, %dma_start3A_82] : memref<32x128xi32, #tpu.memory_space<vmem>> -> memref<1x128xi32, #tpu.memory_space<vmem>>
    %dma_start3A_84 = tpu.memref_squeeze %dma_start3A_83 : memref<1x128xi32, #tpu.memory_space<vmem>> -> memref<128xi32, #tpu.memory_space<vmem>>
    %dma_start3A_85 = arith.constant 0 : i32
    %dma_start3A_86 = arith.constant 0 : i32
    %dma_start3A_87 = tpu.memref_slice %arg2[%dma_start3A_85, %dma_start3A_86] : memref<10000x128xf32, #tpu.memory_space<hbm>> -> memref<10000x128xf32, #tpu.memory_space<hbm>>
    %dma_start3A_88 = tpu.memref_slice %arg11[%dma_start3A_81] : memref<2x!tpu.dma_semaphore, #tpu.memory_space<semaphore_mem>> -> memref<1x!tpu.dma_semaphore, #tpu.memory_space<semaphore_mem>>
    %dma_start3A_89 = tpu.memref_squeeze %dma_start3A_88 : memref<1x!tpu.dma_semaphore, #tpu.memory_space<semaphore_mem>> -> memref<!tpu.dma_semaphore, #tpu.memory_space<semaphore_mem>>
    tpu.enqueue_indirect_dma source(%dma_start3A_87 : memref<10000x128xf32, #tpu.memory_space<hbm>>) target(%arg8 : memref<128x128xf32, #tpu.memory_space<vmem>>) offsets(%dma_start3A_84 : memref<128xi32, #tpu.memory_space<vmem>>) semaphore(%dma_start3A_89 : memref<!tpu.dma_semaphore, #tpu.memory_space<semaphore_mem>>)
    %sub3A = arith.constant 0 : i32
    %sub3A_90 = arith.subi %select_n3A, %sub3A : i32
    %sub3A_91 = arith.constant 2 : i32
    %sub3A_92 = arith.constant 1 : i32
    %sub3A_93 = arith.subi %sub3A_91, %sub3A_92 : i32
    %add3A_94 = arith.addi %sub3A_90, %sub3A_93 : i32
    %div3A = arith.constant 2 : i32
    %div3A_95 = arith.divsi %add3A_94, %div3A : i32
    %while3A = arith.constant 2 : i32
    %while3A_96 = arith.constant 0 : i32
    %while3A_97 = arith.constant 0 : i32
    %while3A_98 = arith.subi %div3A_95, %while3A_97 : i32
    %while3A_99 = arith.addi %while3A_97, %while3A_98 : i32
    %while3A_100 = arith.constant 1 : i32
    %while3A_101 = arith.divsi %while3A_98, %while3A_100 : i32
    %while3A_102 = arith.muli %while3A_101, %while3A_100 : i32
    %while3A_103 = arith.addi %while3A_97, %while3A_102 : i32
    %while3A_104 = arith.constant 1 : i32
    scf.for %while3A_129 = %while3A_97 to %while3A_103 step %while3A_104  : i32 {
      %mul3A_130 = arith.muli %while3A_129, %while3A : i32
      %add3A_131 = arith.addi %while3A_96, %mul3A_130 : i32
      %add3A_132 = arith.constant 0 : i32
      %add3A_133 = arith.addi %add3A_131, %add3A_132 : i32
      %rem3A_134 = arith.constant 16 : i32
      %rem3A_135 = arith.remsi %add3A_133, %rem3A_134 : i32
      %eq3A_136 = arith.constant 0 : i32
      %eq3A_137 = arith.cmpi eq, %rem3A_135, %eq3A_136 : i32
      %convert_element_type3A = arith.extui %eq3A_137 : i1 to i32
      %cond3A = arith.constant 0 : i32
      %cond3A_138 = arith.cmpi ne, %convert_element_type3A, %cond3A : i32
      scf.if %cond3A_138 {
        %jit3A_199 = arith.constant 16 : i32
        %div3A_200 = arith.divsi %add3A_133, %jit3A_199 : i32
        %sign3A = arith.constant 0 : i32
        %sign3A_201 = arith.cmpi sgt, %add3A_133, %sign3A : i32
        %sign3A_202 = arith.extui %sign3A_201 : i1 to i32
        %sign3A_203 = arith.constant 0 : i32
        %sign3A_204 = arith.cmpi slt, %add3A_133, %sign3A_203 : i32
        %sign3A_205 = arith.extui %sign3A_204 : i1 to i32
        %sign3A_206 = arith.subi %sign3A_202, %sign3A_205 : i32
        %sign3A_207 = arith.constant 0 : i32
        %sign3A_208 = arith.cmpi sgt, %jit3A_199, %sign3A_207 : i32
        %sign3A_209 = arith.extui %sign3A_208 : i1 to i32
        %sign3A_210 = arith.constant 0 : i32
        %sign3A_211 = arith.cmpi slt, %jit3A_199, %sign3A_210 : i32
        %sign3A_212 = arith.extui %sign3A_211 : i1 to i32
        %sign3A_213 = arith.subi %sign3A_209, %sign3A_212 : i32
        %ne3A = arith.cmpi ne, %sign3A_206, %sign3A_213 : i32
        %rem3A_214 = arith.remsi %add3A_133, %jit3A_199 : i32
        %ne3A_215 = arith.constant 0 : i32
        %ne3A_216 = arith.cmpi ne, %rem3A_214, %ne3A_215 : i32
        %and3A = arith.andi %ne3A, %ne3A_216 : i1
        %sub3A_217 = arith.constant 1 : i32
        %sub3A_218 = arith.subi %div3A_200, %sub3A_217 : i32
        %select_n3A_219 = arith.select %and3A, %sub3A_218, %div3A_200 : i32
        %add3A_220 = arith.constant 1 : i32
        %add3A_221 = arith.addi %select_n3A_219, %add3A_220 : i32
        %mul3A_222 = arith.constant 16 : i32
        %mul3A_223 = arith.muli %add3A_221, %mul3A_222 : i32
        %lt3A_224 = arith.cmpi slt, %mul3A_223, %select_n3A : i32
        %convert_element_type3A_225 = arith.extui %lt3A_224 : i1 to i32
        %cond3A_226 = arith.constant 0 : i32
        %cond3A_227 = arith.cmpi ne, %convert_element_type3A_225, %cond3A_226 : i32
        scf.if %cond3A_227 {
          %add3A_228 = arith.constant 1 : i32
          %add3A_229 = arith.addi %select_n3A_219, %add3A_228 : i32
          %rem3A_230 = arith.constant 2 : i32
          %rem3A_231 = arith.remsi %add3A_229, %rem3A_230 : i32
          %mul3A_232 = arith.constant 16 : i32
          %mul3A_233 = arith.muli %rem3A_231, %mul3A_232 : i32
          %mul3A_234 = arith.constant 16 : i32
          %mul3A_235 = arith.muli %add3A_229, %mul3A_234 : i32
          %add3A_236 = arith.addi %select_n3A_8, %mul3A_235 : i32
          %dma_start3A_237 = arith.constant 0 : i32
          %dma_start3A_238 = tpu.memref_slice %arg6[%mul3A_233, %dma_start3A_237] : memref<32x128xi32, #tpu.memory_space<vmem>> -> memref<16x128xi32, #tpu.memory_space<vmem>>
          %dma_start3A_239 = arith.constant 0 : i32
          %dma_start3A_240 = tpu.memref_slice %arg3[%add3A_236, %dma_start3A_239] : memref<2560x128xi32, #tpu.memory_space<hbm>> -> memref<16x128xi32, #tpu.memory_space<hbm>>
          %dma_start3A_241 = arith.constant 0 : i32
          %dma_start3A_242 = tpu.memref_slice %arg6[%mul3A_233, %dma_start3A_241] : memref<32x128xi32, #tpu.memory_space<vmem>> -> memref<16x128xi32, #tpu.memory_space<vmem>>
          %dma_start3A_243 = arith.constant 0 : i32
          %dma_start3A_244 = tpu.memref_slice %arg3[%add3A_236, %dma_start3A_243] : memref<2560x128xi32, #tpu.memory_space<hbm>> -> memref<16x128xi32, #tpu.memory_space<hbm>>
          tpu.enqueue_dma source(%dma_start3A_244 : memref<16x128xi32, #tpu.memory_space<hbm>>) target(%dma_start3A_242 : memref<16x128xi32, #tpu.memory_space<vmem>>) target_semaphore(%arg13 : memref<!tpu.dma_semaphore, #tpu.memory_space<semaphore_mem>>)
          %mul3A_245 = arith.constant 16 : i32
          %mul3A_246 = arith.muli %add3A_229, %mul3A_245 : i32
          %add3A_247 = arith.addi %select_n3A_8, %mul3A_246 : i32
          %dma_start3A_248 = arith.constant 0 : i32
          %dma_start3A_249 = tpu.memref_slice %arg7[%mul3A_233, %dma_start3A_248] : memref<32x128xi32, #tpu.memory_space<vmem>> -> memref<16x128xi32, #tpu.memory_space<vmem>>
          %dma_start3A_250 = arith.constant 0 : i32
          %dma_start3A_251 = tpu.memref_slice %arg4[%add3A_247, %dma_start3A_250] : memref<2560x128xi32, #tpu.memory_space<hbm>> -> memref<16x128xi32, #tpu.memory_space<hbm>>
          %dma_start3A_252 = arith.constant 0 : i32
          %dma_start3A_253 = tpu.memref_slice %arg7[%mul3A_233, %dma_start3A_252] : memref<32x128xi32, #tpu.memory_space<vmem>> -> memref<16x128xi32, #tpu.memory_space<vmem>>
          %dma_start3A_254 = arith.constant 0 : i32
          %dma_start3A_255 = tpu.memref_slice %arg4[%add3A_247, %dma_start3A_254] : memref<2560x128xi32, #tpu.memory_space<hbm>> -> memref<16x128xi32, #tpu.memory_space<hbm>>
          tpu.enqueue_dma source(%dma_start3A_255 : memref<16x128xi32, #tpu.memory_space<hbm>>) target(%dma_start3A_253 : memref<16x128xi32, #tpu.memory_space<vmem>>) target_semaphore(%arg13 : memref<!tpu.dma_semaphore, #tpu.memory_space<semaphore_mem>>)
          %dma_wait3A_256 = arith.constant 0 : i32
          %dma_wait3A_257 = arith.constant 0 : i32
          %dma_wait3A_258 = tpu.memref_slice %arg6[%dma_wait3A_256, %dma_wait3A_257] : memref<32x128xi32, #tpu.memory_space<vmem>> -> memref<16x128xi32, #tpu.memory_space<vmem>>
          %dma_wait3A_259 = arith.constant 0 : i32
          %dma_wait3A_260 = arith.constant 0 : i32
          %dma_wait3A_261 = tpu.memref_slice %arg3[%dma_wait3A_259, %dma_wait3A_260] : memref<2560x128xi32, #tpu.memory_space<hbm>> -> memref<16x128xi32, #tpu.memory_space<hbm>>
          %dma_wait3A_262 = arith.constant 0 : i32
          %dma_wait3A_263 = arith.constant 0 : i32
          %dma_wait3A_264 = tpu.memref_slice %arg6[%dma_wait3A_262, %dma_wait3A_263] : memref<32x128xi32, #tpu.memory_space<vmem>> -> memref<16x128xi32, #tpu.memory_space<vmem>>
          %dma_wait3A_265 = arith.constant 0 : i32
          %dma_wait3A_266 = arith.constant 0 : i32
          %dma_wait3A_267 = tpu.memref_slice %arg3[%dma_wait3A_265, %dma_wait3A_266] : memref<2560x128xi32, #tpu.memory_space<hbm>> -> memref<16x128xi32, #tpu.memory_space<hbm>>
          tpu.wait_dma2 semaphore(%arg13 : memref<!tpu.dma_semaphore, #tpu.memory_space<semaphore_mem>>) src(%dma_wait3A_267 : memref<16x128xi32, #tpu.memory_space<hbm>>) dst(%dma_wait3A_264 : memref<16x128xi32, #tpu.memory_space<vmem>>)
          %dma_wait3A_268 = arith.constant 0 : i32
          %dma_wait3A_269 = arith.constant 0 : i32
          %dma_wait3A_270 = tpu.memref_slice %arg7[%dma_wait3A_268, %dma_wait3A_269] : memref<32x128xi32, #tpu.memory_space<vmem>> -> memref<16x128xi32, #tpu.memory_space<vmem>>
          %dma_wait3A_271 = arith.constant 0 : i32
          %dma_wait3A_272 = arith.constant 0 : i32
          %dma_wait3A_273 = tpu.memref_slice %arg3[%dma_wait3A_271, %dma_wait3A_272] : memref<2560x128xi32, #tpu.memory_space<hbm>> -> memref<16x128xi32, #tpu.memory_space<hbm>>
          %dma_wait3A_274 = arith.constant 0 : i32
          %dma_wait3A_275 = arith.constant 0 : i32
          %dma_wait3A_276 = tpu.memref_slice %arg7[%dma_wait3A_274, %dma_wait3A_275] : memref<32x128xi32, #tpu.memory_space<vmem>> -> memref<16x128xi32, #tpu.memory_space<vmem>>
          %dma_wait3A_277 = arith.constant 0 : i32
          %dma_wait3A_278 = arith.constant 0 : i32
          %dma_wait3A_279 = tpu.memref_slice %arg3[%dma_wait3A_277, %dma_wait3A_278] : memref<2560x128xi32, #tpu.memory_space<hbm>> -> memref<16x128xi32, #tpu.memory_space<hbm>>
          tpu.wait_dma2 semaphore(%arg13 : memref<!tpu.dma_semaphore, #tpu.memory_space<semaphore_mem>>) src(%dma_wait3A_279 : memref<16x128xi32, #tpu.memory_space<hbm>>) dst(%dma_wait3A_276 : memref<16x128xi32, #tpu.memory_space<vmem>>)
        } else {
        }
      } else {
      }
      %add3A_139 = arith.constant 1 : i32
      %add3A_140 = arith.addi %add3A_133, %add3A_139 : i32
      %lt3A = arith.cmpi slt, %add3A_140, %select_n3A : i32
      %convert_element_type3A_141 = arith.extui %lt3A : i1 to i32
      %cond3A_142 = arith.constant 0 : i32
      %cond3A_143 = arith.cmpi ne, %convert_element_type3A_141, %cond3A_142 : i32
      scf.if %cond3A_143 {
        %sub3A_199 = arith.constant 1 : i32
        %sub3A_200 = arith.subi %add3A_133, %sub3A_199 : i32
        %ge3A = arith.constant 0 : i32
        %ge3A_201 = arith.cmpi sge, %sub3A_200, %ge3A : i32
        %convert_element_type3A_202 = arith.extui %ge3A_201 : i1 to i32
        %cond3A_203 = arith.constant 0 : i32
        %cond3A_204 = arith.cmpi ne, %convert_element_type3A_202, %cond3A_203 : i32
        scf.if %cond3A_204 {
          %dma_wait3A_218 = arith.constant 1 : i32
          %dma_wait3A_219 = arith.constant 0 : i32
          %dma_wait3A_220 = arith.constant 0 : i32
          %dma_wait3A_221 = tpu.memref_slice %arg2[%dma_wait3A_219, %dma_wait3A_220] : memref<10000x128xf32, #tpu.memory_space<hbm>> -> memref<128x128xf32, #tpu.memory_space<hbm>>
          %dma_wait3A_222 = tpu.memref_slice %arg12[%dma_wait3A_218] : memref<2x!tpu.dma_semaphore, #tpu.memory_space<semaphore_mem>> -> memref<1x!tpu.dma_semaphore, #tpu.memory_space<semaphore_mem>>
          %dma_wait3A_223 = tpu.memref_squeeze %dma_wait3A_222 : memref<1x!tpu.dma_semaphore, #tpu.memory_space<semaphore_mem>> -> memref<!tpu.dma_semaphore, #tpu.memory_space<semaphore_mem>>
          %dma_wait3A_224 = arith.constant 0 : i32
          %dma_wait3A_225 = arith.constant 0 : i32
          %dma_wait3A_226 = tpu.memref_slice %arg2[%dma_wait3A_224, %dma_wait3A_225] : memref<10000x128xf32, #tpu.memory_space<hbm>> -> memref<128x128xf32, #tpu.memory_space<hbm>>
          tpu.wait_dma2 semaphore(%dma_wait3A_223 : memref<!tpu.dma_semaphore, #tpu.memory_space<semaphore_mem>>) src(%dma_wait3A_226 : memref<128x128xf32, #tpu.memory_space<hbm>>) dst(%arg9 : memref<128x128xf32, #tpu.memory_space<vmem>>)
        } else {
        }
        %add3A_205 = arith.constant 1 : i32
        %add3A_206 = arith.addi %add3A_133, %add3A_205 : i32
        %rem3A_207 = arith.constant 32 : i32
        %rem3A_208 = arith.remsi %add3A_206, %rem3A_207 : i32
        %dma_start3A_209 = arith.constant 1 : i32
        %dma_start3A_210 = arith.constant 0 : i32
        %dma_start3A_211 = tpu.memref_slice %arg6[%rem3A_208, %dma_start3A_210] : memref<32x128xi32, #tpu.memory_space<vmem>> -> memref<1x128xi32, #tpu.memory_space<vmem>>
        %dma_start3A_212 = tpu.memref_squeeze %dma_start3A_211 : memref<1x128xi32, #tpu.memory_space<vmem>> -> memref<128xi32, #tpu.memory_space<vmem>>
        %dma_start3A_213 = arith.constant 0 : i32
        %dma_start3A_214 = arith.constant 0 : i32
        %dma_start3A_215 = tpu.memref_slice %arg2[%dma_start3A_213, %dma_start3A_214] : memref<10000x128xf32, #tpu.memory_space<hbm>> -> memref<10000x128xf32, #tpu.memory_space<hbm>>
        %dma_start3A_216 = tpu.memref_slice %arg11[%dma_start3A_209] : memref<2x!tpu.dma_semaphore, #tpu.memory_space<semaphore_mem>> -> memref<1x!tpu.dma_semaphore, #tpu.memory_space<semaphore_mem>>
        %dma_start3A_217 = tpu.memref_squeeze %dma_start3A_216 : memref<1x!tpu.dma_semaphore, #tpu.memory_space<semaphore_mem>> -> memref<!tpu.dma_semaphore, #tpu.memory_space<semaphore_mem>>
        tpu.enqueue_indirect_dma source(%dma_start3A_215 : memref<10000x128xf32, #tpu.memory_space<hbm>>) target(%arg9 : memref<128x128xf32, #tpu.memory_space<vmem>>) offsets(%dma_start3A_212 : memref<128xi32, #tpu.memory_space<vmem>>) semaphore(%dma_start3A_217 : memref<!tpu.dma_semaphore, #tpu.memory_space<semaphore_mem>>)
      } else {
      }
      %dma_wait3A_144 = arith.constant 0 : i32
      %dma_wait3A_145 = arith.constant 0 : i32
      %dma_wait3A_146 = arith.constant 0 : i32
      %dma_wait3A_147 = tpu.memref_slice %arg2[%dma_wait3A_145, %dma_wait3A_146] : memref<10000x128xf32, #tpu.memory_space<hbm>> -> memref<128x128xf32, #tpu.memory_space<hbm>>
      %dma_wait3A_148 = tpu.memref_slice %arg11[%dma_wait3A_144] : memref<2x!tpu.dma_semaphore, #tpu.memory_space<semaphore_mem>> -> memref<1x!tpu.dma_semaphore, #tpu.memory_space<semaphore_mem>>
      %dma_wait3A_149 = tpu.memref_squeeze %dma_wait3A_148 : memref<1x!tpu.dma_semaphore, #tpu.memory_space<semaphore_mem>> -> memref<!tpu.dma_semaphore, #tpu.memory_space<semaphore_mem>>
      %dma_wait3A_150 = arith.constant 0 : i32
      %dma_wait3A_151 = arith.constant 0 : i32
      %dma_wait3A_152 = tpu.memref_slice %arg2[%dma_wait3A_150, %dma_wait3A_151] : memref<10000x128xf32, #tpu.memory_space<hbm>> -> memref<128x128xf32, #tpu.memory_space<hbm>>
      tpu.wait_dma2 semaphore(%dma_wait3A_149 : memref<!tpu.dma_semaphore, #tpu.memory_space<semaphore_mem>>) src(%dma_wait3A_152 : memref<128x128xf32, #tpu.memory_space<hbm>>) dst(%arg8 : memref<128x128xf32, #tpu.memory_space<vmem>>)
      %rem3A_153 = arith.constant 32 : i32
      %rem3A_154 = arith.remsi %add3A_133, %rem3A_153 : i32
      %dma_start3A_155 = arith.constant 0 : i32
      %dma_start3A_156 = arith.constant 0 : i32
      %dma_start3A_157 = tpu.memref_slice %arg7[%rem3A_154, %dma_start3A_156] : memref<32x128xi32, #tpu.memory_space<vmem>> -> memref<1x128xi32, #tpu.memory_space<vmem>>
      %dma_start3A_158 = tpu.memref_squeeze %dma_start3A_157 : memref<1x128xi32, #tpu.memory_space<vmem>> -> memref<128xi32, #tpu.memory_space<vmem>>
      %dma_start3A_159 = arith.constant 0 : i32
      %dma_start3A_160 = arith.constant 0 : i32
      %dma_start3A_161 = tpu.memref_slice %arg10[%dma_start3A_159, %dma_start3A_160] : memref<10240x128xf32, #tpu.memory_space<vmem_shared>> -> memref<10240x128xf32, #tpu.memory_space<vmem_shared>>
      %dma_start3A_162 = tpu.memref_slice %arg12[%dma_start3A_155] : memref<2x!tpu.dma_semaphore, #tpu.memory_space<semaphore_mem>> -> memref<1x!tpu.dma_semaphore, #tpu.memory_space<semaphore_mem>>
      %dma_start3A_163 = tpu.memref_squeeze %dma_start3A_162 : memref<1x!tpu.dma_semaphore, #tpu.memory_space<semaphore_mem>> -> memref<!tpu.dma_semaphore, #tpu.memory_space<semaphore_mem>>
      tpu.enqueue_indirect_dma source(%arg8 : memref<128x128xf32, #tpu.memory_space<vmem>>) target(%dma_start3A_161 : memref<10240x128xf32, #tpu.memory_space<vmem_shared>>) offsets(%dma_start3A_158 : memref<128xi32, #tpu.memory_space<vmem>>) semaphore(%dma_start3A_163 : memref<!tpu.dma_semaphore, #tpu.memory_space<semaphore_mem>>) {add = true}
      %add3A_164 = arith.constant 1 : i32
      %add3A_165 = arith.addi %add3A_131, %add3A_164 : i32
      %rem3A_166 = arith.constant 16 : i32
      %rem3A_167 = arith.remsi %add3A_165, %rem3A_166 : i32
      %eq3A_168 = arith.constant 0 : i32
      %eq3A_169 = arith.cmpi eq, %rem3A_167, %eq3A_168 : i32
      %convert_element_type3A_170 = arith.extui %eq3A_169 : i1 to i32
      %cond3A_171 = arith.constant 0 : i32
      %cond3A_172 = arith.cmpi ne, %convert_element_type3A_170, %cond3A_171 : i32
      scf.if %cond3A_172 {
        %jit3A_199 = arith.constant 16 : i32
        %div3A_200 = arith.divsi %add3A_165, %jit3A_199 : i32
        %sign3A = arith.constant 0 : i32
        %sign3A_201 = arith.cmpi sgt, %add3A_165, %sign3A : i32
        %sign3A_202 = arith.extui %sign3A_201 : i1 to i32
        %sign3A_203 = arith.constant 0 : i32
        %sign3A_204 = arith.cmpi slt, %add3A_165, %sign3A_203 : i32
        %sign3A_205 = arith.extui %sign3A_204 : i1 to i32
        %sign3A_206 = arith.subi %sign3A_202, %sign3A_205 : i32
        %sign3A_207 = arith.constant 0 : i32
        %sign3A_208 = arith.cmpi sgt, %jit3A_199, %sign3A_207 : i32
        %sign3A_209 = arith.extui %sign3A_208 : i1 to i32
        %sign3A_210 = arith.constant 0 : i32
        %sign3A_211 = arith.cmpi slt, %jit3A_199, %sign3A_210 : i32
        %sign3A_212 = arith.extui %sign3A_211 : i1 to i32
        %sign3A_213 = arith.subi %sign3A_209, %sign3A_212 : i32
        %ne3A = arith.cmpi ne, %sign3A_206, %sign3A_213 : i32
        %rem3A_214 = arith.remsi %add3A_165, %jit3A_199 : i32
        %ne3A_215 = arith.constant 0 : i32
        %ne3A_216 = arith.cmpi ne, %rem3A_214, %ne3A_215 : i32
        %and3A = arith.andi %ne3A, %ne3A_216 : i1
        %sub3A_217 = arith.constant 1 : i32
        %sub3A_218 = arith.subi %div3A_200, %sub3A_217 : i32
        %select_n3A_219 = arith.select %and3A, %sub3A_218, %div3A_200 : i32
        %add3A_220 = arith.constant 1 : i32
        %add3A_221 = arith.addi %select_n3A_219, %add3A_220 : i32
        %mul3A_222 = arith.constant 16 : i32
        %mul3A_223 = arith.muli %add3A_221, %mul3A_222 : i32
        %lt3A_224 = arith.cmpi slt, %mul3A_223, %select_n3A : i32
        %convert_element_type3A_225 = arith.extui %lt3A_224 : i1 to i32
        %cond3A_226 = arith.constant 0 : i32
        %cond3A_227 = arith.cmpi ne, %convert_element_type3A_225, %cond3A_226 : i32
        scf.if %cond3A_227 {
          %add3A_228 = arith.constant 1 : i32
          %add3A_229 = arith.addi %select_n3A_219, %add3A_228 : i32
          %rem3A_230 = arith.constant 2 : i32
          %rem3A_231 = arith.remsi %add3A_229, %rem3A_230 : i32
          %mul3A_232 = arith.constant 16 : i32
          %mul3A_233 = arith.muli %rem3A_231, %mul3A_232 : i32
          %mul3A_234 = arith.constant 16 : i32
          %mul3A_235 = arith.muli %add3A_229, %mul3A_234 : i32
          %add3A_236 = arith.addi %select_n3A_8, %mul3A_235 : i32
          %dma_start3A_237 = arith.constant 0 : i32
          %dma_start3A_238 = tpu.memref_slice %arg6[%mul3A_233, %dma_start3A_237] : memref<32x128xi32, #tpu.memory_space<vmem>> -> memref<16x128xi32, #tpu.memory_space<vmem>>
          %dma_start3A_239 = arith.constant 0 : i32
          %dma_start3A_240 = tpu.memref_slice %arg3[%add3A_236, %dma_start3A_239] : memref<2560x128xi32, #tpu.memory_space<hbm>> -> memref<16x128xi32, #tpu.memory_space<hbm>>
          %dma_start3A_241 = arith.constant 0 : i32
          %dma_start3A_242 = tpu.memref_slice %arg6[%mul3A_233, %dma_start3A_241] : memref<32x128xi32, #tpu.memory_space<vmem>> -> memref<16x128xi32, #tpu.memory_space<vmem>>
          %dma_start3A_243 = arith.constant 0 : i32
          %dma_start3A_244 = tpu.memref_slice %arg3[%add3A_236, %dma_start3A_243] : memref<2560x128xi32, #tpu.memory_space<hbm>> -> memref<16x128xi32, #tpu.memory_space<hbm>>
          tpu.enqueue_dma source(%dma_start3A_244 : memref<16x128xi32, #tpu.memory_space<hbm>>) target(%dma_start3A_242 : memref<16x128xi32, #tpu.memory_space<vmem>>) target_semaphore(%arg13 : memref<!tpu.dma_semaphore, #tpu.memory_space<semaphore_mem>>)
          %mul3A_245 = arith.constant 16 : i32
          %mul3A_246 = arith.muli %add3A_229, %mul3A_245 : i32
          %add3A_247 = arith.addi %select_n3A_8, %mul3A_246 : i32
          %dma_start3A_248 = arith.constant 0 : i32
          %dma_start3A_249 = tpu.memref_slice %arg7[%mul3A_233, %dma_start3A_248] : memref<32x128xi32, #tpu.memory_space<vmem>> -> memref<16x128xi32, #tpu.memory_space<vmem>>
          %dma_start3A_250 = arith.constant 0 : i32
          %dma_start3A_251 = tpu.memref_slice %arg4[%add3A_247, %dma_start3A_250] : memref<2560x128xi32, #tpu.memory_space<hbm>> -> memref<16x128xi32, #tpu.memory_space<hbm>>
          %dma_start3A_252 = arith.constant 0 : i32
          %dma_start3A_253 = tpu.memref_slice %arg7[%mul3A_233, %dma_start3A_252] : memref<32x128xi32, #tpu.memory_space<vmem>> -> memref<16x128xi32, #tpu.memory_space<vmem>>
          %dma_start3A_254 = arith.constant 0 : i32
          %dma_start3A_255 = tpu.memref_slice %arg4[%add3A_247, %dma_start3A_254] : memref<2560x128xi32, #tpu.memory_space<hbm>> -> memref<16x128xi32, #tpu.memory_space<hbm>>
          tpu.enqueue_dma source(%dma_start3A_255 : memref<16x128xi32, #tpu.memory_space<hbm>>) target(%dma_start3A_253 : memref<16x128xi32, #tpu.memory_space<vmem>>) target_semaphore(%arg13 : memref<!tpu.dma_semaphore, #tpu.memory_space<semaphore_mem>>)
          %dma_wait3A_256 = arith.constant 0 : i32
          %dma_wait3A_257 = arith.constant 0 : i32
          %dma_wait3A_258 = tpu.memref_slice %arg6[%dma_wait3A_256, %dma_wait3A_257] : memref<32x128xi32, #tpu.memory_space<vmem>> -> memref<16x128xi32, #tpu.memory_space<vmem>>
          %dma_wait3A_259 = arith.constant 0 : i32
          %dma_wait3A_260 = arith.constant 0 : i32
          %dma_wait3A_261 = tpu.memref_slice %arg3[%dma_wait3A_259, %dma_wait3A_260] : memref<2560x128xi32, #tpu.memory_space<hbm>> -> memref<16x128xi32, #tpu.memory_space<hbm>>
          %dma_wait3A_262 = arith.constant 0 : i32
          %dma_wait3A_263 = arith.constant 0 : i32
          %dma_wait3A_264 = tpu.memref_slice %arg6[%dma_wait3A_262, %dma_wait3A_263] : memref<32x128xi32, #tpu.memory_space<vmem>> -> memref<16x128xi32, #tpu.memory_space<vmem>>
          %dma_wait3A_265 = arith.constant 0 : i32
          %dma_wait3A_266 = arith.constant 0 : i32
          %dma_wait3A_267 = tpu.memref_slice %arg3[%dma_wait3A_265, %dma_wait3A_266] : memref<2560x128xi32, #tpu.memory_space<hbm>> -> memref<16x128xi32, #tpu.memory_space<hbm>>
          tpu.wait_dma2 semaphore(%arg13 : memref<!tpu.dma_semaphore, #tpu.memory_space<semaphore_mem>>) src(%dma_wait3A_267 : memref<16x128xi32, #tpu.memory_space<hbm>>) dst(%dma_wait3A_264 : memref<16x128xi32, #tpu.memory_space<vmem>>)
          %dma_wait3A_268 = arith.constant 0 : i32
          %dma_wait3A_269 = arith.constant 0 : i32
          %dma_wait3A_270 = tpu.memref_slice %arg7[%dma_wait3A_268, %dma_wait3A_269] : memref<32x128xi32, #tpu.memory_space<vmem>> -> memref<16x128xi32, #tpu.memory_space<vmem>>
          %dma_wait3A_271 = arith.constant 0 : i32
          %dma_wait3A_272 = arith.constant 0 : i32
          %dma_wait3A_273 = tpu.memref_slice %arg3[%dma_wait3A_271, %dma_wait3A_272] : memref<2560x128xi32, #tpu.memory_space<hbm>> -> memref<16x128xi32, #tpu.memory_space<hbm>>
          %dma_wait3A_274 = arith.constant 0 : i32
          %dma_wait3A_275 = arith.constant 0 : i32
          %dma_wait3A_276 = tpu.memref_slice %arg7[%dma_wait3A_274, %dma_wait3A_275] : memref<32x128xi32, #tpu.memory_space<vmem>> -> memref<16x128xi32, #tpu.memory_space<vmem>>
          %dma_wait3A_277 = arith.constant 0 : i32
          %dma_wait3A_278 = arith.constant 0 : i32
          %dma_wait3A_279 = tpu.memref_slice %arg3[%dma_wait3A_277, %dma_wait3A_278] : memref<2560x128xi32, #tpu.memory_space<hbm>> -> memref<16x128xi32, #tpu.memory_space<hbm>>
          tpu.wait_dma2 semaphore(%arg13 : memref<!tpu.dma_semaphore, #tpu.memory_space<semaphore_mem>>) src(%dma_wait3A_279 : memref<16x128xi32, #tpu.memory_space<hbm>>) dst(%dma_wait3A_276 : memref<16x128xi32, #tpu.memory_space<vmem>>)
        } else {
        }
      } else {
      }
      %add3A_173 = arith.constant 1 : i32
      %add3A_174 = arith.addi %add3A_165, %add3A_173 : i32
      %lt3A_175 = arith.cmpi slt, %add3A_174, %select_n3A : i32
      %convert_element_type3A_176 = arith.extui %lt3A_175 : i1 to i32
      %cond3A_177 = arith.constant 0 : i32
      %cond3A_178 = arith.cmpi ne, %convert_element_type3A_176, %cond3A_177 : i32
      scf.if %cond3A_178 {
        %sub3A_199 = arith.constant 1 : i32
        %sub3A_200 = arith.subi %add3A_165, %sub3A_199 : i32
        %ge3A = arith.constant 0 : i32
        %ge3A_201 = arith.cmpi sge, %sub3A_200, %ge3A : i32
        %convert_element_type3A_202 = arith.extui %ge3A_201 : i1 to i32
        %cond3A_203 = arith.constant 0 : i32
        %cond3A_204 = arith.cmpi ne, %convert_element_type3A_202, %cond3A_203 : i32
        scf.if %cond3A_204 {
          %dma_wait3A_218 = arith.constant 0 : i32
          %dma_wait3A_219 = arith.constant 0 : i32
          %dma_wait3A_220 = arith.constant 0 : i32
          %dma_wait3A_221 = tpu.memref_slice %arg2[%dma_wait3A_219, %dma_wait3A_220] : memref<10000x128xf32, #tpu.memory_space<hbm>> -> memref<128x128xf32, #tpu.memory_space<hbm>>
          %dma_wait3A_222 = tpu.memref_slice %arg12[%dma_wait3A_218] : memref<2x!tpu.dma_semaphore, #tpu.memory_space<semaphore_mem>> -> memref<1x!tpu.dma_semaphore, #tpu.memory_space<semaphore_mem>>
          %dma_wait3A_223 = tpu.memref_squeeze %dma_wait3A_222 : memref<1x!tpu.dma_semaphore, #tpu.memory_space<semaphore_mem>> -> memref<!tpu.dma_semaphore, #tpu.memory_space<semaphore_mem>>
          %dma_wait3A_224 = arith.constant 0 : i32
          %dma_wait3A_225 = arith.constant 0 : i32
          %dma_wait3A_226 = tpu.memref_slice %arg2[%dma_wait3A_224, %dma_wait3A_225] : memref<10000x128xf32, #tpu.memory_space<hbm>> -> memref<128x128xf32, #tpu.memory_space<hbm>>
          tpu.wait_dma2 semaphore(%dma_wait3A_223 : memref<!tpu.dma_semaphore, #tpu.memory_space<semaphore_mem>>) src(%dma_wait3A_226 : memref<128x128xf32, #tpu.memory_space<hbm>>) dst(%arg8 : memref<128x128xf32, #tpu.memory_space<vmem>>)
        } else {
        }
        %add3A_205 = arith.constant 1 : i32
        %add3A_206 = arith.addi %add3A_165, %add3A_205 : i32
        %rem3A_207 = arith.constant 32 : i32
        %rem3A_208 = arith.remsi %add3A_206, %rem3A_207 : i32
        %dma_start3A_209 = arith.constant 0 : i32
        %dma_start3A_210 = arith.constant 0 : i32
        %dma_start3A_211 = tpu.memref_slice %arg6[%rem3A_208, %dma_start3A_210] : memref<32x128xi32, #tpu.memory_space<vmem>> -> memref<1x128xi32, #tpu.memory_space<vmem>>
        %dma_start3A_212 = tpu.memref_squeeze %dma_start3A_211 : memref<1x128xi32, #tpu.memory_space<vmem>> -> memref<128xi32, #tpu.memory_space<vmem>>
        %dma_start3A_213 = arith.constant 0 : i32
        %dma_start3A_214 = arith.constant 0 : i32
        %dma_start3A_215 = tpu.memref_slice %arg2[%dma_start3A_213, %dma_start3A_214] : memref<10000x128xf32, #tpu.memory_space<hbm>> -> memref<10000x128xf32, #tpu.memory_space<hbm>>
        %dma_start3A_216 = tpu.memref_slice %arg11[%dma_start3A_209] : memref<2x!tpu.dma_semaphore, #tpu.memory_space<semaphore_mem>> -> memref<1x!tpu.dma_semaphore, #tpu.memory_space<semaphore_mem>>
        %dma_start3A_217 = tpu.memref_squeeze %dma_start3A_216 : memref<1x!tpu.dma_semaphore, #tpu.memory_space<semaphore_mem>> -> memref<!tpu.dma_semaphore, #tpu.memory_space<semaphore_mem>>
        tpu.enqueue_indirect_dma source(%dma_start3A_215 : memref<10000x128xf32, #tpu.memory_space<hbm>>) target(%arg8 : memref<128x128xf32, #tpu.memory_space<vmem>>) offsets(%dma_start3A_212 : memref<128xi32, #tpu.memory_space<vmem>>) semaphore(%dma_start3A_217 : memref<!tpu.dma_semaphore, #tpu.memory_space<semaphore_mem>>)
      } else {
      }
      %dma_wait3A_179 = arith.constant 1 : i32
      %dma_wait3A_180 = arith.constant 0 : i32
      %dma_wait3A_181 = arith.constant 0 : i32
      %dma_wait3A_182 = tpu.memref_slice %arg2[%dma_wait3A_180, %dma_wait3A_181] : memref<10000x128xf32, #tpu.memory_space<hbm>> -> memref<128x128xf32, #tpu.memory_space<hbm>>
      %dma_wait3A_183 = tpu.memref_slice %arg11[%dma_wait3A_179] : memref<2x!tpu.dma_semaphore, #tpu.memory_space<semaphore_mem>> -> memref<1x!tpu.dma_semaphore, #tpu.memory_space<semaphore_mem>>
      %dma_wait3A_184 = tpu.memref_squeeze %dma_wait3A_183 : memref<1x!tpu.dma_semaphore, #tpu.memory_space<semaphore_mem>> -> memref<!tpu.dma_semaphore, #tpu.memory_space<semaphore_mem>>
      %dma_wait3A_185 = arith.constant 0 : i32
      %dma_wait3A_186 = arith.constant 0 : i32
      %dma_wait3A_187 = tpu.memref_slice %arg2[%dma_wait3A_185, %dma_wait3A_186] : memref<10000x128xf32, #tpu.memory_space<hbm>> -> memref<128x128xf32, #tpu.memory_space<hbm>>
      tpu.wait_dma2 semaphore(%dma_wait3A_184 : memref<!tpu.dma_semaphore, #tpu.memory_space<semaphore_mem>>) src(%dma_wait3A_187 : memref<128x128xf32, #tpu.memory_space<hbm>>) dst(%arg9 : memref<128x128xf32, #tpu.memory_space<vmem>>)
      %rem3A_188 = arith.constant 32 : i32
      %rem3A_189 = arith.remsi %add3A_165, %rem3A_188 : i32
      %dma_start3A_190 = arith.constant 1 : i32
      %dma_start3A_191 = arith.constant 0 : i32
      %dma_start3A_192 = tpu.memref_slice %arg7[%rem3A_189, %dma_start3A_191] : memref<32x128xi32, #tpu.memory_space<vmem>> -> memref<1x128xi32, #tpu.memory_space<vmem>>
      %dma_start3A_193 = tpu.memref_squeeze %dma_start3A_192 : memref<1x128xi32, #tpu.memory_space<vmem>> -> memref<128xi32, #tpu.memory_space<vmem>>
      %dma_start3A_194 = arith.constant 0 : i32
      %dma_start3A_195 = arith.constant 0 : i32
      %dma_start3A_196 = tpu.memref_slice %arg10[%dma_start3A_194, %dma_start3A_195] : memref<10240x128xf32, #tpu.memory_space<vmem_shared>> -> memref<10240x128xf32, #tpu.memory_space<vmem_shared>>
      %dma_start3A_197 = tpu.memref_slice %arg12[%dma_start3A_190] : memref<2x!tpu.dma_semaphore, #tpu.memory_space<semaphore_mem>> -> memref<1x!tpu.dma_semaphore, #tpu.memory_space<semaphore_mem>>
      %dma_start3A_198 = tpu.memref_squeeze %dma_start3A_197 : memref<1x!tpu.dma_semaphore, #tpu.memory_space<semaphore_mem>> -> memref<!tpu.dma_semaphore, #tpu.memory_space<semaphore_mem>>
      tpu.enqueue_indirect_dma source(%arg9 : memref<128x128xf32, #tpu.memory_space<vmem>>) target(%dma_start3A_196 : memref<10240x128xf32, #tpu.memory_space<vmem_shared>>) offsets(%dma_start3A_193 : memref<128xi32, #tpu.memory_space<vmem>>) semaphore(%dma_start3A_198 : memref<!tpu.dma_semaphore, #tpu.memory_space<semaphore_mem>>) {add = true}
    }
    %while3A_105 = arith.constant 1 : i32
    scf.for %while3A_129 = %while3A_103 to %while3A_99 step %while3A_105  : i32 {
      %mul3A_130 = arith.muli %while3A_129, %while3A : i32
      %add3A_131 = arith.addi %while3A_96, %mul3A_130 : i32
      %add3A_132 = arith.constant 0 : i32
      %add3A_133 = arith.addi %add3A_131, %add3A_132 : i32
      %rem3A_134 = arith.constant 16 : i32
      %rem3A_135 = arith.remsi %add3A_133, %rem3A_134 : i32
      %eq3A_136 = arith.constant 0 : i32
      %eq3A_137 = arith.cmpi eq, %rem3A_135, %eq3A_136 : i32
      %convert_element_type3A = arith.extui %eq3A_137 : i1 to i32
      %cond3A = arith.constant 0 : i32
      %cond3A_138 = arith.cmpi ne, %convert_element_type3A, %cond3A : i32
      scf.if %cond3A_138 {
        %jit3A_199 = arith.constant 16 : i32
        %div3A_200 = arith.divsi %add3A_133, %jit3A_199 : i32
        %sign3A = arith.constant 0 : i32
        %sign3A_201 = arith.cmpi sgt, %add3A_133, %sign3A : i32
        %sign3A_202 = arith.extui %sign3A_201 : i1 to i32
        %sign3A_203 = arith.constant 0 : i32
        %sign3A_204 = arith.cmpi slt, %add3A_133, %sign3A_203 : i32
        %sign3A_205 = arith.extui %sign3A_204 : i1 to i32
        %sign3A_206 = arith.subi %sign3A_202, %sign3A_205 : i32
        %sign3A_207 = arith.constant 0 : i32
        %sign3A_208 = arith.cmpi sgt, %jit3A_199, %sign3A_207 : i32
        %sign3A_209 = arith.extui %sign3A_208 : i1 to i32
        %sign3A_210 = arith.constant 0 : i32
        %sign3A_211 = arith.cmpi slt, %jit3A_199, %sign3A_210 : i32
        %sign3A_212 = arith.extui %sign3A_211 : i1 to i32
        %sign3A_213 = arith.subi %sign3A_209, %sign3A_212 : i32
        %ne3A = arith.cmpi ne, %sign3A_206, %sign3A_213 : i32
        %rem3A_214 = arith.remsi %add3A_133, %jit3A_199 : i32
        %ne3A_215 = arith.constant 0 : i32
        %ne3A_216 = arith.cmpi ne, %rem3A_214, %ne3A_215 : i32
        %and3A = arith.andi %ne3A, %ne3A_216 : i1
        %sub3A_217 = arith.constant 1 : i32
        %sub3A_218 = arith.subi %div3A_200, %sub3A_217 : i32
        %select_n3A_219 = arith.select %and3A, %sub3A_218, %div3A_200 : i32
        %add3A_220 = arith.constant 1 : i32
        %add3A_221 = arith.addi %select_n3A_219, %add3A_220 : i32
        %mul3A_222 = arith.constant 16 : i32
        %mul3A_223 = arith.muli %add3A_221, %mul3A_222 : i32
        %lt3A_224 = arith.cmpi slt, %mul3A_223, %select_n3A : i32
        %convert_element_type3A_225 = arith.extui %lt3A_224 : i1 to i32
        %cond3A_226 = arith.constant 0 : i32
        %cond3A_227 = arith.cmpi ne, %convert_element_type3A_225, %cond3A_226 : i32
        scf.if %cond3A_227 {
          %add3A_228 = arith.constant 1 : i32
          %add3A_229 = arith.addi %select_n3A_219, %add3A_228 : i32
          %rem3A_230 = arith.constant 2 : i32
          %rem3A_231 = arith.remsi %add3A_229, %rem3A_230 : i32
          %mul3A_232 = arith.constant 16 : i32
          %mul3A_233 = arith.muli %rem3A_231, %mul3A_232 : i32
          %mul3A_234 = arith.constant 16 : i32
          %mul3A_235 = arith.muli %add3A_229, %mul3A_234 : i32
          %add3A_236 = arith.addi %select_n3A_8, %mul3A_235 : i32
          %dma_start3A_237 = arith.constant 0 : i32
          %dma_start3A_238 = tpu.memref_slice %arg6[%mul3A_233, %dma_start3A_237] : memref<32x128xi32, #tpu.memory_space<vmem>> -> memref<16x128xi32, #tpu.memory_space<vmem>>
          %dma_start3A_239 = arith.constant 0 : i32
          %dma_start3A_240 = tpu.memref_slice %arg3[%add3A_236, %dma_start3A_239] : memref<2560x128xi32, #tpu.memory_space<hbm>> -> memref<16x128xi32, #tpu.memory_space<hbm>>
          %dma_start3A_241 = arith.constant 0 : i32
          %dma_start3A_242 = tpu.memref_slice %arg6[%mul3A_233, %dma_start3A_241] : memref<32x128xi32, #tpu.memory_space<vmem>> -> memref<16x128xi32, #tpu.memory_space<vmem>>
          %dma_start3A_243 = arith.constant 0 : i32
          %dma_start3A_244 = tpu.memref_slice %arg3[%add3A_236, %dma_start3A_243] : memref<2560x128xi32, #tpu.memory_space<hbm>> -> memref<16x128xi32, #tpu.memory_space<hbm>>
          tpu.enqueue_dma source(%dma_start3A_244 : memref<16x128xi32, #tpu.memory_space<hbm>>) target(%dma_start3A_242 : memref<16x128xi32, #tpu.memory_space<vmem>>) target_semaphore(%arg13 : memref<!tpu.dma_semaphore, #tpu.memory_space<semaphore_mem>>)
          %mul3A_245 = arith.constant 16 : i32
          %mul3A_246 = arith.muli %add3A_229, %mul3A_245 : i32
          %add3A_247 = arith.addi %select_n3A_8, %mul3A_246 : i32
          %dma_start3A_248 = arith.constant 0 : i32
          %dma_start3A_249 = tpu.memref_slice %arg7[%mul3A_233, %dma_start3A_248] : memref<32x128xi32, #tpu.memory_space<vmem>> -> memref<16x128xi32, #tpu.memory_space<vmem>>
          %dma_start3A_250 = arith.constant 0 : i32
          %dma_start3A_251 = tpu.memref_slice %arg4[%add3A_247, %dma_start3A_250] : memref<2560x128xi32, #tpu.memory_space<hbm>> -> memref<16x128xi32, #tpu.memory_space<hbm>>
          %dma_start3A_252 = arith.constant 0 : i32
          %dma_start3A_253 = tpu.memref_slice %arg7[%mul3A_233, %dma_start3A_252] : memref<32x128xi32, #tpu.memory_space<vmem>> -> memref<16x128xi32, #tpu.memory_space<vmem>>
          %dma_start3A_254 = arith.constant 0 : i32
          %dma_start3A_255 = tpu.memref_slice %arg4[%add3A_247, %dma_start3A_254] : memref<2560x128xi32, #tpu.memory_space<hbm>> -> memref<16x128xi32, #tpu.memory_space<hbm>>
          tpu.enqueue_dma source(%dma_start3A_255 : memref<16x128xi32, #tpu.memory_space<hbm>>) target(%dma_start3A_253 : memref<16x128xi32, #tpu.memory_space<vmem>>) target_semaphore(%arg13 : memref<!tpu.dma_semaphore, #tpu.memory_space<semaphore_mem>>)
          %dma_wait3A_256 = arith.constant 0 : i32
          %dma_wait3A_257 = arith.constant 0 : i32
          %dma_wait3A_258 = tpu.memref_slice %arg6[%dma_wait3A_256, %dma_wait3A_257] : memref<32x128xi32, #tpu.memory_space<vmem>> -> memref<16x128xi32, #tpu.memory_space<vmem>>
          %dma_wait3A_259 = arith.constant 0 : i32
          %dma_wait3A_260 = arith.constant 0 : i32
          %dma_wait3A_261 = tpu.memref_slice %arg3[%dma_wait3A_259, %dma_wait3A_260] : memref<2560x128xi32, #tpu.memory_space<hbm>> -> memref<16x128xi32, #tpu.memory_space<hbm>>
          %dma_wait3A_262 = arith.constant 0 : i32
          %dma_wait3A_263 = arith.constant 0 : i32
          %dma_wait3A_264 = tpu.memref_slice %arg6[%dma_wait3A_262, %dma_wait3A_263] : memref<32x128xi32, #tpu.memory_space<vmem>> -> memref<16x128xi32, #tpu.memory_space<vmem>>
          %dma_wait3A_265 = arith.constant 0 : i32
          %dma_wait3A_266 = arith.constant 0 : i32
          %dma_wait3A_267 = tpu.memref_slice %arg3[%dma_wait3A_265, %dma_wait3A_266] : memref<2560x128xi32, #tpu.memory_space<hbm>> -> memref<16x128xi32, #tpu.memory_space<hbm>>
          tpu.wait_dma2 semaphore(%arg13 : memref<!tpu.dma_semaphore, #tpu.memory_space<semaphore_mem>>) src(%dma_wait3A_267 : memref<16x128xi32, #tpu.memory_space<hbm>>) dst(%dma_wait3A_264 : memref<16x128xi32, #tpu.memory_space<vmem>>)
          %dma_wait3A_268 = arith.constant 0 : i32
          %dma_wait3A_269 = arith.constant 0 : i32
          %dma_wait3A_270 = tpu.memref_slice %arg7[%dma_wait3A_268, %dma_wait3A_269] : memref<32x128xi32, #tpu.memory_space<vmem>> -> memref<16x128xi32, #tpu.memory_space<vmem>>
          %dma_wait3A_271 = arith.constant 0 : i32
          %dma_wait3A_272 = arith.constant 0 : i32
          %dma_wait3A_273 = tpu.memref_slice %arg3[%dma_wait3A_271, %dma_wait3A_272] : memref<2560x128xi32, #tpu.memory_space<hbm>> -> memref<16x128xi32, #tpu.memory_space<hbm>>
          %dma_wait3A_274 = arith.constant 0 : i32
          %dma_wait3A_275 = arith.constant 0 : i32
          %dma_wait3A_276 = tpu.memref_slice %arg7[%dma_wait3A_274, %dma_wait3A_275] : memref<32x128xi32, #tpu.memory_space<vmem>> -> memref<16x128xi32, #tpu.memory_space<vmem>>
          %dma_wait3A_277 = arith.constant 0 : i32
          %dma_wait3A_278 = arith.constant 0 : i32
          %dma_wait3A_279 = tpu.memref_slice %arg3[%dma_wait3A_277, %dma_wait3A_278] : memref<2560x128xi32, #tpu.memory_space<hbm>> -> memref<16x128xi32, #tpu.memory_space<hbm>>
          tpu.wait_dma2 semaphore(%arg13 : memref<!tpu.dma_semaphore, #tpu.memory_space<semaphore_mem>>) src(%dma_wait3A_279 : memref<16x128xi32, #tpu.memory_space<hbm>>) dst(%dma_wait3A_276 : memref<16x128xi32, #tpu.memory_space<vmem>>)
        } else {
        }
      } else {
      }
      %add3A_139 = arith.constant 1 : i32
      %add3A_140 = arith.addi %add3A_133, %add3A_139 : i32
      %lt3A = arith.cmpi slt, %add3A_140, %select_n3A : i32
      %convert_element_type3A_141 = arith.extui %lt3A : i1 to i32
      %cond3A_142 = arith.constant 0 : i32
      %cond3A_143 = arith.cmpi ne, %convert_element_type3A_141, %cond3A_142 : i32
      scf.if %cond3A_143 {
        %sub3A_199 = arith.constant 1 : i32
        %sub3A_200 = arith.subi %add3A_133, %sub3A_199 : i32
        %ge3A = arith.constant 0 : i32
        %ge3A_201 = arith.cmpi sge, %sub3A_200, %ge3A : i32
        %convert_element_type3A_202 = arith.extui %ge3A_201 : i1 to i32
        %cond3A_203 = arith.constant 0 : i32
        %cond3A_204 = arith.cmpi ne, %convert_element_type3A_202, %cond3A_203 : i32
        scf.if %cond3A_204 {
          %dma_wait3A_218 = arith.constant 1 : i32
          %dma_wait3A_219 = arith.constant 0 : i32
          %dma_wait3A_220 = arith.constant 0 : i32
          %dma_wait3A_221 = tpu.memref_slice %arg2[%dma_wait3A_219, %dma_wait3A_220] : memref<10000x128xf32, #tpu.memory_space<hbm>> -> memref<128x128xf32, #tpu.memory_space<hbm>>
          %dma_wait3A_222 = tpu.memref_slice %arg12[%dma_wait3A_218] : memref<2x!tpu.dma_semaphore, #tpu.memory_space<semaphore_mem>> -> memref<1x!tpu.dma_semaphore, #tpu.memory_space<semaphore_mem>>
          %dma_wait3A_223 = tpu.memref_squeeze %dma_wait3A_222 : memref<1x!tpu.dma_semaphore, #tpu.memory_space<semaphore_mem>> -> memref<!tpu.dma_semaphore, #tpu.memory_space<semaphore_mem>>
          %dma_wait3A_224 = arith.constant 0 : i32
          %dma_wait3A_225 = arith.constant 0 : i32
          %dma_wait3A_226 = tpu.memref_slice %arg2[%dma_wait3A_224, %dma_wait3A_225] : memref<10000x128xf32, #tpu.memory_space<hbm>> -> memref<128x128xf32, #tpu.memory_space<hbm>>
          tpu.wait_dma2 semaphore(%dma_wait3A_223 : memref<!tpu.dma_semaphore, #tpu.memory_space<semaphore_mem>>) src(%dma_wait3A_226 : memref<128x128xf32, #tpu.memory_space<hbm>>) dst(%arg9 : memref<128x128xf32, #tpu.memory_space<vmem>>)
        } else {
        }
        %add3A_205 = arith.constant 1 : i32
        %add3A_206 = arith.addi %add3A_133, %add3A_205 : i32
        %rem3A_207 = arith.constant 32 : i32
        %rem3A_208 = arith.remsi %add3A_206, %rem3A_207 : i32
        %dma_start3A_209 = arith.constant 1 : i32
        %dma_start3A_210 = arith.constant 0 : i32
        %dma_start3A_211 = tpu.memref_slice %arg6[%rem3A_208, %dma_start3A_210] : memref<32x128xi32, #tpu.memory_space<vmem>> -> memref<1x128xi32, #tpu.memory_space<vmem>>
        %dma_start3A_212 = tpu.memref_squeeze %dma_start3A_211 : memref<1x128xi32, #tpu.memory_space<vmem>> -> memref<128xi32, #tpu.memory_space<vmem>>
        %dma_start3A_213 = arith.constant 0 : i32
        %dma_start3A_214 = arith.constant 0 : i32
        %dma_start3A_215 = tpu.memref_slice %arg2[%dma_start3A_213, %dma_start3A_214] : memref<10000x128xf32, #tpu.memory_space<hbm>> -> memref<10000x128xf32, #tpu.memory_space<hbm>>
        %dma_start3A_216 = tpu.memref_slice %arg11[%dma_start3A_209] : memref<2x!tpu.dma_semaphore, #tpu.memory_space<semaphore_mem>> -> memref<1x!tpu.dma_semaphore, #tpu.memory_space<semaphore_mem>>
        %dma_start3A_217 = tpu.memref_squeeze %dma_start3A_216 : memref<1x!tpu.dma_semaphore, #tpu.memory_space<semaphore_mem>> -> memref<!tpu.dma_semaphore, #tpu.memory_space<semaphore_mem>>
        tpu.enqueue_indirect_dma source(%dma_start3A_215 : memref<10000x128xf32, #tpu.memory_space<hbm>>) target(%arg9 : memref<128x128xf32, #tpu.memory_space<vmem>>) offsets(%dma_start3A_212 : memref<128xi32, #tpu.memory_space<vmem>>) semaphore(%dma_start3A_217 : memref<!tpu.dma_semaphore, #tpu.memory_space<semaphore_mem>>)
      } else {
      }
      %dma_wait3A_144 = arith.constant 0 : i32
      %dma_wait3A_145 = arith.constant 0 : i32
      %dma_wait3A_146 = arith.constant 0 : i32
      %dma_wait3A_147 = tpu.memref_slice %arg2[%dma_wait3A_145, %dma_wait3A_146] : memref<10000x128xf32, #tpu.memory_space<hbm>> -> memref<128x128xf32, #tpu.memory_space<hbm>>
      %dma_wait3A_148 = tpu.memref_slice %arg11[%dma_wait3A_144] : memref<2x!tpu.dma_semaphore, #tpu.memory_space<semaphore_mem>> -> memref<1x!tpu.dma_semaphore, #tpu.memory_space<semaphore_mem>>
      %dma_wait3A_149 = tpu.memref_squeeze %dma_wait3A_148 : memref<1x!tpu.dma_semaphore, #tpu.memory_space<semaphore_mem>> -> memref<!tpu.dma_semaphore, #tpu.memory_space<semaphore_mem>>
      %dma_wait3A_150 = arith.constant 0 : i32
      %dma_wait3A_151 = arith.constant 0 : i32
      %dma_wait3A_152 = tpu.memref_slice %arg2[%dma_wait3A_150, %dma_wait3A_151] : memref<10000x128xf32, #tpu.memory_space<hbm>> -> memref<128x128xf32, #tpu.memory_space<hbm>>
      tpu.wait_dma2 semaphore(%dma_wait3A_149 : memref<!tpu.dma_semaphore, #tpu.memory_space<semaphore_mem>>) src(%dma_wait3A_152 : memref<128x128xf32, #tpu.memory_space<hbm>>) dst(%arg8 : memref<128x128xf32, #tpu.memory_space<vmem>>)
      %rem3A_153 = arith.constant 32 : i32
      %rem3A_154 = arith.remsi %add3A_133, %rem3A_153 : i32
      %dma_start3A_155 = arith.constant 0 : i32
      %dma_start3A_156 = arith.constant 0 : i32
      %dma_start3A_157 = tpu.memref_slice %arg7[%rem3A_154, %dma_start3A_156] : memref<32x128xi32, #tpu.memory_space<vmem>> -> memref<1x128xi32, #tpu.memory_space<vmem>>
      %dma_start3A_158 = tpu.memref_squeeze %dma_start3A_157 : memref<1x128xi32, #tpu.memory_space<vmem>> -> memref<128xi32, #tpu.memory_space<vmem>>
      %dma_start3A_159 = arith.constant 0 : i32
      %dma_start3A_160 = arith.constant 0 : i32
      %dma_start3A_161 = tpu.memref_slice %arg10[%dma_start3A_159, %dma_start3A_160] : memref<10240x128xf32, #tpu.memory_space<vmem_shared>> -> memref<10240x128xf32, #tpu.memory_space<vmem_shared>>
      %dma_start3A_162 = tpu.memref_slice %arg12[%dma_start3A_155] : memref<2x!tpu.dma_semaphore, #tpu.memory_space<semaphore_mem>> -> memref<1x!tpu.dma_semaphore, #tpu.memory_space<semaphore_mem>>
      %dma_start3A_163 = tpu.memref_squeeze %dma_start3A_162 : memref<1x!tpu.dma_semaphore, #tpu.memory_space<semaphore_mem>> -> memref<!tpu.dma_semaphore, #tpu.memory_space<semaphore_mem>>
      tpu.enqueue_indirect_dma source(%arg8 : memref<128x128xf32, #tpu.memory_space<vmem>>) target(%dma_start3A_161 : memref<10240x128xf32, #tpu.memory_space<vmem_shared>>) offsets(%dma_start3A_158 : memref<128xi32, #tpu.memory_space<vmem>>) semaphore(%dma_start3A_163 : memref<!tpu.dma_semaphore, #tpu.memory_space<semaphore_mem>>) {add = true}
      %add3A_164 = arith.constant 1 : i32
      %add3A_165 = arith.addi %add3A_131, %add3A_164 : i32
      %rem3A_166 = arith.constant 16 : i32
      %rem3A_167 = arith.remsi %add3A_165, %rem3A_166 : i32
      %eq3A_168 = arith.constant 0 : i32
      %eq3A_169 = arith.cmpi eq, %rem3A_167, %eq3A_168 : i32
      %convert_element_type3A_170 = arith.extui %eq3A_169 : i1 to i32
      %cond3A_171 = arith.constant 0 : i32
      %cond3A_172 = arith.cmpi ne, %convert_element_type3A_170, %cond3A_171 : i32
      scf.if %cond3A_172 {
        %jit3A_199 = arith.constant 16 : i32
        %div3A_200 = arith.divsi %add3A_165, %jit3A_199 : i32
        %sign3A = arith.constant 0 : i32
        %sign3A_201 = arith.cmpi sgt, %add3A_165, %sign3A : i32
        %sign3A_202 = arith.extui %sign3A_201 : i1 to i32
        %sign3A_203 = arith.constant 0 : i32
        %sign3A_204 = arith.cmpi slt, %add3A_165, %sign3A_203 : i32
        %sign3A_205 = arith.extui %sign3A_204 : i1 to i32
        %sign3A_206 = arith.subi %sign3A_202, %sign3A_205 : i32
        %sign3A_207 = arith.constant 0 : i32
        %sign3A_208 = arith.cmpi sgt, %jit3A_199, %sign3A_207 : i32
        %sign3A_209 = arith.extui %sign3A_208 : i1 to i32
        %sign3A_210 = arith.constant 0 : i32
        %sign3A_211 = arith.cmpi slt, %jit3A_199, %sign3A_210 : i32
        %sign3A_212 = arith.extui %sign3A_211 : i1 to i32
        %sign3A_213 = arith.subi %sign3A_209, %sign3A_212 : i32
        %ne3A = arith.cmpi ne, %sign3A_206, %sign3A_213 : i32
        %rem3A_214 = arith.remsi %add3A_165, %jit3A_199 : i32
        %ne3A_215 = arith.constant 0 : i32
        %ne3A_216 = arith.cmpi ne, %rem3A_214, %ne3A_215 : i32
        %and3A = arith.andi %ne3A, %ne3A_216 : i1
        %sub3A_217 = arith.constant 1 : i32
        %sub3A_218 = arith.subi %div3A_200, %sub3A_217 : i32
        %select_n3A_219 = arith.select %and3A, %sub3A_218, %div3A_200 : i32
        %add3A_220 = arith.constant 1 : i32
        %add3A_221 = arith.addi %select_n3A_219, %add3A_220 : i32
        %mul3A_222 = arith.constant 16 : i32
        %mul3A_223 = arith.muli %add3A_221, %mul3A_222 : i32
        %lt3A_224 = arith.cmpi slt, %mul3A_223, %select_n3A : i32
        %convert_element_type3A_225 = arith.extui %lt3A_224 : i1 to i32
        %cond3A_226 = arith.constant 0 : i32
        %cond3A_227 = arith.cmpi ne, %convert_element_type3A_225, %cond3A_226 : i32
        scf.if %cond3A_227 {
          %add3A_228 = arith.constant 1 : i32
          %add3A_229 = arith.addi %select_n3A_219, %add3A_228 : i32
          %rem3A_230 = arith.constant 2 : i32
          %rem3A_231 = arith.remsi %add3A_229, %rem3A_230 : i32
          %mul3A_232 = arith.constant 16 : i32
          %mul3A_233 = arith.muli %rem3A_231, %mul3A_232 : i32
          %mul3A_234 = arith.constant 16 : i32
          %mul3A_235 = arith.muli %add3A_229, %mul3A_234 : i32
          %add3A_236 = arith.addi %select_n3A_8, %mul3A_235 : i32
          %dma_start3A_237 = arith.constant 0 : i32
          %dma_start3A_238 = tpu.memref_slice %arg6[%mul3A_233, %dma_start3A_237] : memref<32x128xi32, #tpu.memory_space<vmem>> -> memref<16x128xi32, #tpu.memory_space<vmem>>
          %dma_start3A_239 = arith.constant 0 : i32
          %dma_start3A_240 = tpu.memref_slice %arg3[%add3A_236, %dma_start3A_239] : memref<2560x128xi32, #tpu.memory_space<hbm>> -> memref<16x128xi32, #tpu.memory_space<hbm>>
          %dma_start3A_241 = arith.constant 0 : i32
          %dma_start3A_242 = tpu.memref_slice %arg6[%mul3A_233, %dma_start3A_241] : memref<32x128xi32, #tpu.memory_space<vmem>> -> memref<16x128xi32, #tpu.memory_space<vmem>>
          %dma_start3A_243 = arith.constant 0 : i32
          %dma_start3A_244 = tpu.memref_slice %arg3[%add3A_236, %dma_start3A_243] : memref<2560x128xi32, #tpu.memory_space<hbm>> -> memref<16x128xi32, #tpu.memory_space<hbm>>
          tpu.enqueue_dma source(%dma_start3A_244 : memref<16x128xi32, #tpu.memory_space<hbm>>) target(%dma_start3A_242 : memref<16x128xi32, #tpu.memory_space<vmem>>) target_semaphore(%arg13 : memref<!tpu.dma_semaphore, #tpu.memory_space<semaphore_mem>>)
          %mul3A_245 = arith.constant 16 : i32
          %mul3A_246 = arith.muli %add3A_229, %mul3A_245 : i32
          %add3A_247 = arith.addi %select_n3A_8, %mul3A_246 : i32
          %dma_start3A_248 = arith.constant 0 : i32
          %dma_start3A_249 = tpu.memref_slice %arg7[%mul3A_233, %dma_start3A_248] : memref<32x128xi32, #tpu.memory_space<vmem>> -> memref<16x128xi32, #tpu.memory_space<vmem>>
          %dma_start3A_250 = arith.constant 0 : i32
          %dma_start3A_251 = tpu.memref_slice %arg4[%add3A_247, %dma_start3A_250] : memref<2560x128xi32, #tpu.memory_space<hbm>> -> memref<16x128xi32, #tpu.memory_space<hbm>>
          %dma_start3A_252 = arith.constant 0 : i32
          %dma_start3A_253 = tpu.memref_slice %arg7[%mul3A_233, %dma_start3A_252] : memref<32x128xi32, #tpu.memory_space<vmem>> -> memref<16x128xi32, #tpu.memory_space<vmem>>
          %dma_start3A_254 = arith.constant 0 : i32
          %dma_start3A_255 = tpu.memref_slice %arg4[%add3A_247, %dma_start3A_254] : memref<2560x128xi32, #tpu.memory_space<hbm>> -> memref<16x128xi32, #tpu.memory_space<hbm>>
          tpu.enqueue_dma source(%dma_start3A_255 : memref<16x128xi32, #tpu.memory_space<hbm>>) target(%dma_start3A_253 : memref<16x128xi32, #tpu.memory_space<vmem>>) target_semaphore(%arg13 : memref<!tpu.dma_semaphore, #tpu.memory_space<semaphore_mem>>)
          %dma_wait3A_256 = arith.constant 0 : i32
          %dma_wait3A_257 = arith.constant 0 : i32
          %dma_wait3A_258 = tpu.memref_slice %arg6[%dma_wait3A_256, %dma_wait3A_257] : memref<32x128xi32, #tpu.memory_space<vmem>> -> memref<16x128xi32, #tpu.memory_space<vmem>>
          %dma_wait3A_259 = arith.constant 0 : i32
          %dma_wait3A_260 = arith.constant 0 : i32
          %dma_wait3A_261 = tpu.memref_slice %arg3[%dma_wait3A_259, %dma_wait3A_260] : memref<2560x128xi32, #tpu.memory_space<hbm>> -> memref<16x128xi32, #tpu.memory_space<hbm>>
          %dma_wait3A_262 = arith.constant 0 : i32
          %dma_wait3A_263 = arith.constant 0 : i32
          %dma_wait3A_264 = tpu.memref_slice %arg6[%dma_wait3A_262, %dma_wait3A_263] : memref<32x128xi32, #tpu.memory_space<vmem>> -> memref<16x128xi32, #tpu.memory_space<vmem>>
          %dma_wait3A_265 = arith.constant 0 : i32
          %dma_wait3A_266 = arith.constant 0 : i32
          %dma_wait3A_267 = tpu.memref_slice %arg3[%dma_wait3A_265, %dma_wait3A_266] : memref<2560x128xi32, #tpu.memory_space<hbm>> -> memref<16x128xi32, #tpu.memory_space<hbm>>
          tpu.wait_dma2 semaphore(%arg13 : memref<!tpu.dma_semaphore, #tpu.memory_space<semaphore_mem>>) src(%dma_wait3A_267 : memref<16x128xi32, #tpu.memory_space<hbm>>) dst(%dma_wait3A_264 : memref<16x128xi32, #tpu.memory_space<vmem>>)
          %dma_wait3A_268 = arith.constant 0 : i32
          %dma_wait3A_269 = arith.constant 0 : i32
          %dma_wait3A_270 = tpu.memref_slice %arg7[%dma_wait3A_268, %dma_wait3A_269] : memref<32x128xi32, #tpu.memory_space<vmem>> -> memref<16x128xi32, #tpu.memory_space<vmem>>
          %dma_wait3A_271 = arith.constant 0 : i32
          %dma_wait3A_272 = arith.constant 0 : i32
          %dma_wait3A_273 = tpu.memref_slice %arg3[%dma_wait3A_271, %dma_wait3A_272] : memref<2560x128xi32, #tpu.memory_space<hbm>> -> memref<16x128xi32, #tpu.memory_space<hbm>>
          %dma_wait3A_274 = arith.constant 0 : i32
          %dma_wait3A_275 = arith.constant 0 : i32
          %dma_wait3A_276 = tpu.memref_slice %arg7[%dma_wait3A_274, %dma_wait3A_275] : memref<32x128xi32, #tpu.memory_space<vmem>> -> memref<16x128xi32, #tpu.memory_space<vmem>>
          %dma_wait3A_277 = arith.constant 0 : i32
          %dma_wait3A_278 = arith.constant 0 : i32
          %dma_wait3A_279 = tpu.memref_slice %arg3[%dma_wait3A_277, %dma_wait3A_278] : memref<2560x128xi32, #tpu.memory_space<hbm>> -> memref<16x128xi32, #tpu.memory_space<hbm>>
          tpu.wait_dma2 semaphore(%arg13 : memref<!tpu.dma_semaphore, #tpu.memory_space<semaphore_mem>>) src(%dma_wait3A_279 : memref<16x128xi32, #tpu.memory_space<hbm>>) dst(%dma_wait3A_276 : memref<16x128xi32, #tpu.memory_space<vmem>>)
        } else {
        }
      } else {
      }
      %add3A_173 = arith.constant 1 : i32
      %add3A_174 = arith.addi %add3A_165, %add3A_173 : i32
      %lt3A_175 = arith.cmpi slt, %add3A_174, %select_n3A : i32
      %convert_element_type3A_176 = arith.extui %lt3A_175 : i1 to i32
      %cond3A_177 = arith.constant 0 : i32
      %cond3A_178 = arith.cmpi ne, %convert_element_type3A_176, %cond3A_177 : i32
      scf.if %cond3A_178 {
        %sub3A_199 = arith.constant 1 : i32
        %sub3A_200 = arith.subi %add3A_165, %sub3A_199 : i32
        %ge3A = arith.constant 0 : i32
        %ge3A_201 = arith.cmpi sge, %sub3A_200, %ge3A : i32
        %convert_element_type3A_202 = arith.extui %ge3A_201 : i1 to i32
        %cond3A_203 = arith.constant 0 : i32
        %cond3A_204 = arith.cmpi ne, %convert_element_type3A_202, %cond3A_203 : i32
        scf.if %cond3A_204 {
          %dma_wait3A_218 = arith.constant 0 : i32
          %dma_wait3A_219 = arith.constant 0 : i32
          %dma_wait3A_220 = arith.constant 0 : i32
          %dma_wait3A_221 = tpu.memref_slice %arg2[%dma_wait3A_219, %dma_wait3A_220] : memref<10000x128xf32, #tpu.memory_space<hbm>> -> memref<128x128xf32, #tpu.memory_space<hbm>>
          %dma_wait3A_222 = tpu.memref_slice %arg12[%dma_wait3A_218] : memref<2x!tpu.dma_semaphore, #tpu.memory_space<semaphore_mem>> -> memref<1x!tpu.dma_semaphore, #tpu.memory_space<semaphore_mem>>
          %dma_wait3A_223 = tpu.memref_squeeze %dma_wait3A_222 : memref<1x!tpu.dma_semaphore, #tpu.memory_space<semaphore_mem>> -> memref<!tpu.dma_semaphore, #tpu.memory_space<semaphore_mem>>
          %dma_wait3A_224 = arith.constant 0 : i32
          %dma_wait3A_225 = arith.constant 0 : i32
          %dma_wait3A_226 = tpu.memref_slice %arg2[%dma_wait3A_224, %dma_wait3A_225] : memref<10000x128xf32, #tpu.memory_space<hbm>> -> memref<128x128xf32, #tpu.memory_space<hbm>>
          tpu.wait_dma2 semaphore(%dma_wait3A_223 : memref<!tpu.dma_semaphore, #tpu.memory_space<semaphore_mem>>) src(%dma_wait3A_226 : memref<128x128xf32, #tpu.memory_space<hbm>>) dst(%arg8 : memref<128x128xf32, #tpu.memory_space<vmem>>)
        } else {
        }
        %add3A_205 = arith.constant 1 : i32
        %add3A_206 = arith.addi %add3A_165, %add3A_205 : i32
        %rem3A_207 = arith.constant 32 : i32
        %rem3A_208 = arith.remsi %add3A_206, %rem3A_207 : i32
        %dma_start3A_209 = arith.constant 0 : i32
        %dma_start3A_210 = arith.constant 0 : i32
        %dma_start3A_211 = tpu.memref_slice %arg6[%rem3A_208, %dma_start3A_210] : memref<32x128xi32, #tpu.memory_space<vmem>> -> memref<1x128xi32, #tpu.memory_space<vmem>>
        %dma_start3A_212 = tpu.memref_squeeze %dma_start3A_211 : memref<1x128xi32, #tpu.memory_space<vmem>> -> memref<128xi32, #tpu.memory_space<vmem>>
        %dma_start3A_213 = arith.constant 0 : i32
        %dma_start3A_214 = arith.constant 0 : i32
        %dma_start3A_215 = tpu.memref_slice %arg2[%dma_start3A_213, %dma_start3A_214] : memref<10000x128xf32, #tpu.memory_space<hbm>> -> memref<10000x128xf32, #tpu.memory_space<hbm>>
        %dma_start3A_216 = tpu.memref_slice %arg11[%dma_start3A_209] : memref<2x!tpu.dma_semaphore, #tpu.memory_space<semaphore_mem>> -> memref<1x!tpu.dma_semaphore, #tpu.memory_space<semaphore_mem>>
        %dma_start3A_217 = tpu.memref_squeeze %dma_start3A_216 : memref<1x!tpu.dma_semaphore, #tpu.memory_space<semaphore_mem>> -> memref<!tpu.dma_semaphore, #tpu.memory_space<semaphore_mem>>
        tpu.enqueue_indirect_dma source(%dma_start3A_215 : memref<10000x128xf32, #tpu.memory_space<hbm>>) target(%arg8 : memref<128x128xf32, #tpu.memory_space<vmem>>) offsets(%dma_start3A_212 : memref<128xi32, #tpu.memory_space<vmem>>) semaphore(%dma_start3A_217 : memref<!tpu.dma_semaphore, #tpu.memory_space<semaphore_mem>>)
      } else {
      }
      %dma_wait3A_179 = arith.constant 1 : i32
      %dma_wait3A_180 = arith.constant 0 : i32
      %dma_wait3A_181 = arith.constant 0 : i32
      %dma_wait3A_182 = tpu.memref_slice %arg2[%dma_wait3A_180, %dma_wait3A_181] : memref<10000x128xf32, #tpu.memory_space<hbm>> -> memref<128x128xf32, #tpu.memory_space<hbm>>
      %dma_wait3A_183 = tpu.memref_slice %arg11[%dma_wait3A_179] : memref<2x!tpu.dma_semaphore, #tpu.memory_space<semaphore_mem>> -> memref<1x!tpu.dma_semaphore, #tpu.memory_space<semaphore_mem>>
      %dma_wait3A_184 = tpu.memref_squeeze %dma_wait3A_183 : memref<1x!tpu.dma_semaphore, #tpu.memory_space<semaphore_mem>> -> memref<!tpu.dma_semaphore, #tpu.memory_space<semaphore_mem>>
      %dma_wait3A_185 = arith.constant 0 : i32
      %dma_wait3A_186 = arith.constant 0 : i32
      %dma_wait3A_187 = tpu.memref_slice %arg2[%dma_wait3A_185, %dma_wait3A_186] : memref<10000x128xf32, #tpu.memory_space<hbm>> -> memref<128x128xf32, #tpu.memory_space<hbm>>
      tpu.wait_dma2 semaphore(%dma_wait3A_184 : memref<!tpu.dma_semaphore, #tpu.memory_space<semaphore_mem>>) src(%dma_wait3A_187 : memref<128x128xf32, #tpu.memory_space<hbm>>) dst(%arg9 : memref<128x128xf32, #tpu.memory_space<vmem>>)
      %rem3A_188 = arith.constant 32 : i32
      %rem3A_189 = arith.remsi %add3A_165, %rem3A_188 : i32
      %dma_start3A_190 = arith.constant 1 : i32
      %dma_start3A_191 = arith.constant 0 : i32
      %dma_start3A_192 = tpu.memref_slice %arg7[%rem3A_189, %dma_start3A_191] : memref<32x128xi32, #tpu.memory_space<vmem>> -> memref<1x128xi32, #tpu.memory_space<vmem>>
      %dma_start3A_193 = tpu.memref_squeeze %dma_start3A_192 : memref<1x128xi32, #tpu.memory_space<vmem>> -> memref<128xi32, #tpu.memory_space<vmem>>
      %dma_start3A_194 = arith.constant 0 : i32
      %dma_start3A_195 = arith.constant 0 : i32
      %dma_start3A_196 = tpu.memref_slice %arg10[%dma_start3A_194, %dma_start3A_195] : memref<10240x128xf32, #tpu.memory_space<vmem_shared>> -> memref<10240x128xf32, #tpu.memory_space<vmem_shared>>
      %dma_start3A_197 = tpu.memref_slice %arg12[%dma_start3A_190] : memref<2x!tpu.dma_semaphore, #tpu.memory_space<semaphore_mem>> -> memref<1x!tpu.dma_semaphore, #tpu.memory_space<semaphore_mem>>
      %dma_start3A_198 = tpu.memref_squeeze %dma_start3A_197 : memref<1x!tpu.dma_semaphore, #tpu.memory_space<semaphore_mem>> -> memref<!tpu.dma_semaphore, #tpu.memory_space<semaphore_mem>>
      tpu.enqueue_indirect_dma source(%arg9 : memref<128x128xf32, #tpu.memory_space<vmem>>) target(%dma_start3A_196 : memref<10240x128xf32, #tpu.memory_space<vmem_shared>>) offsets(%dma_start3A_193 : memref<128xi32, #tpu.memory_space<vmem>>) semaphore(%dma_start3A_198 : memref<!tpu.dma_semaphore, #tpu.memory_space<semaphore_mem>>) {add = true}
    }
    %dma_wait3A_106 = arith.constant 0 : i32
    %dma_wait3A_107 = arith.constant 0 : i32
    %dma_wait3A_108 = arith.constant 0 : i32
    %dma_wait3A_109 = tpu.memref_slice %arg2[%dma_wait3A_107, %dma_wait3A_108] : memref<10000x128xf32, #tpu.memory_space<hbm>> -> memref<128x128xf32, #tpu.memory_space<hbm>>
    %dma_wait3A_110 = tpu.memref_slice %arg12[%dma_wait3A_106] : memref<2x!tpu.dma_semaphore, #tpu.memory_space<semaphore_mem>> -> memref<1x!tpu.dma_semaphore, #tpu.memory_space<semaphore_mem>>
    %dma_wait3A_111 = tpu.memref_squeeze %dma_wait3A_110 : memref<1x!tpu.dma_semaphore, #tpu.memory_space<semaphore_mem>> -> memref<!tpu.dma_semaphore, #tpu.memory_space<semaphore_mem>>
    %dma_wait3A_112 = arith.constant 0 : i32
    %dma_wait3A_113 = arith.constant 0 : i32
    %dma_wait3A_114 = tpu.memref_slice %arg2[%dma_wait3A_112, %dma_wait3A_113] : memref<10000x128xf32, #tpu.memory_space<hbm>> -> memref<128x128xf32, #tpu.memory_space<hbm>>
    tpu.wait_dma2 semaphore(%dma_wait3A_111 : memref<!tpu.dma_semaphore, #tpu.memory_space<semaphore_mem>>) src(%dma_wait3A_114 : memref<128x128xf32, #tpu.memory_space<hbm>>) dst(%arg8 : memref<128x128xf32, #tpu.memory_space<vmem>>)
    %dma_wait3A_115 = arith.constant 1 : i32
    %dma_wait3A_116 = arith.constant 0 : i32
    %dma_wait3A_117 = arith.constant 0 : i32
    %dma_wait3A_118 = tpu.memref_slice %arg2[%dma_wait3A_116, %dma_wait3A_117] : memref<10000x128xf32, #tpu.memory_space<hbm>> -> memref<128x128xf32, #tpu.memory_space<hbm>>
    %dma_wait3A_119 = tpu.memref_slice %arg12[%dma_wait3A_115] : memref<2x!tpu.dma_semaphore, #tpu.memory_space<semaphore_mem>> -> memref<1x!tpu.dma_semaphore, #tpu.memory_space<semaphore_mem>>
    %dma_wait3A_120 = tpu.memref_squeeze %dma_wait3A_119 : memref<1x!tpu.dma_semaphore, #tpu.memory_space<semaphore_mem>> -> memref<!tpu.dma_semaphore, #tpu.memory_space<semaphore_mem>>
    %dma_wait3A_121 = arith.constant 0 : i32
    %dma_wait3A_122 = arith.constant 0 : i32
    %dma_wait3A_123 = tpu.memref_slice %arg2[%dma_wait3A_121, %dma_wait3A_122] : memref<10000x128xf32, #tpu.memory_space<hbm>> -> memref<128x128xf32, #tpu.memory_space<hbm>>
    tpu.wait_dma2 semaphore(%dma_wait3A_120 : memref<!tpu.dma_semaphore, #tpu.memory_space<semaphore_mem>>) src(%dma_wait3A_123 : memref<128x128xf32, #tpu.memory_space<hbm>>) dst(%arg9 : memref<128x128xf32, #tpu.memory_space<vmem>>)
    %barrier3A_124 = arith.constant 0 : index
    tpu.barrier barrier_id(%barrier3A_124)
    %mul3A_125 = arith.constant 640 : i32
    %mul3A_126 = arith.muli %arg1, %mul3A_125 : i32
    %mul3A_127 = arith.constant 640 : i32
    %mul3A_128 = arith.muli %arg1, %mul3A_127 : i32
    "tpu.region"() ({
      %run_scoped3A = tpu.sem_alloc : memref<!tpu.dma_semaphore, #tpu.memory_space<semaphore_mem>>
      %dma_start3A_129 = arith.constant 0 : i32
      %dma_start3A_130 = tpu.memref_slice %arg5[%arg0, %mul3A_128, %dma_start3A_129] : memref<2x10240x128xf32, #tpu.memory_space<hbm>> -> memref<1x640x128xf32, #tpu.memory_space<hbm>>
      %dma_start3A_131 = tpu.memref_squeeze %dma_start3A_130 : memref<1x640x128xf32, #tpu.memory_space<hbm>> -> memref<640x128xf32, #tpu.memory_space<hbm>>
      %dma_start3A_132 = arith.constant 0 : i32
      %dma_start3A_133 = tpu.memref_slice %arg10[%mul3A_126, %dma_start3A_132] : memref<10240x128xf32, #tpu.memory_space<vmem_shared>> -> memref<640x128xf32, #tpu.memory_space<vmem_shared>>
      tpu.enqueue_dma source(%dma_start3A_133 : memref<640x128xf32, #tpu.memory_space<vmem_shared>>) target(%dma_start3A_131 : memref<640x128xf32, #tpu.memory_space<hbm>>) target_semaphore(%run_scoped3A : memref<!tpu.dma_semaphore, #tpu.memory_space<semaphore_mem>>)
      %dma_wait3A_134 = arith.constant 0 : i32
      %dma_wait3A_135 = tpu.memref_slice %arg5[%arg0, %mul3A_128, %dma_wait3A_134] : memref<2x10240x128xf32, #tpu.memory_space<hbm>> -> memref<1x640x128xf32, #tpu.memory_space<hbm>>
      %dma_wait3A_136 = tpu.memref_squeeze %dma_wait3A_135 : memref<1x640x128xf32, #tpu.memory_space<hbm>> -> memref<640x128xf32, #tpu.memory_space<hbm>>
      %dma_wait3A_137 = arith.constant 0 : i32
      %dma_wait3A_138 = tpu.memref_slice %arg10[%mul3A_126, %dma_wait3A_137] : memref<10240x128xf32, #tpu.memory_space<vmem_shared>> -> memref<640x128xf32, #tpu.memory_space<vmem_shared>>
      tpu.wait_dma2 semaphore(%run_scoped3A : memref<!tpu.dma_semaphore, #tpu.memory_space<semaphore_mem>>) src(%dma_wait3A_138 : memref<640x128xf32, #tpu.memory_space<vmem_shared>>) dst(%dma_wait3A_136 : memref<640x128xf32, #tpu.memory_space<hbm>>)
      tpu.yield
    }) : () -> ()
    return
  }
}

module attributes {stable_mosaic.version = 14 : i64} {
  func.func @body(%arg0: i32, %arg1: memref<1000x128xf32, #tpu.memory_space<vmem>>, %arg2: memref<128x16xf32, #tpu.memory_space<vmem>>, %arg3: memref<1x16xf32, #tpu.memory_space<vmem>>, %arg4: memref<16x128x128xf32, #tpu.memory_space<vmem>>, %arg5: memref<16x128xf32, #tpu.memory_space<vmem>>, %arg6: memref<1000x128xf32, #tpu.memory_space<vmem>>, %arg7: memref<1x1xf32, #tpu.memory_space<vmem>>) attributes {dimension_semantics = [#tpu.dimension_semantics<arbitrary>], iteration_bounds = array<i64: 10>, scalar_prefetch = 0 : i64, scratch_operands = 0 : i64, tpu.core_type = #tpu.core_type<tc>, window_params = [{transform_indices = @transform_0, window_bounds = array<i64: 1000, 128>}, {pipeline_mode = #tpu.pipeline_mode<synchronous>, transform_indices = @transform_1, window_bounds = array<i64: 128, 16>}, {pipeline_mode = #tpu.pipeline_mode<synchronous>, transform_indices = @transform_2, window_bounds = array<i64: 1, 16>}, {pipeline_mode = #tpu.pipeline_mode<synchronous>, transform_indices = @transform_3, window_bounds = array<i64: 16, 128, 128>}, {pipeline_mode = #tpu.pipeline_mode<synchronous>, transform_indices = @transform_4, window_bounds = array<i64: 16, 128>}, {transform_indices = @transform_5, window_bounds = array<i64: 1000, 128>}, {pipeline_mode = #tpu.pipeline_mode<synchronous>, transform_indices = @transform_6, window_bounds = array<i64: 1, 1>}]} {
    %get3A = arith.constant 0 : index
    %get3A_0 = arith.constant 0 : index
    %get3A_1 = vector.load %arg1[%get3A, %get3A_0] : memref<1000x128xf32, #tpu.memory_space<vmem>>, vector<1000x128xf32>
    %get3A_2 = arith.constant 0 : index
    %get3A_3 = arith.constant 0 : index
    %get3A_4 = vector.load %arg2[%get3A_2, %get3A_3] : memref<128x16xf32, #tpu.memory_space<vmem>>, vector<128x16xf32>
    %dot_general3A = arith.constant dense<0.000000e+00> : vector<1000x16xf32>
    %dot_general3A_5 = tpu.matmul %get3A_1, %get3A_4, %dot_general3A {dimension_numbers = #tpu.dot_dimension_numbers<[1], [0], [0], [1], [0, 0, 1, 1], [], []>, transpose_lhs_hint = false} : vector<1000x128xf32>, vector<128x16xf32>, vector<1000x16xf32> -> vector<1000x16xf32>
    %get3A_6 = arith.constant 0 : index
    %get3A_7 = arith.constant 0 : index
    %get3A_8 = vector.load %arg3[%get3A_6, %get3A_7] : memref<1x16xf32, #tpu.memory_space<vmem>>, vector<1x16xf32>
    %add3A = vector.broadcast %get3A_8 : vector<1x16xf32> to vector<1000x16xf32>
    %add3A_9 = arith.addf %dot_general3A_5, %add3A : vector<1000x16xf32>
    %argmax3A = tpu.reduce_index %add3A_9 {axis = 1 : i32, kind = #tpu.reduction_kind<arg_max>} : vector<1000x16xf32> -> vector<1000xi32>
    %reduce_sum3A = arith.constant dense<0.000000e+00> : vector<1000xf32>
    %reduce_sum3A_10 = vector.multi_reduction <add>, %add3A_9, %reduce_sum3A [1] : vector<1000x16xf32> to vector<1000xf32>
    %broadcast_in_dim3A = vector.shape_cast %reduce_sum3A_10 : vector<1000xf32> to vector<1000x1xf32>
    %div3A = arith.constant 1.600000e+01 : f32
    %div3A_11 = vector.broadcast %div3A : f32 to vector<1000x1xf32>
    %div3A_12 = arith.divf %broadcast_in_dim3A, %div3A_11 : vector<1000x1xf32>
    %sub3A = vector.broadcast %div3A_12 : vector<1000x1xf32> to vector<1000x16xf32>
    %sub3A_13 = arith.subf %add3A_9, %sub3A : vector<1000x16xf32>
    %integer_pow3A = arith.mulf %sub3A_13, %sub3A_13 : vector<1000x16xf32>
    %reduce_sum3A_14 = arith.constant dense<0.000000e+00> : vector<1000xf32>
    %reduce_sum3A_15 = vector.multi_reduction <add>, %integer_pow3A, %reduce_sum3A_14 [1] : vector<1000x16xf32> to vector<1000xf32>
    %div3A_16 = arith.constant 1.500000e+01 : f32
    %div3A_17 = vector.broadcast %div3A_16 : f32 to vector<1000xf32>
    %div3A_18 = arith.divf %reduce_sum3A_15, %div3A_17 : vector<1000xf32>
    %sqrt3A = math.sqrt %div3A_18 : vector<1000xf32>
    %eq3A = arith.constant 0 : i32
    %eq3A_19 = arith.cmpi eq, %arg0, %eq3A : i32
    %convert_element_type3A = arith.extui %eq3A_19 : i1 to i32
    %cond3A = arith.constant 0 : i32
    %cond3A_20 = arith.cmpi ne, %convert_element_type3A, %cond3A : i32
    scf.if %cond3A_20 {
      %broadcast_in_dim3A_373 = arith.constant 0.000000e+00 : f32
      %broadcast_in_dim3A_374 = vector.broadcast %broadcast_in_dim3A_373 : f32 to vector<1x1xf32>
      %swap3A_375 = arith.constant 0 : index
      %swap3A_376 = arith.constant 0 : index
      %swap3A_377 = vector.load %arg7[%swap3A_375, %swap3A_376] : memref<1x1xf32, #tpu.memory_space<vmem>>, vector<1x1xf32>
      tpu.vector_store %arg7[%swap3A_375, %swap3A_376], %broadcast_in_dim3A_374 {strides = array<i32>} : memref<1x1xf32, #tpu.memory_space<vmem>>, vector<1x1xf32>,
    } else {
    }
    %get3A_21 = arith.constant 0 : index
    %get3A_22 = arith.constant 0 : index
    %get3A_23 = vector.load %arg7[%get3A_21, %get3A_22] : memref<1x1xf32, #tpu.memory_space<vmem>>, vector<1x1xf32>
    %reduce_sum3A_24 = vector.shape_cast %sqrt3A : vector<1000xf32> to vector<1x1000xf32>
    %reduce_sum3A_25 = arith.constant dense<0.000000e+00> : vector<1xf32>
    %reduce_sum3A_26 = vector.multi_reduction <add>, %reduce_sum3A_24, %reduce_sum3A_25 [1] : vector<1x1000xf32> to vector<1xf32>
    %reduce_sum3A_27 = vector.shape_cast %reduce_sum3A_26 : vector<1xf32> to vector<1x1xf32>
    %reduce_sum3A_28 = vector.extract %reduce_sum3A_27[0, 0] : f32 from vector<1x1xf32>
    %broadcast_in_dim3A_29 = vector.broadcast %reduce_sum3A_28 : f32 to vector<1x1xf32>
    %add3A_30 = arith.addf %get3A_23, %broadcast_in_dim3A_29 : vector<1x1xf32>
    %swap3A = arith.constant 0 : index
    %swap3A_31 = arith.constant 0 : index
    %swap3A_32 = vector.load %arg7[%swap3A, %swap3A_31] : memref<1x1xf32, #tpu.memory_space<vmem>>, vector<1x1xf32>
    tpu.vector_store %arg7[%swap3A, %swap3A_31], %add3A_30 {strides = array<i32>} : memref<1x1xf32, #tpu.memory_space<vmem>>, vector<1x1xf32>,
    %broadcast_in_dim3A_33 = arith.constant 0.000000e+00 : f32
    %broadcast_in_dim3A_34 = vector.broadcast %broadcast_in_dim3A_33 : f32 to vector<1000x128xf32>
    %get3A_35 = arith.constant 0 : index
    %get3A_36 = arith.constant 0 : index
    %get3A_37 = arith.constant 0 : index
    %get3A_38 = vector.load %arg4[%get3A_35, %get3A_36, %get3A_37] : memref<16x128x128xf32, #tpu.memory_space<vmem>>, vector<1x128x128xf32>
    %get3A_39 = vector.shape_cast %get3A_38 : vector<1x128x128xf32> to vector<128x128xf32>
    %dot_general3A_40 = arith.constant dense<0.000000e+00> : vector<1000x128xf32>
    %dot_general3A_41 = tpu.matmul %get3A_1, %get3A_39, %dot_general3A_40 {dimension_numbers = #tpu.dot_dimension_numbers<[1], [0], [0], [1], [0, 0, 1, 1], [], []>, transpose_lhs_hint = false} : vector<1000x128xf32>, vector<128x128xf32>, vector<1000x128xf32> -> vector<1000x128xf32>
    %get3A_42 = arith.constant 0 : index
    %get3A_43 = arith.constant 0 : index
    %get3A_44 = vector.load %arg5[%get3A_42, %get3A_43] : memref<16x128xf32, #tpu.memory_space<vmem>>, vector<1x128xf32>
    %get3A_45 = vector.shape_cast %get3A_44 : vector<1x128xf32> to vector<128xf32>
    %broadcast_in_dim3A_46 = vector.shape_cast %get3A_45 : vector<128xf32> to vector<1x128xf32>
    %add3A_47 = vector.broadcast %broadcast_in_dim3A_46 : vector<1x128xf32> to vector<1000x128xf32>
    %add3A_48 = arith.addf %dot_general3A_41, %add3A_47 : vector<1000x128xf32>
    %eq3A_49 = arith.constant 0 : i32
    %eq3A_50 = vector.broadcast %eq3A_49 : i32 to vector<1000xi32>
    %eq3A_51 = arith.cmpi eq, %argmax3A, %eq3A_50 : vector<1000xi32>
    %broadcast_in_dim3A_52 = vector.shape_cast %eq3A_51 : vector<1000xi1> to vector<1000x1xi1>
    %broadcast_in_dim3A_53 = vector.shape_cast %broadcast_in_dim3A_52 : vector<1000x1xi1> to vector<1000x1xi1>
    %broadcast_in_dim3A_54 = vector.broadcast %broadcast_in_dim3A_53 : vector<1000x1xi1> to vector<1000x128xi1>
    %select_n3A = arith.select %broadcast_in_dim3A_54, %add3A_48, %broadcast_in_dim3A_34 : vector<1000x128xi1>, vector<1000x128xf32>
    %get3A_55 = arith.constant 1 : index
    %get3A_56 = arith.constant 0 : index
    %get3A_57 = arith.constant 0 : index
    %get3A_58 = vector.load %arg4[%get3A_55, %get3A_56, %get3A_57] : memref<16x128x128xf32, #tpu.memory_space<vmem>>, vector<1x128x128xf32>
    %get3A_59 = vector.shape_cast %get3A_58 : vector<1x128x128xf32> to vector<128x128xf32>
    %dot_general3A_60 = arith.constant dense<0.000000e+00> : vector<1000x128xf32>
    %dot_general3A_61 = tpu.matmul %get3A_1, %get3A_59, %dot_general3A_60 {dimension_numbers = #tpu.dot_dimension_numbers<[1], [0], [0], [1], [0, 0, 1, 1], [], []>, transpose_lhs_hint = false} : vector<1000x128xf32>, vector<128x128xf32>, vector<1000x128xf32> -> vector<1000x128xf32>
    %get3A_62 = arith.constant 1 : index
    %get3A_63 = arith.constant 0 : index
    %get3A_64 = vector.load %arg5[%get3A_62, %get3A_63] : memref<16x128xf32, #tpu.memory_space<vmem>>, vector<1x128xf32>
    %get3A_65 = vector.shape_cast %get3A_64 : vector<1x128xf32> to vector<128xf32>
    %broadcast_in_dim3A_66 = vector.shape_cast %get3A_65 : vector<128xf32> to vector<1x128xf32>
    %add3A_67 = vector.broadcast %broadcast_in_dim3A_66 : vector<1x128xf32> to vector<1000x128xf32>
    %add3A_68 = arith.addf %dot_general3A_61, %add3A_67 : vector<1000x128xf32>
    %eq3A_69 = arith.constant 1 : i32
    %eq3A_70 = vector.broadcast %eq3A_69 : i32 to vector<1000xi32>
    %eq3A_71 = arith.cmpi eq, %argmax3A, %eq3A_70 : vector<1000xi32>
    %broadcast_in_dim3A_72 = vector.shape_cast %eq3A_71 : vector<1000xi1> to vector<1000x1xi1>
    %broadcast_in_dim3A_73 = vector.shape_cast %broadcast_in_dim3A_72 : vector<1000x1xi1> to vector<1000x1xi1>
    %broadcast_in_dim3A_74 = vector.broadcast %broadcast_in_dim3A_73 : vector<1000x1xi1> to vector<1000x128xi1>
    %select_n3A_75 = arith.select %broadcast_in_dim3A_74, %add3A_68, %select_n3A : vector<1000x128xi1>, vector<1000x128xf32>
    %get3A_76 = arith.constant 2 : index
    %get3A_77 = arith.constant 0 : index
    %get3A_78 = arith.constant 0 : index
    %get3A_79 = vector.load %arg4[%get3A_76, %get3A_77, %get3A_78] : memref<16x128x128xf32, #tpu.memory_space<vmem>>, vector<1x128x128xf32>
    %get3A_80 = vector.shape_cast %get3A_79 : vector<1x128x128xf32> to vector<128x128xf32>
    %dot_general3A_81 = arith.constant dense<0.000000e+00> : vector<1000x128xf32>
    %dot_general3A_82 = tpu.matmul %get3A_1, %get3A_80, %dot_general3A_81 {dimension_numbers = #tpu.dot_dimension_numbers<[1], [0], [0], [1], [0, 0, 1, 1], [], []>, transpose_lhs_hint = false} : vector<1000x128xf32>, vector<128x128xf32>, vector<1000x128xf32> -> vector<1000x128xf32>
    %get3A_83 = arith.constant 2 : index
    %get3A_84 = arith.constant 0 : index
    %get3A_85 = vector.load %arg5[%get3A_83, %get3A_84] : memref<16x128xf32, #tpu.memory_space<vmem>>, vector<1x128xf32>
    %get3A_86 = vector.shape_cast %get3A_85 : vector<1x128xf32> to vector<128xf32>
    %broadcast_in_dim3A_87 = vector.shape_cast %get3A_86 : vector<128xf32> to vector<1x128xf32>
    %add3A_88 = vector.broadcast %broadcast_in_dim3A_87 : vector<1x128xf32> to vector<1000x128xf32>
    %add3A_89 = arith.addf %dot_general3A_82, %add3A_88 : vector<1000x128xf32>
    %eq3A_90 = arith.constant 2 : i32
    %eq3A_91 = vector.broadcast %eq3A_90 : i32 to vector<1000xi32>
    %eq3A_92 = arith.cmpi eq, %argmax3A, %eq3A_91 : vector<1000xi32>
    %broadcast_in_dim3A_93 = vector.shape_cast %eq3A_92 : vector<1000xi1> to vector<1000x1xi1>
    %broadcast_in_dim3A_94 = vector.shape_cast %broadcast_in_dim3A_93 : vector<1000x1xi1> to vector<1000x1xi1>
    %broadcast_in_dim3A_95 = vector.broadcast %broadcast_in_dim3A_94 : vector<1000x1xi1> to vector<1000x128xi1>
    %select_n3A_96 = arith.select %broadcast_in_dim3A_95, %add3A_89, %select_n3A_75 : vector<1000x128xi1>, vector<1000x128xf32>
    %get3A_97 = arith.constant 3 : index
    %get3A_98 = arith.constant 0 : index
    %get3A_99 = arith.constant 0 : index
    %get3A_100 = vector.load %arg4[%get3A_97, %get3A_98, %get3A_99] : memref<16x128x128xf32, #tpu.memory_space<vmem>>, vector<1x128x128xf32>
    %get3A_101 = vector.shape_cast %get3A_100 : vector<1x128x128xf32> to vector<128x128xf32>
    %dot_general3A_102 = arith.constant dense<0.000000e+00> : vector<1000x128xf32>
    %dot_general3A_103 = tpu.matmul %get3A_1, %get3A_101, %dot_general3A_102 {dimension_numbers = #tpu.dot_dimension_numbers<[1], [0], [0], [1], [0, 0, 1, 1], [], []>, transpose_lhs_hint = false} : vector<1000x128xf32>, vector<128x128xf32>, vector<1000x128xf32> -> vector<1000x128xf32>
    %get3A_104 = arith.constant 3 : index
    %get3A_105 = arith.constant 0 : index
    %get3A_106 = vector.load %arg5[%get3A_104, %get3A_105] : memref<16x128xf32, #tpu.memory_space<vmem>>, vector<1x128xf32>
    %get3A_107 = vector.shape_cast %get3A_106 : vector<1x128xf32> to vector<128xf32>
    %broadcast_in_dim3A_108 = vector.shape_cast %get3A_107 : vector<128xf32> to vector<1x128xf32>
    %add3A_109 = vector.broadcast %broadcast_in_dim3A_108 : vector<1x128xf32> to vector<1000x128xf32>
    %add3A_110 = arith.addf %dot_general3A_103, %add3A_109 : vector<1000x128xf32>
    %eq3A_111 = arith.constant 3 : i32
    %eq3A_112 = vector.broadcast %eq3A_111 : i32 to vector<1000xi32>
    %eq3A_113 = arith.cmpi eq, %argmax3A, %eq3A_112 : vector<1000xi32>
    %broadcast_in_dim3A_114 = vector.shape_cast %eq3A_113 : vector<1000xi1> to vector<1000x1xi1>
    %broadcast_in_dim3A_115 = vector.shape_cast %broadcast_in_dim3A_114 : vector<1000x1xi1> to vector<1000x1xi1>
    %broadcast_in_dim3A_116 = vector.broadcast %broadcast_in_dim3A_115 : vector<1000x1xi1> to vector<1000x128xi1>
    %select_n3A_117 = arith.select %broadcast_in_dim3A_116, %add3A_110, %select_n3A_96 : vector<1000x128xi1>, vector<1000x128xf32>
    %get3A_118 = arith.constant 4 : index
    %get3A_119 = arith.constant 0 : index
    %get3A_120 = arith.constant 0 : index
    %get3A_121 = vector.load %arg4[%get3A_118, %get3A_119, %get3A_120] : memref<16x128x128xf32, #tpu.memory_space<vmem>>, vector<1x128x128xf32>
    %get3A_122 = vector.shape_cast %get3A_121 : vector<1x128x128xf32> to vector<128x128xf32>
    %dot_general3A_123 = arith.constant dense<0.000000e+00> : vector<1000x128xf32>
    %dot_general3A_124 = tpu.matmul %get3A_1, %get3A_122, %dot_general3A_123 {dimension_numbers = #tpu.dot_dimension_numbers<[1], [0], [0], [1], [0, 0, 1, 1], [], []>, transpose_lhs_hint = false} : vector<1000x128xf32>, vector<128x128xf32>, vector<1000x128xf32> -> vector<1000x128xf32>
    %get3A_125 = arith.constant 4 : index
    %get3A_126 = arith.constant 0 : index
    %get3A_127 = vector.load %arg5[%get3A_125, %get3A_126] : memref<16x128xf32, #tpu.memory_space<vmem>>, vector<1x128xf32>
    %get3A_128 = vector.shape_cast %get3A_127 : vector<1x128xf32> to vector<128xf32>
    %broadcast_in_dim3A_129 = vector.shape_cast %get3A_128 : vector<128xf32> to vector<1x128xf32>
    %add3A_130 = vector.broadcast %broadcast_in_dim3A_129 : vector<1x128xf32> to vector<1000x128xf32>
    %add3A_131 = arith.addf %dot_general3A_124, %add3A_130 : vector<1000x128xf32>
    %eq3A_132 = arith.constant 4 : i32
    %eq3A_133 = vector.broadcast %eq3A_132 : i32 to vector<1000xi32>
    %eq3A_134 = arith.cmpi eq, %argmax3A, %eq3A_133 : vector<1000xi32>
    %broadcast_in_dim3A_135 = vector.shape_cast %eq3A_134 : vector<1000xi1> to vector<1000x1xi1>
    %broadcast_in_dim3A_136 = vector.shape_cast %broadcast_in_dim3A_135 : vector<1000x1xi1> to vector<1000x1xi1>
    %broadcast_in_dim3A_137 = vector.broadcast %broadcast_in_dim3A_136 : vector<1000x1xi1> to vector<1000x128xi1>
    %select_n3A_138 = arith.select %broadcast_in_dim3A_137, %add3A_131, %select_n3A_117 : vector<1000x128xi1>, vector<1000x128xf32>
    %get3A_139 = arith.constant 5 : index
    %get3A_140 = arith.constant 0 : index
    %get3A_141 = arith.constant 0 : index
    %get3A_142 = vector.load %arg4[%get3A_139, %get3A_140, %get3A_141] : memref<16x128x128xf32, #tpu.memory_space<vmem>>, vector<1x128x128xf32>
    %get3A_143 = vector.shape_cast %get3A_142 : vector<1x128x128xf32> to vector<128x128xf32>
    %dot_general3A_144 = arith.constant dense<0.000000e+00> : vector<1000x128xf32>
    %dot_general3A_145 = tpu.matmul %get3A_1, %get3A_143, %dot_general3A_144 {dimension_numbers = #tpu.dot_dimension_numbers<[1], [0], [0], [1], [0, 0, 1, 1], [], []>, transpose_lhs_hint = false} : vector<1000x128xf32>, vector<128x128xf32>, vector<1000x128xf32> -> vector<1000x128xf32>
    %get3A_146 = arith.constant 5 : index
    %get3A_147 = arith.constant 0 : index
    %get3A_148 = vector.load %arg5[%get3A_146, %get3A_147] : memref<16x128xf32, #tpu.memory_space<vmem>>, vector<1x128xf32>
    %get3A_149 = vector.shape_cast %get3A_148 : vector<1x128xf32> to vector<128xf32>
    %broadcast_in_dim3A_150 = vector.shape_cast %get3A_149 : vector<128xf32> to vector<1x128xf32>
    %add3A_151 = vector.broadcast %broadcast_in_dim3A_150 : vector<1x128xf32> to vector<1000x128xf32>
    %add3A_152 = arith.addf %dot_general3A_145, %add3A_151 : vector<1000x128xf32>
    %eq3A_153 = arith.constant 5 : i32
    %eq3A_154 = vector.broadcast %eq3A_153 : i32 to vector<1000xi32>
    %eq3A_155 = arith.cmpi eq, %argmax3A, %eq3A_154 : vector<1000xi32>
    %broadcast_in_dim3A_156 = vector.shape_cast %eq3A_155 : vector<1000xi1> to vector<1000x1xi1>
    %broadcast_in_dim3A_157 = vector.shape_cast %broadcast_in_dim3A_156 : vector<1000x1xi1> to vector<1000x1xi1>
    %broadcast_in_dim3A_158 = vector.broadcast %broadcast_in_dim3A_157 : vector<1000x1xi1> to vector<1000x128xi1>
    %select_n3A_159 = arith.select %broadcast_in_dim3A_158, %add3A_152, %select_n3A_138 : vector<1000x128xi1>, vector<1000x128xf32>
    %get3A_160 = arith.constant 6 : index
    %get3A_161 = arith.constant 0 : index
    %get3A_162 = arith.constant 0 : index
    %get3A_163 = vector.load %arg4[%get3A_160, %get3A_161, %get3A_162] : memref<16x128x128xf32, #tpu.memory_space<vmem>>, vector<1x128x128xf32>
    %get3A_164 = vector.shape_cast %get3A_163 : vector<1x128x128xf32> to vector<128x128xf32>
    %dot_general3A_165 = arith.constant dense<0.000000e+00> : vector<1000x128xf32>
    %dot_general3A_166 = tpu.matmul %get3A_1, %get3A_164, %dot_general3A_165 {dimension_numbers = #tpu.dot_dimension_numbers<[1], [0], [0], [1], [0, 0, 1, 1], [], []>, transpose_lhs_hint = false} : vector<1000x128xf32>, vector<128x128xf32>, vector<1000x128xf32> -> vector<1000x128xf32>
    %get3A_167 = arith.constant 6 : index
    %get3A_168 = arith.constant 0 : index
    %get3A_169 = vector.load %arg5[%get3A_167, %get3A_168] : memref<16x128xf32, #tpu.memory_space<vmem>>, vector<1x128xf32>
    %get3A_170 = vector.shape_cast %get3A_169 : vector<1x128xf32> to vector<128xf32>
    %broadcast_in_dim3A_171 = vector.shape_cast %get3A_170 : vector<128xf32> to vector<1x128xf32>
    %add3A_172 = vector.broadcast %broadcast_in_dim3A_171 : vector<1x128xf32> to vector<1000x128xf32>
    %add3A_173 = arith.addf %dot_general3A_166, %add3A_172 : vector<1000x128xf32>
    %eq3A_174 = arith.constant 6 : i32
    %eq3A_175 = vector.broadcast %eq3A_174 : i32 to vector<1000xi32>
    %eq3A_176 = arith.cmpi eq, %argmax3A, %eq3A_175 : vector<1000xi32>
    %broadcast_in_dim3A_177 = vector.shape_cast %eq3A_176 : vector<1000xi1> to vector<1000x1xi1>
    %broadcast_in_dim3A_178 = vector.shape_cast %broadcast_in_dim3A_177 : vector<1000x1xi1> to vector<1000x1xi1>
    %broadcast_in_dim3A_179 = vector.broadcast %broadcast_in_dim3A_178 : vector<1000x1xi1> to vector<1000x128xi1>
    %select_n3A_180 = arith.select %broadcast_in_dim3A_179, %add3A_173, %select_n3A_159 : vector<1000x128xi1>, vector<1000x128xf32>
    %get3A_181 = arith.constant 7 : index
    %get3A_182 = arith.constant 0 : index
    %get3A_183 = arith.constant 0 : index
    %get3A_184 = vector.load %arg4[%get3A_181, %get3A_182, %get3A_183] : memref<16x128x128xf32, #tpu.memory_space<vmem>>, vector<1x128x128xf32>
    %get3A_185 = vector.shape_cast %get3A_184 : vector<1x128x128xf32> to vector<128x128xf32>
    %dot_general3A_186 = arith.constant dense<0.000000e+00> : vector<1000x128xf32>
    %dot_general3A_187 = tpu.matmul %get3A_1, %get3A_185, %dot_general3A_186 {dimension_numbers = #tpu.dot_dimension_numbers<[1], [0], [0], [1], [0, 0, 1, 1], [], []>, transpose_lhs_hint = false} : vector<1000x128xf32>, vector<128x128xf32>, vector<1000x128xf32> -> vector<1000x128xf32>
    %get3A_188 = arith.constant 7 : index
    %get3A_189 = arith.constant 0 : index
    %get3A_190 = vector.load %arg5[%get3A_188, %get3A_189] : memref<16x128xf32, #tpu.memory_space<vmem>>, vector<1x128xf32>
    %get3A_191 = vector.shape_cast %get3A_190 : vector<1x128xf32> to vector<128xf32>
    %broadcast_in_dim3A_192 = vector.shape_cast %get3A_191 : vector<128xf32> to vector<1x128xf32>
    %add3A_193 = vector.broadcast %broadcast_in_dim3A_192 : vector<1x128xf32> to vector<1000x128xf32>
    %add3A_194 = arith.addf %dot_general3A_187, %add3A_193 : vector<1000x128xf32>
    %eq3A_195 = arith.constant 7 : i32
    %eq3A_196 = vector.broadcast %eq3A_195 : i32 to vector<1000xi32>
    %eq3A_197 = arith.cmpi eq, %argmax3A, %eq3A_196 : vector<1000xi32>
    %broadcast_in_dim3A_198 = vector.shape_cast %eq3A_197 : vector<1000xi1> to vector<1000x1xi1>
    %broadcast_in_dim3A_199 = vector.shape_cast %broadcast_in_dim3A_198 : vector<1000x1xi1> to vector<1000x1xi1>
    %broadcast_in_dim3A_200 = vector.broadcast %broadcast_in_dim3A_199 : vector<1000x1xi1> to vector<1000x128xi1>
    %select_n3A_201 = arith.select %broadcast_in_dim3A_200, %add3A_194, %select_n3A_180 : vector<1000x128xi1>, vector<1000x128xf32>
    %get3A_202 = arith.constant 8 : index
    %get3A_203 = arith.constant 0 : index
    %get3A_204 = arith.constant 0 : index
    %get3A_205 = vector.load %arg4[%get3A_202, %get3A_203, %get3A_204] : memref<16x128x128xf32, #tpu.memory_space<vmem>>, vector<1x128x128xf32>
    %get3A_206 = vector.shape_cast %get3A_205 : vector<1x128x128xf32> to vector<128x128xf32>
    %dot_general3A_207 = arith.constant dense<0.000000e+00> : vector<1000x128xf32>
    %dot_general3A_208 = tpu.matmul %get3A_1, %get3A_206, %dot_general3A_207 {dimension_numbers = #tpu.dot_dimension_numbers<[1], [0], [0], [1], [0, 0, 1, 1], [], []>, transpose_lhs_hint = false} : vector<1000x128xf32>, vector<128x128xf32>, vector<1000x128xf32> -> vector<1000x128xf32>
    %get3A_209 = arith.constant 8 : index
    %get3A_210 = arith.constant 0 : index
    %get3A_211 = vector.load %arg5[%get3A_209, %get3A_210] : memref<16x128xf32, #tpu.memory_space<vmem>>, vector<1x128xf32>
    %get3A_212 = vector.shape_cast %get3A_211 : vector<1x128xf32> to vector<128xf32>
    %broadcast_in_dim3A_213 = vector.shape_cast %get3A_212 : vector<128xf32> to vector<1x128xf32>
    %add3A_214 = vector.broadcast %broadcast_in_dim3A_213 : vector<1x128xf32> to vector<1000x128xf32>
    %add3A_215 = arith.addf %dot_general3A_208, %add3A_214 : vector<1000x128xf32>
    %eq3A_216 = arith.constant 8 : i32
    %eq3A_217 = vector.broadcast %eq3A_216 : i32 to vector<1000xi32>
    %eq3A_218 = arith.cmpi eq, %argmax3A, %eq3A_217 : vector<1000xi32>
    %broadcast_in_dim3A_219 = vector.shape_cast %eq3A_218 : vector<1000xi1> to vector<1000x1xi1>
    %broadcast_in_dim3A_220 = vector.shape_cast %broadcast_in_dim3A_219 : vector<1000x1xi1> to vector<1000x1xi1>
    %broadcast_in_dim3A_221 = vector.broadcast %broadcast_in_dim3A_220 : vector<1000x1xi1> to vector<1000x128xi1>
    %select_n3A_222 = arith.select %broadcast_in_dim3A_221, %add3A_215, %select_n3A_201 : vector<1000x128xi1>, vector<1000x128xf32>
    %get3A_223 = arith.constant 9 : index
    %get3A_224 = arith.constant 0 : index
    %get3A_225 = arith.constant 0 : index
    %get3A_226 = vector.load %arg4[%get3A_223, %get3A_224, %get3A_225] : memref<16x128x128xf32, #tpu.memory_space<vmem>>, vector<1x128x128xf32>
    %get3A_227 = vector.shape_cast %get3A_226 : vector<1x128x128xf32> to vector<128x128xf32>
    %dot_general3A_228 = arith.constant dense<0.000000e+00> : vector<1000x128xf32>
    %dot_general3A_229 = tpu.matmul %get3A_1, %get3A_227, %dot_general3A_228 {dimension_numbers = #tpu.dot_dimension_numbers<[1], [0], [0], [1], [0, 0, 1, 1], [], []>, transpose_lhs_hint = false} : vector<1000x128xf32>, vector<128x128xf32>, vector<1000x128xf32> -> vector<1000x128xf32>
    %get3A_230 = arith.constant 9 : index
    %get3A_231 = arith.constant 0 : index
    %get3A_232 = vector.load %arg5[%get3A_230, %get3A_231] : memref<16x128xf32, #tpu.memory_space<vmem>>, vector<1x128xf32>
    %get3A_233 = vector.shape_cast %get3A_232 : vector<1x128xf32> to vector<128xf32>
    %broadcast_in_dim3A_234 = vector.shape_cast %get3A_233 : vector<128xf32> to vector<1x128xf32>
    %add3A_235 = vector.broadcast %broadcast_in_dim3A_234 : vector<1x128xf32> to vector<1000x128xf32>
    %add3A_236 = arith.addf %dot_general3A_229, %add3A_235 : vector<1000x128xf32>
    %eq3A_237 = arith.constant 9 : i32
    %eq3A_238 = vector.broadcast %eq3A_237 : i32 to vector<1000xi32>
    %eq3A_239 = arith.cmpi eq, %argmax3A, %eq3A_238 : vector<1000xi32>
    %broadcast_in_dim3A_240 = vector.shape_cast %eq3A_239 : vector<1000xi1> to vector<1000x1xi1>
    %broadcast_in_dim3A_241 = vector.shape_cast %broadcast_in_dim3A_240 : vector<1000x1xi1> to vector<1000x1xi1>
    %broadcast_in_dim3A_242 = vector.broadcast %broadcast_in_dim3A_241 : vector<1000x1xi1> to vector<1000x128xi1>
    %select_n3A_243 = arith.select %broadcast_in_dim3A_242, %add3A_236, %select_n3A_222 : vector<1000x128xi1>, vector<1000x128xf32>
    %get3A_244 = arith.constant 10 : index
    %get3A_245 = arith.constant 0 : index
    %get3A_246 = arith.constant 0 : index
    %get3A_247 = vector.load %arg4[%get3A_244, %get3A_245, %get3A_246] : memref<16x128x128xf32, #tpu.memory_space<vmem>>, vector<1x128x128xf32>
    %get3A_248 = vector.shape_cast %get3A_247 : vector<1x128x128xf32> to vector<128x128xf32>
    %dot_general3A_249 = arith.constant dense<0.000000e+00> : vector<1000x128xf32>
    %dot_general3A_250 = tpu.matmul %get3A_1, %get3A_248, %dot_general3A_249 {dimension_numbers = #tpu.dot_dimension_numbers<[1], [0], [0], [1], [0, 0, 1, 1], [], []>, transpose_lhs_hint = false} : vector<1000x128xf32>, vector<128x128xf32>, vector<1000x128xf32> -> vector<1000x128xf32>
    %get3A_251 = arith.constant 10 : index
    %get3A_252 = arith.constant 0 : index
    %get3A_253 = vector.load %arg5[%get3A_251, %get3A_252] : memref<16x128xf32, #tpu.memory_space<vmem>>, vector<1x128xf32>
    %get3A_254 = vector.shape_cast %get3A_253 : vector<1x128xf32> to vector<128xf32>
    %broadcast_in_dim3A_255 = vector.shape_cast %get3A_254 : vector<128xf32> to vector<1x128xf32>
    %add3A_256 = vector.broadcast %broadcast_in_dim3A_255 : vector<1x128xf32> to vector<1000x128xf32>
    %add3A_257 = arith.addf %dot_general3A_250, %add3A_256 : vector<1000x128xf32>
    %eq3A_258 = arith.constant 10 : i32
    %eq3A_259 = vector.broadcast %eq3A_258 : i32 to vector<1000xi32>
    %eq3A_260 = arith.cmpi eq, %argmax3A, %eq3A_259 : vector<1000xi32>
    %broadcast_in_dim3A_261 = vector.shape_cast %eq3A_260 : vector<1000xi1> to vector<1000x1xi1>
    %broadcast_in_dim3A_262 = vector.shape_cast %broadcast_in_dim3A_261 : vector<1000x1xi1> to vector<1000x1xi1>
    %broadcast_in_dim3A_263 = vector.broadcast %broadcast_in_dim3A_262 : vector<1000x1xi1> to vector<1000x128xi1>
    %select_n3A_264 = arith.select %broadcast_in_dim3A_263, %add3A_257, %select_n3A_243 : vector<1000x128xi1>, vector<1000x128xf32>
    %get3A_265 = arith.constant 11 : index
    %get3A_266 = arith.constant 0 : index
    %get3A_267 = arith.constant 0 : index
    %get3A_268 = vector.load %arg4[%get3A_265, %get3A_266, %get3A_267] : memref<16x128x128xf32, #tpu.memory_space<vmem>>, vector<1x128x128xf32>
    %get3A_269 = vector.shape_cast %get3A_268 : vector<1x128x128xf32> to vector<128x128xf32>
    %dot_general3A_270 = arith.constant dense<0.000000e+00> : vector<1000x128xf32>
    %dot_general3A_271 = tpu.matmul %get3A_1, %get3A_269, %dot_general3A_270 {dimension_numbers = #tpu.dot_dimension_numbers<[1], [0], [0], [1], [0, 0, 1, 1], [], []>, transpose_lhs_hint = false} : vector<1000x128xf32>, vector<128x128xf32>, vector<1000x128xf32> -> vector<1000x128xf32>
    %get3A_272 = arith.constant 11 : index
    %get3A_273 = arith.constant 0 : index
    %get3A_274 = vector.load %arg5[%get3A_272, %get3A_273] : memref<16x128xf32, #tpu.memory_space<vmem>>, vector<1x128xf32>
    %get3A_275 = vector.shape_cast %get3A_274 : vector<1x128xf32> to vector<128xf32>
    %broadcast_in_dim3A_276 = vector.shape_cast %get3A_275 : vector<128xf32> to vector<1x128xf32>
    %add3A_277 = vector.broadcast %broadcast_in_dim3A_276 : vector<1x128xf32> to vector<1000x128xf32>
    %add3A_278 = arith.addf %dot_general3A_271, %add3A_277 : vector<1000x128xf32>
    %eq3A_279 = arith.constant 11 : i32
    %eq3A_280 = vector.broadcast %eq3A_279 : i32 to vector<1000xi32>
    %eq3A_281 = arith.cmpi eq, %argmax3A, %eq3A_280 : vector<1000xi32>
    %broadcast_in_dim3A_282 = vector.shape_cast %eq3A_281 : vector<1000xi1> to vector<1000x1xi1>
    %broadcast_in_dim3A_283 = vector.shape_cast %broadcast_in_dim3A_282 : vector<1000x1xi1> to vector<1000x1xi1>
    %broadcast_in_dim3A_284 = vector.broadcast %broadcast_in_dim3A_283 : vector<1000x1xi1> to vector<1000x128xi1>
    %select_n3A_285 = arith.select %broadcast_in_dim3A_284, %add3A_278, %select_n3A_264 : vector<1000x128xi1>, vector<1000x128xf32>
    %get3A_286 = arith.constant 12 : index
    %get3A_287 = arith.constant 0 : index
    %get3A_288 = arith.constant 0 : index
    %get3A_289 = vector.load %arg4[%get3A_286, %get3A_287, %get3A_288] : memref<16x128x128xf32, #tpu.memory_space<vmem>>, vector<1x128x128xf32>
    %get3A_290 = vector.shape_cast %get3A_289 : vector<1x128x128xf32> to vector<128x128xf32>
    %dot_general3A_291 = arith.constant dense<0.000000e+00> : vector<1000x128xf32>
    %dot_general3A_292 = tpu.matmul %get3A_1, %get3A_290, %dot_general3A_291 {dimension_numbers = #tpu.dot_dimension_numbers<[1], [0], [0], [1], [0, 0, 1, 1], [], []>, transpose_lhs_hint = false} : vector<1000x128xf32>, vector<128x128xf32>, vector<1000x128xf32> -> vector<1000x128xf32>
    %get3A_293 = arith.constant 12 : index
    %get3A_294 = arith.constant 0 : index
    %get3A_295 = vector.load %arg5[%get3A_293, %get3A_294] : memref<16x128xf32, #tpu.memory_space<vmem>>, vector<1x128xf32>
    %get3A_296 = vector.shape_cast %get3A_295 : vector<1x128xf32> to vector<128xf32>
    %broadcast_in_dim3A_297 = vector.shape_cast %get3A_296 : vector<128xf32> to vector<1x128xf32>
    %add3A_298 = vector.broadcast %broadcast_in_dim3A_297 : vector<1x128xf32> to vector<1000x128xf32>
    %add3A_299 = arith.addf %dot_general3A_292, %add3A_298 : vector<1000x128xf32>
    %eq3A_300 = arith.constant 12 : i32
    %eq3A_301 = vector.broadcast %eq3A_300 : i32 to vector<1000xi32>
    %eq3A_302 = arith.cmpi eq, %argmax3A, %eq3A_301 : vector<1000xi32>
    %broadcast_in_dim3A_303 = vector.shape_cast %eq3A_302 : vector<1000xi1> to vector<1000x1xi1>
    %broadcast_in_dim3A_304 = vector.shape_cast %broadcast_in_dim3A_303 : vector<1000x1xi1> to vector<1000x1xi1>
    %broadcast_in_dim3A_305 = vector.broadcast %broadcast_in_dim3A_304 : vector<1000x1xi1> to vector<1000x128xi1>
    %select_n3A_306 = arith.select %broadcast_in_dim3A_305, %add3A_299, %select_n3A_285 : vector<1000x128xi1>, vector<1000x128xf32>
    %get3A_307 = arith.constant 13 : index
    %get3A_308 = arith.constant 0 : index
    %get3A_309 = arith.constant 0 : index
    %get3A_310 = vector.load %arg4[%get3A_307, %get3A_308, %get3A_309] : memref<16x128x128xf32, #tpu.memory_space<vmem>>, vector<1x128x128xf32>
    %get3A_311 = vector.shape_cast %get3A_310 : vector<1x128x128xf32> to vector<128x128xf32>
    %dot_general3A_312 = arith.constant dense<0.000000e+00> : vector<1000x128xf32>
    %dot_general3A_313 = tpu.matmul %get3A_1, %get3A_311, %dot_general3A_312 {dimension_numbers = #tpu.dot_dimension_numbers<[1], [0], [0], [1], [0, 0, 1, 1], [], []>, transpose_lhs_hint = false} : vector<1000x128xf32>, vector<128x128xf32>, vector<1000x128xf32> -> vector<1000x128xf32>
    %get3A_314 = arith.constant 13 : index
    %get3A_315 = arith.constant 0 : index
    %get3A_316 = vector.load %arg5[%get3A_314, %get3A_315] : memref<16x128xf32, #tpu.memory_space<vmem>>, vector<1x128xf32>
    %get3A_317 = vector.shape_cast %get3A_316 : vector<1x128xf32> to vector<128xf32>
    %broadcast_in_dim3A_318 = vector.shape_cast %get3A_317 : vector<128xf32> to vector<1x128xf32>
    %add3A_319 = vector.broadcast %broadcast_in_dim3A_318 : vector<1x128xf32> to vector<1000x128xf32>
    %add3A_320 = arith.addf %dot_general3A_313, %add3A_319 : vector<1000x128xf32>
    %eq3A_321 = arith.constant 13 : i32
    %eq3A_322 = vector.broadcast %eq3A_321 : i32 to vector<1000xi32>
    %eq3A_323 = arith.cmpi eq, %argmax3A, %eq3A_322 : vector<1000xi32>
    %broadcast_in_dim3A_324 = vector.shape_cast %eq3A_323 : vector<1000xi1> to vector<1000x1xi1>
    %broadcast_in_dim3A_325 = vector.shape_cast %broadcast_in_dim3A_324 : vector<1000x1xi1> to vector<1000x1xi1>
    %broadcast_in_dim3A_326 = vector.broadcast %broadcast_in_dim3A_325 : vector<1000x1xi1> to vector<1000x128xi1>
    %select_n3A_327 = arith.select %broadcast_in_dim3A_326, %add3A_320, %select_n3A_306 : vector<1000x128xi1>, vector<1000x128xf32>
    %get3A_328 = arith.constant 14 : index
    %get3A_329 = arith.constant 0 : index
    %get3A_330 = arith.constant 0 : index
    %get3A_331 = vector.load %arg4[%get3A_328, %get3A_329, %get3A_330] : memref<16x128x128xf32, #tpu.memory_space<vmem>>, vector<1x128x128xf32>
    %get3A_332 = vector.shape_cast %get3A_331 : vector<1x128x128xf32> to vector<128x128xf32>
    %dot_general3A_333 = arith.constant dense<0.000000e+00> : vector<1000x128xf32>
    %dot_general3A_334 = tpu.matmul %get3A_1, %get3A_332, %dot_general3A_333 {dimension_numbers = #tpu.dot_dimension_numbers<[1], [0], [0], [1], [0, 0, 1, 1], [], []>, transpose_lhs_hint = false} : vector<1000x128xf32>, vector<128x128xf32>, vector<1000x128xf32> -> vector<1000x128xf32>
    %get3A_335 = arith.constant 14 : index
    %get3A_336 = arith.constant 0 : index
    %get3A_337 = vector.load %arg5[%get3A_335, %get3A_336] : memref<16x128xf32, #tpu.memory_space<vmem>>, vector<1x128xf32>
    %get3A_338 = vector.shape_cast %get3A_337 : vector<1x128xf32> to vector<128xf32>
    %broadcast_in_dim3A_339 = vector.shape_cast %get3A_338 : vector<128xf32> to vector<1x128xf32>
    %add3A_340 = vector.broadcast %broadcast_in_dim3A_339 : vector<1x128xf32> to vector<1000x128xf32>
    %add3A_341 = arith.addf %dot_general3A_334, %add3A_340 : vector<1000x128xf32>
    %eq3A_342 = arith.constant 14 : i32
    %eq3A_343 = vector.broadcast %eq3A_342 : i32 to vector<1000xi32>
    %eq3A_344 = arith.cmpi eq, %argmax3A, %eq3A_343 : vector<1000xi32>
    %broadcast_in_dim3A_345 = vector.shape_cast %eq3A_344 : vector<1000xi1> to vector<1000x1xi1>
    %broadcast_in_dim3A_346 = vector.shape_cast %broadcast_in_dim3A_345 : vector<1000x1xi1> to vector<1000x1xi1>
    %broadcast_in_dim3A_347 = vector.broadcast %broadcast_in_dim3A_346 : vector<1000x1xi1> to vector<1000x128xi1>
    %select_n3A_348 = arith.select %broadcast_in_dim3A_347, %add3A_341, %select_n3A_327 : vector<1000x128xi1>, vector<1000x128xf32>
    %get3A_349 = arith.constant 15 : index
    %get3A_350 = arith.constant 0 : index
    %get3A_351 = arith.constant 0 : index
    %get3A_352 = vector.load %arg4[%get3A_349, %get3A_350, %get3A_351] : memref<16x128x128xf32, #tpu.memory_space<vmem>>, vector<1x128x128xf32>
    %get3A_353 = vector.shape_cast %get3A_352 : vector<1x128x128xf32> to vector<128x128xf32>
    %dot_general3A_354 = arith.constant dense<0.000000e+00> : vector<1000x128xf32>
    %dot_general3A_355 = tpu.matmul %get3A_1, %get3A_353, %dot_general3A_354 {dimension_numbers = #tpu.dot_dimension_numbers<[1], [0], [0], [1], [0, 0, 1, 1], [], []>, transpose_lhs_hint = false} : vector<1000x128xf32>, vector<128x128xf32>, vector<1000x128xf32> -> vector<1000x128xf32>
    %get3A_356 = arith.constant 15 : index
    %get3A_357 = arith.constant 0 : index
    %get3A_358 = vector.load %arg5[%get3A_356, %get3A_357] : memref<16x128xf32, #tpu.memory_space<vmem>>, vector<1x128xf32>
    %get3A_359 = vector.shape_cast %get3A_358 : vector<1x128xf32> to vector<128xf32>
    %broadcast_in_dim3A_360 = vector.shape_cast %get3A_359 : vector<128xf32> to vector<1x128xf32>
    %add3A_361 = vector.broadcast %broadcast_in_dim3A_360 : vector<1x128xf32> to vector<1000x128xf32>
    %add3A_362 = arith.addf %dot_general3A_355, %add3A_361 : vector<1000x128xf32>
    %eq3A_363 = arith.constant 15 : i32
    %eq3A_364 = vector.broadcast %eq3A_363 : i32 to vector<1000xi32>
    %eq3A_365 = arith.cmpi eq, %argmax3A, %eq3A_364 : vector<1000xi32>
    %broadcast_in_dim3A_366 = vector.shape_cast %eq3A_365 : vector<1000xi1> to vector<1000x1xi1>
    %broadcast_in_dim3A_367 = vector.shape_cast %broadcast_in_dim3A_366 : vector<1000x1xi1> to vector<1000x1xi1>
    %broadcast_in_dim3A_368 = vector.broadcast %broadcast_in_dim3A_367 : vector<1000x1xi1> to vector<1000x128xi1>
    %select_n3A_369 = arith.select %broadcast_in_dim3A_368, %add3A_362, %select_n3A_348 : vector<1000x128xi1>, vector<1000x128xf32>
    %swap3A_370 = arith.constant 0 : index
    %swap3A_371 = arith.constant 0 : index
    %swap3A_372 = vector.load %arg6[%swap3A_370, %swap3A_371] : memref<1000x128xf32, #tpu.memory_space<vmem>>, vector<1000x128xf32>
    tpu.vector_store %arg6[%swap3A_370, %swap3A_371], %select_n3A_369 {strides = array<i32>} : memref<1000x128xf32, #tpu.memory_space<vmem>>, vector<1000x128xf32>,
    return
  }
  func.func @transform_0(%arg0: i32) -> (i32, i32) {
    %c0_i32 = arith.constant 0 : i32
    %c0_i32_0 = arith.constant 0 : i32
    return %arg0, %c0_i32 : i32, i32
  }
  func.func @transform_1(%arg0: i32) -> (i32, i32) {
    %c0_i32 = arith.constant 0 : i32
    %c0_i32_0 = arith.constant 0 : i32
    %c0_i32_1 = arith.constant 0 : i32
    return %c0_i32, %c0_i32_0 : i32, i32
  }
  func.func @transform_2(%arg0: i32) -> (i32, i32) {
    %c0_i32 = arith.constant 0 : i32
    %c0_i32_0 = arith.constant 0 : i32
    %c0_i32_1 = arith.constant 0 : i32
    return %c0_i32, %c0_i32_0 : i32, i32
  }
  func.func @transform_3(%arg0: i32) -> (i32, i32, i32) {
    %c0_i32 = arith.constant 0 : i32
    %c0_i32_0 = arith.constant 0 : i32
    %c0_i32_1 = arith.constant 0 : i32
    %c0_i32_2 = arith.constant 0 : i32
    return %c0_i32, %c0_i32_0, %c0_i32_1 : i32, i32, i32
  }
  func.func @transform_4(%arg0: i32) -> (i32, i32) {
    %c0_i32 = arith.constant 0 : i32
    %c0_i32_0 = arith.constant 0 : i32
    %c0_i32_1 = arith.constant 0 : i32
    return %c0_i32, %c0_i32_0 : i32, i32
  }
  func.func @transform_5(%arg0: i32) -> (i32, i32) {
    %c0_i32 = arith.constant 0 : i32
    %c0_i32_0 = arith.constant 0 : i32
    return %arg0, %c0_i32 : i32, i32
  }
  func.func @transform_6(%arg0: i32) -> (i32, i32) {
    %c0_i32 = arith.constant 0 : i32
    %c0_i32_0 = arith.constant 0 : i32
    %c0_i32_1 = arith.constant 0 : i32
    return %c0_i32, %c0_i32_0 : i32, i32
  }
}

module attributes {stable_mosaic.version = 14 : i64} {
  func.func @body(%arg0: i32, %arg1: memref<2x1000x128xf32, #tpu.memory_space<vmem>>, %arg2: memref<1x128xf32, #tpu.memory_space<vmem>>, %arg3: memref<128x16xf32, #tpu.memory_space<vmem>>, %arg4: memref<1x16xf32, #tpu.memory_space<vmem>>, %arg5: memref<16x128x128xf32, #tpu.memory_space<vmem>>, %arg6: memref<16x128xf32, #tpu.memory_space<vmem>>, %arg7: memref<1000x128xf32, #tpu.memory_space<vmem>>, %arg8: memref<1x1xf32, #tpu.memory_space<vmem>>) attributes {dimension_semantics = [#tpu.dimension_semantics<arbitrary>], iteration_bounds = array<i64: 10>, scalar_prefetch = 0 : i64, scratch_operands = 0 : i64, tpu.core_type = #tpu.core_type<tc>, window_params = [{transform_indices = @transform_0, window_bounds = array<i64: 2, 1000, 128>}, {pipeline_mode = #tpu.pipeline_mode<synchronous>, transform_indices = @transform_1, window_bounds = array<i64: 1, 128>}, {pipeline_mode = #tpu.pipeline_mode<synchronous>, transform_indices = @transform_2, window_bounds = array<i64: 128, 16>}, {pipeline_mode = #tpu.pipeline_mode<synchronous>, transform_indices = @transform_3, window_bounds = array<i64: 1, 16>}, {pipeline_mode = #tpu.pipeline_mode<synchronous>, transform_indices = @transform_4, window_bounds = array<i64: 16, 128, 128>}, {pipeline_mode = #tpu.pipeline_mode<synchronous>, transform_indices = @transform_5, window_bounds = array<i64: 16, 128>}, {transform_indices = @transform_6, window_bounds = array<i64: 1000, 128>}, {pipeline_mode = #tpu.pipeline_mode<synchronous>, transform_indices = @transform_7, window_bounds = array<i64: 1, 1>}]} {
    %get3A = arith.constant 0 : index
    %get3A_0 = arith.constant 0 : index
    %get3A_1 = arith.constant 0 : index
    %get3A_2 = vector.load %arg1[%get3A, %get3A_0, %get3A_1] : memref<2x1000x128xf32, #tpu.memory_space<vmem>>, vector<1x1000x128xf32>
    %get3A_3 = vector.shape_cast %get3A_2 : vector<1x1000x128xf32> to vector<1000x128xf32>
    %get3A_4 = arith.constant 1 : index
    %get3A_5 = arith.constant 0 : index
    %get3A_6 = arith.constant 0 : index
    %get3A_7 = vector.load %arg1[%get3A_4, %get3A_5, %get3A_6] : memref<2x1000x128xf32, #tpu.memory_space<vmem>>, vector<1x1000x128xf32>
    %get3A_8 = vector.shape_cast %get3A_7 : vector<1x1000x128xf32> to vector<1000x128xf32>
    %add3A = arith.addf %get3A_3, %get3A_8 : vector<1000x128xf32>
    %get3A_9 = arith.constant 0 : index
    %get3A_10 = arith.constant 0 : index
    %get3A_11 = vector.load %arg2[%get3A_9, %get3A_10] : memref<1x128xf32, #tpu.memory_space<vmem>>, vector<1x128xf32>
    %add3A_12 = vector.broadcast %get3A_11 : vector<1x128xf32> to vector<1000x128xf32>
    %add3A_13 = arith.addf %add3A, %add3A_12 : vector<1000x128xf32>
    %max3A = arith.constant 0.000000e+00 : f32
    %max3A_14 = vector.broadcast %max3A : f32 to vector<1000x128xf32>
    %max3A_15 = arith.maximumf %add3A_13, %max3A_14 : vector<1000x128xf32>
    %get3A_16 = arith.constant 0 : index
    %get3A_17 = arith.constant 0 : index
    %get3A_18 = vector.load %arg3[%get3A_16, %get3A_17] : memref<128x16xf32, #tpu.memory_space<vmem>>, vector<128x16xf32>
    %dot_general3A = arith.constant dense<0.000000e+00> : vector<1000x16xf32>
    %dot_general3A_19 = tpu.matmul %max3A_15, %get3A_18, %dot_general3A {dimension_numbers = #tpu.dot_dimension_numbers<[1], [0], [0], [1], [0, 0, 1, 1], [], []>, transpose_lhs_hint = false} : vector<1000x128xf32>, vector<128x16xf32>, vector<1000x16xf32> -> vector<1000x16xf32>
    %get3A_20 = arith.constant 0 : index
    %get3A_21 = arith.constant 0 : index
    %get3A_22 = vector.load %arg4[%get3A_20, %get3A_21] : memref<1x16xf32, #tpu.memory_space<vmem>>, vector<1x16xf32>
    %add3A_23 = vector.broadcast %get3A_22 : vector<1x16xf32> to vector<1000x16xf32>
    %add3A_24 = arith.addf %dot_general3A_19, %add3A_23 : vector<1000x16xf32>
    %argmax3A = tpu.reduce_index %add3A_24 {axis = 1 : i32, kind = #tpu.reduction_kind<arg_max>} : vector<1000x16xf32> -> vector<1000xi32>
    %reduce_sum3A = arith.constant dense<0.000000e+00> : vector<1000xf32>
    %reduce_sum3A_25 = vector.multi_reduction <add>, %add3A_24, %reduce_sum3A [1] : vector<1000x16xf32> to vector<1000xf32>
    %broadcast_in_dim3A = vector.shape_cast %reduce_sum3A_25 : vector<1000xf32> to vector<1000x1xf32>
    %div3A = arith.constant 1.600000e+01 : f32
    %div3A_26 = vector.broadcast %div3A : f32 to vector<1000x1xf32>
    %div3A_27 = arith.divf %broadcast_in_dim3A, %div3A_26 : vector<1000x1xf32>
    %sub3A = vector.broadcast %div3A_27 : vector<1000x1xf32> to vector<1000x16xf32>
    %sub3A_28 = arith.subf %add3A_24, %sub3A : vector<1000x16xf32>
    %integer_pow3A = arith.mulf %sub3A_28, %sub3A_28 : vector<1000x16xf32>
    %reduce_sum3A_29 = arith.constant dense<0.000000e+00> : vector<1000xf32>
    %reduce_sum3A_30 = vector.multi_reduction <add>, %integer_pow3A, %reduce_sum3A_29 [1] : vector<1000x16xf32> to vector<1000xf32>
    %div3A_31 = arith.constant 1.500000e+01 : f32
    %div3A_32 = vector.broadcast %div3A_31 : f32 to vector<1000xf32>
    %div3A_33 = arith.divf %reduce_sum3A_30, %div3A_32 : vector<1000xf32>
    %sqrt3A = math.sqrt %div3A_33 : vector<1000xf32>
    %eq3A = arith.constant 0 : i32
    %eq3A_34 = arith.cmpi eq, %arg0, %eq3A : i32
    %convert_element_type3A = arith.extui %eq3A_34 : i1 to i32
    %cond3A = arith.constant 0 : i32
    %cond3A_35 = arith.cmpi ne, %convert_element_type3A, %cond3A : i32
    scf.if %cond3A_35 {
      %broadcast_in_dim3A_388 = arith.constant 0.000000e+00 : f32
      %broadcast_in_dim3A_389 = vector.broadcast %broadcast_in_dim3A_388 : f32 to vector<1x1xf32>
      %swap3A_390 = arith.constant 0 : index
      %swap3A_391 = arith.constant 0 : index
      %swap3A_392 = vector.load %arg8[%swap3A_390, %swap3A_391] : memref<1x1xf32, #tpu.memory_space<vmem>>, vector<1x1xf32>
      tpu.vector_store %arg8[%swap3A_390, %swap3A_391], %broadcast_in_dim3A_389 {strides = array<i32>} : memref<1x1xf32, #tpu.memory_space<vmem>>, vector<1x1xf32>,
    } else {
    }
    %get3A_36 = arith.constant 0 : index
    %get3A_37 = arith.constant 0 : index
    %get3A_38 = vector.load %arg8[%get3A_36, %get3A_37] : memref<1x1xf32, #tpu.memory_space<vmem>>, vector<1x1xf32>
    %reduce_sum3A_39 = vector.shape_cast %sqrt3A : vector<1000xf32> to vector<1x1000xf32>
    %reduce_sum3A_40 = arith.constant dense<0.000000e+00> : vector<1xf32>
    %reduce_sum3A_41 = vector.multi_reduction <add>, %reduce_sum3A_39, %reduce_sum3A_40 [1] : vector<1x1000xf32> to vector<1xf32>
    %reduce_sum3A_42 = vector.shape_cast %reduce_sum3A_41 : vector<1xf32> to vector<1x1xf32>
    %reduce_sum3A_43 = vector.extract %reduce_sum3A_42[0, 0] : f32 from vector<1x1xf32>
    %broadcast_in_dim3A_44 = vector.broadcast %reduce_sum3A_43 : f32 to vector<1x1xf32>
    %add3A_45 = arith.addf %get3A_38, %broadcast_in_dim3A_44 : vector<1x1xf32>
    %swap3A = arith.constant 0 : index
    %swap3A_46 = arith.constant 0 : index
    %swap3A_47 = vector.load %arg8[%swap3A, %swap3A_46] : memref<1x1xf32, #tpu.memory_space<vmem>>, vector<1x1xf32>
    tpu.vector_store %arg8[%swap3A, %swap3A_46], %add3A_45 {strides = array<i32>} : memref<1x1xf32, #tpu.memory_space<vmem>>, vector<1x1xf32>,
    %broadcast_in_dim3A_48 = arith.constant 0.000000e+00 : f32
    %broadcast_in_dim3A_49 = vector.broadcast %broadcast_in_dim3A_48 : f32 to vector<1000x128xf32>
    %get3A_50 = arith.constant 0 : index
    %get3A_51 = arith.constant 0 : index
    %get3A_52 = arith.constant 0 : index
    %get3A_53 = vector.load %arg5[%get3A_50, %get3A_51, %get3A_52] : memref<16x128x128xf32, #tpu.memory_space<vmem>>, vector<1x128x128xf32>
    %get3A_54 = vector.shape_cast %get3A_53 : vector<1x128x128xf32> to vector<128x128xf32>
    %dot_general3A_55 = arith.constant dense<0.000000e+00> : vector<1000x128xf32>
    %dot_general3A_56 = tpu.matmul %max3A_15, %get3A_54, %dot_general3A_55 {dimension_numbers = #tpu.dot_dimension_numbers<[1], [0], [0], [1], [0, 0, 1, 1], [], []>, transpose_lhs_hint = false} : vector<1000x128xf32>, vector<128x128xf32>, vector<1000x128xf32> -> vector<1000x128xf32>
    %get3A_57 = arith.constant 0 : index
    %get3A_58 = arith.constant 0 : index
    %get3A_59 = vector.load %arg6[%get3A_57, %get3A_58] : memref<16x128xf32, #tpu.memory_space<vmem>>, vector<1x128xf32>
    %get3A_60 = vector.shape_cast %get3A_59 : vector<1x128xf32> to vector<128xf32>
    %broadcast_in_dim3A_61 = vector.shape_cast %get3A_60 : vector<128xf32> to vector<1x128xf32>
    %add3A_62 = vector.broadcast %broadcast_in_dim3A_61 : vector<1x128xf32> to vector<1000x128xf32>
    %add3A_63 = arith.addf %dot_general3A_56, %add3A_62 : vector<1000x128xf32>
    %eq3A_64 = arith.constant 0 : i32
    %eq3A_65 = vector.broadcast %eq3A_64 : i32 to vector<1000xi32>
    %eq3A_66 = arith.cmpi eq, %argmax3A, %eq3A_65 : vector<1000xi32>
    %broadcast_in_dim3A_67 = vector.shape_cast %eq3A_66 : vector<1000xi1> to vector<1000x1xi1>
    %broadcast_in_dim3A_68 = vector.shape_cast %broadcast_in_dim3A_67 : vector<1000x1xi1> to vector<1000x1xi1>
    %broadcast_in_dim3A_69 = vector.broadcast %broadcast_in_dim3A_68 : vector<1000x1xi1> to vector<1000x128xi1>
    %select_n3A = arith.select %broadcast_in_dim3A_69, %add3A_63, %broadcast_in_dim3A_49 : vector<1000x128xi1>, vector<1000x128xf32>
    %get3A_70 = arith.constant 1 : index
    %get3A_71 = arith.constant 0 : index
    %get3A_72 = arith.constant 0 : index
    %get3A_73 = vector.load %arg5[%get3A_70, %get3A_71, %get3A_72] : memref<16x128x128xf32, #tpu.memory_space<vmem>>, vector<1x128x128xf32>
    %get3A_74 = vector.shape_cast %get3A_73 : vector<1x128x128xf32> to vector<128x128xf32>
    %dot_general3A_75 = arith.constant dense<0.000000e+00> : vector<1000x128xf32>
    %dot_general3A_76 = tpu.matmul %max3A_15, %get3A_74, %dot_general3A_75 {dimension_numbers = #tpu.dot_dimension_numbers<[1], [0], [0], [1], [0, 0, 1, 1], [], []>, transpose_lhs_hint = false} : vector<1000x128xf32>, vector<128x128xf32>, vector<1000x128xf32> -> vector<1000x128xf32>
    %get3A_77 = arith.constant 1 : index
    %get3A_78 = arith.constant 0 : index
    %get3A_79 = vector.load %arg6[%get3A_77, %get3A_78] : memref<16x128xf32, #tpu.memory_space<vmem>>, vector<1x128xf32>
    %get3A_80 = vector.shape_cast %get3A_79 : vector<1x128xf32> to vector<128xf32>
    %broadcast_in_dim3A_81 = vector.shape_cast %get3A_80 : vector<128xf32> to vector<1x128xf32>
    %add3A_82 = vector.broadcast %broadcast_in_dim3A_81 : vector<1x128xf32> to vector<1000x128xf32>
    %add3A_83 = arith.addf %dot_general3A_76, %add3A_82 : vector<1000x128xf32>
    %eq3A_84 = arith.constant 1 : i32
    %eq3A_85 = vector.broadcast %eq3A_84 : i32 to vector<1000xi32>
    %eq3A_86 = arith.cmpi eq, %argmax3A, %eq3A_85 : vector<1000xi32>
    %broadcast_in_dim3A_87 = vector.shape_cast %eq3A_86 : vector<1000xi1> to vector<1000x1xi1>
    %broadcast_in_dim3A_88 = vector.shape_cast %broadcast_in_dim3A_87 : vector<1000x1xi1> to vector<1000x1xi1>
    %broadcast_in_dim3A_89 = vector.broadcast %broadcast_in_dim3A_88 : vector<1000x1xi1> to vector<1000x128xi1>
    %select_n3A_90 = arith.select %broadcast_in_dim3A_89, %add3A_83, %select_n3A : vector<1000x128xi1>, vector<1000x128xf32>
    %get3A_91 = arith.constant 2 : index
    %get3A_92 = arith.constant 0 : index
    %get3A_93 = arith.constant 0 : index
    %get3A_94 = vector.load %arg5[%get3A_91, %get3A_92, %get3A_93] : memref<16x128x128xf32, #tpu.memory_space<vmem>>, vector<1x128x128xf32>
    %get3A_95 = vector.shape_cast %get3A_94 : vector<1x128x128xf32> to vector<128x128xf32>
    %dot_general3A_96 = arith.constant dense<0.000000e+00> : vector<1000x128xf32>
    %dot_general3A_97 = tpu.matmul %max3A_15, %get3A_95, %dot_general3A_96 {dimension_numbers = #tpu.dot_dimension_numbers<[1], [0], [0], [1], [0, 0, 1, 1], [], []>, transpose_lhs_hint = false} : vector<1000x128xf32>, vector<128x128xf32>, vector<1000x128xf32> -> vector<1000x128xf32>
    %get3A_98 = arith.constant 2 : index
    %get3A_99 = arith.constant 0 : index
    %get3A_100 = vector.load %arg6[%get3A_98, %get3A_99] : memref<16x128xf32, #tpu.memory_space<vmem>>, vector<1x128xf32>
    %get3A_101 = vector.shape_cast %get3A_100 : vector<1x128xf32> to vector<128xf32>
    %broadcast_in_dim3A_102 = vector.shape_cast %get3A_101 : vector<128xf32> to vector<1x128xf32>
    %add3A_103 = vector.broadcast %broadcast_in_dim3A_102 : vector<1x128xf32> to vector<1000x128xf32>
    %add3A_104 = arith.addf %dot_general3A_97, %add3A_103 : vector<1000x128xf32>
    %eq3A_105 = arith.constant 2 : i32
    %eq3A_106 = vector.broadcast %eq3A_105 : i32 to vector<1000xi32>
    %eq3A_107 = arith.cmpi eq, %argmax3A, %eq3A_106 : vector<1000xi32>
    %broadcast_in_dim3A_108 = vector.shape_cast %eq3A_107 : vector<1000xi1> to vector<1000x1xi1>
    %broadcast_in_dim3A_109 = vector.shape_cast %broadcast_in_dim3A_108 : vector<1000x1xi1> to vector<1000x1xi1>
    %broadcast_in_dim3A_110 = vector.broadcast %broadcast_in_dim3A_109 : vector<1000x1xi1> to vector<1000x128xi1>
    %select_n3A_111 = arith.select %broadcast_in_dim3A_110, %add3A_104, %select_n3A_90 : vector<1000x128xi1>, vector<1000x128xf32>
    %get3A_112 = arith.constant 3 : index
    %get3A_113 = arith.constant 0 : index
    %get3A_114 = arith.constant 0 : index
    %get3A_115 = vector.load %arg5[%get3A_112, %get3A_113, %get3A_114] : memref<16x128x128xf32, #tpu.memory_space<vmem>>, vector<1x128x128xf32>
    %get3A_116 = vector.shape_cast %get3A_115 : vector<1x128x128xf32> to vector<128x128xf32>
    %dot_general3A_117 = arith.constant dense<0.000000e+00> : vector<1000x128xf32>
    %dot_general3A_118 = tpu.matmul %max3A_15, %get3A_116, %dot_general3A_117 {dimension_numbers = #tpu.dot_dimension_numbers<[1], [0], [0], [1], [0, 0, 1, 1], [], []>, transpose_lhs_hint = false} : vector<1000x128xf32>, vector<128x128xf32>, vector<1000x128xf32> -> vector<1000x128xf32>
    %get3A_119 = arith.constant 3 : index
    %get3A_120 = arith.constant 0 : index
    %get3A_121 = vector.load %arg6[%get3A_119, %get3A_120] : memref<16x128xf32, #tpu.memory_space<vmem>>, vector<1x128xf32>
    %get3A_122 = vector.shape_cast %get3A_121 : vector<1x128xf32> to vector<128xf32>
    %broadcast_in_dim3A_123 = vector.shape_cast %get3A_122 : vector<128xf32> to vector<1x128xf32>
    %add3A_124 = vector.broadcast %broadcast_in_dim3A_123 : vector<1x128xf32> to vector<1000x128xf32>
    %add3A_125 = arith.addf %dot_general3A_118, %add3A_124 : vector<1000x128xf32>
    %eq3A_126 = arith.constant 3 : i32
    %eq3A_127 = vector.broadcast %eq3A_126 : i32 to vector<1000xi32>
    %eq3A_128 = arith.cmpi eq, %argmax3A, %eq3A_127 : vector<1000xi32>
    %broadcast_in_dim3A_129 = vector.shape_cast %eq3A_128 : vector<1000xi1> to vector<1000x1xi1>
    %broadcast_in_dim3A_130 = vector.shape_cast %broadcast_in_dim3A_129 : vector<1000x1xi1> to vector<1000x1xi1>
    %broadcast_in_dim3A_131 = vector.broadcast %broadcast_in_dim3A_130 : vector<1000x1xi1> to vector<1000x128xi1>
    %select_n3A_132 = arith.select %broadcast_in_dim3A_131, %add3A_125, %select_n3A_111 : vector<1000x128xi1>, vector<1000x128xf32>
    %get3A_133 = arith.constant 4 : index
    %get3A_134 = arith.constant 0 : index
    %get3A_135 = arith.constant 0 : index
    %get3A_136 = vector.load %arg5[%get3A_133, %get3A_134, %get3A_135] : memref<16x128x128xf32, #tpu.memory_space<vmem>>, vector<1x128x128xf32>
    %get3A_137 = vector.shape_cast %get3A_136 : vector<1x128x128xf32> to vector<128x128xf32>
    %dot_general3A_138 = arith.constant dense<0.000000e+00> : vector<1000x128xf32>
    %dot_general3A_139 = tpu.matmul %max3A_15, %get3A_137, %dot_general3A_138 {dimension_numbers = #tpu.dot_dimension_numbers<[1], [0], [0], [1], [0, 0, 1, 1], [], []>, transpose_lhs_hint = false} : vector<1000x128xf32>, vector<128x128xf32>, vector<1000x128xf32> -> vector<1000x128xf32>
    %get3A_140 = arith.constant 4 : index
    %get3A_141 = arith.constant 0 : index
    %get3A_142 = vector.load %arg6[%get3A_140, %get3A_141] : memref<16x128xf32, #tpu.memory_space<vmem>>, vector<1x128xf32>
    %get3A_143 = vector.shape_cast %get3A_142 : vector<1x128xf32> to vector<128xf32>
    %broadcast_in_dim3A_144 = vector.shape_cast %get3A_143 : vector<128xf32> to vector<1x128xf32>
    %add3A_145 = vector.broadcast %broadcast_in_dim3A_144 : vector<1x128xf32> to vector<1000x128xf32>
    %add3A_146 = arith.addf %dot_general3A_139, %add3A_145 : vector<1000x128xf32>
    %eq3A_147 = arith.constant 4 : i32
    %eq3A_148 = vector.broadcast %eq3A_147 : i32 to vector<1000xi32>
    %eq3A_149 = arith.cmpi eq, %argmax3A, %eq3A_148 : vector<1000xi32>
    %broadcast_in_dim3A_150 = vector.shape_cast %eq3A_149 : vector<1000xi1> to vector<1000x1xi1>
    %broadcast_in_dim3A_151 = vector.shape_cast %broadcast_in_dim3A_150 : vector<1000x1xi1> to vector<1000x1xi1>
    %broadcast_in_dim3A_152 = vector.broadcast %broadcast_in_dim3A_151 : vector<1000x1xi1> to vector<1000x128xi1>
    %select_n3A_153 = arith.select %broadcast_in_dim3A_152, %add3A_146, %select_n3A_132 : vector<1000x128xi1>, vector<1000x128xf32>
    %get3A_154 = arith.constant 5 : index
    %get3A_155 = arith.constant 0 : index
    %get3A_156 = arith.constant 0 : index
    %get3A_157 = vector.load %arg5[%get3A_154, %get3A_155, %get3A_156] : memref<16x128x128xf32, #tpu.memory_space<vmem>>, vector<1x128x128xf32>
    %get3A_158 = vector.shape_cast %get3A_157 : vector<1x128x128xf32> to vector<128x128xf32>
    %dot_general3A_159 = arith.constant dense<0.000000e+00> : vector<1000x128xf32>
    %dot_general3A_160 = tpu.matmul %max3A_15, %get3A_158, %dot_general3A_159 {dimension_numbers = #tpu.dot_dimension_numbers<[1], [0], [0], [1], [0, 0, 1, 1], [], []>, transpose_lhs_hint = false} : vector<1000x128xf32>, vector<128x128xf32>, vector<1000x128xf32> -> vector<1000x128xf32>
    %get3A_161 = arith.constant 5 : index
    %get3A_162 = arith.constant 0 : index
    %get3A_163 = vector.load %arg6[%get3A_161, %get3A_162] : memref<16x128xf32, #tpu.memory_space<vmem>>, vector<1x128xf32>
    %get3A_164 = vector.shape_cast %get3A_163 : vector<1x128xf32> to vector<128xf32>
    %broadcast_in_dim3A_165 = vector.shape_cast %get3A_164 : vector<128xf32> to vector<1x128xf32>
    %add3A_166 = vector.broadcast %broadcast_in_dim3A_165 : vector<1x128xf32> to vector<1000x128xf32>
    %add3A_167 = arith.addf %dot_general3A_160, %add3A_166 : vector<1000x128xf32>
    %eq3A_168 = arith.constant 5 : i32
    %eq3A_169 = vector.broadcast %eq3A_168 : i32 to vector<1000xi32>
    %eq3A_170 = arith.cmpi eq, %argmax3A, %eq3A_169 : vector<1000xi32>
    %broadcast_in_dim3A_171 = vector.shape_cast %eq3A_170 : vector<1000xi1> to vector<1000x1xi1>
    %broadcast_in_dim3A_172 = vector.shape_cast %broadcast_in_dim3A_171 : vector<1000x1xi1> to vector<1000x1xi1>
    %broadcast_in_dim3A_173 = vector.broadcast %broadcast_in_dim3A_172 : vector<1000x1xi1> to vector<1000x128xi1>
    %select_n3A_174 = arith.select %broadcast_in_dim3A_173, %add3A_167, %select_n3A_153 : vector<1000x128xi1>, vector<1000x128xf32>
    %get3A_175 = arith.constant 6 : index
    %get3A_176 = arith.constant 0 : index
    %get3A_177 = arith.constant 0 : index
    %get3A_178 = vector.load %arg5[%get3A_175, %get3A_176, %get3A_177] : memref<16x128x128xf32, #tpu.memory_space<vmem>>, vector<1x128x128xf32>
    %get3A_179 = vector.shape_cast %get3A_178 : vector<1x128x128xf32> to vector<128x128xf32>
    %dot_general3A_180 = arith.constant dense<0.000000e+00> : vector<1000x128xf32>
    %dot_general3A_181 = tpu.matmul %max3A_15, %get3A_179, %dot_general3A_180 {dimension_numbers = #tpu.dot_dimension_numbers<[1], [0], [0], [1], [0, 0, 1, 1], [], []>, transpose_lhs_hint = false} : vector<1000x128xf32>, vector<128x128xf32>, vector<1000x128xf32> -> vector<1000x128xf32>
    %get3A_182 = arith.constant 6 : index
    %get3A_183 = arith.constant 0 : index
    %get3A_184 = vector.load %arg6[%get3A_182, %get3A_183] : memref<16x128xf32, #tpu.memory_space<vmem>>, vector<1x128xf32>
    %get3A_185 = vector.shape_cast %get3A_184 : vector<1x128xf32> to vector<128xf32>
    %broadcast_in_dim3A_186 = vector.shape_cast %get3A_185 : vector<128xf32> to vector<1x128xf32>
    %add3A_187 = vector.broadcast %broadcast_in_dim3A_186 : vector<1x128xf32> to vector<1000x128xf32>
    %add3A_188 = arith.addf %dot_general3A_181, %add3A_187 : vector<1000x128xf32>
    %eq3A_189 = arith.constant 6 : i32
    %eq3A_190 = vector.broadcast %eq3A_189 : i32 to vector<1000xi32>
    %eq3A_191 = arith.cmpi eq, %argmax3A, %eq3A_190 : vector<1000xi32>
    %broadcast_in_dim3A_192 = vector.shape_cast %eq3A_191 : vector<1000xi1> to vector<1000x1xi1>
    %broadcast_in_dim3A_193 = vector.shape_cast %broadcast_in_dim3A_192 : vector<1000x1xi1> to vector<1000x1xi1>
    %broadcast_in_dim3A_194 = vector.broadcast %broadcast_in_dim3A_193 : vector<1000x1xi1> to vector<1000x128xi1>
    %select_n3A_195 = arith.select %broadcast_in_dim3A_194, %add3A_188, %select_n3A_174 : vector<1000x128xi1>, vector<1000x128xf32>
    %get3A_196 = arith.constant 7 : index
    %get3A_197 = arith.constant 0 : index
    %get3A_198 = arith.constant 0 : index
    %get3A_199 = vector.load %arg5[%get3A_196, %get3A_197, %get3A_198] : memref<16x128x128xf32, #tpu.memory_space<vmem>>, vector<1x128x128xf32>
    %get3A_200 = vector.shape_cast %get3A_199 : vector<1x128x128xf32> to vector<128x128xf32>
    %dot_general3A_201 = arith.constant dense<0.000000e+00> : vector<1000x128xf32>
    %dot_general3A_202 = tpu.matmul %max3A_15, %get3A_200, %dot_general3A_201 {dimension_numbers = #tpu.dot_dimension_numbers<[1], [0], [0], [1], [0, 0, 1, 1], [], []>, transpose_lhs_hint = false} : vector<1000x128xf32>, vector<128x128xf32>, vector<1000x128xf32> -> vector<1000x128xf32>
    %get3A_203 = arith.constant 7 : index
    %get3A_204 = arith.constant 0 : index
    %get3A_205 = vector.load %arg6[%get3A_203, %get3A_204] : memref<16x128xf32, #tpu.memory_space<vmem>>, vector<1x128xf32>
    %get3A_206 = vector.shape_cast %get3A_205 : vector<1x128xf32> to vector<128xf32>
    %broadcast_in_dim3A_207 = vector.shape_cast %get3A_206 : vector<128xf32> to vector<1x128xf32>
    %add3A_208 = vector.broadcast %broadcast_in_dim3A_207 : vector<1x128xf32> to vector<1000x128xf32>
    %add3A_209 = arith.addf %dot_general3A_202, %add3A_208 : vector<1000x128xf32>
    %eq3A_210 = arith.constant 7 : i32
    %eq3A_211 = vector.broadcast %eq3A_210 : i32 to vector<1000xi32>
    %eq3A_212 = arith.cmpi eq, %argmax3A, %eq3A_211 : vector<1000xi32>
    %broadcast_in_dim3A_213 = vector.shape_cast %eq3A_212 : vector<1000xi1> to vector<1000x1xi1>
    %broadcast_in_dim3A_214 = vector.shape_cast %broadcast_in_dim3A_213 : vector<1000x1xi1> to vector<1000x1xi1>
    %broadcast_in_dim3A_215 = vector.broadcast %broadcast_in_dim3A_214 : vector<1000x1xi1> to vector<1000x128xi1>
    %select_n3A_216 = arith.select %broadcast_in_dim3A_215, %add3A_209, %select_n3A_195 : vector<1000x128xi1>, vector<1000x128xf32>
    %get3A_217 = arith.constant 8 : index
    %get3A_218 = arith.constant 0 : index
    %get3A_219 = arith.constant 0 : index
    %get3A_220 = vector.load %arg5[%get3A_217, %get3A_218, %get3A_219] : memref<16x128x128xf32, #tpu.memory_space<vmem>>, vector<1x128x128xf32>
    %get3A_221 = vector.shape_cast %get3A_220 : vector<1x128x128xf32> to vector<128x128xf32>
    %dot_general3A_222 = arith.constant dense<0.000000e+00> : vector<1000x128xf32>
    %dot_general3A_223 = tpu.matmul %max3A_15, %get3A_221, %dot_general3A_222 {dimension_numbers = #tpu.dot_dimension_numbers<[1], [0], [0], [1], [0, 0, 1, 1], [], []>, transpose_lhs_hint = false} : vector<1000x128xf32>, vector<128x128xf32>, vector<1000x128xf32> -> vector<1000x128xf32>
    %get3A_224 = arith.constant 8 : index
    %get3A_225 = arith.constant 0 : index
    %get3A_226 = vector.load %arg6[%get3A_224, %get3A_225] : memref<16x128xf32, #tpu.memory_space<vmem>>, vector<1x128xf32>
    %get3A_227 = vector.shape_cast %get3A_226 : vector<1x128xf32> to vector<128xf32>
    %broadcast_in_dim3A_228 = vector.shape_cast %get3A_227 : vector<128xf32> to vector<1x128xf32>
    %add3A_229 = vector.broadcast %broadcast_in_dim3A_228 : vector<1x128xf32> to vector<1000x128xf32>
    %add3A_230 = arith.addf %dot_general3A_223, %add3A_229 : vector<1000x128xf32>
    %eq3A_231 = arith.constant 8 : i32
    %eq3A_232 = vector.broadcast %eq3A_231 : i32 to vector<1000xi32>
    %eq3A_233 = arith.cmpi eq, %argmax3A, %eq3A_232 : vector<1000xi32>
    %broadcast_in_dim3A_234 = vector.shape_cast %eq3A_233 : vector<1000xi1> to vector<1000x1xi1>
    %broadcast_in_dim3A_235 = vector.shape_cast %broadcast_in_dim3A_234 : vector<1000x1xi1> to vector<1000x1xi1>
    %broadcast_in_dim3A_236 = vector.broadcast %broadcast_in_dim3A_235 : vector<1000x1xi1> to vector<1000x128xi1>
    %select_n3A_237 = arith.select %broadcast_in_dim3A_236, %add3A_230, %select_n3A_216 : vector<1000x128xi1>, vector<1000x128xf32>
    %get3A_238 = arith.constant 9 : index
    %get3A_239 = arith.constant 0 : index
    %get3A_240 = arith.constant 0 : index
    %get3A_241 = vector.load %arg5[%get3A_238, %get3A_239, %get3A_240] : memref<16x128x128xf32, #tpu.memory_space<vmem>>, vector<1x128x128xf32>
    %get3A_242 = vector.shape_cast %get3A_241 : vector<1x128x128xf32> to vector<128x128xf32>
    %dot_general3A_243 = arith.constant dense<0.000000e+00> : vector<1000x128xf32>
    %dot_general3A_244 = tpu.matmul %max3A_15, %get3A_242, %dot_general3A_243 {dimension_numbers = #tpu.dot_dimension_numbers<[1], [0], [0], [1], [0, 0, 1, 1], [], []>, transpose_lhs_hint = false} : vector<1000x128xf32>, vector<128x128xf32>, vector<1000x128xf32> -> vector<1000x128xf32>
    %get3A_245 = arith.constant 9 : index
    %get3A_246 = arith.constant 0 : index
    %get3A_247 = vector.load %arg6[%get3A_245, %get3A_246] : memref<16x128xf32, #tpu.memory_space<vmem>>, vector<1x128xf32>
    %get3A_248 = vector.shape_cast %get3A_247 : vector<1x128xf32> to vector<128xf32>
    %broadcast_in_dim3A_249 = vector.shape_cast %get3A_248 : vector<128xf32> to vector<1x128xf32>
    %add3A_250 = vector.broadcast %broadcast_in_dim3A_249 : vector<1x128xf32> to vector<1000x128xf32>
    %add3A_251 = arith.addf %dot_general3A_244, %add3A_250 : vector<1000x128xf32>
    %eq3A_252 = arith.constant 9 : i32
    %eq3A_253 = vector.broadcast %eq3A_252 : i32 to vector<1000xi32>
    %eq3A_254 = arith.cmpi eq, %argmax3A, %eq3A_253 : vector<1000xi32>
    %broadcast_in_dim3A_255 = vector.shape_cast %eq3A_254 : vector<1000xi1> to vector<1000x1xi1>
    %broadcast_in_dim3A_256 = vector.shape_cast %broadcast_in_dim3A_255 : vector<1000x1xi1> to vector<1000x1xi1>
    %broadcast_in_dim3A_257 = vector.broadcast %broadcast_in_dim3A_256 : vector<1000x1xi1> to vector<1000x128xi1>
    %select_n3A_258 = arith.select %broadcast_in_dim3A_257, %add3A_251, %select_n3A_237 : vector<1000x128xi1>, vector<1000x128xf32>
    %get3A_259 = arith.constant 10 : index
    %get3A_260 = arith.constant 0 : index
    %get3A_261 = arith.constant 0 : index
    %get3A_262 = vector.load %arg5[%get3A_259, %get3A_260, %get3A_261] : memref<16x128x128xf32, #tpu.memory_space<vmem>>, vector<1x128x128xf32>
    %get3A_263 = vector.shape_cast %get3A_262 : vector<1x128x128xf32> to vector<128x128xf32>
    %dot_general3A_264 = arith.constant dense<0.000000e+00> : vector<1000x128xf32>
    %dot_general3A_265 = tpu.matmul %max3A_15, %get3A_263, %dot_general3A_264 {dimension_numbers = #tpu.dot_dimension_numbers<[1], [0], [0], [1], [0, 0, 1, 1], [], []>, transpose_lhs_hint = false} : vector<1000x128xf32>, vector<128x128xf32>, vector<1000x128xf32> -> vector<1000x128xf32>
    %get3A_266 = arith.constant 10 : index
    %get3A_267 = arith.constant 0 : index
    %get3A_268 = vector.load %arg6[%get3A_266, %get3A_267] : memref<16x128xf32, #tpu.memory_space<vmem>>, vector<1x128xf32>
    %get3A_269 = vector.shape_cast %get3A_268 : vector<1x128xf32> to vector<128xf32>
    %broadcast_in_dim3A_270 = vector.shape_cast %get3A_269 : vector<128xf32> to vector<1x128xf32>
    %add3A_271 = vector.broadcast %broadcast_in_dim3A_270 : vector<1x128xf32> to vector<1000x128xf32>
    %add3A_272 = arith.addf %dot_general3A_265, %add3A_271 : vector<1000x128xf32>
    %eq3A_273 = arith.constant 10 : i32
    %eq3A_274 = vector.broadcast %eq3A_273 : i32 to vector<1000xi32>
    %eq3A_275 = arith.cmpi eq, %argmax3A, %eq3A_274 : vector<1000xi32>
    %broadcast_in_dim3A_276 = vector.shape_cast %eq3A_275 : vector<1000xi1> to vector<1000x1xi1>
    %broadcast_in_dim3A_277 = vector.shape_cast %broadcast_in_dim3A_276 : vector<1000x1xi1> to vector<1000x1xi1>
    %broadcast_in_dim3A_278 = vector.broadcast %broadcast_in_dim3A_277 : vector<1000x1xi1> to vector<1000x128xi1>
    %select_n3A_279 = arith.select %broadcast_in_dim3A_278, %add3A_272, %select_n3A_258 : vector<1000x128xi1>, vector<1000x128xf32>
    %get3A_280 = arith.constant 11 : index
    %get3A_281 = arith.constant 0 : index
    %get3A_282 = arith.constant 0 : index
    %get3A_283 = vector.load %arg5[%get3A_280, %get3A_281, %get3A_282] : memref<16x128x128xf32, #tpu.memory_space<vmem>>, vector<1x128x128xf32>
    %get3A_284 = vector.shape_cast %get3A_283 : vector<1x128x128xf32> to vector<128x128xf32>
    %dot_general3A_285 = arith.constant dense<0.000000e+00> : vector<1000x128xf32>
    %dot_general3A_286 = tpu.matmul %max3A_15, %get3A_284, %dot_general3A_285 {dimension_numbers = #tpu.dot_dimension_numbers<[1], [0], [0], [1], [0, 0, 1, 1], [], []>, transpose_lhs_hint = false} : vector<1000x128xf32>, vector<128x128xf32>, vector<1000x128xf32> -> vector<1000x128xf32>
    %get3A_287 = arith.constant 11 : index
    %get3A_288 = arith.constant 0 : index
    %get3A_289 = vector.load %arg6[%get3A_287, %get3A_288] : memref<16x128xf32, #tpu.memory_space<vmem>>, vector<1x128xf32>
    %get3A_290 = vector.shape_cast %get3A_289 : vector<1x128xf32> to vector<128xf32>
    %broadcast_in_dim3A_291 = vector.shape_cast %get3A_290 : vector<128xf32> to vector<1x128xf32>
    %add3A_292 = vector.broadcast %broadcast_in_dim3A_291 : vector<1x128xf32> to vector<1000x128xf32>
    %add3A_293 = arith.addf %dot_general3A_286, %add3A_292 : vector<1000x128xf32>
    %eq3A_294 = arith.constant 11 : i32
    %eq3A_295 = vector.broadcast %eq3A_294 : i32 to vector<1000xi32>
    %eq3A_296 = arith.cmpi eq, %argmax3A, %eq3A_295 : vector<1000xi32>
    %broadcast_in_dim3A_297 = vector.shape_cast %eq3A_296 : vector<1000xi1> to vector<1000x1xi1>
    %broadcast_in_dim3A_298 = vector.shape_cast %broadcast_in_dim3A_297 : vector<1000x1xi1> to vector<1000x1xi1>
    %broadcast_in_dim3A_299 = vector.broadcast %broadcast_in_dim3A_298 : vector<1000x1xi1> to vector<1000x128xi1>
    %select_n3A_300 = arith.select %broadcast_in_dim3A_299, %add3A_293, %select_n3A_279 : vector<1000x128xi1>, vector<1000x128xf32>
    %get3A_301 = arith.constant 12 : index
    %get3A_302 = arith.constant 0 : index
    %get3A_303 = arith.constant 0 : index
    %get3A_304 = vector.load %arg5[%get3A_301, %get3A_302, %get3A_303] : memref<16x128x128xf32, #tpu.memory_space<vmem>>, vector<1x128x128xf32>
    %get3A_305 = vector.shape_cast %get3A_304 : vector<1x128x128xf32> to vector<128x128xf32>
    %dot_general3A_306 = arith.constant dense<0.000000e+00> : vector<1000x128xf32>
    %dot_general3A_307 = tpu.matmul %max3A_15, %get3A_305, %dot_general3A_306 {dimension_numbers = #tpu.dot_dimension_numbers<[1], [0], [0], [1], [0, 0, 1, 1], [], []>, transpose_lhs_hint = false} : vector<1000x128xf32>, vector<128x128xf32>, vector<1000x128xf32> -> vector<1000x128xf32>
    %get3A_308 = arith.constant 12 : index
    %get3A_309 = arith.constant 0 : index
    %get3A_310 = vector.load %arg6[%get3A_308, %get3A_309] : memref<16x128xf32, #tpu.memory_space<vmem>>, vector<1x128xf32>
    %get3A_311 = vector.shape_cast %get3A_310 : vector<1x128xf32> to vector<128xf32>
    %broadcast_in_dim3A_312 = vector.shape_cast %get3A_311 : vector<128xf32> to vector<1x128xf32>
    %add3A_313 = vector.broadcast %broadcast_in_dim3A_312 : vector<1x128xf32> to vector<1000x128xf32>
    %add3A_314 = arith.addf %dot_general3A_307, %add3A_313 : vector<1000x128xf32>
    %eq3A_315 = arith.constant 12 : i32
    %eq3A_316 = vector.broadcast %eq3A_315 : i32 to vector<1000xi32>
    %eq3A_317 = arith.cmpi eq, %argmax3A, %eq3A_316 : vector<1000xi32>
    %broadcast_in_dim3A_318 = vector.shape_cast %eq3A_317 : vector<1000xi1> to vector<1000x1xi1>
    %broadcast_in_dim3A_319 = vector.shape_cast %broadcast_in_dim3A_318 : vector<1000x1xi1> to vector<1000x1xi1>
    %broadcast_in_dim3A_320 = vector.broadcast %broadcast_in_dim3A_319 : vector<1000x1xi1> to vector<1000x128xi1>
    %select_n3A_321 = arith.select %broadcast_in_dim3A_320, %add3A_314, %select_n3A_300 : vector<1000x128xi1>, vector<1000x128xf32>
    %get3A_322 = arith.constant 13 : index
    %get3A_323 = arith.constant 0 : index
    %get3A_324 = arith.constant 0 : index
    %get3A_325 = vector.load %arg5[%get3A_322, %get3A_323, %get3A_324] : memref<16x128x128xf32, #tpu.memory_space<vmem>>, vector<1x128x128xf32>
    %get3A_326 = vector.shape_cast %get3A_325 : vector<1x128x128xf32> to vector<128x128xf32>
    %dot_general3A_327 = arith.constant dense<0.000000e+00> : vector<1000x128xf32>
    %dot_general3A_328 = tpu.matmul %max3A_15, %get3A_326, %dot_general3A_327 {dimension_numbers = #tpu.dot_dimension_numbers<[1], [0], [0], [1], [0, 0, 1, 1], [], []>, transpose_lhs_hint = false} : vector<1000x128xf32>, vector<128x128xf32>, vector<1000x128xf32> -> vector<1000x128xf32>
    %get3A_329 = arith.constant 13 : index
    %get3A_330 = arith.constant 0 : index
    %get3A_331 = vector.load %arg6[%get3A_329, %get3A_330] : memref<16x128xf32, #tpu.memory_space<vmem>>, vector<1x128xf32>
    %get3A_332 = vector.shape_cast %get3A_331 : vector<1x128xf32> to vector<128xf32>
    %broadcast_in_dim3A_333 = vector.shape_cast %get3A_332 : vector<128xf32> to vector<1x128xf32>
    %add3A_334 = vector.broadcast %broadcast_in_dim3A_333 : vector<1x128xf32> to vector<1000x128xf32>
    %add3A_335 = arith.addf %dot_general3A_328, %add3A_334 : vector<1000x128xf32>
    %eq3A_336 = arith.constant 13 : i32
    %eq3A_337 = vector.broadcast %eq3A_336 : i32 to vector<1000xi32>
    %eq3A_338 = arith.cmpi eq, %argmax3A, %eq3A_337 : vector<1000xi32>
    %broadcast_in_dim3A_339 = vector.shape_cast %eq3A_338 : vector<1000xi1> to vector<1000x1xi1>
    %broadcast_in_dim3A_340 = vector.shape_cast %broadcast_in_dim3A_339 : vector<1000x1xi1> to vector<1000x1xi1>
    %broadcast_in_dim3A_341 = vector.broadcast %broadcast_in_dim3A_340 : vector<1000x1xi1> to vector<1000x128xi1>
    %select_n3A_342 = arith.select %broadcast_in_dim3A_341, %add3A_335, %select_n3A_321 : vector<1000x128xi1>, vector<1000x128xf32>
    %get3A_343 = arith.constant 14 : index
    %get3A_344 = arith.constant 0 : index
    %get3A_345 = arith.constant 0 : index
    %get3A_346 = vector.load %arg5[%get3A_343, %get3A_344, %get3A_345] : memref<16x128x128xf32, #tpu.memory_space<vmem>>, vector<1x128x128xf32>
    %get3A_347 = vector.shape_cast %get3A_346 : vector<1x128x128xf32> to vector<128x128xf32>
    %dot_general3A_348 = arith.constant dense<0.000000e+00> : vector<1000x128xf32>
    %dot_general3A_349 = tpu.matmul %max3A_15, %get3A_347, %dot_general3A_348 {dimension_numbers = #tpu.dot_dimension_numbers<[1], [0], [0], [1], [0, 0, 1, 1], [], []>, transpose_lhs_hint = false} : vector<1000x128xf32>, vector<128x128xf32>, vector<1000x128xf32> -> vector<1000x128xf32>
    %get3A_350 = arith.constant 14 : index
    %get3A_351 = arith.constant 0 : index
    %get3A_352 = vector.load %arg6[%get3A_350, %get3A_351] : memref<16x128xf32, #tpu.memory_space<vmem>>, vector<1x128xf32>
    %get3A_353 = vector.shape_cast %get3A_352 : vector<1x128xf32> to vector<128xf32>
    %broadcast_in_dim3A_354 = vector.shape_cast %get3A_353 : vector<128xf32> to vector<1x128xf32>
    %add3A_355 = vector.broadcast %broadcast_in_dim3A_354 : vector<1x128xf32> to vector<1000x128xf32>
    %add3A_356 = arith.addf %dot_general3A_349, %add3A_355 : vector<1000x128xf32>
    %eq3A_357 = arith.constant 14 : i32
    %eq3A_358 = vector.broadcast %eq3A_357 : i32 to vector<1000xi32>
    %eq3A_359 = arith.cmpi eq, %argmax3A, %eq3A_358 : vector<1000xi32>
    %broadcast_in_dim3A_360 = vector.shape_cast %eq3A_359 : vector<1000xi1> to vector<1000x1xi1>
    %broadcast_in_dim3A_361 = vector.shape_cast %broadcast_in_dim3A_360 : vector<1000x1xi1> to vector<1000x1xi1>
    %broadcast_in_dim3A_362 = vector.broadcast %broadcast_in_dim3A_361 : vector<1000x1xi1> to vector<1000x128xi1>
    %select_n3A_363 = arith.select %broadcast_in_dim3A_362, %add3A_356, %select_n3A_342 : vector<1000x128xi1>, vector<1000x128xf32>
    %get3A_364 = arith.constant 15 : index
    %get3A_365 = arith.constant 0 : index
    %get3A_366 = arith.constant 0 : index
    %get3A_367 = vector.load %arg5[%get3A_364, %get3A_365, %get3A_366] : memref<16x128x128xf32, #tpu.memory_space<vmem>>, vector<1x128x128xf32>
    %get3A_368 = vector.shape_cast %get3A_367 : vector<1x128x128xf32> to vector<128x128xf32>
    %dot_general3A_369 = arith.constant dense<0.000000e+00> : vector<1000x128xf32>
    %dot_general3A_370 = tpu.matmul %max3A_15, %get3A_368, %dot_general3A_369 {dimension_numbers = #tpu.dot_dimension_numbers<[1], [0], [0], [1], [0, 0, 1, 1], [], []>, transpose_lhs_hint = false} : vector<1000x128xf32>, vector<128x128xf32>, vector<1000x128xf32> -> vector<1000x128xf32>
    %get3A_371 = arith.constant 15 : index
    %get3A_372 = arith.constant 0 : index
    %get3A_373 = vector.load %arg6[%get3A_371, %get3A_372] : memref<16x128xf32, #tpu.memory_space<vmem>>, vector<1x128xf32>
    %get3A_374 = vector.shape_cast %get3A_373 : vector<1x128xf32> to vector<128xf32>
    %broadcast_in_dim3A_375 = vector.shape_cast %get3A_374 : vector<128xf32> to vector<1x128xf32>
    %add3A_376 = vector.broadcast %broadcast_in_dim3A_375 : vector<1x128xf32> to vector<1000x128xf32>
    %add3A_377 = arith.addf %dot_general3A_370, %add3A_376 : vector<1000x128xf32>
    %eq3A_378 = arith.constant 15 : i32
    %eq3A_379 = vector.broadcast %eq3A_378 : i32 to vector<1000xi32>
    %eq3A_380 = arith.cmpi eq, %argmax3A, %eq3A_379 : vector<1000xi32>
    %broadcast_in_dim3A_381 = vector.shape_cast %eq3A_380 : vector<1000xi1> to vector<1000x1xi1>
    %broadcast_in_dim3A_382 = vector.shape_cast %broadcast_in_dim3A_381 : vector<1000x1xi1> to vector<1000x1xi1>
    %broadcast_in_dim3A_383 = vector.broadcast %broadcast_in_dim3A_382 : vector<1000x1xi1> to vector<1000x128xi1>
    %select_n3A_384 = arith.select %broadcast_in_dim3A_383, %add3A_377, %select_n3A_363 : vector<1000x128xi1>, vector<1000x128xf32>
    %swap3A_385 = arith.constant 0 : index
    %swap3A_386 = arith.constant 0 : index
    %swap3A_387 = vector.load %arg7[%swap3A_385, %swap3A_386] : memref<1000x128xf32, #tpu.memory_space<vmem>>, vector<1000x128xf32>
    tpu.vector_store %arg7[%swap3A_385, %swap3A_386], %select_n3A_384 {strides = array<i32>} : memref<1000x128xf32, #tpu.memory_space<vmem>>, vector<1000x128xf32>,
    return
  }
  func.func @transform_0(%arg0: i32) -> (i32, i32, i32) {
    %c0_i32 = arith.constant 0 : i32
    %c0_i32_0 = arith.constant 0 : i32
    %c0_i32_1 = arith.constant 0 : i32
    return %c0_i32, %arg0, %c0_i32_0 : i32, i32, i32
  }
  func.func @transform_1(%arg0: i32) -> (i32, i32) {
    %c0_i32 = arith.constant 0 : i32
    %c0_i32_0 = arith.constant 0 : i32
    %c0_i32_1 = arith.constant 0 : i32
    return %c0_i32, %c0_i32_0 : i32, i32
  }
  func.func @transform_2(%arg0: i32) -> (i32, i32) {
    %c0_i32 = arith.constant 0 : i32
    %c0_i32_0 = arith.constant 0 : i32
    %c0_i32_1 = arith.constant 0 : i32
    return %c0_i32, %c0_i32_0 : i32, i32
  }
  func.func @transform_3(%arg0: i32) -> (i32, i32) {
    %c0_i32 = arith.constant 0 : i32
    %c0_i32_0 = arith.constant 0 : i32
    %c0_i32_1 = arith.constant 0 : i32
    return %c0_i32, %c0_i32_0 : i32, i32
  }
  func.func @transform_4(%arg0: i32) -> (i32, i32, i32) {
    %c0_i32 = arith.constant 0 : i32
    %c0_i32_0 = arith.constant 0 : i32
    %c0_i32_1 = arith.constant 0 : i32
    %c0_i32_2 = arith.constant 0 : i32
    return %c0_i32, %c0_i32_0, %c0_i32_1 : i32, i32, i32
  }
  func.func @transform_5(%arg0: i32) -> (i32, i32) {
    %c0_i32 = arith.constant 0 : i32
    %c0_i32_0 = arith.constant 0 : i32
    %c0_i32_1 = arith.constant 0 : i32
    return %c0_i32, %c0_i32_0 : i32, i32
  }
  func.func @transform_6(%arg0: i32) -> (i32, i32) {
    %c0_i32 = arith.constant 0 : i32
    %c0_i32_0 = arith.constant 0 : i32
    return %arg0, %c0_i32 : i32, i32
  }
  func.func @transform_7(%arg0: i32) -> (i32, i32) {
    %c0_i32 = arith.constant 0 : i32
    %c0_i32_0 = arith.constant 0 : i32
    %c0_i32_1 = arith.constant 0 : i32
    return %c0_i32, %c0_i32_0 : i32, i32
  }
}

module attributes {stable_mosaic.version = 14 : i64} {
  func.func @_fin_body(%arg0: i32, %arg1: memref<2x1000x128xf32, #tpu.memory_space<vmem>>, %arg2: memref<1x128xf32, #tpu.memory_space<vmem>>, %arg3: memref<128x128xf32, #tpu.memory_space<vmem>>, %arg4: memref<1000x128xf32, #tpu.memory_space<vmem>>) attributes {dimension_semantics = [#tpu.dimension_semantics<arbitrary>], iteration_bounds = array<i64: 10>, scalar_prefetch = 0 : i64, scratch_operands = 0 : i64, tpu.core_type = #tpu.core_type<tc>, window_params = [{transform_indices = @transform_0, window_bounds = array<i64: 2, 1000, 128>}, {pipeline_mode = #tpu.pipeline_mode<synchronous>, transform_indices = @transform_1, window_bounds = array<i64: 1, 128>}, {pipeline_mode = #tpu.pipeline_mode<synchronous>, transform_indices = @transform_2, window_bounds = array<i64: 128, 128>}, {transform_indices = @transform_3, window_bounds = array<i64: 1000, 128>}]} {
    %get3A = arith.constant 0 : index
    %get3A_0 = arith.constant 0 : index
    %get3A_1 = arith.constant 0 : index
    %get3A_2 = vector.load %arg1[%get3A, %get3A_0, %get3A_1] : memref<2x1000x128xf32, #tpu.memory_space<vmem>>, vector<1x1000x128xf32>
    %get3A_3 = vector.shape_cast %get3A_2 : vector<1x1000x128xf32> to vector<1000x128xf32>
    %get3A_4 = arith.constant 1 : index
    %get3A_5 = arith.constant 0 : index
    %get3A_6 = arith.constant 0 : index
    %get3A_7 = vector.load %arg1[%get3A_4, %get3A_5, %get3A_6] : memref<2x1000x128xf32, #tpu.memory_space<vmem>>, vector<1x1000x128xf32>
    %get3A_8 = vector.shape_cast %get3A_7 : vector<1x1000x128xf32> to vector<1000x128xf32>
    %add3A = arith.addf %get3A_3, %get3A_8 : vector<1000x128xf32>
    %get3A_9 = arith.constant 0 : index
    %get3A_10 = arith.constant 0 : index
    %get3A_11 = vector.load %arg2[%get3A_9, %get3A_10] : memref<1x128xf32, #tpu.memory_space<vmem>>, vector<1x128xf32>
    %add3A_12 = vector.broadcast %get3A_11 : vector<1x128xf32> to vector<1000x128xf32>
    %add3A_13 = arith.addf %add3A, %add3A_12 : vector<1000x128xf32>
    %max3A = arith.constant 0.000000e+00 : f32
    %max3A_14 = vector.broadcast %max3A : f32 to vector<1000x128xf32>
    %max3A_15 = arith.maximumf %add3A_13, %max3A_14 : vector<1000x128xf32>
    %get3A_16 = arith.constant 0 : index
    %get3A_17 = arith.constant 0 : index
    %get3A_18 = vector.load %arg3[%get3A_16, %get3A_17] : memref<128x128xf32, #tpu.memory_space<vmem>>, vector<128x128xf32>
    %dot_general3A = arith.constant dense<0.000000e+00> : vector<1000x128xf32>
    %dot_general3A_19 = tpu.matmul %max3A_15, %get3A_18, %dot_general3A {dimension_numbers = #tpu.dot_dimension_numbers<[1], [0], [0], [1], [0, 0, 1, 1], [], []>, transpose_lhs_hint = false} : vector<1000x128xf32>, vector<128x128xf32>, vector<1000x128xf32> -> vector<1000x128xf32>
    %swap3A = arith.constant 0 : index
    %swap3A_20 = arith.constant 0 : index
    %swap3A_21 = vector.load %arg4[%swap3A, %swap3A_20] : memref<1000x128xf32, #tpu.memory_space<vmem>>, vector<1000x128xf32>
    tpu.vector_store %arg4[%swap3A, %swap3A_20], %dot_general3A_19 {strides = array<i32>} : memref<1000x128xf32, #tpu.memory_space<vmem>>, vector<1000x128xf32>,
    return
  }
  func.func @transform_0(%arg0: i32) -> (i32, i32, i32) {
    %c0_i32 = arith.constant 0 : i32
    %c0_i32_0 = arith.constant 0 : i32
    %c0_i32_1 = arith.constant 0 : i32
    return %c0_i32, %arg0, %c0_i32_0 : i32, i32, i32
  }
  func.func @transform_1(%arg0: i32) -> (i32, i32) {
    %c0_i32 = arith.constant 0 : i32
    %c0_i32_0 = arith.constant 0 : i32
    %c0_i32_1 = arith.constant 0 : i32
    return %c0_i32, %c0_i32_0 : i32, i32
  }
  func.func @transform_2(%arg0: i32) -> (i32, i32) {
    %c0_i32 = arith.constant 0 : i32
    %c0_i32_0 = arith.constant 0 : i32
    %c0_i32_1 = arith.constant 0 : i32
    return %c0_i32, %c0_i32_0 : i32, i32
  }
  func.func @transform_3(%arg0: i32) -> (i32, i32) {
    %c0_i32 = arith.constant 0 : i32
    %c0_i32_0 = arith.constant 0 : i32
    return %arg0, %c0_i32 : i32, i32
  }
}

module attributes {stable_mosaic.version = 14 : i64} {
  func.func @_add_body(%arg0: i32, %arg1: memref<2x1000x128xf32, #tpu.memory_space<vmem>>, %arg2: memref<1x128xf32, #tpu.memory_space<vmem>>, %arg3: memref<1000x128xf32, #tpu.memory_space<vmem>>) attributes {dimension_semantics = [#tpu.dimension_semantics<arbitrary>], iteration_bounds = array<i64: 10>, scalar_prefetch = 0 : i64, scratch_operands = 0 : i64, tpu.core_type = #tpu.core_type<tc>, window_params = [{transform_indices = @transform_0, window_bounds = array<i64: 2, 1000, 128>}, {pipeline_mode = #tpu.pipeline_mode<synchronous>, transform_indices = @transform_1, window_bounds = array<i64: 1, 128>}, {transform_indices = @transform_2, window_bounds = array<i64: 1000, 128>}]} {
    %get3A = arith.constant 0 : index
    %get3A_0 = arith.constant 0 : index
    %get3A_1 = arith.constant 0 : index
    %get3A_2 = vector.load %arg1[%get3A, %get3A_0, %get3A_1] : memref<2x1000x128xf32, #tpu.memory_space<vmem>>, vector<1x1000x128xf32>
    %get3A_3 = vector.shape_cast %get3A_2 : vector<1x1000x128xf32> to vector<1000x128xf32>
    %get3A_4 = arith.constant 1 : index
    %get3A_5 = arith.constant 0 : index
    %get3A_6 = arith.constant 0 : index
    %get3A_7 = vector.load %arg1[%get3A_4, %get3A_5, %get3A_6] : memref<2x1000x128xf32, #tpu.memory_space<vmem>>, vector<1x1000x128xf32>
    %get3A_8 = vector.shape_cast %get3A_7 : vector<1x1000x128xf32> to vector<1000x128xf32>
    %add3A = arith.addf %get3A_3, %get3A_8 : vector<1000x128xf32>
    %get3A_9 = arith.constant 0 : index
    %get3A_10 = arith.constant 0 : index
    %get3A_11 = vector.load %arg2[%get3A_9, %get3A_10] : memref<1x128xf32, #tpu.memory_space<vmem>>, vector<1x128xf32>
    %add3A_12 = vector.broadcast %get3A_11 : vector<1x128xf32> to vector<1000x128xf32>
    %add3A_13 = arith.addf %add3A, %add3A_12 : vector<1000x128xf32>
    %swap3A = arith.constant 0 : index
    %swap3A_14 = arith.constant 0 : index
    %swap3A_15 = vector.load %arg3[%swap3A, %swap3A_14] : memref<1000x128xf32, #tpu.memory_space<vmem>>, vector<1000x128xf32>
    tpu.vector_store %arg3[%swap3A, %swap3A_14], %add3A_13 {strides = array<i32>} : memref<1000x128xf32, #tpu.memory_space<vmem>>, vector<1000x128xf32>,
    return
  }
  func.func @transform_0(%arg0: i32) -> (i32, i32, i32) {
    %c0_i32 = arith.constant 0 : i32
    %c0_i32_0 = arith.constant 0 : i32
    %c0_i32_1 = arith.constant 0 : i32
    return %c0_i32, %arg0, %c0_i32_0 : i32, i32, i32
  }
  func.func @transform_1(%arg0: i32) -> (i32, i32) {
    %c0_i32 = arith.constant 0 : i32
    %c0_i32_0 = arith.constant 0 : i32
    %c0_i32_1 = arith.constant 0 : i32
    return %c0_i32, %c0_i32_0 : i32, i32
  }
  func.func @transform_2(%arg0: i32) -> (i32, i32) {
    %c0_i32 = arith.constant 0 : i32
    %c0_i32_0 = arith.constant 0 : i32
    return %arg0, %c0_i32 : i32, i32
  }
}

</mosaic_0001>

<sc_bundles>
// kernel: kernel.12.cloned.1.call-start
scs
__scs_entry_jumppad:
0x0: {  	(pc) =	sbr.rel $0x88, $3  }
0x1: {  	(tag) =	ssettag $0x0;
	lr =	simm.s32 $0x1  }
0x2: {  	[smem:$0x3F93] =	sst lr;
	_ =	strace $0xD0000000  }
0x3: {  	_ = 	snop  }
0x4: {  	_ = 	snop  }
0x5: {  	_ = 	snop  }
0x6: {  	_ = 	snop  }
0x7: {  	_ = 	snop  }
__scs_overlays_trampoline_lowered:
0x8: {  	[smem:$0x3FA2] =	sst s0  }
0x9: {  	[smem:$0x3FA3] =	sst s1  }
0xa: {  	[smem:$0x3FA4] =	sst s2  }
0xb: {  	[smem:$0x3FA5] =	sst s3  }
0xc: {  	[smem:$0x3FA6] =	sst s4  }
0xd: {  	[smem:$0x3FA7] =	sst s5  }
0xe: {  	[smem:$0x3FA8] =	sst s6  }
0xf: {  	[smem:$0x3FA9] =	sst s7  }
0x10: {  	[smem:$0x3FAA] =	sst s8  }
0x11: {  	[smem:$0x3FAB] =	sst s9;
	s0 =	simm.s32 @!p0 $0x0  }
0x12: {  	s1 =	sld [smem:$0x3F91];
	s0 =	simm.s32 @p0 $0x1  }
0x13: {  	[smem:$0x3FAC] =	sst s0;
	s0 =	simm.s32 @!p1 $0x0  }
0x14: {  	s2 =	sld [smem:$0x3F90];
	s0 =	simm.s32 @p1 $0x1  }
0x15: {  	[smem:$0x3FAD] =	sst s0;
	s0 =	simm.s32 @!p2 $0x0  }
0x16: {  	s3 =	sld [smem:$0x3FDB];
	s0 =	simm.s32 @p2 $0x1  }
0x17: {  	s4 =	simm.s32 $0x1BF5;
	[smem:$0x3FAF] =	sst s0  }
0x18: {  	s0 =	sld [smem:$0x3F92];
	_ =	swait.ge [sflag:s4], $0x0  }
0x19: {  	s7 =	sld [smem:$0x3F93]  }
0x1a: {  	s8 =	sadd.s32 $0xFFFFE003, lr  }
0x1b: {  	s9 =	sadd.s32 $0xFFFFFEF7, lr;
	s5 =	simm.s32 $0xFFFFFFFF;
	p2 =	slt.u32 s8, $0xFFFFF086  }
0x1c: {  	p1 =	slt.u32 s9, $0xF7A;
	s5 =	simm.s32 @!p2 $0x0  }
0x1d: {  	s5 =	simm.s32 @p1 $0x1;
	p0 =	seq.s32 s7, s2  }
0x1e: {  	s7 =	smul.u32 @!p0 $0xF7A, s2;
	p2 =	seq.s32 @!p0 s5, $0x0  }
0x1f: {  	s9 =	smul.u32 $0xF7A, s1;
	s8 =	simm.s32 @!p0 $0x1BF5;
	p2 =	por !p2, p0  }
0x20: {  	[sflag:s8] =	ssyncset.s32 @!p0 $0xFFFFF086;
	s6 =	sadd.s32 @!p0 s3, s7;
	s7 =	simm.s32 @!p0 $0x108  }
0x21: {  	s3 =	sadd.s32 s3, s9;
	s6 =	sadd.s32 @!p0 $0x88, s6;
	s7 =	simm.s32 @p2 $0x1082  }
0x22: {  	[simem:s7], [sflag:s8] =	dma.local @!p0 [hbm:s6], $0xF7A  }
0x23: {  	s9 =	sor.u32 $0xD0000000, s2;
	s6 =	simm.s32 $0x108;
	_ =	swait.ge @!p0 [sflag:s8], $0x0  }
0x24: {  	s3 =	sadd.s32 $0x88, s3;
	s6 =	simm.s32 @!p1 $0x1082;
	[sflag:s4] =	ssyncset.s32 $0xFFFFF086  }
0x25: {  	[simem:s6], [sflag:s4] =	dma.local [hbm:s3], $0xF7A  }
0x26: {  	[smem:$0x3F93] =	sst s1;
	(tag) =	ssettag s2;
	_ =	strace s9  }
0x27: {  	s1 =	sld [smem:$0x3FA3]  }
0x28: {  	s2 =	sld [smem:$0x3FA4]  }
0x29: {  	s4 =	sld [smem:$0x3FA6]  }
0x2a: {  	p0 =	seq.s32 s5, $0x0;
	s5 =	sld [smem:$0x3FA7]  }
0x2b: {  	s6 =	sld [smem:$0x3FA8]  }
0x2c: {  	s7 =	sld [smem:$0x3FA9]  }
0x2d: {  	s3 =	simm.s32 $0x108;
	s8 =	sld [smem:$0x3FAA]  }
0x2e: {  	s3 =	simm.s32 @!p0 $0x1082;
	s9 =	sld [smem:$0x3FAB]  }
0x2f: {  	lr =	sadd.s32 s0, s3;
	s0 =	sld [smem:$0x3FA2]  }
0x30: {  	s3 =	sld [smem:$0x3FA5]  }
0x31: {  	[smem:$0x3FAE] =	sst s10  }
0x32: {  	s10 =	sld [smem:$0x3FAC];
	_ =	sdelay $0x3  }
0x33: {  	p0 =	seq.s32 s10, $0x1;
	s10 =	sld [smem:$0x3FAE];
	_ =	sdelay $0x3  }
0x34: {  	[smem:$0x3FAE] =	sst s10  }
0x35: {  	s10 =	sld [smem:$0x3FAD];
	_ =	sdelay $0x3  }
0x36: {  	p1 =	seq.s32 s10, $0x1;
	s10 =	sld [smem:$0x3FAE];
	_ =	sdelay $0x3  }
0x37: {  	[smem:$0x3FAE] =	sst s10  }
0x38: {  	s10 =	sld [smem:$0x3FAF]  }
0x39: {  	_ = 	snop;
	(pc) =	sbr.ind lr, $3  }
0x3a: {  	_ = 	snop  }
0x3b: {  	_ = 	snop  }
0x3c: {  	p2 =	seq.s32 s10, $0x1;
	s10 =	sld [smem:$0x3FAE]  }
0x3d: {  	_ =	shalt  }
0x3e: {  	_ =	shalt  }
0x3f: {  	_ =	shalt  }
0x40: {  	_ =	shalt  }
0x41: {  	_ =	shalt  }
0x42: {  	_ =	shalt  }
0x43: {  	_ =	shalt  }
0x44: {  	_ =	shalt  }
0x45: {  	_ =	shalt  }
0x46: {  	_ =	shalt  }
0x47: {  	_ =	shalt  }
0x48: {  	_ =	shalt  }
0x49: {  	_ =	shalt  }
0x4a: {  	_ =	shalt  }
0x4b: {  	_ =	shalt  }
0x4c: {  	_ =	shalt  }
0x4d: {  	_ =	shalt  }
0x4e: {  	_ =	shalt  }
0x4f: {  	_ =	shalt  }
0x50: {  	_ =	shalt  }
0x51: {  	_ =	shalt  }
0x52: {  	_ =	shalt  }
0x53: {  	_ =	shalt  }
0x54: {  	_ =	shalt  }
0x55: {  	_ =	shalt  }
0x56: {  	_ =	shalt  }
0x57: {  	_ =	shalt  }
0x58: {  	_ =	shalt  }
0x59: {  	_ =	shalt  }
0x5a: {  	_ =	shalt  }
0x5b: {  	_ =	shalt  }
0x5c: {  	_ =	shalt  }
0x5d: {  	_ =	shalt  }
0x5e: {  	_ =	shalt  }
0x5f: {  	_ =	shalt  }
0x60: {  	_ =	shalt  }
0x61: {  	_ =	shalt  }
0x62: {  	_ =	shalt  }
0x63: {  	_ =	shalt  }
0x64: {  	_ =	shalt  }
0x65: {  	_ =	shalt  }
0x66: {  	_ =	shalt  }
0x67: {  	_ =	shalt  }
0x68: {  	_ =	shalt  }
0x69: {  	_ =	shalt  }
0x6a: {  	_ =	shalt  }
0x6b: {  	_ =	shalt  }
0x6c: {  	_ =	shalt  }
0x6d: {  	_ =	shalt  }
0x6e: {  	_ =	shalt  }
0x6f: {  	_ =	shalt  }
0x70: {  	_ =	shalt  }
0x71: {  	_ =	shalt  }
0x72: {  	_ =	shalt  }
0x73: {  	_ =	shalt  }
0x74: {  	_ =	shalt  }
0x75: {  	_ =	shalt  }
0x76: {  	_ =	shalt  }
0x77: {  	_ =	shalt  }
0x78: {  	_ =	shalt  }
0x79: {  	_ =	shalt  }
0x7a: {  	_ =	shalt  }
0x7b: {  	_ =	shalt  }
0x7c: {  	_ =	shalt  }
0x7d: {  	_ =	shalt  }
0x7e: {  	_ =	shalt  }
0x7f: {  	_ =	shalt  }
0x80: {  	_ =	shalt  }
0x81: {  	_ =	shalt  }
0x82: {  	_ =	shalt  }
0x83: {  	_ =	shalt  }
0x84: {  	_ =	shalt  }
0x85: {  	_ =	shalt  }
0x86: {  	_ =	shalt  }
0x87: {  	_ =	shalt  }
.Lfunc_end0:
.L_simem_size_0:
called_computation.1_lowered:
.L_overlay_start_0:
0x88: {  	s2 =	sld [smem:$0x3FD9]  }
0x89: {  	s3 =	sld [smem:$0x3FFE];
	_ =	sdelay $0x1  }
0x8a: {  	s1 =	srdreg.scid  }
0x8b: {  	s0 =	sand.u32 $0x1, s1  }
0x8c: {  	s14 =	sshll.u32 s0, $0xA;
	s2 =	sadd.s32 s3, s2  }
0x8d: {  	s2 =	sadd.s32 s2, s14  }
0x8e: {  	[smem:$0x3FBA] =	sst s2  }
0x8f: {  	_ = 	snop  }
0x90: {  	s2 =	sld [smem:$0x3FD0];
	_ =	sdelay $0x2  }
0x91: {  	s15 =	simm.s32 $0xA;
	s4 =	simm.s32 $0x10  }
0x92: {  	[smem:s4], [sflag:s15] =	dma.local [hbm:s2], $0x1  }
0x93: {  	_ =	swait.eq [sflag:s15], $0x1  }
0x94: {  	[sflag:s15] =	ssyncset.done $0x0  }
0x95: {  	[sflag:s15] =	ssyncadd.s32 $0xFFFFFFFF  }
0x96: {  	s16 =	sld [smem:$0x10];
	(tm) =	ssettm $0x1  }
0x97: {  	s17 =	sld [smem:$0x3FFB];
	_ =	sdelay $0x3  }
0x98: {  	_ =	strace s17  }
0x99: {  	s3 =	sld [smem:$0x3FFC];
	_ =	sdelay $0x3  }
0x9a: {  	_ =	strace s3  }
0x9b: {  	s3 =	sld [smem:$0x3FFD];
	_ =	sdelay $0x3  }
0x9c: {  	_ =	strace s3  }
0x9d: {  	_ =	strace $0x8FFFFFFF  }
0x9e: {  	s18 =	sld [smem:$0x3FDB];
	_ =	sdelay $0x1  }
0x9f: {  	s19 =	simm.s32 $_scs_section_size  }
0xa0: {  	s5 =	simm.s32 $_size__tile_overlayer_lowered;
	s6 =	simm.s32 $_tile_overlayer_lowered  }
0xa1: {  	s22 =	simm.s32 $0x1BFF;
	s21 =	sshll.u32 s6, $0x1;
	s3 =	sadd.s32 s19, s18  }
0xa2: {  	s7 =	simm.s32 $0x0;
	s20 =	sshll.u32 s5, $0x1;
	s5 =	sadd.s32 s21, s3  }
0xa3: {  	[timem:s7], [sflag:s22] =	dma.local [hbm:s5], s20  }
0xa4: {  	_ =	swait.ge [sflag:s22], s20  }
0xa5: {  	s4 =	ssub.s32 $0x0, s20;
	[sflag:s22] =	ssyncset.done $0x0  }
0xa6: {  	[sflag:s22] =	ssyncadd.s32 s4;
	_ =	sdelay $0x1  }
0xa7: {  	s23 =	simm.s32 $0x1B8B  }
0xa8: {  	_ =	swait.ge [sflag:s23], $0x1  }
0xa9: {  	[sflag:s23] =	ssyncset.done $0x0  }
0xaa: {  	s25 =	simm.s32 $0x1B8E;
	s24 =	sld [smem:$0x3FFE];
	[sflag:s23] =	ssyncadd.s32 $0xFFFFFFFF  }
0xab: {  	s26 =	simm.s32 $execute0_lowered;
	[smem:$0x3FD2] =	sst s25  }
0xac: {  	s5 =	sshll.u32 s26, $0x1;
	_ =	strace $0x80000049;
	[dreg:$0x1] =	wrdreg $0xFFFFFFFF  }
0xad: {  	s28 =	simm.s32 $_size_execute0_lowered;
	s3 =	sadd.s32 s3, s5;
	[dreg:$0x0] =	wrdreg $0x0  }
0xae: {  	s5 =	sshll.u32 s28, $0x1;
	[dreg:$0x2] =	wrdreg s3  }
0xaf: {  	[dreg:$0x3] =	wrdreg s5  }
0xb0: {  	[dreg:$0x4] =	wrdreg $0xC0  }
0xb1: {  	_ =	task [dreg:s7], $0x5FFFF  }
0xb2: {  	[dreg:$0x1] =	wrdreg $0xFFFFFFFF  }
0xb3: {  	[dreg:$0x0] =	wrdreg $0x60  }
0xb4: {  	[dreg:$0x2] =	wrdreg s16  }
0xb5: {  	[dreg:$0x3] =	wrdreg s24  }
0xb6: {  	[dreg:$0x4] =	wrdreg $0xA0000  }
0xb7: {  	[dreg:$0x5] =	wrdreg $0x9  }
0xb8: {  	_ =	task.clear_ibuf [dreg:s7], $0x6FFFF;
	_ =	strace $0x90000049  }
0xb9: {  	s29 =	simm.s32 $0x9;
	_ =	strace $0x8000004B  }
0xba: {  	_ =	swait.ge [sflag:s29], $0x1  }
0xbb: {  	[sflag:s29] =	ssyncadd.s32 $0xFFFFFFFF  }
0xbc: {  	_ =	strace $0x9000004B  }
0xbd: {  	_ =	sfence  }
0xbe: {  	s30 =	sld [smem:$0x0];
	_ =	sdelay $0x2  }
0xbf: {  	s31 =	sshll.u32 s1, $0xD;
	s1 =	sshrl.u32 s1, $0x2  }
0xc0: {  	s3 =	sand.u32 $0x4000, s31;
	s1 =	sadd.s32 s1, s30  }
0xc1: {  	s0 =	sor.u32 s3, s0;
	s1 =	sshll.u32 s1, $0x11  }
0xc2: {  	s0 =	sor.u32 s1, s0  }
0xc3: {  	s0 =	sadd.s32 $0x8F2B, s0  }
0xc4: {  	[sflag:s0] =	ssyncadd.remote.s32 $0x1  }
0xc5: {  	_ =	sfence.sel $0xFFFF  }
0xc6: {  	[dreg:$0x0] =	wrdreg $0xFFFFFFFF;
	(pc) =	sbr.abs _section_cstart, $3  }
0xc7: {  	[dreg:$0x1] =	wrdreg $0xFFFFFFFF  }
0xc8: {  	_ =	task.clear_ibuf [dreg:s7], $0x2FFFF;
	_ =	strace $0x9FFFFFFF  }
0xc9: {  	(tm) =	ssettm $0x7FFFFFFF  }
tec
execute0_lowered:
.L_overlay_start_1:
0x0: {  	(tag) =	ssettag $0x1  }
0x1: {  	s0 =	rddreg [dreg:$0x0]  }
0x2: {  	s8 =	rddreg [dreg:$0x1];
	s1 =	srdreg.scid  }
0x3: {  	s3 =	rddreg [dreg:$0x2];
	s26 =	stileid.u32;
	s2 =	simm.s32 $0x0  }
0x4: {  	s19 =	simm.s32 $0x5;
	s20 =	simm.s32 $0x2000;
	s21 =	simm.s32 $0x6  }
0x5: {  	s22 =	simm.s32 $0x80;
	s25 =	simm.s32 $0x6000;
	s23 =	simm.s32 $0x1  }
0x6: {  	s24 =	simm.s32 $0x2;
	s28 =	simm.s32 $0x0;
	s9 =	smul.u32 $0x14000, s26  }
0x7: {  	s7 =	sand.u32 $0x1, s1;
	[smem:$0x7FF] =	sst s2;
	s12 =	smul.u32 $0x90, s26  }
0x8: {  	s5 =	sadd.s32 $0xD000, s8;
	s13 =	sshll.u32 s26, $0x4;
	s29 =	smul.u32 $0x50000, s26  }
0x9: {  	s26 =	simm.s32 $0x4;
	s6 =	smul.u32 $0x140000, s7;
	_ =	strace $0x8000004A  }
0xa: {  	s10 =	ssub.s32 $0x2, s7;
	p0 =	seq.s32 s7, $0x0;
	s7 =	sor.u32 $0x900, s13  }
0xb: {  	[dreg:$0x4] =	wrdreg s25;
	s25 =	simm.s32 $0x3;
	s11 =	sshrl.u32 s10, $0x1  }
0xc: {  	s7 =	smov.u32 @p0 s12;
	s31 =	sshrl.u32 s29, $0x2;
	s9 =	sadd.s32 s9, s6  }
0xd: {  	s6 =	sadd.s32 $0x3000, s8;
	s17 =	ssub.s32 s10, s11;
	s30 =	sshll.u32 s7, $0x4  }
0xe: {  	s10 =	sadd.s32 s31, s3;
	s9 =	sshrl.u32 s9, $0x3;
	s11 =	sadd.s32 s6, s30  }
0xf: {  	s12 =	sadd.s32 $0x4000, s10;
	s16 =	sadd.s32 s9, s8;
	s8 =	simm.s32 $0x90  }
0x10: {  	s13 =	sadd.s32 $0x8000, s10;
	s14 =	sadd.s32 $0xC000, s10;
	s8 =	simm.s32 @!p0 $0x10  }
0x11: {  	s15 =	sadd.s32 $0x10000, s10;
	s17 =	smax.u32 s17, $0x1;
	s18 =	sshll.u32 s8, $0x9  }
0x12: {  	v0 =	vimm.f32 $0.0e+00;
	s9 =	sadd.s32 s5, s30;
	s16 =	sadd.s32 $0x17400, s16;
	[dreg:$0x5] =	wrdreg s18  }
.LBB2_1:
0x13: {  	s1 =	simm.s32 $0x0  }
0x14: {  	[tilespmem:s1], [sflag:$0x5] =	stream.linear.gather [hbm4b:s9+s1], $0x800, $0x38;
	[tilespmem:$0x1E000] =	vst v63  }
0x15: {  	s2 =	simm.s32 $0x1000  }
0x16: {  	[tilespmem:s2], [sflag:$0x5] =	stream.linear.gather [hbm4b:s11+s1], $0x800, $0x38;
	[tilespmem:$0x1E000] =	vst v63  }
0x17: {  	_ =	swait.ge [sflag:s19], $0x800  }
0x18: {  	[sflag:s19] =	ssyncset.done $0x0  }
0x19: {  	[sflag:s19] =	ssyncadd.s32 $0xFFFFF800  }
0x1a: {  	_ =	swait.ge [sflag:s19], $0x800  }
0x1b: {  	[sflag:s19] =	ssyncset.done $0x0  }
0x1c: {  	s29 =	simm.s32 $0x0;
	s30 =	simm.s32 $0x200;
	[sflag:s19] =	ssyncadd.s32 $0xFFFFF800  }
.LBB2_2:
0x1d: {  	p0 =	sne.s32 s30, $0xFE00;
	[tilespmem:s29+$0x2070] =	vst v0  }
0x1e: {  	[tilespmem:s29+$0x2000] =	vst v0  }
0x1f: {  	[tilespmem:s29+$0x2010] =	vst v0  }
.Ltmp0:
0x20: {  	[tilespmem:s29+$0x2020] =	vst v0;
	(pc) =	sbr.rel @p0 .LBB2_2-.Ltmp0, $4  }
0x21: {  	[tilespmem:s29+$0x2030] =	vst v0  }
0x22: {  	[tilespmem:s29+$0x2040] =	vst v0  }
0x23: {  	[tilespmem:s29+$0x2050] =	vst v0  }
0x24: {  	[tilespmem:s29+$0x2060] =	vst v0;
	s29 =	sshra.s32 s30, $0x2;
	s30 =	sadd.s32 $0x200, s30  }
0x25: {  	[tilespmem:s29+$0x2070] =	vst v0  }
0x26: {  	[tilespmem:s29+$0x2000] =	vst v0  }
0x27: {  	[tilespmem:s29+$0x2010] =	vst v0  }
0x28: {  	[tilespmem:s29+$0x2020] =	vst v0  }
0x29: {  	[tilespmem:s29+$0x2030] =	vst v0  }
0x2a: {  	[tilespmem:s29+$0x2040] =	vst v0  }
0x2b: {  	[tilespmem:s29+$0x2050] =	vst v0  }
0x2c: {  	[tilespmem:s29+$0x2060] =	vst v0  }
0x2d: {  	[spmem:s10] =	stream.linear.scatter [tilespmem:s20], [sflag:$0x6], $0x4000, $0x38;
	[tilespmem:$0x1E000] =	vst v63  }
0x2e: {  	_ =	swait.ge [sflag:s21], $0x4000  }
0x2f: {  	[sflag:s21] =	ssyncset.done $0x0  }
0x30: {  	[sflag:s21] =	ssyncadd.s32 $0xFFFFC000  }
0x31: {  	[spmem:s12] =	stream.linear.scatter [tilespmem:s20], [sflag:$0x6], $0x4000, $0x38;
	[tilespmem:$0x1E000] =	vst v63  }
0x32: {  	_ =	swait.ge [sflag:s21], $0x4000  }
0x33: {  	[sflag:s21] =	ssyncset.done $0x0  }
0x34: {  	[sflag:s21] =	ssyncadd.s32 $0xFFFFC000  }
0x35: {  	[spmem:s13] =	stream.linear.scatter [tilespmem:s20], [sflag:$0x6], $0x4000, $0x38;
	[tilespmem:$0x1E000] =	vst v63  }
0x36: {  	_ =	swait.ge [sflag:s21], $0x4000  }
0x37: {  	[sflag:s21] =	ssyncset.done $0x0  }
0x38: {  	[sflag:s21] =	ssyncadd.s32 $0xFFFFC000  }
0x39: {  	[spmem:s14] =	stream.linear.scatter [tilespmem:s20], [sflag:$0x6], $0x4000, $0x38;
	[tilespmem:$0x1E000] =	vst v63  }
0x3a: {  	_ =	swait.ge [sflag:s21], $0x4000  }
0x3b: {  	[sflag:s21] =	ssyncset.done $0x0  }
0x3c: {  	[sflag:s21] =	ssyncadd.s32 $0xFFFFC000  }
0x3d: {  	[spmem:s15] =	stream.linear.scatter [tilespmem:s20], [sflag:$0x6], $0x4000, $0x38;
	[tilespmem:$0x1E000] =	vst v63  }
0x3e: {  	_ =	swait.ge [sflag:s21], $0x4000  }
0x3f: {  	[sflag:s21] =	ssyncset.done $0x0  }
0x40: {  	s29 =	simm.s32 $0x0;
	[sflag:s21] =	ssyncadd.s32 $0xFFFFC000  }
0x41: {  	s30 =	simm.s32 $0x0;
	s31 =	simm.s32 $0x0;
	[bflag:$0x0] =	sbarrier.arrive $0xFFFF  }
0x42: {  	[tilespmem:s20], [sflag:$0x1] =	stream.indirect.gather [hbm4b:s0+s22], $0x80, s29, s22, $0xb8;
	[tilespmem:$0x1E000] =	vst v63  }
.LBB2_4:
0x43: {  	s1 =	sand.u32 $0x7, s31  }
0x44: {  	p0 =	sne.s32 s1, $0x0  }
0x45: {  	s1 =	sshra.s32 @!p0 s29, $0x4  }
0x46: {  	s1 =	sadd.s32 @!p0 $0x1, s1  }
0x47: {  	s2 =	sshll.u32 @!p0 s1, $0x4  }
0x48: {  	p1 =	sge.s32 @!p0 s2, s8  }
0x49: {  	p0 =	por p1, p0  }
0x4a: {  	s18 =	sshrl.u32 @!p0 s1, $0x1F  }
0x4b: {  	s18 =	sadd.s32 @!p0 s18, s1  }
0x4c: {  	s2 =	sadd.s32 @!p0 s7, s2;
	s18 =	sand.u32 @!p0 $0xFFFFFFFE, s18  }
0x4d: {  	s2 =	sshll.u32 @!p0 s2, $0x4;
	s1 =	ssub.s32 @!p0 s1, s18  }
0x4e: {  	s4 =	simm.s32 @!p0 $0x0;
	s18 =	sadd.s32 @!p0 s5, s2;
	s1 =	sshll.u32 @!p0 s1, $0xB  }
0x4f: {  	[tilespmem:s1], [sflag:$0x5] =	stream.linear.gather @!p0 [hbm4b:s18+s4], $0x800, $0x38;
	[tilespmem:$0x1E000] =	vst v63  }
0x50: {  	s2 =	sadd.s32 @!p0 s6, s2;
	s1 =	sadd.s32 @!p0 $0x1000, s1  }
0x51: {  	[tilespmem:s1], [sflag:$0x5] =	stream.linear.gather @!p0 [hbm4b:s2+s4], $0x800, $0x38;
	[tilespmem:$0x1E000] =	vst v63  }
0x52: {  	s1 =	simm.s32 @!p0 $0x5  }
0x53: {  	_ =	swait.ge @!p0 [sflag:s1], $0x800  }
0x54: {  	s4 =	sadd.s32 $0x1, s29;
	[sflag:s1] =	ssyncset.done @!p0 $0x0  }
0x55: {  	p1 =	sge.u32 s4, s8;
	[sflag:s1] =	ssyncadd.s32 @!p0 $0xFFFFF800  }
0x56: {  	p2 =	slt.s32 @!p1 s29, $0x2;
	_ =	swait.ge @!p0 [sflag:s1], $0x800  }
0x57: {  	p2 =	por p2, p1;
	[sflag:s1] =	ssyncset.done @!p0 $0x0  }
0x58: {  	[sflag:s1] =	ssyncadd.s32 @!p0 $0xFFFFF800;
	s1 =	simm.s32 @!p2 $0x4  }
0x59: {  	_ =	swait.ge @!p2 [sflag:s1], $0x4000  }
0x5a: {  	s2 =	sadd.s32 @!p1 $0x200, s30;
	[sflag:s1] =	ssyncset.done @!p2 $0x0  }
0x5b: {  	[sflag:s1] =	ssyncadd.s32 @!p2 $0xFFFFC000;
	s1 =	sand.u32 @!p1 $0x3E00, s2  }
0x5c: {  	s4 =	simm.s32 @!p1 $0x6000;
	s2 =	simm.s32 @!p1 $0x80;
	s1 =	sshrl.u32 @!p1 s1, $0x2  }
0x5d: {  	[tilespmem:s4], [sflag:$0x2] =	stream.indirect.gather @!p1 [hbm4b:s0+s2], $0x80, s1, s2, $0xb8;
	[tilespmem:$0x1E000] =	vst v63  }
0x5e: {  	s18 =	sand.u32 $0x3C00, s30;
	_ =	swait.ge [sflag:s23], $0x4000  }
0x5f: {  	s29 =	sadd.s32 $0x2, s29;
	s1 =	sshrl.u32 s18, $0x2;
	[sflag:s23] =	ssyncset.done $0x0  }
0x60: {  	p0 =	sge.u32 s29, s8;
	s1 =	sor.u32 $0x1000, s1;
	[sflag:s23] =	ssyncadd.s32 $0xFFFFC000  }
0x61: {  	[spmem:s3] =	stream.indirect.scatter.add.f32 [tilespmem:s20], [sflag:$0x3], $0x80, s1, s22, $0xb8;
	[tilespmem:$0x1E000] =	vst v63  }
0x62: {  	s1 =	simm.s32 @!p0 $0x3  }
0x63: {  	_ =	swait.ge @!p0 [sflag:s1], $0x4000  }
0x64: {  	s2 =	sadd.s32 @!p0 $0x400, s30;
	[sflag:s1] =	ssyncset.done @!p0 $0x0  }
0x65: {  	[sflag:s1] =	ssyncadd.s32 @!p0 $0xFFFFC000;
	s1 =	sand.u32 @!p0 $0x3C00, s2  }
0x66: {  	s4 =	simm.s32 @!p0 $0x2000;
	s2 =	simm.s32 @!p0 $0x80;
	s1 =	sshrl.u32 @!p0 s1, $0x2  }
0x67: {  	[tilespmem:s4], [sflag:$0x1] =	stream.indirect.gather @!p0 [hbm4b:s0+s2], $0x80, s1, s2, $0xb8;
	[tilespmem:$0x1E000] =	vst v63  }
0x68: {  	_ =	swait.ge [sflag:s24], $0x4000  }
0x69: {  	s2 =	sadd.s32 $0x200, s30;
	s30 =	sadd.s32 $0x400, s30;
	s18 =	rddreg [dreg:$0x5]  }
0x6a: {  	p0 =	sne.s32 s18, s30  }
.Ltmp1:
0x6b: {  	_ = 	snop;
	(pc) =	sbr.rel @p0 .LBB2_4-.Ltmp1, $4  }
0x6c: {  	s1 =	sand.u32 $0x3E00, s2  }
0x6d: {  	s31 =	sadd.s32 $0x1, s31;
	[sflag:s24] =	ssyncset.done $0x0;
	s1 =	sshrl.u32 s1, $0x2  }
0x6e: {  	s4 =	rddreg [dreg:$0x4];
	[sflag:s24] =	ssyncadd.s32 $0xFFFFC000;
	s1 =	sor.u32 $0x1000, s1  }
0x6f: {  	[spmem:s3] =	stream.indirect.scatter.add.f32 [tilespmem:s4], [sflag:$0x4], $0x80, s1, s22, $0xb8;
	[tilespmem:$0x1E000] =	vst v63  }
0x70: {  	_ =	swait.ge [sflag:s25], $0x4000  }
0x71: {  	[sflag:s25] =	ssyncset.done $0x0  }
0x72: {  	[sflag:s25] =	ssyncadd.s32 $0xFFFFC000  }
0x73: {  	s1 =	stileid.u32;
	_ =	swait.ge [sflag:s26], $0x4000  }
0x74: {  	s2 =	sshrl.u32 s10, $0x3;
	s28 =	sadd.s32 $0x1, s28;
	[sflag:s26] =	ssyncset.done $0x0  }
0x75: {  	s1 =	sshll.u32 s1, $0x6;
	p0 =	sne.s32 s28, s17;
	[sflag:s26] =	ssyncadd.s32 $0xFFFFC000  }
.Ltmp2:
0x76: {  	s1 =	sor.u32 $0x1C06, s1;
	[bflag:$0x0] =	sbarrier.arrive $0xFFFF;
	(pc) =	sbr.rel @p0 .LBB2_1-.Ltmp2, $4  }
0x77: {  	[hbm:s16], [sflag:s1] =	dma.local [spmem:s2], $0x2800  }
0x78: {  	_ =	swait.ge [sflag:s21], $0x2800  }
0x79: {  	[sflag:s21] =	ssyncset.done $0x0  }
0x7a: {  	[sflag:s21] =	ssyncadd.s32 $0xFFFFD800  }
0x7b: {  	_ =	sfence.sel $0x180000  }
0x7c: {  	[bflag:$0x0] =	sbarrier.arrive $0xFFFF  }
0x7d: {  	_ =	strace $0x9000004A  }
0x7e: {  	s0 =	stileid.u32;
	[bflag:$0x2] =	sbarrier.arrive $0xFFFF  }
0x7f: {  	p0 =	sne.s32 s0, $0x0;
	s0 =	rddreg [dreg:$0x3]  }
0x80: {  	s0 =	sadd.s32 @!p0 $0x100000, s0  }
0x81: {  	[sflag:s0] =	ssyncadd.tile.s32 @!p0 $0x1;
	_ =	shalt  }
.Lfunc_end2:
_tile_overlayer_lowered:
.L_overlay_start_2:
0x82: {  	(tag) =	ssettag $0x2  }
0x83: {  	s0 =	rddreg [dreg:$0x0];
	s2 =	stileid.u32  }
0x84: {  	s1 =	rddreg [dreg:$0x1];
	p0 =	sne.s32 s2, $0x0  }
0x85: {  	s3 =	rddreg [dreg:$0x2];
	[bflag:$0x3] =	sbarrier.arrive $0xFFFF;
	s2 =	simm.s32 @!p0 $0x1C06  }
0x86: {  	[timem:s3], [sflag:s2] =	dma.local @!p0 [hbm:s0], s1  }
0x87: {  	s0 =	simm.s32 @!p0 $0x6  }
0x88: {  	_ =	swait.ge @!p0 [sflag:s0], s1  }
0x89: {  	s1 =	ssub.s32 @!p0 $0x0, s1;
	[sflag:s0] =	ssyncset.done @!p0 $0x0  }
0x8a: {  	[sflag:s0] =	ssyncadd.s32 @!p0 s1  }
0x8b: {  	[bflag:$0x3] =	sbarrier.arrive $0xFFFF  }
0x8c: {  	_ =	shalt  }

// kernel: kernel.15.cloned.1.call-start
scs
__scs_entry_jumppad:
0x0: {  	(pc) =	sbr.rel $0x88, $3  }
0x1: {  	(tag) =	ssettag $0x0;
	lr =	simm.s32 $0x1  }
0x2: {  	[smem:$0x3F93] =	sst lr;
	_ =	strace $0xD0000000  }
0x3: {  	_ = 	snop  }
0x4: {  	_ = 	snop  }
0x5: {  	_ = 	snop  }
0x6: {  	_ = 	snop  }
0x7: {  	_ = 	snop  }
__scs_overlays_trampoline_lowered:
0x8: {  	[smem:$0x3FA2] =	sst s0  }
0x9: {  	[smem:$0x3FA3] =	sst s1  }
0xa: {  	[smem:$0x3FA4] =	sst s2  }
0xb: {  	[smem:$0x3FA5] =	sst s3  }
0xc: {  	[smem:$0x3FA6] =	sst s4  }
0xd: {  	[smem:$0x3FA7] =	sst s5  }
0xe: {  	[smem:$0x3FA8] =	sst s6  }
0xf: {  	[smem:$0x3FA9] =	sst s7  }
0x10: {  	[smem:$0x3FAA] =	sst s8  }
0x11: {  	[smem:$0x3FAB] =	sst s9;
	s0 =	simm.s32 @!p0 $0x0  }
0x12: {  	s1 =	sld [smem:$0x3F91];
	s0 =	simm.s32 @p0 $0x1  }
0x13: {  	[smem:$0x3FAC] =	sst s0;
	s0 =	simm.s32 @!p1 $0x0  }
0x14: {  	s2 =	sld [smem:$0x3F90];
	s0 =	simm.s32 @p1 $0x1  }
0x15: {  	[smem:$0x3FAD] =	sst s0;
	s0 =	simm.s32 @!p2 $0x0  }
0x16: {  	s3 =	sld [smem:$0x3FDB];
	s0 =	simm.s32 @p2 $0x1  }
0x17: {  	s4 =	simm.s32 $0x1BF5;
	[smem:$0x3FAF] =	sst s0  }
0x18: {  	s0 =	sld [smem:$0x3F92];
	_ =	swait.ge [sflag:s4], $0x0  }
0x19: {  	s7 =	sld [smem:$0x3F93]  }
0x1a: {  	s8 =	sadd.s32 $0xFFFFE003, lr  }
0x1b: {  	s9 =	sadd.s32 $0xFFFFFEF7, lr;
	s5 =	simm.s32 $0xFFFFFFFF;
	p2 =	slt.u32 s8, $0xFFFFF086  }
0x1c: {  	p1 =	slt.u32 s9, $0xF7A;
	s5 =	simm.s32 @!p2 $0x0  }
0x1d: {  	s5 =	simm.s32 @p1 $0x1;
	p0 =	seq.s32 s7, s2  }
0x1e: {  	s7 =	smul.u32 @!p0 $0xF7A, s2;
	p2 =	seq.s32 @!p0 s5, $0x0  }
0x1f: {  	s9 =	smul.u32 $0xF7A, s1;
	s8 =	simm.s32 @!p0 $0x1BF5;
	p2 =	por !p2, p0  }
0x20: {  	[sflag:s8] =	ssyncset.s32 @!p0 $0xFFFFF086;
	s6 =	sadd.s32 @!p0 s3, s7;
	s7 =	simm.s32 @!p0 $0x108  }
0x21: {  	s3 =	sadd.s32 s3, s9;
	s6 =	sadd.s32 @!p0 $0x88, s6;
	s7 =	simm.s32 @p2 $0x1082  }
0x22: {  	[simem:s7], [sflag:s8] =	dma.local @!p0 [hbm:s6], $0xF7A  }
0x23: {  	s9 =	sor.u32 $0xD0000000, s2;
	s6 =	simm.s32 $0x108;
	_ =	swait.ge @!p0 [sflag:s8], $0x0  }
0x24: {  	s3 =	sadd.s32 $0x88, s3;
	s6 =	simm.s32 @!p1 $0x1082;
	[sflag:s4] =	ssyncset.s32 $0xFFFFF086  }
0x25: {  	[simem:s6], [sflag:s4] =	dma.local [hbm:s3], $0xF7A  }
0x26: {  	[smem:$0x3F93] =	sst s1;
	(tag) =	ssettag s2;
	_ =	strace s9  }
0x27: {  	s1 =	sld [smem:$0x3FA3]  }
0x28: {  	s2 =	sld [smem:$0x3FA4]  }
0x29: {  	s4 =	sld [smem:$0x3FA6]  }
0x2a: {  	p0 =	seq.s32 s5, $0x0;
	s5 =	sld [smem:$0x3FA7]  }
0x2b: {  	s6 =	sld [smem:$0x3FA8]  }
0x2c: {  	s7 =	sld [smem:$0x3FA9]  }
0x2d: {  	s3 =	simm.s32 $0x108;
	s8 =	sld [smem:$0x3FAA]  }
0x2e: {  	s3 =	simm.s32 @!p0 $0x1082;
	s9 =	sld [smem:$0x3FAB]  }
0x2f: {  	lr =	sadd.s32 s0, s3;
	s0 =	sld [smem:$0x3FA2]  }
0x30: {  	s3 =	sld [smem:$0x3FA5]  }
0x31: {  	[smem:$0x3FAE] =	sst s10  }
0x32: {  	s10 =	sld [smem:$0x3FAC];
	_ =	sdelay $0x3  }
0x33: {  	p0 =	seq.s32 s10, $0x1;
	s10 =	sld [smem:$0x3FAE];
	_ =	sdelay $0x3  }
0x34: {  	[smem:$0x3FAE] =	sst s10  }
0x35: {  	s10 =	sld [smem:$0x3FAD];
	_ =	sdelay $0x3  }
0x36: {  	p1 =	seq.s32 s10, $0x1;
	s10 =	sld [smem:$0x3FAE];
	_ =	sdelay $0x3  }
0x37: {  	[smem:$0x3FAE] =	sst s10  }
0x38: {  	s10 =	sld [smem:$0x3FAF]  }
0x39: {  	_ = 	snop;
	(pc) =	sbr.ind lr, $3  }
0x3a: {  	_ = 	snop  }
0x3b: {  	_ = 	snop  }
0x3c: {  	p2 =	seq.s32 s10, $0x1;
	s10 =	sld [smem:$0x3FAE]  }
0x3d: {  	_ =	shalt  }
0x3e: {  	_ =	shalt  }
0x3f: {  	_ =	shalt  }
0x40: {  	_ =	shalt  }
0x41: {  	_ =	shalt  }
0x42: {  	_ =	shalt  }
0x43: {  	_ =	shalt  }
0x44: {  	_ =	shalt  }
0x45: {  	_ =	shalt  }
0x46: {  	_ =	shalt  }
0x47: {  	_ =	shalt  }
0x48: {  	_ =	shalt  }
0x49: {  	_ =	shalt  }
0x4a: {  	_ =	shalt  }
0x4b: {  	_ =	shalt  }
0x4c: {  	_ =	shalt  }
0x4d: {  	_ =	shalt  }
0x4e: {  	_ =	shalt  }
0x4f: {  	_ =	shalt  }
0x50: {  	_ =	shalt  }
0x51: {  	_ =	shalt  }
0x52: {  	_ =	shalt  }
0x53: {  	_ =	shalt  }
0x54: {  	_ =	shalt  }
0x55: {  	_ =	shalt  }
0x56: {  	_ =	shalt  }
0x57: {  	_ =	shalt  }
0x58: {  	_ =	shalt  }
0x59: {  	_ =	shalt  }
0x5a: {  	_ =	shalt  }
0x5b: {  	_ =	shalt  }
0x5c: {  	_ =	shalt  }
0x5d: {  	_ =	shalt  }
0x5e: {  	_ =	shalt  }
0x5f: {  	_ =	shalt  }
0x60: {  	_ =	shalt  }
0x61: {  	_ =	shalt  }
0x62: {  	_ =	shalt  }
0x63: {  	_ =	shalt  }
0x64: {  	_ =	shalt  }
0x65: {  	_ =	shalt  }
0x66: {  	_ =	shalt  }
0x67: {  	_ =	shalt  }
0x68: {  	_ =	shalt  }
0x69: {  	_ =	shalt  }
0x6a: {  	_ =	shalt  }
0x6b: {  	_ =	shalt  }
0x6c: {  	_ =	shalt  }
0x6d: {  	_ =	shalt  }
0x6e: {  	_ =	shalt  }
0x6f: {  	_ =	shalt  }
0x70: {  	_ =	shalt  }
0x71: {  	_ =	shalt  }
0x72: {  	_ =	shalt  }
0x73: {  	_ =	shalt  }
0x74: {  	_ =	shalt  }
0x75: {  	_ =	shalt  }
0x76: {  	_ =	shalt  }
0x77: {  	_ =	shalt  }
0x78: {  	_ =	shalt  }
0x79: {  	_ =	shalt  }
0x7a: {  	_ =	shalt  }
0x7b: {  	_ =	shalt  }
0x7c: {  	_ =	shalt  }
0x7d: {  	_ =	shalt  }
0x7e: {  	_ =	shalt  }
0x7f: {  	_ =	shalt  }
0x80: {  	_ =	shalt  }
0x81: {  	_ =	shalt  }
0x82: {  	_ =	shalt  }
0x83: {  	_ =	shalt  }
0x84: {  	_ =	shalt  }
0x85: {  	_ =	shalt  }
0x86: {  	_ =	shalt  }
0x87: {  	_ =	shalt  }
.Lfunc_end0:
.L_simem_size_0:
called_computation.2_lowered:
.L_overlay_start_0:
0x88: {  	s2 =	sld [smem:$0x3FD9]  }
0x89: {  	s3 =	sld [smem:$0x3FFE];
	_ =	sdelay $0x1  }
0x8a: {  	s1 =	srdreg.scid  }
0x8b: {  	s0 =	sand.u32 $0x1, s1  }
0x8c: {  	s14 =	sshll.u32 s0, $0xA;
	s2 =	sadd.s32 s3, s2  }
0x8d: {  	s2 =	sadd.s32 s2, s14  }
0x8e: {  	[smem:$0x3FBA] =	sst s2  }
0x8f: {  	_ = 	snop  }
0x90: {  	s2 =	sld [smem:$0x3FD0];
	_ =	sdelay $0x2  }
0x91: {  	s15 =	simm.s32 $0xA;
	s4 =	simm.s32 $0x10  }
0x92: {  	[smem:s4], [sflag:s15] =	dma.local [hbm:s2], $0x1  }
0x93: {  	_ =	swait.eq [sflag:s15], $0x1  }
0x94: {  	[sflag:s15] =	ssyncset.done $0x0  }
0x95: {  	[sflag:s15] =	ssyncadd.s32 $0xFFFFFFFF  }
0x96: {  	s16 =	sld [smem:$0x10];
	(tm) =	ssettm $0x1  }
0x97: {  	s17 =	sld [smem:$0x3FFB];
	_ =	sdelay $0x3  }
0x98: {  	_ =	strace s17  }
0x99: {  	s3 =	sld [smem:$0x3FFC];
	_ =	sdelay $0x3  }
0x9a: {  	_ =	strace s3  }
0x9b: {  	s3 =	sld [smem:$0x3FFD];
	_ =	sdelay $0x3  }
0x9c: {  	_ =	strace s3  }
0x9d: {  	_ =	strace $0x8FFFFFFF  }
0x9e: {  	s18 =	sld [smem:$0x3FDB];
	_ =	sdelay $0x1  }
0x9f: {  	s19 =	simm.s32 $_scs_section_size  }
0xa0: {  	s5 =	simm.s32 $_size__tile_overlayer_lowered;
	s6 =	simm.s32 $_tile_overlayer_lowered  }
0xa1: {  	s22 =	simm.s32 $0x1BFF;
	s21 =	sshll.u32 s6, $0x1;
	s3 =	sadd.s32 s19, s18  }
0xa2: {  	s7 =	simm.s32 $0x0;
	s20 =	sshll.u32 s5, $0x1;
	s5 =	sadd.s32 s21, s3  }
0xa3: {  	[timem:s7], [sflag:s22] =	dma.local [hbm:s5], s20  }
0xa4: {  	_ =	swait.ge [sflag:s22], s20  }
0xa5: {  	s4 =	ssub.s32 $0x0, s20;
	[sflag:s22] =	ssyncset.done $0x0  }
0xa6: {  	[sflag:s22] =	ssyncadd.s32 s4;
	_ =	sdelay $0x1  }
0xa7: {  	s23 =	simm.s32 $0x1B8B  }
0xa8: {  	_ =	swait.ge [sflag:s23], $0x1  }
0xa9: {  	[sflag:s23] =	ssyncset.done $0x0  }
0xaa: {  	s25 =	simm.s32 $0x1B8E;
	s24 =	sld [smem:$0x3FFE];
	[sflag:s23] =	ssyncadd.s32 $0xFFFFFFFF  }
0xab: {  	s26 =	simm.s32 $execute0_lowered;
	[smem:$0x3FD2] =	sst s25  }
0xac: {  	s5 =	sshll.u32 s26, $0x1;
	_ =	strace $0x8000004C;
	[dreg:$0x1] =	wrdreg $0xFFFFFFFF  }
0xad: {  	s28 =	simm.s32 $_size_execute0_lowered;
	s3 =	sadd.s32 s3, s5;
	[dreg:$0x0] =	wrdreg $0x0  }
0xae: {  	s5 =	sshll.u32 s28, $0x1;
	[dreg:$0x2] =	wrdreg s3  }
0xaf: {  	[dreg:$0x3] =	wrdreg s5  }
0xb0: {  	[dreg:$0x4] =	wrdreg $0xC0  }
0xb1: {  	_ =	task [dreg:s7], $0x5FFFF  }
0xb2: {  	[dreg:$0x1] =	wrdreg $0xFFFFFFFF  }
0xb3: {  	[dreg:$0x0] =	wrdreg $0x60  }
0xb4: {  	[dreg:$0x2] =	wrdreg s16  }
0xb5: {  	[dreg:$0x3] =	wrdreg s24  }
0xb6: {  	[dreg:$0x4] =	wrdreg $0xA0000  }
0xb7: {  	[dreg:$0x5] =	wrdreg $0x9  }
0xb8: {  	_ =	task.clear_ibuf [dreg:s7], $0x6FFFF;
	_ =	strace $0x9000004C  }
0xb9: {  	s29 =	simm.s32 $0x9;
	_ =	strace $0x8000004E  }
0xba: {  	_ =	swait.ge [sflag:s29], $0x1  }
0xbb: {  	[sflag:s29] =	ssyncadd.s32 $0xFFFFFFFF  }
0xbc: {  	_ =	strace $0x9000004E  }
0xbd: {  	_ =	sfence  }
0xbe: {  	s30 =	sld [smem:$0x0];
	_ =	sdelay $0x2  }
0xbf: {  	s31 =	sshll.u32 s1, $0xD;
	s1 =	sshrl.u32 s1, $0x2  }
0xc0: {  	s3 =	sand.u32 $0x4000, s31;
	s1 =	sadd.s32 s1, s30  }
0xc1: {  	s0 =	sor.u32 s3, s0;
	s1 =	sshll.u32 s1, $0x11  }
0xc2: {  	s0 =	sor.u32 s1, s0  }
0xc3: {  	s0 =	sadd.s32 $0x8F2B, s0  }
0xc4: {  	[sflag:s0] =	ssyncadd.remote.s32 $0x1  }
0xc5: {  	_ =	sfence.sel $0xFFFF  }
0xc6: {  	[dreg:$0x0] =	wrdreg $0xFFFFFFFF;
	(pc) =	sbr.abs _section_cstart, $3  }
0xc7: {  	[dreg:$0x1] =	wrdreg $0xFFFFFFFF  }
0xc8: {  	_ =	task.clear_ibuf [dreg:s7], $0x2FFFF;
	_ =	strace $0x9FFFFFFF  }
0xc9: {  	(tm) =	ssettm $0x7FFFFFFF  }
tec
execute0_lowered:
.L_overlay_start_1:
0x0: {  	(tag) =	ssettag $0x1  }
0x1: {  	s0 =	rddreg [dreg:$0x0]  }
0x2: {  	s8 =	rddreg [dreg:$0x1];
	s1 =	srdreg.scid  }
0x3: {  	s3 =	rddreg [dreg:$0x2];
	s26 =	stileid.u32;
	s2 =	simm.s32 $0x0  }
0x4: {  	s19 =	simm.s32 $0x5;
	s20 =	simm.s32 $0x2000;
	s21 =	simm.s32 $0x6  }
0x5: {  	s22 =	simm.s32 $0x80;
	s25 =	simm.s32 $0x6000;
	s23 =	simm.s32 $0x1  }
0x6: {  	s24 =	simm.s32 $0x2;
	s28 =	simm.s32 $0x0;
	s9 =	smul.u32 $0x14000, s26  }
0x7: {  	s7 =	sand.u32 $0x1, s1;
	[smem:$0x7FF] =	sst s2;
	s12 =	smul.u32 $0x90, s26  }
0x8: {  	s5 =	sadd.s32 $0xD000, s8;
	s13 =	sshll.u32 s26, $0x4;
	s29 =	smul.u32 $0x50000, s26  }
0x9: {  	s26 =	simm.s32 $0x4;
	s6 =	smul.u32 $0x140000, s7;
	_ =	strace $0x8000004D  }
0xa: {  	s10 =	ssub.s32 $0x2, s7;
	p0 =	seq.s32 s7, $0x0;
	s7 =	sor.u32 $0x900, s13  }
0xb: {  	[dreg:$0x4] =	wrdreg s25;
	s25 =	simm.s32 $0x3;
	s11 =	sshrl.u32 s10, $0x1  }
0xc: {  	s7 =	smov.u32 @p0 s12;
	s31 =	sshrl.u32 s29, $0x2;
	s9 =	sadd.s32 s9, s6  }
0xd: {  	s6 =	sadd.s32 $0x3000, s8;
	s17 =	ssub.s32 s10, s11;
	s30 =	sshll.u32 s7, $0x4  }
0xe: {  	s10 =	sadd.s32 s31, s3;
	s9 =	sshrl.u32 s9, $0x3;
	s11 =	sadd.s32 s6, s30  }
0xf: {  	s12 =	sadd.s32 $0x4000, s10;
	s16 =	sadd.s32 s9, s8;
	s8 =	simm.s32 $0x90  }
0x10: {  	s13 =	sadd.s32 $0x8000, s10;
	s14 =	sadd.s32 $0xC000, s10;
	s8 =	simm.s32 @!p0 $0x10  }
0x11: {  	s15 =	sadd.s32 $0x10000, s10;
	s17 =	smax.u32 s17, $0x1;
	s18 =	sshll.u32 s8, $0x9  }
0x12: {  	v0 =	vimm.f32 $0.0e+00;
	s9 =	sadd.s32 s5, s30;
	s16 =	sadd.s32 $0x17400, s16;
	[dreg:$0x5] =	wrdreg s18  }
.LBB2_1:
0x13: {  	s1 =	simm.s32 $0x0  }
0x14: {  	[tilespmem:s1], [sflag:$0x5] =	stream.linear.gather [hbm4b:s9+s1], $0x800, $0x38;
	[tilespmem:$0x1E000] =	vst v63  }
0x15: {  	s2 =	simm.s32 $0x1000  }
0x16: {  	[tilespmem:s2], [sflag:$0x5] =	stream.linear.gather [hbm4b:s11+s1], $0x800, $0x38;
	[tilespmem:$0x1E000] =	vst v63  }
0x17: {  	_ =	swait.ge [sflag:s19], $0x800  }
0x18: {  	[sflag:s19] =	ssyncset.done $0x0  }
0x19: {  	[sflag:s19] =	ssyncadd.s32 $0xFFFFF800  }
0x1a: {  	_ =	swait.ge [sflag:s19], $0x800  }
0x1b: {  	[sflag:s19] =	ssyncset.done $0x0  }
0x1c: {  	s29 =	simm.s32 $0x0;
	s30 =	simm.s32 $0x200;
	[sflag:s19] =	ssyncadd.s32 $0xFFFFF800  }
.LBB2_2:
0x1d: {  	p0 =	sne.s32 s30, $0xFE00;
	[tilespmem:s29+$0x2070] =	vst v0  }
0x1e: {  	[tilespmem:s29+$0x2000] =	vst v0  }
0x1f: {  	[tilespmem:s29+$0x2010] =	vst v0  }
.Ltmp0:
0x20: {  	[tilespmem:s29+$0x2020] =	vst v0;
	(pc) =	sbr.rel @p0 .LBB2_2-.Ltmp0, $4  }
0x21: {  	[tilespmem:s29+$0x2030] =	vst v0  }
0x22: {  	[tilespmem:s29+$0x2040] =	vst v0  }
0x23: {  	[tilespmem:s29+$0x2050] =	vst v0  }
0x24: {  	[tilespmem:s29+$0x2060] =	vst v0;
	s29 =	sshra.s32 s30, $0x2;
	s30 =	sadd.s32 $0x200, s30  }
0x25: {  	[tilespmem:s29+$0x2070] =	vst v0  }
0x26: {  	[tilespmem:s29+$0x2000] =	vst v0  }
0x27: {  	[tilespmem:s29+$0x2010] =	vst v0  }
0x28: {  	[tilespmem:s29+$0x2020] =	vst v0  }
0x29: {  	[tilespmem:s29+$0x2030] =	vst v0  }
0x2a: {  	[tilespmem:s29+$0x2040] =	vst v0  }
0x2b: {  	[tilespmem:s29+$0x2050] =	vst v0  }
0x2c: {  	[tilespmem:s29+$0x2060] =	vst v0  }
0x2d: {  	[spmem:s10] =	stream.linear.scatter [tilespmem:s20], [sflag:$0x6], $0x4000, $0x38;
	[tilespmem:$0x1E000] =	vst v63  }
0x2e: {  	_ =	swait.ge [sflag:s21], $0x4000  }
0x2f: {  	[sflag:s21] =	ssyncset.done $0x0  }
0x30: {  	[sflag:s21] =	ssyncadd.s32 $0xFFFFC000  }
0x31: {  	[spmem:s12] =	stream.linear.scatter [tilespmem:s20], [sflag:$0x6], $0x4000, $0x38;
	[tilespmem:$0x1E000] =	vst v63  }
0x32: {  	_ =	swait.ge [sflag:s21], $0x4000  }
0x33: {  	[sflag:s21] =	ssyncset.done $0x0  }
0x34: {  	[sflag:s21] =	ssyncadd.s32 $0xFFFFC000  }
0x35: {  	[spmem:s13] =	stream.linear.scatter [tilespmem:s20], [sflag:$0x6], $0x4000, $0x38;
	[tilespmem:$0x1E000] =	vst v63  }
0x36: {  	_ =	swait.ge [sflag:s21], $0x4000  }
0x37: {  	[sflag:s21] =	ssyncset.done $0x0  }
0x38: {  	[sflag:s21] =	ssyncadd.s32 $0xFFFFC000  }
0x39: {  	[spmem:s14] =	stream.linear.scatter [tilespmem:s20], [sflag:$0x6], $0x4000, $0x38;
	[tilespmem:$0x1E000] =	vst v63  }
0x3a: {  	_ =	swait.ge [sflag:s21], $0x4000  }
0x3b: {  	[sflag:s21] =	ssyncset.done $0x0  }
0x3c: {  	[sflag:s21] =	ssyncadd.s32 $0xFFFFC000  }
0x3d: {  	[spmem:s15] =	stream.linear.scatter [tilespmem:s20], [sflag:$0x6], $0x4000, $0x38;
	[tilespmem:$0x1E000] =	vst v63  }
0x3e: {  	_ =	swait.ge [sflag:s21], $0x4000  }
0x3f: {  	[sflag:s21] =	ssyncset.done $0x0  }
0x40: {  	s29 =	simm.s32 $0x0;
	[sflag:s21] =	ssyncadd.s32 $0xFFFFC000  }
0x41: {  	s30 =	simm.s32 $0x0;
	s31 =	simm.s32 $0x0;
	[bflag:$0x0] =	sbarrier.arrive $0xFFFF  }
0x42: {  	[tilespmem:s20], [sflag:$0x1] =	stream.indirect.gather [hbm4b:s0+s22], $0x80, s29, s22, $0xb8;
	[tilespmem:$0x1E000] =	vst v63  }
.LBB2_4:
0x43: {  	s1 =	sand.u32 $0x7, s31  }
0x44: {  	p0 =	sne.s32 s1, $0x0  }
0x45: {  	s1 =	sshra.s32 @!p0 s29, $0x4  }
0x46: {  	s1 =	sadd.s32 @!p0 $0x1, s1  }
0x47: {  	s2 =	sshll.u32 @!p0 s1, $0x4  }
0x48: {  	p1 =	sge.s32 @!p0 s2, s8  }
0x49: {  	p0 =	por p1, p0  }
0x4a: {  	s18 =	sshrl.u32 @!p0 s1, $0x1F  }
0x4b: {  	s18 =	sadd.s32 @!p0 s18, s1  }
0x4c: {  	s2 =	sadd.s32 @!p0 s7, s2;
	s18 =	sand.u32 @!p0 $0xFFFFFFFE, s18  }
0x4d: {  	s2 =	sshll.u32 @!p0 s2, $0x4;
	s1 =	ssub.s32 @!p0 s1, s18  }
0x4e: {  	s4 =	simm.s32 @!p0 $0x0;
	s18 =	sadd.s32 @!p0 s5, s2;
	s1 =	sshll.u32 @!p0 s1, $0xB  }
0x4f: {  	[tilespmem:s1], [sflag:$0x5] =	stream.linear.gather @!p0 [hbm4b:s18+s4], $0x800, $0x38;
	[tilespmem:$0x1E000] =	vst v63  }
0x50: {  	s2 =	sadd.s32 @!p0 s6, s2;
	s1 =	sadd.s32 @!p0 $0x1000, s1  }
0x51: {  	[tilespmem:s1], [sflag:$0x5] =	stream.linear.gather @!p0 [hbm4b:s2+s4], $0x800, $0x38;
	[tilespmem:$0x1E000] =	vst v63  }
0x52: {  	s1 =	simm.s32 @!p0 $0x5  }
0x53: {  	_ =	swait.ge @!p0 [sflag:s1], $0x800  }
0x54: {  	s4 =	sadd.s32 $0x1, s29;
	[sflag:s1] =	ssyncset.done @!p0 $0x0  }
0x55: {  	p1 =	sge.u32 s4, s8;
	[sflag:s1] =	ssyncadd.s32 @!p0 $0xFFFFF800  }
0x56: {  	p2 =	slt.s32 @!p1 s29, $0x2;
	_ =	swait.ge @!p0 [sflag:s1], $0x800  }
0x57: {  	p2 =	por p2, p1;
	[sflag:s1] =	ssyncset.done @!p0 $0x0  }
0x58: {  	[sflag:s1] =	ssyncadd.s32 @!p0 $0xFFFFF800;
	s1 =	simm.s32 @!p2 $0x4  }
0x59: {  	_ =	swait.ge @!p2 [sflag:s1], $0x4000  }
0x5a: {  	s2 =	sadd.s32 @!p1 $0x200, s30;
	[sflag:s1] =	ssyncset.done @!p2 $0x0  }
0x5b: {  	[sflag:s1] =	ssyncadd.s32 @!p2 $0xFFFFC000;
	s1 =	sand.u32 @!p1 $0x3E00, s2  }
0x5c: {  	s4 =	simm.s32 @!p1 $0x6000;
	s2 =	simm.s32 @!p1 $0x80;
	s1 =	sshrl.u32 @!p1 s1, $0x2  }
0x5d: {  	[tilespmem:s4], [sflag:$0x2] =	stream.indirect.gather @!p1 [hbm4b:s0+s2], $0x80, s1, s2, $0xb8;
	[tilespmem:$0x1E000] =	vst v63  }
0x5e: {  	s18 =	sand.u32 $0x3C00, s30;
	_ =	swait.ge [sflag:s23], $0x4000  }
0x5f: {  	s29 =	sadd.s32 $0x2, s29;
	s1 =	sshrl.u32 s18, $0x2;
	[sflag:s23] =	ssyncset.done $0x0  }
0x60: {  	p0 =	sge.u32 s29, s8;
	s1 =	sor.u32 $0x1000, s1;
	[sflag:s23] =	ssyncadd.s32 $0xFFFFC000  }
0x61: {  	[spmem:s3] =	stream.indirect.scatter.add.f32 [tilespmem:s20], [sflag:$0x3], $0x80, s1, s22, $0xb8;
	[tilespmem:$0x1E000] =	vst v63  }
0x62: {  	s1 =	simm.s32 @!p0 $0x3  }
0x63: {  	_ =	swait.ge @!p0 [sflag:s1], $0x4000  }
0x64: {  	s2 =	sadd.s32 @!p0 $0x400, s30;
	[sflag:s1] =	ssyncset.done @!p0 $0x0  }
0x65: {  	[sflag:s1] =	ssyncadd.s32 @!p0 $0xFFFFC000;
	s1 =	sand.u32 @!p0 $0x3C00, s2  }
0x66: {  	s4 =	simm.s32 @!p0 $0x2000;
	s2 =	simm.s32 @!p0 $0x80;
	s1 =	sshrl.u32 @!p0 s1, $0x2  }
0x67: {  	[tilespmem:s4], [sflag:$0x1] =	stream.indirect.gather @!p0 [hbm4b:s0+s2], $0x80, s1, s2, $0xb8;
	[tilespmem:$0x1E000] =	vst v63  }
0x68: {  	_ =	swait.ge [sflag:s24], $0x4000  }
0x69: {  	s2 =	sadd.s32 $0x200, s30;
	s30 =	sadd.s32 $0x400, s30;
	s18 =	rddreg [dreg:$0x5]  }
0x6a: {  	p0 =	sne.s32 s18, s30  }
.Ltmp1:
0x6b: {  	_ = 	snop;
	(pc) =	sbr.rel @p0 .LBB2_4-.Ltmp1, $4  }
0x6c: {  	s1 =	sand.u32 $0x3E00, s2  }
0x6d: {  	s31 =	sadd.s32 $0x1, s31;
	[sflag:s24] =	ssyncset.done $0x0;
	s1 =	sshrl.u32 s1, $0x2  }
0x6e: {  	s4 =	rddreg [dreg:$0x4];
	[sflag:s24] =	ssyncadd.s32 $0xFFFFC000;
	s1 =	sor.u32 $0x1000, s1  }
0x6f: {  	[spmem:s3] =	stream.indirect.scatter.add.f32 [tilespmem:s4], [sflag:$0x4], $0x80, s1, s22, $0xb8;
	[tilespmem:$0x1E000] =	vst v63  }
0x70: {  	_ =	swait.ge [sflag:s25], $0x4000  }
0x71: {  	[sflag:s25] =	ssyncset.done $0x0  }
0x72: {  	[sflag:s25] =	ssyncadd.s32 $0xFFFFC000  }
0x73: {  	s1 =	stileid.u32;
	_ =	swait.ge [sflag:s26], $0x4000  }
0x74: {  	s2 =	sshrl.u32 s10, $0x3;
	s28 =	sadd.s32 $0x1, s28;
	[sflag:s26] =	ssyncset.done $0x0  }
0x75: {  	s1 =	sshll.u32 s1, $0x6;
	p0 =	sne.s32 s28, s17;
	[sflag:s26] =	ssyncadd.s32 $0xFFFFC000  }
.Ltmp2:
0x76: {  	s1 =	sor.u32 $0x1C06, s1;
	[bflag:$0x0] =	sbarrier.arrive $0xFFFF;
	(pc) =	sbr.rel @p0 .LBB2_1-.Ltmp2, $4  }
0x77: {  	[hbm:s16], [sflag:s1] =	dma.local [spmem:s2], $0x2800  }
0x78: {  	_ =	swait.ge [sflag:s21], $0x2800  }
0x79: {  	[sflag:s21] =	ssyncset.done $0x0  }
0x7a: {  	[sflag:s21] =	ssyncadd.s32 $0xFFFFD800  }
0x7b: {  	_ =	sfence.sel $0x180000  }
0x7c: {  	[bflag:$0x0] =	sbarrier.arrive $0xFFFF  }
0x7d: {  	_ =	strace $0x9000004D  }
0x7e: {  	s0 =	stileid.u32;
	[bflag:$0x2] =	sbarrier.arrive $0xFFFF  }
0x7f: {  	p0 =	sne.s32 s0, $0x0;
	s0 =	rddreg [dreg:$0x3]  }
0x80: {  	s0 =	sadd.s32 @!p0 $0x100000, s0  }
0x81: {  	[sflag:s0] =	ssyncadd.tile.s32 @!p0 $0x1;
	_ =	shalt  }
.Lfunc_end2:
_tile_overlayer_lowered:
.L_overlay_start_2:
0x82: {  	(tag) =	ssettag $0x2  }
0x83: {  	s0 =	rddreg [dreg:$0x0];
	s2 =	stileid.u32  }
0x84: {  	s1 =	rddreg [dreg:$0x1];
	p0 =	sne.s32 s2, $0x0  }
0x85: {  	s3 =	rddreg [dreg:$0x2];
	[bflag:$0x3] =	sbarrier.arrive $0xFFFF;
	s2 =	simm.s32 @!p0 $0x1C06  }
0x86: {  	[timem:s3], [sflag:s2] =	dma.local @!p0 [hbm:s0], s1  }
0x87: {  	s0 =	simm.s32 @!p0 $0x6  }
0x88: {  	_ =	swait.ge @!p0 [sflag:s0], s1  }
0x89: {  	s1 =	ssub.s32 @!p0 $0x0, s1;
	[sflag:s0] =	ssyncset.done @!p0 $0x0  }
0x8a: {  	[sflag:s0] =	ssyncadd.s32 @!p0 s1  }
0x8b: {  	[bflag:$0x3] =	sbarrier.arrive $0xFFFF  }
0x8c: {  	_ =	shalt  }

// kernel: kernel.9.cloned.1.call-start
scs
__scs_entry_jumppad:
0x0: {  	(pc) =	sbr.rel $0x88, $3  }
0x1: {  	(tag) =	ssettag $0x0;
	lr =	simm.s32 $0x1  }
0x2: {  	[smem:$0x3F93] =	sst lr;
	_ =	strace $0xD0000000  }
0x3: {  	_ = 	snop  }
0x4: {  	_ = 	snop  }
0x5: {  	_ = 	snop  }
0x6: {  	_ = 	snop  }
0x7: {  	_ = 	snop  }
__scs_overlays_trampoline_lowered:
0x8: {  	[smem:$0x3FA2] =	sst s0  }
0x9: {  	[smem:$0x3FA3] =	sst s1  }
0xa: {  	[smem:$0x3FA4] =	sst s2  }
0xb: {  	[smem:$0x3FA5] =	sst s3  }
0xc: {  	[smem:$0x3FA6] =	sst s4  }
0xd: {  	[smem:$0x3FA7] =	sst s5  }
0xe: {  	[smem:$0x3FA8] =	sst s6  }
0xf: {  	[smem:$0x3FA9] =	sst s7  }
0x10: {  	[smem:$0x3FAA] =	sst s8  }
0x11: {  	[smem:$0x3FAB] =	sst s9;
	s0 =	simm.s32 @!p0 $0x0  }
0x12: {  	s1 =	sld [smem:$0x3F91];
	s0 =	simm.s32 @p0 $0x1  }
0x13: {  	[smem:$0x3FAC] =	sst s0;
	s0 =	simm.s32 @!p1 $0x0  }
0x14: {  	s2 =	sld [smem:$0x3F90];
	s0 =	simm.s32 @p1 $0x1  }
0x15: {  	[smem:$0x3FAD] =	sst s0;
	s0 =	simm.s32 @!p2 $0x0  }
0x16: {  	s3 =	sld [smem:$0x3FDB];
	s0 =	simm.s32 @p2 $0x1  }
0x17: {  	s4 =	simm.s32 $0x1BF5;
	[smem:$0x3FAF] =	sst s0  }
0x18: {  	s0 =	sld [smem:$0x3F92];
	_ =	swait.ge [sflag:s4], $0x0  }
0x19: {  	s7 =	sld [smem:$0x3F93]  }
0x1a: {  	s8 =	sadd.s32 $0xFFFFE003, lr  }
0x1b: {  	s9 =	sadd.s32 $0xFFFFFEF7, lr;
	s5 =	simm.s32 $0xFFFFFFFF;
	p2 =	slt.u32 s8, $0xFFFFF086  }
0x1c: {  	p1 =	slt.u32 s9, $0xF7A;
	s5 =	simm.s32 @!p2 $0x0  }
0x1d: {  	s5 =	simm.s32 @p1 $0x1;
	p0 =	seq.s32 s7, s2  }
0x1e: {  	s7 =	smul.u32 @!p0 $0xF7A, s2;
	p2 =	seq.s32 @!p0 s5, $0x0  }
0x1f: {  	s9 =	smul.u32 $0xF7A, s1;
	s8 =	simm.s32 @!p0 $0x1BF5;
	p2 =	por !p2, p0  }
0x20: {  	[sflag:s8] =	ssyncset.s32 @!p0 $0xFFFFF086;
	s6 =	sadd.s32 @!p0 s3, s7;
	s7 =	simm.s32 @!p0 $0x108  }
0x21: {  	s3 =	sadd.s32 s3, s9;
	s6 =	sadd.s32 @!p0 $0x88, s6;
	s7 =	simm.s32 @p2 $0x1082  }
0x22: {  	[simem:s7], [sflag:s8] =	dma.local @!p0 [hbm:s6], $0xF7A  }
0x23: {  	s9 =	sor.u32 $0xD0000000, s2;
	s6 =	simm.s32 $0x108;
	_ =	swait.ge @!p0 [sflag:s8], $0x0  }
0x24: {  	s3 =	sadd.s32 $0x88, s3;
	s6 =	simm.s32 @!p1 $0x1082;
	[sflag:s4] =	ssyncset.s32 $0xFFFFF086  }
0x25: {  	[simem:s6], [sflag:s4] =	dma.local [hbm:s3], $0xF7A  }
0x26: {  	[smem:$0x3F93] =	sst s1;
	(tag) =	ssettag s2;
	_ =	strace s9  }
0x27: {  	s1 =	sld [smem:$0x3FA3]  }
0x28: {  	s2 =	sld [smem:$0x3FA4]  }
0x29: {  	s4 =	sld [smem:$0x3FA6]  }
0x2a: {  	p0 =	seq.s32 s5, $0x0;
	s5 =	sld [smem:$0x3FA7]  }
0x2b: {  	s6 =	sld [smem:$0x3FA8]  }
0x2c: {  	s7 =	sld [smem:$0x3FA9]  }
0x2d: {  	s3 =	simm.s32 $0x108;
	s8 =	sld [smem:$0x3FAA]  }
0x2e: {  	s3 =	simm.s32 @!p0 $0x1082;
	s9 =	sld [smem:$0x3FAB]  }
0x2f: {  	lr =	sadd.s32 s0, s3;
	s0 =	sld [smem:$0x3FA2]  }
0x30: {  	s3 =	sld [smem:$0x3FA5]  }
0x31: {  	[smem:$0x3FAE] =	sst s10  }
0x32: {  	s10 =	sld [smem:$0x3FAC];
	_ =	sdelay $0x3  }
0x33: {  	p0 =	seq.s32 s10, $0x1;
	s10 =	sld [smem:$0x3FAE];
	_ =	sdelay $0x3  }
0x34: {  	[smem:$0x3FAE] =	sst s10  }
0x35: {  	s10 =	sld [smem:$0x3FAD];
	_ =	sdelay $0x3  }
0x36: {  	p1 =	seq.s32 s10, $0x1;
	s10 =	sld [smem:$0x3FAE];
	_ =	sdelay $0x3  }
0x37: {  	[smem:$0x3FAE] =	sst s10  }
0x38: {  	s10 =	sld [smem:$0x3FAF]  }
0x39: {  	_ = 	snop;
	(pc) =	sbr.ind lr, $3  }
0x3a: {  	_ = 	snop  }
0x3b: {  	_ = 	snop  }
0x3c: {  	p2 =	seq.s32 s10, $0x1;
	s10 =	sld [smem:$0x3FAE]  }
0x3d: {  	_ =	shalt  }
0x3e: {  	_ =	shalt  }
0x3f: {  	_ =	shalt  }
0x40: {  	_ =	shalt  }
0x41: {  	_ =	shalt  }
0x42: {  	_ =	shalt  }
0x43: {  	_ =	shalt  }
0x44: {  	_ =	shalt  }
0x45: {  	_ =	shalt  }
0x46: {  	_ =	shalt  }
0x47: {  	_ =	shalt  }
0x48: {  	_ =	shalt  }
0x49: {  	_ =	shalt  }
0x4a: {  	_ =	shalt  }
0x4b: {  	_ =	shalt  }
0x4c: {  	_ =	shalt  }
0x4d: {  	_ =	shalt  }
0x4e: {  	_ =	shalt  }
0x4f: {  	_ =	shalt  }
0x50: {  	_ =	shalt  }
0x51: {  	_ =	shalt  }
0x52: {  	_ =	shalt  }
0x53: {  	_ =	shalt  }
0x54: {  	_ =	shalt  }
0x55: {  	_ =	shalt  }
0x56: {  	_ =	shalt  }
0x57: {  	_ =	shalt  }
0x58: {  	_ =	shalt  }
0x59: {  	_ =	shalt  }
0x5a: {  	_ =	shalt  }
0x5b: {  	_ =	shalt  }
0x5c: {  	_ =	shalt  }
0x5d: {  	_ =	shalt  }
0x5e: {  	_ =	shalt  }
0x5f: {  	_ =	shalt  }
0x60: {  	_ =	shalt  }
0x61: {  	_ =	shalt  }
0x62: {  	_ =	shalt  }
0x63: {  	_ =	shalt  }
0x64: {  	_ =	shalt  }
0x65: {  	_ =	shalt  }
0x66: {  	_ =	shalt  }
0x67: {  	_ =	shalt  }
0x68: {  	_ =	shalt  }
0x69: {  	_ =	shalt  }
0x6a: {  	_ =	shalt  }
0x6b: {  	_ =	shalt  }
0x6c: {  	_ =	shalt  }
0x6d: {  	_ =	shalt  }
0x6e: {  	_ =	shalt  }
0x6f: {  	_ =	shalt  }
0x70: {  	_ =	shalt  }
0x71: {  	_ =	shalt  }
0x72: {  	_ =	shalt  }
0x73: {  	_ =	shalt  }
0x74: {  	_ =	shalt  }
0x75: {  	_ =	shalt  }
0x76: {  	_ =	shalt  }
0x77: {  	_ =	shalt  }
0x78: {  	_ =	shalt  }
0x79: {  	_ =	shalt  }
0x7a: {  	_ =	shalt  }
0x7b: {  	_ =	shalt  }
0x7c: {  	_ =	shalt  }
0x7d: {  	_ =	shalt  }
0x7e: {  	_ =	shalt  }
0x7f: {  	_ =	shalt  }
0x80: {  	_ =	shalt  }
0x81: {  	_ =	shalt  }
0x82: {  	_ =	shalt  }
0x83: {  	_ =	shalt  }
0x84: {  	_ =	shalt  }
0x85: {  	_ =	shalt  }
0x86: {  	_ =	shalt  }
0x87: {  	_ =	shalt  }
.Lfunc_end0:
.L_simem_size_0:
called_computation_lowered:
.L_overlay_start_0:
0x88: {  	s2 =	sld [smem:$0x3FD9]  }
0x89: {  	s3 =	sld [smem:$0x3FFE];
	_ =	sdelay $0x1  }
0x8a: {  	s1 =	srdreg.scid  }
0x8b: {  	s0 =	sand.u32 $0x1, s1  }
0x8c: {  	s14 =	sshll.u32 s0, $0xA;
	s2 =	sadd.s32 s3, s2  }
0x8d: {  	s2 =	sadd.s32 s2, s14  }
0x8e: {  	[smem:$0x3FBA] =	sst s2  }
0x8f: {  	_ = 	snop  }
0x90: {  	s2 =	sld [smem:$0x3FD0];
	_ =	sdelay $0x2  }
0x91: {  	s15 =	simm.s32 $0xA;
	s4 =	simm.s32 $0x10  }
0x92: {  	[smem:s4], [sflag:s15] =	dma.local [hbm:s2], $0x1  }
0x93: {  	_ =	swait.eq [sflag:s15], $0x1  }
0x94: {  	[sflag:s15] =	ssyncset.done $0x0  }
0x95: {  	[sflag:s15] =	ssyncadd.s32 $0xFFFFFFFF  }
0x96: {  	s16 =	sld [smem:$0x10];
	(tm) =	ssettm $0x1  }
0x97: {  	s17 =	sld [smem:$0x3FFB];
	_ =	sdelay $0x3  }
0x98: {  	_ =	strace s17  }
0x99: {  	s3 =	sld [smem:$0x3FFC];
	_ =	sdelay $0x3  }
0x9a: {  	_ =	strace s3  }
0x9b: {  	s3 =	sld [smem:$0x3FFD];
	_ =	sdelay $0x3  }
0x9c: {  	_ =	strace s3  }
0x9d: {  	_ =	strace $0x8FFFFFFF  }
0x9e: {  	s18 =	sld [smem:$0x3FDB];
	_ =	sdelay $0x1  }
0x9f: {  	s19 =	simm.s32 $_scs_section_size  }
0xa0: {  	s5 =	simm.s32 $_size__tile_overlayer_lowered;
	s6 =	simm.s32 $_tile_overlayer_lowered  }
0xa1: {  	s22 =	simm.s32 $0x1BFF;
	s21 =	sshll.u32 s6, $0x1;
	s3 =	sadd.s32 s19, s18  }
0xa2: {  	s7 =	simm.s32 $0x0;
	s20 =	sshll.u32 s5, $0x1;
	s5 =	sadd.s32 s21, s3  }
0xa3: {  	[timem:s7], [sflag:s22] =	dma.local [hbm:s5], s20  }
0xa4: {  	_ =	swait.ge [sflag:s22], s20  }
0xa5: {  	s4 =	ssub.s32 $0x0, s20;
	[sflag:s22] =	ssyncset.done $0x0  }
0xa6: {  	[sflag:s22] =	ssyncadd.s32 s4;
	_ =	sdelay $0x1  }
0xa7: {  	s23 =	simm.s32 $0x1B8B  }
0xa8: {  	_ =	swait.ge [sflag:s23], $0x1  }
0xa9: {  	[sflag:s23] =	ssyncset.done $0x0  }
0xaa: {  	s25 =	simm.s32 $0x1B8E;
	s24 =	sld [smem:$0x3FFE];
	[sflag:s23] =	ssyncadd.s32 $0xFFFFFFFF  }
0xab: {  	s26 =	simm.s32 $execute0_lowered;
	[smem:$0x3FD2] =	sst s25  }
0xac: {  	s5 =	sshll.u32 s26, $0x1;
	_ =	strace $0x80000046;
	[dreg:$0x1] =	wrdreg $0xFFFFFFFF  }
0xad: {  	s28 =	simm.s32 $_size_execute0_lowered;
	s3 =	sadd.s32 s3, s5;
	[dreg:$0x0] =	wrdreg $0x0  }
0xae: {  	s5 =	sshll.u32 s28, $0x1;
	[dreg:$0x2] =	wrdreg s3  }
0xaf: {  	[dreg:$0x3] =	wrdreg s5  }
0xb0: {  	[dreg:$0x4] =	wrdreg $0xC0  }
0xb1: {  	_ =	task [dreg:s7], $0x5FFFF  }
0xb2: {  	[dreg:$0x1] =	wrdreg $0xFFFFFFFF  }
0xb3: {  	[dreg:$0x0] =	wrdreg $0x60  }
0xb4: {  	[dreg:$0x2] =	wrdreg s16  }
0xb5: {  	[dreg:$0x3] =	wrdreg s24  }
0xb6: {  	[dreg:$0x4] =	wrdreg $0xA0000  }
0xb7: {  	[dreg:$0x5] =	wrdreg $0x9  }
0xb8: {  	_ =	task.clear_ibuf [dreg:s7], $0x6FFFF;
	_ =	strace $0x90000046  }
0xb9: {  	s29 =	simm.s32 $0x9;
	_ =	strace $0x80000048  }
0xba: {  	_ =	swait.ge [sflag:s29], $0x1  }
0xbb: {  	[sflag:s29] =	ssyncadd.s32 $0xFFFFFFFF  }
0xbc: {  	_ =	strace $0x90000048  }
0xbd: {  	_ =	sfence  }
0xbe: {  	s30 =	sld [smem:$0x0];
	_ =	sdelay $0x2  }
0xbf: {  	s31 =	sshll.u32 s1, $0xD;
	s1 =	sshrl.u32 s1, $0x2  }
0xc0: {  	s3 =	sand.u32 $0x4000, s31;
	s1 =	sadd.s32 s1, s30  }
0xc1: {  	s0 =	sor.u32 s3, s0;
	s1 =	sshll.u32 s1, $0x11  }
0xc2: {  	s0 =	sor.u32 s1, s0  }
0xc3: {  	s0 =	sadd.s32 $0x8F2B, s0  }
0xc4: {  	[sflag:s0] =	ssyncadd.remote.s32 $0x1  }
0xc5: {  	_ =	sfence.sel $0xFFFF  }
0xc6: {  	[dreg:$0x0] =	wrdreg $0xFFFFFFFF;
	(pc) =	sbr.abs _section_cstart, $3  }
0xc7: {  	[dreg:$0x1] =	wrdreg $0xFFFFFFFF  }
0xc8: {  	_ =	task.clear_ibuf [dreg:s7], $0x2FFFF;
	_ =	strace $0x9FFFFFFF  }
0xc9: {  	(tm) =	ssettm $0x7FFFFFFF  }
tec
execute0_lowered:
.L_overlay_start_1:
0x0: {  	(tag) =	ssettag $0x1  }
0x1: {  	s0 =	rddreg [dreg:$0x0]  }
0x2: {  	s8 =	rddreg [dreg:$0x1];
	s1 =	srdreg.scid  }
0x3: {  	s3 =	rddreg [dreg:$0x2];
	s26 =	stileid.u32;
	s2 =	simm.s32 $0x0  }
0x4: {  	s19 =	simm.s32 $0x5;
	s20 =	simm.s32 $0x2000;
	s21 =	simm.s32 $0x6  }
0x5: {  	s22 =	simm.s32 $0x80;
	s25 =	simm.s32 $0x6000;
	s23 =	simm.s32 $0x1  }
0x6: {  	s24 =	simm.s32 $0x2;
	s28 =	simm.s32 $0x0;
	s9 =	smul.u32 $0x14000, s26  }
0x7: {  	s7 =	sand.u32 $0x1, s1;
	[smem:$0x7FF] =	sst s2;
	s12 =	smul.u32 $0x90, s26  }
0x8: {  	s5 =	sadd.s32 $0xD000, s8;
	s13 =	sshll.u32 s26, $0x4;
	s29 =	smul.u32 $0x50000, s26  }
0x9: {  	s26 =	simm.s32 $0x4;
	s6 =	smul.u32 $0x140000, s7;
	_ =	strace $0x80000047  }
0xa: {  	s10 =	ssub.s32 $0x2, s7;
	p0 =	seq.s32 s7, $0x0;
	s7 =	sor.u32 $0x900, s13  }
0xb: {  	[dreg:$0x4] =	wrdreg s25;
	s25 =	simm.s32 $0x3;
	s11 =	sshrl.u32 s10, $0x1  }
0xc: {  	s7 =	smov.u32 @p0 s12;
	s31 =	sshrl.u32 s29, $0x2;
	s9 =	sadd.s32 s9, s6  }
0xd: {  	s6 =	sadd.s32 $0x3000, s8;
	s17 =	ssub.s32 s10, s11;
	s30 =	sshll.u32 s7, $0x4  }
0xe: {  	s10 =	sadd.s32 s31, s3;
	s9 =	sshrl.u32 s9, $0x3;
	s11 =	sadd.s32 s6, s30  }
0xf: {  	s12 =	sadd.s32 $0x4000, s10;
	s16 =	sadd.s32 s9, s8;
	s8 =	simm.s32 $0x90  }
0x10: {  	s13 =	sadd.s32 $0x8000, s10;
	s14 =	sadd.s32 $0xC000, s10;
	s8 =	simm.s32 @!p0 $0x10  }
0x11: {  	s15 =	sadd.s32 $0x10000, s10;
	s17 =	smax.u32 s17, $0x1;
	s18 =	sshll.u32 s8, $0x9  }
0x12: {  	v0 =	vimm.f32 $0.0e+00;
	s9 =	sadd.s32 s5, s30;
	s16 =	sadd.s32 $0x17200, s16;
	[dreg:$0x5] =	wrdreg s18  }
.LBB2_1:
0x13: {  	s1 =	simm.s32 $0x0  }
0x14: {  	[tilespmem:s1], [sflag:$0x5] =	stream.linear.gather [hbm4b:s9+s1], $0x800, $0x38;
	[tilespmem:$0x1E000] =	vst v63  }
0x15: {  	s2 =	simm.s32 $0x1000  }
0x16: {  	[tilespmem:s2], [sflag:$0x5] =	stream.linear.gather [hbm4b:s11+s1], $0x800, $0x38;
	[tilespmem:$0x1E000] =	vst v63  }
0x17: {  	_ =	swait.ge [sflag:s19], $0x800  }
0x18: {  	[sflag:s19] =	ssyncset.done $0x0  }
0x19: {  	[sflag:s19] =	ssyncadd.s32 $0xFFFFF800  }
0x1a: {  	_ =	swait.ge [sflag:s19], $0x800  }
0x1b: {  	[sflag:s19] =	ssyncset.done $0x0  }
0x1c: {  	s29 =	simm.s32 $0x0;
	s30 =	simm.s32 $0x200;
	[sflag:s19] =	ssyncadd.s32 $0xFFFFF800  }
.LBB2_2:
0x1d: {  	p0 =	sne.s32 s30, $0xFE00;
	[tilespmem:s29+$0x2070] =	vst v0  }
0x1e: {  	[tilespmem:s29+$0x2000] =	vst v0  }
0x1f: {  	[tilespmem:s29+$0x2010] =	vst v0  }
.Ltmp0:
0x20: {  	[tilespmem:s29+$0x2020] =	vst v0;
	(pc) =	sbr.rel @p0 .LBB2_2-.Ltmp0, $4  }
0x21: {  	[tilespmem:s29+$0x2030] =	vst v0  }
0x22: {  	[tilespmem:s29+$0x2040] =	vst v0  }
0x23: {  	[tilespmem:s29+$0x2050] =	vst v0  }
0x24: {  	[tilespmem:s29+$0x2060] =	vst v0;
	s29 =	sshra.s32 s30, $0x2;
	s30 =	sadd.s32 $0x200, s30  }
0x25: {  	[tilespmem:s29+$0x2070] =	vst v0  }
0x26: {  	[tilespmem:s29+$0x2000] =	vst v0  }
0x27: {  	[tilespmem:s29+$0x2010] =	vst v0  }
0x28: {  	[tilespmem:s29+$0x2020] =	vst v0  }
0x29: {  	[tilespmem:s29+$0x2030] =	vst v0  }
0x2a: {  	[tilespmem:s29+$0x2040] =	vst v0  }
0x2b: {  	[tilespmem:s29+$0x2050] =	vst v0  }
0x2c: {  	[tilespmem:s29+$0x2060] =	vst v0  }
0x2d: {  	[spmem:s10] =	stream.linear.scatter [tilespmem:s20], [sflag:$0x6], $0x4000, $0x38;
	[tilespmem:$0x1E000] =	vst v63  }
0x2e: {  	_ =	swait.ge [sflag:s21], $0x4000  }
0x2f: {  	[sflag:s21] =	ssyncset.done $0x0  }
0x30: {  	[sflag:s21] =	ssyncadd.s32 $0xFFFFC000  }
0x31: {  	[spmem:s12] =	stream.linear.scatter [tilespmem:s20], [sflag:$0x6], $0x4000, $0x38;
	[tilespmem:$0x1E000] =	vst v63  }
0x32: {  	_ =	swait.ge [sflag:s21], $0x4000  }
0x33: {  	[sflag:s21] =	ssyncset.done $0x0  }
0x34: {  	[sflag:s21] =	ssyncadd.s32 $0xFFFFC000  }
0x35: {  	[spmem:s13] =	stream.linear.scatter [tilespmem:s20], [sflag:$0x6], $0x4000, $0x38;
	[tilespmem:$0x1E000] =	vst v63  }
0x36: {  	_ =	swait.ge [sflag:s21], $0x4000  }
0x37: {  	[sflag:s21] =	ssyncset.done $0x0  }
0x38: {  	[sflag:s21] =	ssyncadd.s32 $0xFFFFC000  }
0x39: {  	[spmem:s14] =	stream.linear.scatter [tilespmem:s20], [sflag:$0x6], $0x4000, $0x38;
	[tilespmem:$0x1E000] =	vst v63  }
0x3a: {  	_ =	swait.ge [sflag:s21], $0x4000  }
0x3b: {  	[sflag:s21] =	ssyncset.done $0x0  }
0x3c: {  	[sflag:s21] =	ssyncadd.s32 $0xFFFFC000  }
0x3d: {  	[spmem:s15] =	stream.linear.scatter [tilespmem:s20], [sflag:$0x6], $0x4000, $0x38;
	[tilespmem:$0x1E000] =	vst v63  }
0x3e: {  	_ =	swait.ge [sflag:s21], $0x4000  }
0x3f: {  	[sflag:s21] =	ssyncset.done $0x0  }
0x40: {  	s29 =	simm.s32 $0x0;
	[sflag:s21] =	ssyncadd.s32 $0xFFFFC000  }
0x41: {  	s30 =	simm.s32 $0x0;
	s31 =	simm.s32 $0x0;
	[bflag:$0x0] =	sbarrier.arrive $0xFFFF  }
0x42: {  	[tilespmem:s20], [sflag:$0x1] =	stream.indirect.gather [hbm4b:s0+s22], $0x80, s29, s22, $0xb8;
	[tilespmem:$0x1E000] =	vst v63  }
.LBB2_4:
0x43: {  	s1 =	sand.u32 $0x7, s31  }
0x44: {  	p0 =	sne.s32 s1, $0x0  }
0x45: {  	s1 =	sshra.s32 @!p0 s29, $0x4  }
0x46: {  	s1 =	sadd.s32 @!p0 $0x1, s1  }
0x47: {  	s2 =	sshll.u32 @!p0 s1, $0x4  }
0x48: {  	p1 =	sge.s32 @!p0 s2, s8  }
0x49: {  	p0 =	por p1, p0  }
0x4a: {  	s18 =	sshrl.u32 @!p0 s1, $0x1F  }
0x4b: {  	s18 =	sadd.s32 @!p0 s18, s1  }
0x4c: {  	s2 =	sadd.s32 @!p0 s7, s2;
	s18 =	sand.u32 @!p0 $0xFFFFFFFE, s18  }
0x4d: {  	s2 =	sshll.u32 @!p0 s2, $0x4;
	s1 =	ssub.s32 @!p0 s1, s18  }
0x4e: {  	s4 =	simm.s32 @!p0 $0x0;
	s18 =	sadd.s32 @!p0 s5, s2;
	s1 =	sshll.u32 @!p0 s1, $0xB  }
0x4f: {  	[tilespmem:s1], [sflag:$0x5] =	stream.linear.gather @!p0 [hbm4b:s18+s4], $0x800, $0x38;
	[tilespmem:$0x1E000] =	vst v63  }
0x50: {  	s2 =	sadd.s32 @!p0 s6, s2;
	s1 =	sadd.s32 @!p0 $0x1000, s1  }
0x51: {  	[tilespmem:s1], [sflag:$0x5] =	stream.linear.gather @!p0 [hbm4b:s2+s4], $0x800, $0x38;
	[tilespmem:$0x1E000] =	vst v63  }
0x52: {  	s1 =	simm.s32 @!p0 $0x5  }
0x53: {  	_ =	swait.ge @!p0 [sflag:s1], $0x800  }
0x54: {  	s4 =	sadd.s32 $0x1, s29;
	[sflag:s1] =	ssyncset.done @!p0 $0x0  }
0x55: {  	p1 =	sge.u32 s4, s8;
	[sflag:s1] =	ssyncadd.s32 @!p0 $0xFFFFF800  }
0x56: {  	p2 =	slt.s32 @!p1 s29, $0x2;
	_ =	swait.ge @!p0 [sflag:s1], $0x800  }
0x57: {  	p2 =	por p2, p1;
	[sflag:s1] =	ssyncset.done @!p0 $0x0  }
0x58: {  	[sflag:s1] =	ssyncadd.s32 @!p0 $0xFFFFF800;
	s1 =	simm.s32 @!p2 $0x4  }
0x59: {  	_ =	swait.ge @!p2 [sflag:s1], $0x4000  }
0x5a: {  	s2 =	sadd.s32 @!p1 $0x200, s30;
	[sflag:s1] =	ssyncset.done @!p2 $0x0  }
0x5b: {  	[sflag:s1] =	ssyncadd.s32 @!p2 $0xFFFFC000;
	s1 =	sand.u32 @!p1 $0x3E00, s2  }
0x5c: {  	s4 =	simm.s32 @!p1 $0x6000;
	s2 =	simm.s32 @!p1 $0x80;
	s1 =	sshrl.u32 @!p1 s1, $0x2  }
0x5d: {  	[tilespmem:s4], [sflag:$0x2] =	stream.indirect.gather @!p1 [hbm4b:s0+s2], $0x80, s1, s2, $0xb8;
	[tilespmem:$0x1E000] =	vst v63  }
0x5e: {  	s18 =	sand.u32 $0x3C00, s30;
	_ =	swait.ge [sflag:s23], $0x4000  }
0x5f: {  	s29 =	sadd.s32 $0x2, s29;
	s1 =	sshrl.u32 s18, $0x2;
	[sflag:s23] =	ssyncset.done $0x0  }
0x60: {  	p0 =	sge.u32 s29, s8;
	s1 =	sor.u32 $0x1000, s1;
	[sflag:s23] =	ssyncadd.s32 $0xFFFFC000  }
0x61: {  	[spmem:s3] =	stream.indirect.scatter.add.f32 [tilespmem:s20], [sflag:$0x3], $0x80, s1, s22, $0xb8;
	[tilespmem:$0x1E000] =	vst v63  }
0x62: {  	s1 =	simm.s32 @!p0 $0x3  }
0x63: {  	_ =	swait.ge @!p0 [sflag:s1], $0x4000  }
0x64: {  	s2 =	sadd.s32 @!p0 $0x400, s30;
	[sflag:s1] =	ssyncset.done @!p0 $0x0  }
0x65: {  	[sflag:s1] =	ssyncadd.s32 @!p0 $0xFFFFC000;
	s1 =	sand.u32 @!p0 $0x3C00, s2  }
0x66: {  	s4 =	simm.s32 @!p0 $0x2000;
	s2 =	simm.s32 @!p0 $0x80;
	s1 =	sshrl.u32 @!p0 s1, $0x2  }
0x67: {  	[tilespmem:s4], [sflag:$0x1] =	stream.indirect.gather @!p0 [hbm4b:s0+s2], $0x80, s1, s2, $0xb8;
	[tilespmem:$0x1E000] =	vst v63  }
0x68: {  	_ =	swait.ge [sflag:s24], $0x4000  }
0x69: {  	s2 =	sadd.s32 $0x200, s30;
	s30 =	sadd.s32 $0x400, s30;
	s18 =	rddreg [dreg:$0x5]  }
0x6a: {  	p0 =	sne.s32 s18, s30  }
.Ltmp1:
0x6b: {  	_ = 	snop;
	(pc) =	sbr.rel @p0 .LBB2_4-.Ltmp1, $4  }
0x6c: {  	s1 =	sand.u32 $0x3E00, s2  }
0x6d: {  	s31 =	sadd.s32 $0x1, s31;
	[sflag:s24] =	ssyncset.done $0x0;
	s1 =	sshrl.u32 s1, $0x2  }
0x6e: {  	s4 =	rddreg [dreg:$0x4];
	[sflag:s24] =	ssyncadd.s32 $0xFFFFC000;
	s1 =	sor.u32 $0x1000, s1  }
0x6f: {  	[spmem:s3] =	stream.indirect.scatter.add.f32 [tilespmem:s4], [sflag:$0x4], $0x80, s1, s22, $0xb8;
	[tilespmem:$0x1E000] =	vst v63  }
0x70: {  	_ =	swait.ge [sflag:s25], $0x4000  }
0x71: {  	[sflag:s25] =	ssyncset.done $0x0  }
0x72: {  	[sflag:s25] =	ssyncadd.s32 $0xFFFFC000  }
0x73: {  	s1 =	stileid.u32;
	_ =	swait.ge [sflag:s26], $0x4000  }
0x74: {  	s2 =	sshrl.u32 s10, $0x3;
	s28 =	sadd.s32 $0x1, s28;
	[sflag:s26] =	ssyncset.done $0x0  }
0x75: {  	s1 =	sshll.u32 s1, $0x6;
	p0 =	sne.s32 s28, s17;
	[sflag:s26] =	ssyncadd.s32 $0xFFFFC000  }
.Ltmp2:
0x76: {  	s1 =	sor.u32 $0x1C06, s1;
	[bflag:$0x0] =	sbarrier.arrive $0xFFFF;
	(pc) =	sbr.rel @p0 .LBB2_1-.Ltmp2, $4  }
0x77: {  	[hbm:s16], [sflag:s1] =	dma.local [spmem:s2], $0x2800  }
0x78: {  	_ =	swait.ge [sflag:s21], $0x2800  }
0x79: {  	[sflag:s21] =	ssyncset.done $0x0  }
0x7a: {  	[sflag:s21] =	ssyncadd.s32 $0xFFFFD800  }
0x7b: {  	_ =	sfence.sel $0x180000  }
0x7c: {  	[bflag:$0x0] =	sbarrier.arrive $0xFFFF  }
0x7d: {  	_ =	strace $0x90000047  }
0x7e: {  	s0 =	stileid.u32;
	[bflag:$0x2] =	sbarrier.arrive $0xFFFF  }
0x7f: {  	p0 =	sne.s32 s0, $0x0;
	s0 =	rddreg [dreg:$0x3]  }
0x80: {  	s0 =	sadd.s32 @!p0 $0x100000, s0  }
0x81: {  	[sflag:s0] =	ssyncadd.tile.s32 @!p0 $0x1;
	_ =	shalt  }
.Lfunc_end2:
_tile_overlayer_lowered:
.L_overlay_start_2:
0x82: {  	(tag) =	ssettag $0x2  }
0x83: {  	s0 =	rddreg [dreg:$0x0];
	s2 =	stileid.u32  }
0x84: {  	s1 =	rddreg [dreg:$0x1];
	p0 =	sne.s32 s2, $0x0  }
0x85: {  	s3 =	rddreg [dreg:$0x2];
	[bflag:$0x3] =	sbarrier.arrive $0xFFFF;
	s2 =	simm.s32 @!p0 $0x1C06  }
0x86: {  	[timem:s3], [sflag:s2] =	dma.local @!p0 [hbm:s0], s1  }
0x87: {  	s0 =	simm.s32 @!p0 $0x6  }
0x88: {  	_ =	swait.ge @!p0 [sflag:s0], s1  }
0x89: {  	s1 =	ssub.s32 @!p0 $0x0, s1;
	[sflag:s0] =	ssyncset.done @!p0 $0x0  }
0x8a: {  	[sflag:s0] =	ssyncadd.s32 @!p0 s1  }
0x8b: {  	[bflag:$0x3] =	sbarrier.arrive $0xFFFF  }
0x8c: {  	_ =	shalt  }

</sc_bundles>
